<compile_context>
chip_gen: v7x
topology: tpu7x:2x2x1
jax: 0.10.2.dev20260603
libtpu: 0.0.44.dev20260713+nightly
codegen_flags: <defaults>
</compile_context>

<pallas_src>
import functools

import jax
import jax.numpy as jnp
from jax import lax
from jax.experimental import pallas as pl
from jax.experimental.pallas import tpu as pltpu
from jax.experimental.pallas import tpu_sc as plsc

N = 50000
BATCH = 32
NUM_CLASSES = 256
E = 800000

NP = 50176
ROWS_PER_TILE = NP // 16
ZCH = ROWS_PER_TILE // 4

NTILES = 32
CHUNK = 128
KC = 2
G = 100
G4 = G // 4
EPT = G * KC * CHUNK
EPAD = EPT * NTILES

_f32 = jnp.float32


def _edge_body(xt, srcm, dstm, z2d, z1d, ones,
               sums_out, cnts0_out, cnts1_out,
               sums_sp, cnts_sp, src_v, dst_v, rows_v, ones_v,
               gsem0, gsem1, ssem0, ssem1, isem0, isem1, isem2, isem3):
    cid = lax.axis_index("c")
    sid = lax.axis_index("s")
    wid = cid * 16 + sid

    pltpu.sync_copy(ones, ones_v)

    base = sid * ROWS_PER_TILE

    def _zero(k, carry):
        pltpu.sync_copy(z2d, sums_sp.at[pl.ds(base + k * ZCH, ZCH)])
        return carry

    lax.fori_loop(0, 4, _zero, 0)
    pltpu.sync_copy(z1d, cnts_sp.at[pl.ds(base, ROWS_PER_TILE)])
    plsc.subcore_barrier()

    gsems = (gsem0, gsem1)
    ssems = (ssem0, ssem1)
    isems = (isem0, isem1, isem2, isem3)

    def stage(g, q):
        sl = pl.ds(g * KC, KC)
        pltpu.async_copy(srcm.at[wid, sl], src_v.at[q], isems[q])
        pltpu.async_copy(dstm.at[wid, sl], dst_v.at[q], isems[q])

    def drain_idx(g, q):
        sl = pl.ds(g * KC, KC)
        pltpu.make_async_copy(srcm.at[wid, sl], src_v.at[q], isems[q]).wait()
        pltpu.make_async_copy(dstm.at[wid, sl], dst_v.at[q], isems[q]).wait()

    def fire_gathers(r, q):
        for j in range(KC):
            pltpu.async_copy(xt.at[src_v.at[q, j]],
                             rows_v.at[r * KC + j], gsems[r])

    def drain_gathers(r, q):
        for j in range(KC):
            pltpu.make_async_copy(xt.at[src_v.at[q, j]],
                                  rows_v.at[r * KC + j], gsems[r]).wait()

    def fire_scatters(r, q):
        for j in range(KC):
            pltpu.async_copy(rows_v.at[r * KC + j],
                             sums_sp.at[dst_v.at[q, j]], ssems[r],
                             add=True)
            pltpu.async_copy(ones_v, cnts_sp.at[dst_v.at[q, j]],
                             ssems[r], add=True)

    def drain_scatters(r, q):
        for j in range(KC):
            pltpu.make_async_copy(rows_v.at[r * KC + j],
                                  sums_sp.at[dst_v.at[q, j]],
                                  ssems[r]).wait()
            pltpu.make_async_copy(ones_v, cnts_sp.at[dst_v.at[q, j]],
                                  ssems[r]).wait()

    stage(0, 0)
    stage(1, 1)
    drain_idx(0, 0)
    fire_gathers(0, 0)

    def body(i, carry):
        gb = 4 * i
        for u in range(4):
            g = gb + u
            r, q = u % 2, u
            rn, qn = (u + 1) % 2, (u + 1) % 4
            drain_gathers(r, q)

            if u == 0:
                @pl.when(i > 0)
                def _():
                    drain_scatters(1, 3)
            else:
                drain_scatters((u - 1) % 2, u - 1)

            if u < 2:
                stage(g + 2, u + 2)
            else:
                @pl.when(i < G4 - 1)
                def _():
                    stage(g + 2, (u + 2) % 4)

            if u < 3:
                drain_idx(g + 1, qn)
                fire_gathers(rn, qn)
            else:
                @pl.when(i < G4 - 1)
                def _():
                    drain_idx(g + 1, qn)
                    fire_gathers(rn, qn)

            fire_scatters(r, q)
        return carry

    lax.fori_loop(0, G4, body, 0)
    drain_scatters(1, 3)
    plsc.subcore_barrier()

    pltpu.sync_copy(sums_sp.at[pl.ds(base, ROWS_PER_TILE)],
                    sums_out.at[cid, pl.ds(base, ROWS_PER_TILE)])

    @pl.when(cid == 0)
    def _():
        pltpu.sync_copy(cnts_sp.at[pl.ds(base, ROWS_PER_TILE)],
                        cnts0_out.at[pl.ds(base, ROWS_PER_TILE)])

    @pl.when(cid == 1)
    def _():
        pltpu.sync_copy(cnts_sp.at[pl.ds(base, ROWS_PER_TILE)],
                        cnts1_out.at[pl.ds(base, ROWS_PER_TILE)])


@functools.cache
def _edge_pass_kernel():
    return pl.kernel(
        _edge_body,
        out_type=(jax.ShapeDtypeStruct((2, NP, BATCH), _f32),
                  jax.ShapeDtypeStruct((NP,), _f32),
                  jax.ShapeDtypeStruct((NP,), _f32)),
        mesh=plsc.VectorSubcoreMesh(core_axis_name="c", subcore_axis_name="s"),
        compiler_params=pltpu.CompilerParams(use_tc_tiling_on_sc=False),
        scratch_types=(
            pltpu.VMEM_SHARED((NP, BATCH), _f32),
            pltpu.VMEM_SHARED((NP,), _f32),
            pltpu.VMEM((4, KC, CHUNK), jnp.int32),
            pltpu.VMEM((4, KC, CHUNK), jnp.int32),
            pltpu.VMEM((2 * KC, CHUNK, BATCH), _f32),
            pltpu.VMEM((CHUNK,), _f32),
            pltpu.SemaphoreType.DMA,
            pltpu.SemaphoreType.DMA,
            pltpu.SemaphoreType.DMA,
            pltpu.SemaphoreType.DMA,
            pltpu.SemaphoreType.DMA,
            pltpu.SemaphoreType.DMA,
            pltpu.SemaphoreType.DMA,
            pltpu.SemaphoreType.DMA,
        ),
    )


NPACK = NP * BATCH // 128
NPV = NP // 128
_NB = 7
_PBLK = NPACK // _NB
_CBLK = NPV // _NB


def _expand_B():
    j = jnp.arange(128, dtype=jnp.int32)[:, None]
    m = jnp.arange(32 * 128, dtype=jnp.int32)[None, :]
    return (j == 4 * (m // 128) + (m % 128) // 32).astype(_f32)


def _expand_vec(c, b):
    cb = c.shape[0]
    e = lax.dot_general(c, b, (((1,), (0,)), ((), ())),
                        preferred_element_type=_f32)
    return e.reshape(cb * 32, 128)


_BSPEC = pl.BlockSpec((128, 32 * 128), lambda i: (0, 0))


def _scale_body(x_ref, p_ref, b_ref, o_ref):
    o_ref[...] = x_ref[...] * _expand_vec(p_ref[...], b_ref[...])


def _tc_scale(xp, p2d, bmat):
    return pl.pallas_call(
        _scale_body,
        grid=(_NB,),
        in_specs=[pl.BlockSpec((_PBLK, 128), lambda i: (i, 0)),
                  pl.BlockSpec((_CBLK, 128), lambda i: (i, 0)),
                  _BSPEC],
        out_specs=pl.BlockSpec((_PBLK, 128), lambda i: (i, 0)),
        out_shape=jax.ShapeDtypeStruct((NPACK, 128), _f32),
    )(xp, p2d, bmat)


def _merge_body(s0_ref, s1_ref, ca_ref, cb_ref, p_ref, b_ref, o_ref):
    s = s0_ref[0] + s1_ref[0]
    c = _expand_vec(ca_ref[...] + cb_ref[...], b_ref[...])
    m = s / jnp.maximum(c, 1.0)
    o_ref[...] = jnp.maximum(m, 0.0) * _expand_vec(p_ref[...], b_ref[...])


def _tc_merge(sp, ca, cb, p2d, bmat):
    return pl.pallas_call(
        _merge_body,
        grid=(_NB,),
        in_specs=[pl.BlockSpec((1, _PBLK, 128), lambda i: (0, i, 0)),
                  pl.BlockSpec((1, _PBLK, 128), lambda i: (1, i, 0)),
                  pl.BlockSpec((_CBLK, 128), lambda i: (i, 0)),
                  pl.BlockSpec((_CBLK, 128), lambda i: (i, 0)),
                  pl.BlockSpec((_CBLK, 128), lambda i: (i, 0)),
                  _BSPEC],
        out_specs=pl.BlockSpec((_PBLK, 128), lambda i: (i, 0)),
        out_shape=jax.ShapeDtypeStruct((NPACK, 128), _f32),
    )(sp, sp, ca, cb, p2d, bmat)


def _mm_body(s0_ref, s1_ref, ca_ref, cb_ref, b_ref,
             w0_ref, w1_ref, w2_ref, w3_ref,
             o_ref, acc_ref):
    k = pl.program_id(0)

    @pl.when(k == 0)
    def _():
        acc_ref[...] = jnp.zeros_like(acc_ref)

    s = s0_ref[0] + s1_ref[0]
    c = _expand_vec(ca_ref[...] + cb_ref[...], b_ref[...])
    h = jnp.maximum(s / jnp.maximum(c, 1.0), 0.0)
    acc = acc_ref[...]
    for a, w_ref in enumerate((w0_ref, w1_ref, w2_ref, w3_ref)):
        col = (a * NPACK + k * _PBLK
               + lax.broadcasted_iota(jnp.int32, (NUM_CLASSES, _PBLK), 1))
        w = jnp.where(col < N, w_ref[...], 0.0)
        acc = acc + lax.dot_general(w, h[:, 32 * a:32 * (a + 1)],
                                    (((1,), (0,)), ((), ())),
                                    preferred_element_type=_f32)
    acc_ref[...] = acc

    @pl.when(k == _NB - 1)
    def _():
        o_ref[...] = acc_ref[...]


def _tc_matmul(sp, ca, cb, bmat, W):
    w_spec = [pl.BlockSpec((NUM_CLASSES, _PBLK),
                           (lambda a: (lambda k: (0, k + a * _NB)))(a))
              for a in range(4)]
    return pl.pallas_call(
        _mm_body,
        grid=(_NB,),
        in_specs=[pl.BlockSpec((1, _PBLK, 128), lambda k: (0, k, 0)),
                  pl.BlockSpec((1, _PBLK, 128), lambda k: (1, k, 0)),
                  pl.BlockSpec((_CBLK, 128), lambda k: (k, 0)),
                  pl.BlockSpec((_CBLK, 128), lambda k: (k, 0)),
                  _BSPEC] + w_spec,
        out_specs=pl.BlockSpec((NUM_CLASSES, BATCH), lambda k: (0, 0)),
        out_shape=jax.ShapeDtypeStruct((NUM_CLASSES, BATCH), _f32),
        scratch_shapes=[pltpu.VMEM((NUM_CLASSES, BATCH), _f32)],
    )(sp, sp, ca, cb, bmat, W, W, W, W)


def _perm(idx):
    a = ((idx >= NPACK).astype(jnp.int32)
         + (idx >= 2 * NPACK).astype(jnp.int32)
         + (idx >= 3 * NPACK).astype(jnp.int32))
    return (idx - a * NPACK) * 4 + a


def _pad_edges(ei, perm_dst):
    src = ei[0]
    dst = ei[1]
    pad = EPAD - E
    pad_ar = jnp.arange(pad, dtype=jnp.int32)
    src_p = jnp.concatenate([src, pad_ar % N])
    dst_p = jnp.concatenate([dst, N + (pad_ar % 128)])
    if perm_dst:
        dst_p = _perm(dst_p)
    shape = (NTILES, G * KC, CHUNK)
    return src_p.reshape(shape), dst_p.reshape(shape)


def _vec2d(v):
    return jnp.pad(v, (0, NP - N)).reshape(NPV, 128)


def kernel(data, p1, p2, W, b, edge_index1, edge_index2):
    src1, dst1 = _pad_edges(edge_index1, perm_dst=False)
    src2, dst2 = _pad_edges(edge_index2, perm_dst=True)

    data_tp = jnp.pad(data.T, ((0, NP - N), (0, 0))).reshape(NPACK, 128)

    z2d = jnp.zeros((ZCH, BATCH), _f32)
    z1d = jnp.zeros((ROWS_PER_TILE,), _f32)
    ones = jnp.ones((CHUNK,), _f32)
    bmat = _expand_B()

    x1t = _tc_scale(data_tp, _vec2d(p1), bmat).reshape(NP, BATCH)
    sums1, c1a, c1b = _edge_pass_kernel()(x1t, src1, dst1, z2d, z1d, ones)

    x2t = _tc_merge(sums1.reshape(2, NPACK, 128),
                    c1a.reshape(NPV, 128), c1b.reshape(NPV, 128),
                    _vec2d(p2), bmat).reshape(NP, BATCH)
    sums2, c2a, c2b = _edge_pass_kernel()(x2t, src2, dst2, z2d, z1d, ones)

    out_t = _tc_matmul(sums2.reshape(2, NPACK, 128),
                       c2a.reshape(NPV, 128), c2b.reshape(NPV, 128),
                       bmat, W)
    return out_t.T + b[None, :]

# --- scband reference (transcript-rebuilt; emitter-appended) ---
"""Pipeline reference for scband-gnn-34729105555468 (READ-ONLY COPY).

The authoritative reference and input builder live on the scoring server;
editing this copy changes nothing except your own understanding.
"""

import jax, jax.numpy as jnp
import numpy as np

N_NODES = 50000
N_EDGES = 800000
BATCH = 32
NUM_CLASSES = 256


def _scatter_mean(vals, dst, num_segments):
    # vals: [B, E] -> scatter-mean along dim 1 by dst -> [B, num_segments]
    sums = jax.ops.segment_sum(vals.T, dst, num_segments=num_segments)  # [N, B]
    cnt = jax.ops.segment_sum(jnp.ones(dst.shape, dtype=vals.dtype), dst, num_segments=num_segments)  # [N]
    mean = jnp.where(cnt[:, None] > 0, sums / jnp.maximum(cnt[:, None], 1.0), 0.0)
    return mean.T  # [B, N]


def setup_inputs(seed: int = 0) -> dict:
    key = jax.random.key(seed)
    ks = jax.random.split(key, 8)
    data = jax.random.normal(ks[0], (BATCH, N_NODES), dtype=jnp.float32)
    edge_index1 = jax.random.randint(ks[1], (2, N_EDGES), 0, N_NODES, dtype=jnp.int32)
    edge_index2 = jax.random.randint(ks[2], (2, N_EDGES), 0, N_NODES, dtype=jnp.int32)
    # pre-scatter params, xavier_normal on shape [1, num_inputs] -> std = sqrt(2/(num_inputs+1))
    p_std = float(np.sqrt(2.0 / (N_NODES + 1)))
    p1 = jax.random.normal(ks[3], (N_NODES,), dtype=jnp.float32) * p_std
    p2 = jax.random.normal(ks[4], (N_NODES,), dtype=jnp.float32) * p_std
    # output Linear(N_NODES -> NUM_CLASSES), xavier_normal weight, zero bias
    w_std = float(np.sqrt(2.0 / (N_NODES + NUM_CLASSES)))
    W = jax.random.normal(ks[5], (NUM_CLASSES, N_NODES), dtype=jnp.float32) * w_std
    b = jnp.zeros((NUM_CLASSES,), dtype=jnp.float32)
    return {"data": data, "p1": p1, "p2": p2, "W": W, "b": b,
            "edge_index1": edge_index1, "edge_index2": edge_index2}


def reference(data, p1, p2, W, b, edge_index1, edge_index2):
    # Ontology layer 1
    x = data * p1  # broadcast per-input scaling
    lifted = jnp.take(x, edge_index1[0], axis=1)  # index_select dim=1
    agg = _scatter_mean(lifted, edge_index1[1], N_NODES)
    x = jax.nn.relu(agg)  # dropout p=0.0 is identity
    # Ontology layer 2
    x = x * p2
    lifted = jnp.take(x, edge_index2[0], axis=1)
    agg = _scatter_mean(lifted, edge_index2[1], N_NODES)
    x = jax.nn.relu(agg)
    out = x @ W.T + b  # [B, NUM_CLASSES]
    # torch .squeeze(-1) is a no-op since NUM_CLASSES != 1
    return out

if __name__ == "__main__":
    import jax
    _d = setup_inputs()
    print(jax.jit(kernel)(*tuple(_d.values())))

</pallas_src>

<mosaic_0001>
#map = affine_map<(d0, d1) -> (0, 0)>
#map1 = affine_map<(d0, d1) -> (0, 0, 0)>
#map2 = affine_map<(d0, d1) -> (0)>
module attributes {stable_mosaic.version = 14 : i64} {
  func.func @_edge_body(%arg0: i32, %arg1: i32, %arg2: memref<50176x32xf32, #tpu.memory_space<hbm>>, %arg3: memref<32x200x128xi32, #tpu.memory_space<hbm>>, %arg4: memref<32x200x128xi32, #tpu.memory_space<hbm>>, %arg5: memref<784x32xf32, #tpu.memory_space<hbm>>, %arg6: memref<3136xf32, #tpu.memory_space<hbm>>, %arg7: memref<128xf32, #tpu.memory_space<hbm>>, %arg8: memref<2x50176x32xf32, #tpu.memory_space<hbm>>, %arg9: memref<50176xf32, #tpu.memory_space<hbm>>, %arg10: memref<50176xf32, #tpu.memory_space<hbm>>, %arg11: memref<50176x32xf32, #tpu.memory_space<vmem_shared>>, %arg12: memref<50176xf32, #tpu.memory_space<vmem_shared>>, %arg13: memref<4x2x128xi32, #tpu.memory_space<vmem>>, %arg14: memref<4x2x128xi32, #tpu.memory_space<vmem>>, %arg15: memref<4x128x32xf32, #tpu.memory_space<vmem>>, %arg16: memref<128xf32, #tpu.memory_space<vmem>>, %arg17: memref<!tpu.dma_semaphore, #tpu.memory_space<semaphore_mem>>, %arg18: memref<!tpu.dma_semaphore, #tpu.memory_space<semaphore_mem>>, %arg19: memref<!tpu.dma_semaphore, #tpu.memory_space<semaphore_mem>>, %arg20: memref<!tpu.dma_semaphore, #tpu.memory_space<semaphore_mem>>, %arg21: memref<!tpu.dma_semaphore, #tpu.memory_space<semaphore_mem>>, %arg22: memref<!tpu.dma_semaphore, #tpu.memory_space<semaphore_mem>>, %arg23: memref<!tpu.dma_semaphore, #tpu.memory_space<semaphore_mem>>, %arg24: memref<!tpu.dma_semaphore, #tpu.memory_space<semaphore_mem>>) attributes {dimension_semantics = [#tpu.dimension_semantics<core_parallel>, #tpu.dimension_semantics<subcore_parallel>], iteration_bounds = array<i64: 2, 16>, scalar_prefetch = 0 : i64, scratch_operands = 14 : i64, tpu.core_type = #tpu.core_type<sc_vector_subcore>, window_params = [{transform_indices = #map}, {transform_indices = #map1}, {transform_indices = #map1}, {transform_indices = #map}, {transform_indices = #map2}, {transform_indices = #map2}, {transform_indices = #map1}, {transform_indices = #map2}, {transform_indices = #map2}]} {
    %mul3A = arith.constant 16 : i32
    %mul3A_0 = arith.muli %arg0, %mul3A : i32
    %add3A = arith.addi %mul3A_0, %arg1 : i32
    "tpu.region"() ({
      %run_scoped3A = tpu.sem_alloc : memref<!tpu.dma_semaphore, #tpu.memory_space<semaphore_mem>>
      tpu.enqueue_dma source(%arg7 : memref<128xf32, #tpu.memory_space<hbm>>) target(%arg16 : memref<128xf32, #tpu.memory_space<vmem>>) target_semaphore(%run_scoped3A : memref<!tpu.dma_semaphore, #tpu.memory_space<semaphore_mem>>)
      tpu.wait_dma2 semaphore(%run_scoped3A : memref<!tpu.dma_semaphore, #tpu.memory_space<semaphore_mem>>) src(%arg7 : memref<128xf32, #tpu.memory_space<hbm>>) dst(%arg16 : memref<128xf32, #tpu.memory_space<vmem>>)
      tpu.yield
    }) : () -> ()
    %mul3A_1 = arith.constant 3136 : i32
    %mul3A_2 = arith.muli %arg1, %mul3A_1 : i32
    %scan3A = arith.constant 0 : i32
    %scan3A_3 = arith.constant 0 : i32
    %scan3A_4 = arith.constant 4 : i32
    %scan3A_5 = arith.addi %scan3A_3, %scan3A_4 : i32
    %scan3A_6 = arith.constant 1 : i32
    scf.for %scan3A_188 = %scan3A_3 to %scan3A_5 step %scan3A_6  : i32 {
      %mul3A_189 = arith.constant 784 : i32
      %mul3A_190 = arith.muli %scan3A_188, %mul3A_189 : i32
      %add3A_191 = arith.addi %mul3A_2, %mul3A_190 : i32
      "tpu.region"() ({
        %run_scoped3A = tpu.sem_alloc : memref<!tpu.dma_semaphore, #tpu.memory_space<semaphore_mem>>
        %dma_start3A_192 = arith.constant 0 : i32
        %dma_start3A_193 = tpu.memref_slice %arg11[%add3A_191, %dma_start3A_192] : memref<50176x32xf32, #tpu.memory_space<vmem_shared>> -> memref<784x32xf32, #tpu.memory_space<vmem_shared>>
        tpu.enqueue_dma source(%arg5 : memref<784x32xf32, #tpu.memory_space<hbm>>) target(%dma_start3A_193 : memref<784x32xf32, #tpu.memory_space<vmem_shared>>) target_semaphore(%run_scoped3A : memref<!tpu.dma_semaphore, #tpu.memory_space<semaphore_mem>>)
        %dma_wait3A_194 = arith.constant 0 : i32
        %dma_wait3A_195 = tpu.memref_slice %arg11[%add3A_191, %dma_wait3A_194] : memref<50176x32xf32, #tpu.memory_space<vmem_shared>> -> memref<784x32xf32, #tpu.memory_space<vmem_shared>>
        tpu.wait_dma2 semaphore(%run_scoped3A : memref<!tpu.dma_semaphore, #tpu.memory_space<semaphore_mem>>) src(%arg5 : memref<784x32xf32, #tpu.memory_space<hbm>>) dst(%dma_wait3A_195 : memref<784x32xf32, #tpu.memory_space<vmem_shared>>)
        tpu.yield
      }) : () -> ()
    }
    %scan3A_7 = arith.constant 4 : i32
    "tpu.region"() ({
      %run_scoped3A = tpu.sem_alloc : memref<!tpu.dma_semaphore, #tpu.memory_space<semaphore_mem>>
      %dma_start3A_188 = tpu.memref_slice %arg12[%mul3A_2] : memref<50176xf32, #tpu.memory_space<vmem_shared>> -> memref<3136xf32, #tpu.memory_space<vmem_shared>>
      tpu.enqueue_dma source(%arg6 : memref<3136xf32, #tpu.memory_space<hbm>>) target(%dma_start3A_188 : memref<3136xf32, #tpu.memory_space<vmem_shared>>) target_semaphore(%run_scoped3A : memref<!tpu.dma_semaphore, #tpu.memory_space<semaphore_mem>>)
      %dma_wait3A_189 = tpu.memref_slice %arg12[%mul3A_2] : memref<50176xf32, #tpu.memory_space<vmem_shared>> -> memref<3136xf32, #tpu.memory_space<vmem_shared>>
      tpu.wait_dma2 semaphore(%run_scoped3A : memref<!tpu.dma_semaphore, #tpu.memory_space<semaphore_mem>>) src(%arg6 : memref<3136xf32, #tpu.memory_space<hbm>>) dst(%dma_wait3A_189 : memref<3136xf32, #tpu.memory_space<vmem_shared>>)
      tpu.yield
    }) : () -> ()
    %barrier3A = arith.constant 0 : index
    tpu.barrier barrier_id(%barrier3A)
    %dma_start3A = arith.constant 0 : i32
    %dma_start3A_8 = arith.constant 0 : i32
    %dma_start3A_9 = arith.constant 0 : i32
    %dma_start3A_10 = tpu.memref_slice %arg13[%dma_start3A, %dma_start3A_8, %dma_start3A_9] : memref<4x2x128xi32, #tpu.memory_space<vmem>> -> memref<1x2x128xi32, #tpu.memory_space<vmem>>
    %dma_start3A_11 = tpu.memref_squeeze %dma_start3A_10 : memref<1x2x128xi32, #tpu.memory_space<vmem>> -> memref<2x128xi32, #tpu.memory_space<vmem>>
    %dma_start3A_12 = arith.constant 0 : i32
    %dma_start3A_13 = arith.constant 0 : i32
    %dma_start3A_14 = tpu.memref_slice %arg3[%add3A, %dma_start3A_12, %dma_start3A_13] : memref<32x200x128xi32, #tpu.memory_space<hbm>> -> memref<1x2x128xi32, #tpu.memory_space<hbm>>
    %dma_start3A_15 = tpu.memref_squeeze %dma_start3A_14 : memref<1x2x128xi32, #tpu.memory_space<hbm>> -> memref<2x128xi32, #tpu.memory_space<hbm>>
    %dma_start3A_16 = arith.constant 0 : i32
    %dma_start3A_17 = arith.constant 0 : i32
    %dma_start3A_18 = tpu.memref_slice %arg13[%dma_start3A, %dma_start3A_16, %dma_start3A_17] : memref<4x2x128xi32, #tpu.memory_space<vmem>> -> memref<1x2x128xi32, #tpu.memory_space<vmem>>
    %dma_start3A_19 = tpu.memref_squeeze %dma_start3A_18 : memref<1x2x128xi32, #tpu.memory_space<vmem>> -> memref<2x128xi32, #tpu.memory_space<vmem>>
    %dma_start3A_20 = arith.constant 0 : i32
    %dma_start3A_21 = arith.constant 0 : i32
    %dma_start3A_22 = tpu.memref_slice %arg3[%add3A, %dma_start3A_20, %dma_start3A_21] : memref<32x200x128xi32, #tpu.memory_space<hbm>> -> memref<1x2x128xi32, #tpu.memory_space<hbm>>
    %dma_start3A_23 = tpu.memref_squeeze %dma_start3A_22 : memref<1x2x128xi32, #tpu.memory_space<hbm>> -> memref<2x128xi32, #tpu.memory_space<hbm>>
    tpu.enqueue_dma source(%dma_start3A_23 : memref<2x128xi32, #tpu.memory_space<hbm>>) target(%dma_start3A_19 : memref<2x128xi32, #tpu.memory_space<vmem>>) target_semaphore(%arg21 : memref<!tpu.dma_semaphore, #tpu.memory_space<semaphore_mem>>)
    %dma_start3A_24 = arith.constant 0 : i32
    %dma_start3A_25 = arith.constant 0 : i32
    %dma_start3A_26 = arith.constant 0 : i32
    %dma_start3A_27 = tpu.memref_slice %arg14[%dma_start3A_24, %dma_start3A_25, %dma_start3A_26] : memref<4x2x128xi32, #tpu.memory_space<vmem>> -> memref<1x2x128xi32, #tpu.memory_space<vmem>>
    %dma_start3A_28 = tpu.memref_squeeze %dma_start3A_27 : memref<1x2x128xi32, #tpu.memory_space<vmem>> -> memref<2x128xi32, #tpu.memory_space<vmem>>
    %dma_start3A_29 = arith.constant 0 : i32
    %dma_start3A_30 = arith.constant 0 : i32
    %dma_start3A_31 = tpu.memref_slice %arg4[%add3A, %dma_start3A_29, %dma_start3A_30] : memref<32x200x128xi32, #tpu.memory_space<hbm>> -> memref<1x2x128xi32, #tpu.memory_space<hbm>>
    %dma_start3A_32 = tpu.memref_squeeze %dma_start3A_31 : memref<1x2x128xi32, #tpu.memory_space<hbm>> -> memref<2x128xi32, #tpu.memory_space<hbm>>
    %dma_start3A_33 = arith.constant 0 : i32
    %dma_start3A_34 = arith.constant 0 : i32
    %dma_start3A_35 = tpu.memref_slice %arg14[%dma_start3A_24, %dma_start3A_33, %dma_start3A_34] : memref<4x2x128xi32, #tpu.memory_space<vmem>> -> memref<1x2x128xi32, #tpu.memory_space<vmem>>
    %dma_start3A_36 = tpu.memref_squeeze %dma_start3A_35 : memref<1x2x128xi32, #tpu.memory_space<vmem>> -> memref<2x128xi32, #tpu.memory_space<vmem>>
    %dma_start3A_37 = arith.constant 0 : i32
    %dma_start3A_38 = arith.constant 0 : i32
    %dma_start3A_39 = tpu.memref_slice %arg4[%add3A, %dma_start3A_37, %dma_start3A_38] : memref<32x200x128xi32, #tpu.memory_space<hbm>> -> memref<1x2x128xi32, #tpu.memory_space<hbm>>
    %dma_start3A_40 = tpu.memref_squeeze %dma_start3A_39 : memref<1x2x128xi32, #tpu.memory_space<hbm>> -> memref<2x128xi32, #tpu.memory_space<hbm>>
    tpu.enqueue_dma source(%dma_start3A_40 : memref<2x128xi32, #tpu.memory_space<hbm>>) target(%dma_start3A_36 : memref<2x128xi32, #tpu.memory_space<vmem>>) target_semaphore(%arg21 : memref<!tpu.dma_semaphore, #tpu.memory_space<semaphore_mem>>)
    %dma_start3A_41 = arith.constant 1 : i32
    %dma_start3A_42 = arith.constant 0 : i32
    %dma_start3A_43 = arith.constant 0 : i32
    %dma_start3A_44 = tpu.memref_slice %arg13[%dma_start3A_41, %dma_start3A_42, %dma_start3A_43] : memref<4x2x128xi32, #tpu.memory_space<vmem>> -> memref<1x2x128xi32, #tpu.memory_space<vmem>>
    %dma_start3A_45 = tpu.memref_squeeze %dma_start3A_44 : memref<1x2x128xi32, #tpu.memory_space<vmem>> -> memref<2x128xi32, #tpu.memory_space<vmem>>
    %dma_start3A_46 = arith.constant 2 : i32
    %dma_start3A_47 = arith.constant 0 : i32
    %dma_start3A_48 = tpu.memref_slice %arg3[%add3A, %dma_start3A_46, %dma_start3A_47] : memref<32x200x128xi32, #tpu.memory_space<hbm>> -> memref<1x2x128xi32, #tpu.memory_space<hbm>>
    %dma_start3A_49 = tpu.memref_squeeze %dma_start3A_48 : memref<1x2x128xi32, #tpu.memory_space<hbm>> -> memref<2x128xi32, #tpu.memory_space<hbm>>
    %dma_start3A_50 = arith.constant 0 : i32
    %dma_start3A_51 = arith.constant 0 : i32
    %dma_start3A_52 = tpu.memref_slice %arg13[%dma_start3A_41, %dma_start3A_50, %dma_start3A_51] : memref<4x2x128xi32, #tpu.memory_space<vmem>> -> memref<1x2x128xi32, #tpu.memory_space<vmem>>
    %dma_start3A_53 = tpu.memref_squeeze %dma_start3A_52 : memref<1x2x128xi32, #tpu.memory_space<vmem>> -> memref<2x128xi32, #tpu.memory_space<vmem>>
    %dma_start3A_54 = arith.constant 2 : i32
    %dma_start3A_55 = arith.constant 0 : i32
    %dma_start3A_56 = tpu.memref_slice %arg3[%add3A, %dma_start3A_54, %dma_start3A_55] : memref<32x200x128xi32, #tpu.memory_space<hbm>> -> memref<1x2x128xi32, #tpu.memory_space<hbm>>
    %dma_start3A_57 = tpu.memref_squeeze %dma_start3A_56 : memref<1x2x128xi32, #tpu.memory_space<hbm>> -> memref<2x128xi32, #tpu.memory_space<hbm>>
    tpu.enqueue_dma source(%dma_start3A_57 : memref<2x128xi32, #tpu.memory_space<hbm>>) target(%dma_start3A_53 : memref<2x128xi32, #tpu.memory_space<vmem>>) target_semaphore(%arg22 : memref<!tpu.dma_semaphore, #tpu.memory_space<semaphore_mem>>)
    %dma_start3A_58 = arith.constant 1 : i32
    %dma_start3A_59 = arith.constant 0 : i32
    %dma_start3A_60 = arith.constant 0 : i32
    %dma_start3A_61 = tpu.memref_slice %arg14[%dma_start3A_58, %dma_start3A_59, %dma_start3A_60] : memref<4x2x128xi32, #tpu.memory_space<vmem>> -> memref<1x2x128xi32, #tpu.memory_space<vmem>>
    %dma_start3A_62 = tpu.memref_squeeze %dma_start3A_61 : memref<1x2x128xi32, #tpu.memory_space<vmem>> -> memref<2x128xi32, #tpu.memory_space<vmem>>
    %dma_start3A_63 = arith.constant 2 : i32
    %dma_start3A_64 = arith.constant 0 : i32
    %dma_start3A_65 = tpu.memref_slice %arg4[%add3A, %dma_start3A_63, %dma_start3A_64] : memref<32x200x128xi32, #tpu.memory_space<hbm>> -> memref<1x2x128xi32, #tpu.memory_space<hbm>>
    %dma_start3A_66 = tpu.memref_squeeze %dma_start3A_65 : memref<1x2x128xi32, #tpu.memory_space<hbm>> -> memref<2x128xi32, #tpu.memory_space<hbm>>
    %dma_start3A_67 = arith.constant 0 : i32
    %dma_start3A_68 = arith.constant 0 : i32
    %dma_start3A_69 = tpu.memref_slice %arg14[%dma_start3A_58, %dma_start3A_67, %dma_start3A_68] : memref<4x2x128xi32, #tpu.memory_space<vmem>> -> memref<1x2x128xi32, #tpu.memory_space<vmem>>
    %dma_start3A_70 = tpu.memref_squeeze %dma_start3A_69 : memref<1x2x128xi32, #tpu.memory_space<vmem>> -> memref<2x128xi32, #tpu.memory_space<vmem>>
    %dma_start3A_71 = arith.constant 2 : i32
    %dma_start3A_72 = arith.constant 0 : i32
    %dma_start3A_73 = tpu.memref_slice %arg4[%add3A, %dma_start3A_71, %dma_start3A_72] : memref<32x200x128xi32, #tpu.memory_space<hbm>> -> memref<1x2x128xi32, #tpu.memory_space<hbm>>
    %dma_start3A_74 = tpu.memref_squeeze %dma_start3A_73 : memref<1x2x128xi32, #tpu.memory_space<hbm>> -> memref<2x128xi32, #tpu.memory_space<hbm>>
    tpu.enqueue_dma source(%dma_start3A_74 : memref<2x128xi32, #tpu.memory_space<hbm>>) target(%dma_start3A_70 : memref<2x128xi32, #tpu.memory_space<vmem>>) target_semaphore(%arg22 : memref<!tpu.dma_semaphore, #tpu.memory_space<semaphore_mem>>)
    %dma_wait3A = arith.constant 0 : i32
    %dma_wait3A_75 = arith.constant 0 : i32
    %dma_wait3A_76 = arith.constant 0 : i32
    %dma_wait3A_77 = tpu.memref_slice %arg13[%dma_wait3A, %dma_wait3A_75, %dma_wait3A_76] : memref<4x2x128xi32, #tpu.memory_space<vmem>> -> memref<1x2x128xi32, #tpu.memory_space<vmem>>
    %dma_wait3A_78 = tpu.memref_squeeze %dma_wait3A_77 : memref<1x2x128xi32, #tpu.memory_space<vmem>> -> memref<2x128xi32, #tpu.memory_space<vmem>>
    %dma_wait3A_79 = arith.constant 0 : i32
    %dma_wait3A_80 = arith.constant 0 : i32
    %dma_wait3A_81 = tpu.memref_slice %arg3[%add3A, %dma_wait3A_79, %dma_wait3A_80] : memref<32x200x128xi32, #tpu.memory_space<hbm>> -> memref<1x2x128xi32, #tpu.memory_space<hbm>>
    %dma_wait3A_82 = tpu.memref_squeeze %dma_wait3A_81 : memref<1x2x128xi32, #tpu.memory_space<hbm>> -> memref<2x128xi32, #tpu.memory_space<hbm>>
    %dma_wait3A_83 = arith.constant 0 : i32
    %dma_wait3A_84 = arith.constant 0 : i32
    %dma_wait3A_85 = tpu.memref_slice %arg13[%dma_wait3A, %dma_wait3A_83, %dma_wait3A_84] : memref<4x2x128xi32, #tpu.memory_space<vmem>> -> memref<1x2x128xi32, #tpu.memory_space<vmem>>
    %dma_wait3A_86 = tpu.memref_squeeze %dma_wait3A_85 : memref<1x2x128xi32, #tpu.memory_space<vmem>> -> memref<2x128xi32, #tpu.memory_space<vmem>>
    %dma_wait3A_87 = arith.constant 0 : i32
    %dma_wait3A_88 = arith.constant 0 : i32
    %dma_wait3A_89 = tpu.memref_slice %arg3[%add3A, %dma_wait3A_87, %dma_wait3A_88] : memref<32x200x128xi32, #tpu.memory_space<hbm>> -> memref<1x2x128xi32, #tpu.memory_space<hbm>>
    %dma_wait3A_90 = tpu.memref_squeeze %dma_wait3A_89 : memref<1x2x128xi32, #tpu.memory_space<hbm>> -> memref<2x128xi32, #tpu.memory_space<hbm>>
    tpu.wait_dma2 semaphore(%arg21 : memref<!tpu.dma_semaphore, #tpu.memory_space<semaphore_mem>>) src(%dma_wait3A_90 : memref<2x128xi32, #tpu.memory_space<hbm>>) dst(%dma_wait3A_86 : memref<2x128xi32, #tpu.memory_space<vmem>>)
    %dma_wait3A_91 = arith.constant 0 : i32
    %dma_wait3A_92 = arith.constant 0 : i32
    %dma_wait3A_93 = arith.constant 0 : i32
    %dma_wait3A_94 = tpu.memref_slice %arg14[%dma_wait3A_91, %dma_wait3A_92, %dma_wait3A_93] : memref<4x2x128xi32, #tpu.memory_space<vmem>> -> memref<1x2x128xi32, #tpu.memory_space<vmem>>
    %dma_wait3A_95 = tpu.memref_squeeze %dma_wait3A_94 : memref<1x2x128xi32, #tpu.memory_space<vmem>> -> memref<2x128xi32, #tpu.memory_space<vmem>>
    %dma_wait3A_96 = arith.constant 0 : i32
    %dma_wait3A_97 = arith.constant 0 : i32
    %dma_wait3A_98 = tpu.memref_slice %arg4[%add3A, %dma_wait3A_96, %dma_wait3A_97] : memref<32x200x128xi32, #tpu.memory_space<hbm>> -> memref<1x2x128xi32, #tpu.memory_space<hbm>>
    %dma_wait3A_99 = tpu.memref_squeeze %dma_wait3A_98 : memref<1x2x128xi32, #tpu.memory_space<hbm>> -> memref<2x128xi32, #tpu.memory_space<hbm>>
    %dma_wait3A_100 = arith.constant 0 : i32
    %dma_wait3A_101 = arith.constant 0 : i32
    %dma_wait3A_102 = tpu.memref_slice %arg14[%dma_wait3A_91, %dma_wait3A_100, %dma_wait3A_101] : memref<4x2x128xi32, #tpu.memory_space<vmem>> -> memref<1x2x128xi32, #tpu.memory_space<vmem>>
    %dma_wait3A_103 = tpu.memref_squeeze %dma_wait3A_102 : memref<1x2x128xi32, #tpu.memory_space<vmem>> -> memref<2x128xi32, #tpu.memory_space<vmem>>
    %dma_wait3A_104 = arith.constant 0 : i32
    %dma_wait3A_105 = arith.constant 0 : i32
    %dma_wait3A_106 = tpu.memref_slice %arg4[%add3A, %dma_wait3A_104, %dma_wait3A_105] : memref<32x200x128xi32, #tpu.memory_space<hbm>> -> memref<1x2x128xi32, #tpu.memory_space<hbm>>
    %dma_wait3A_107 = tpu.memref_squeeze %dma_wait3A_106 : memref<1x2x128xi32, #tpu.memory_space<hbm>> -> memref<2x128xi32, #tpu.memory_space<hbm>>
    tpu.wait_dma2 semaphore(%arg21 : memref<!tpu.dma_semaphore, #tpu.memory_space<semaphore_mem>>) src(%dma_wait3A_107 : memref<2x128xi32, #tpu.memory_space<hbm>>) dst(%dma_wait3A_103 : memref<2x128xi32, #tpu.memory_space<vmem>>)
    %dma_start3A_108 = arith.constant 0 : i32
    %dma_start3A_109 = arith.constant 0 : i32
    %dma_start3A_110 = arith.constant 0 : i32
    %dma_start3A_111 = arith.constant 0 : i32
    %dma_start3A_112 = arith.constant 0 : i32
    %dma_start3A_113 = tpu.memref_slice %arg15[%dma_start3A_110, %dma_start3A_111, %dma_start3A_112] : memref<4x128x32xf32, #tpu.memory_space<vmem>> -> memref<1x128x32xf32, #tpu.memory_space<vmem>>
    %dma_start3A_114 = tpu.memref_squeeze %dma_start3A_113 : memref<1x128x32xf32, #tpu.memory_space<vmem>> -> memref<128x32xf32, #tpu.memory_space<vmem>>
    %dma_start3A_115 = arith.constant 0 : i32
    %dma_start3A_116 = tpu.memref_slice %arg13[%dma_start3A_108, %dma_start3A_109, %dma_start3A_115] : memref<4x2x128xi32, #tpu.memory_space<vmem>> -> memref<1x1x128xi32, #tpu.memory_space<vmem>>
    %dma_start3A_117 = tpu.memref_squeeze %dma_start3A_116 : memref<1x1x128xi32, #tpu.memory_space<vmem>> -> memref<128xi32, #tpu.memory_space<vmem>>
    %dma_start3A_118 = arith.constant 0 : i32
    %dma_start3A_119 = arith.constant 0 : i32
    %dma_start3A_120 = tpu.memref_slice %arg2[%dma_start3A_118, %dma_start3A_119] : memref<50176x32xf32, #tpu.memory_space<hbm>> -> memref<50176x32xf32, #tpu.memory_space<hbm>>
    tpu.enqueue_indirect_dma source(%dma_start3A_120 : memref<50176x32xf32, #tpu.memory_space<hbm>>) target(%dma_start3A_114 : memref<128x32xf32, #tpu.memory_space<vmem>>) offsets(%dma_start3A_117 : memref<128xi32, #tpu.memory_space<vmem>>) semaphore(%arg17 : memref<!tpu.dma_semaphore, #tpu.memory_space<semaphore_mem>>)
    %dma_start3A_121 = arith.constant 0 : i32
    %dma_start3A_122 = arith.constant 1 : i32
    %dma_start3A_123 = arith.constant 1 : i32
    %dma_start3A_124 = arith.constant 0 : i32
    %dma_start3A_125 = arith.constant 0 : i32
    %dma_start3A_126 = tpu.memref_slice %arg15[%dma_start3A_123, %dma_start3A_124, %dma_start3A_125] : memref<4x128x32xf32, #tpu.memory_space<vmem>> -> memref<1x128x32xf32, #tpu.memory_space<vmem>>
    %dma_start3A_127 = tpu.memref_squeeze %dma_start3A_126 : memref<1x128x32xf32, #tpu.memory_space<vmem>> -> memref<128x32xf32, #tpu.memory_space<vmem>>
    %dma_start3A_128 = arith.constant 0 : i32
    %dma_start3A_129 = tpu.memref_slice %arg13[%dma_start3A_121, %dma_start3A_122, %dma_start3A_128] : memref<4x2x128xi32, #tpu.memory_space<vmem>> -> memref<1x1x128xi32, #tpu.memory_space<vmem>>
    %dma_start3A_130 = tpu.memref_squeeze %dma_start3A_129 : memref<1x1x128xi32, #tpu.memory_space<vmem>> -> memref<128xi32, #tpu.memory_space<vmem>>
    %dma_start3A_131 = arith.constant 0 : i32
    %dma_start3A_132 = arith.constant 0 : i32
    %dma_start3A_133 = tpu.memref_slice %arg2[%dma_start3A_131, %dma_start3A_132] : memref<50176x32xf32, #tpu.memory_space<hbm>> -> memref<50176x32xf32, #tpu.memory_space<hbm>>
    tpu.enqueue_indirect_dma source(%dma_start3A_133 : memref<50176x32xf32, #tpu.memory_space<hbm>>) target(%dma_start3A_127 : memref<128x32xf32, #tpu.memory_space<vmem>>) offsets(%dma_start3A_130 : memref<128xi32, #tpu.memory_space<vmem>>) semaphore(%arg17 : memref<!tpu.dma_semaphore, #tpu.memory_space<semaphore_mem>>)
    %scan3A_134 = arith.constant 0 : i32
    %scan3A_135 = arith.constant 0 : i32
    %scan3A_136 = arith.constant 25 : i32
    %scan3A_137 = arith.addi %scan3A_135, %scan3A_136 : i32
    %scan3A_138 = arith.constant 1 : i32
    scf.for %scan3A_188 = %scan3A_135 to %scan3A_137 step %scan3A_138  : i32 {
      %mul3A_189 = arith.constant 4 : i32
      %mul3A_190 = arith.muli %mul3A_189, %scan3A_188 : i32
      %add3A_191 = arith.constant 0 : i32
      %add3A_192 = arith.addi %mul3A_190, %add3A_191 : i32
      %dma_wait3A_193 = arith.constant 0 : i32
      %dma_wait3A_194 = arith.constant 0 : i32
      %dma_wait3A_195 = arith.constant 0 : i32
      %dma_wait3A_196 = arith.constant 0 : i32
      %dma_wait3A_197 = arith.constant 0 : i32
      %dma_wait3A_198 = tpu.memref_slice %arg15[%dma_wait3A_195, %dma_wait3A_196, %dma_wait3A_197] : memref<4x128x32xf32, #tpu.memory_space<vmem>> -> memref<1x128x32xf32, #tpu.memory_space<vmem>>
      %dma_wait3A_199 = tpu.memref_squeeze %dma_wait3A_198 : memref<1x128x32xf32, #tpu.memory_space<vmem>> -> memref<128x32xf32, #tpu.memory_space<vmem>>
      %dma_wait3A_200 = arith.constant 0 : i32
      %dma_wait3A_201 = tpu.memref_slice %arg13[%dma_wait3A_193, %dma_wait3A_194, %dma_wait3A_200] : memref<4x2x128xi32, #tpu.memory_space<vmem>> -> memref<1x1x128xi32, #tpu.memory_space<vmem>>
      %dma_wait3A_202 = tpu.memref_squeeze %dma_wait3A_201 : memref<1x1x128xi32, #tpu.memory_space<vmem>> -> memref<128xi32, #tpu.memory_space<vmem>>
      %dma_wait3A_203 = arith.constant 0 : i32
      %dma_wait3A_204 = arith.constant 0 : i32
      %dma_wait3A_205 = tpu.memref_slice %arg2[%dma_wait3A_203, %dma_wait3A_204] : memref<50176x32xf32, #tpu.memory_space<hbm>> -> memref<50176x32xf32, #tpu.memory_space<hbm>>
      tpu.wait_indirect_dma semaphore(%arg17 : memref<!tpu.dma_semaphore, #tpu.memory_space<semaphore_mem>>) src(%dma_wait3A_205 : memref<50176x32xf32, #tpu.memory_space<hbm>>) dst(%dma_wait3A_199 : memref<128x32xf32, #tpu.memory_space<vmem>>)
      %dma_wait3A_206 = arith.constant 0 : i32
      %dma_wait3A_207 = arith.constant 1 : i32
      %dma_wait3A_208 = arith.constant 1 : i32
      %dma_wait3A_209 = arith.constant 0 : i32
      %dma_wait3A_210 = arith.constant 0 : i32
      %dma_wait3A_211 = tpu.memref_slice %arg15[%dma_wait3A_208, %dma_wait3A_209, %dma_wait3A_210] : memref<4x128x32xf32, #tpu.memory_space<vmem>> -> memref<1x128x32xf32, #tpu.memory_space<vmem>>
      %dma_wait3A_212 = tpu.memref_squeeze %dma_wait3A_211 : memref<1x128x32xf32, #tpu.memory_space<vmem>> -> memref<128x32xf32, #tpu.memory_space<vmem>>
      %dma_wait3A_213 = arith.constant 0 : i32
      %dma_wait3A_214 = tpu.memref_slice %arg13[%dma_wait3A_206, %dma_wait3A_207, %dma_wait3A_213] : memref<4x2x128xi32, #tpu.memory_space<vmem>> -> memref<1x1x128xi32, #tpu.memory_space<vmem>>
      %dma_wait3A_215 = tpu.memref_squeeze %dma_wait3A_214 : memref<1x1x128xi32, #tpu.memory_space<vmem>> -> memref<128xi32, #tpu.memory_space<vmem>>
      %dma_wait3A_216 = arith.constant 0 : i32
      %dma_wait3A_217 = arith.constant 0 : i32
      %dma_wait3A_218 = tpu.memref_slice %arg2[%dma_wait3A_216, %dma_wait3A_217] : memref<50176x32xf32, #tpu.memory_space<hbm>> -> memref<50176x32xf32, #tpu.memory_space<hbm>>
      tpu.wait_indirect_dma semaphore(%arg17 : memref<!tpu.dma_semaphore, #tpu.memory_space<semaphore_mem>>) src(%dma_wait3A_218 : memref<50176x32xf32, #tpu.memory_space<hbm>>) dst(%dma_wait3A_212 : memref<128x32xf32, #tpu.memory_space<vmem>>)
      %gt3A = arith.constant 0 : i32
      %gt3A_219 = arith.cmpi sgt, %scan3A_188, %gt3A : i32
      %convert_element_type3A_220 = arith.extui %gt3A_219 : i1 to i32
      %cond3A_221 = arith.constant 0 : i32
      %cond3A_222 = arith.cmpi ne, %convert_element_type3A_220, %cond3A_221 : i32
      scf.if %cond3A_222 {
        %dma_wait3A_849 = arith.constant 2 : i32
        %dma_wait3A_850 = arith.constant 3 : i32
        %dma_wait3A_851 = arith.constant 0 : i32
        %dma_wait3A_852 = arith.constant 0 : i32
        %dma_wait3A_853 = arith.constant 0 : i32
        %dma_wait3A_854 = tpu.memref_slice %arg15[%dma_wait3A_849, %dma_wait3A_852, %dma_wait3A_853] : memref<4x128x32xf32, #tpu.memory_space<vmem>> -> memref<1x128x32xf32, #tpu.memory_space<vmem>>
        %dma_wait3A_855 = tpu.memref_squeeze %dma_wait3A_854 : memref<1x128x32xf32, #tpu.memory_space<vmem>> -> memref<128x32xf32, #tpu.memory_space<vmem>>
        %dma_wait3A_856 = arith.constant 0 : i32
        %dma_wait3A_857 = tpu.memref_slice %arg14[%dma_wait3A_850, %dma_wait3A_851, %dma_wait3A_856] : memref<4x2x128xi32, #tpu.memory_space<vmem>> -> memref<1x1x128xi32, #tpu.memory_space<vmem>>
        %dma_wait3A_858 = tpu.memref_squeeze %dma_wait3A_857 : memref<1x1x128xi32, #tpu.memory_space<vmem>> -> memref<128xi32, #tpu.memory_space<vmem>>
        %dma_wait3A_859 = arith.constant 0 : i32
        %dma_wait3A_860 = arith.constant 0 : i32
        %dma_wait3A_861 = tpu.memref_slice %arg11[%dma_wait3A_859, %dma_wait3A_860] : memref<50176x32xf32, #tpu.memory_space<vmem_shared>> -> memref<50176x32xf32, #tpu.memory_space<vmem_shared>>
        tpu.wait_indirect_dma semaphore(%arg20 : memref<!tpu.dma_semaphore, #tpu.memory_space<semaphore_mem>>) src(%dma_wait3A_855 : memref<128x32xf32, #tpu.memory_space<vmem>>) dst(%dma_wait3A_861 : memref<50176x32xf32, #tpu.memory_space<vmem_shared>>)
        %dma_wait3A_862 = arith.constant 3 : i32
        %dma_wait3A_863 = arith.constant 0 : i32
        %dma_wait3A_864 = arith.constant 0 : i32
        %dma_wait3A_865 = tpu.memref_slice %arg14[%dma_wait3A_862, %dma_wait3A_863, %dma_wait3A_864] : memref<4x2x128xi32, #tpu.memory_space<vmem>> -> memref<1x1x128xi32, #tpu.memory_space<vmem>>
        %dma_wait3A_866 = tpu.memref_squeeze %dma_wait3A_865 : memref<1x1x128xi32, #tpu.memory_space<vmem>> -> memref<128xi32, #tpu.memory_space<vmem>>
        %dma_wait3A_867 = arith.constant 0 : i32
        %dma_wait3A_868 = tpu.memref_slice %arg12[%dma_wait3A_867] : memref<50176xf32, #tpu.memory_space<vmem_shared>> -> memref<50176xf32, #tpu.memory_space<vmem_shared>>
        tpu.wait_indirect_dma semaphore(%arg20 : memref<!tpu.dma_semaphore, #tpu.memory_space<semaphore_mem>>) src(%arg16 : memref<128xf32, #tpu.memory_space<vmem>>) dst(%dma_wait3A_868 : memref<50176xf32, #tpu.memory_space<vmem_shared>>)
        %dma_wait3A_869 = arith.constant 3 : i32
        %dma_wait3A_870 = arith.constant 3 : i32
        %dma_wait3A_871 = arith.constant 1 : i32
        %dma_wait3A_872 = arith.constant 0 : i32
        %dma_wait3A_873 = arith.constant 0 : i32
        %dma_wait3A_874 = tpu.memref_slice %arg15[%dma_wait3A_869, %dma_wait3A_872, %dma_wait3A_873] : memref<4x128x32xf32, #tpu.memory_space<vmem>> -> memref<1x128x32xf32, #tpu.memory_space<vmem>>
        %dma_wait3A_875 = tpu.memref_squeeze %dma_wait3A_874 : memref<1x128x32xf32, #tpu.memory_space<vmem>> -> memref<128x32xf32, #tpu.memory_space<vmem>>
        %dma_wait3A_876 = arith.constant 0 : i32
        %dma_wait3A_877 = tpu.memref_slice %arg14[%dma_wait3A_870, %dma_wait3A_871, %dma_wait3A_876] : memref<4x2x128xi32, #tpu.memory_space<vmem>> -> memref<1x1x128xi32, #tpu.memory_space<vmem>>
        %dma_wait3A_878 = tpu.memref_squeeze %dma_wait3A_877 : memref<1x1x128xi32, #tpu.memory_space<vmem>> -> memref<128xi32, #tpu.memory_space<vmem>>
        %dma_wait3A_879 = arith.constant 0 : i32
        %dma_wait3A_880 = arith.constant 0 : i32
        %dma_wait3A_881 = tpu.memref_slice %arg11[%dma_wait3A_879, %dma_wait3A_880] : memref<50176x32xf32, #tpu.memory_space<vmem_shared>> -> memref<50176x32xf32, #tpu.memory_space<vmem_shared>>
        tpu.wait_indirect_dma semaphore(%arg20 : memref<!tpu.dma_semaphore, #tpu.memory_space<semaphore_mem>>) src(%dma_wait3A_875 : memref<128x32xf32, #tpu.memory_space<vmem>>) dst(%dma_wait3A_881 : memref<50176x32xf32, #tpu.memory_space<vmem_shared>>)
        %dma_wait3A_882 = arith.constant 3 : i32
        %dma_wait3A_883 = arith.constant 1 : i32
        %dma_wait3A_884 = arith.constant 0 : i32
        %dma_wait3A_885 = tpu.memref_slice %arg14[%dma_wait3A_882, %dma_wait3A_883, %dma_wait3A_884] : memref<4x2x128xi32, #tpu.memory_space<vmem>> -> memref<1x1x128xi32, #tpu.memory_space<vmem>>
        %dma_wait3A_886 = tpu.memref_squeeze %dma_wait3A_885 : memref<1x1x128xi32, #tpu.memory_space<vmem>> -> memref<128xi32, #tpu.memory_space<vmem>>
        %dma_wait3A_887 = arith.constant 0 : i32
        %dma_wait3A_888 = tpu.memref_slice %arg12[%dma_wait3A_887] : memref<50176xf32, #tpu.memory_space<vmem_shared>> -> memref<50176xf32, #tpu.memory_space<vmem_shared>>
        tpu.wait_indirect_dma semaphore(%arg20 : memref<!tpu.dma_semaphore, #tpu.memory_space<semaphore_mem>>) src(%arg16 : memref<128xf32, #tpu.memory_space<vmem>>) dst(%dma_wait3A_888 : memref<50176xf32, #tpu.memory_space<vmem_shared>>)
      } else {
      }
      %add3A_223 = arith.constant 2 : i32
      %add3A_224 = arith.addi %add3A_192, %add3A_223 : i32
      %mul3A_225 = arith.constant 2 : i32
      %mul3A_226 = arith.muli %add3A_224, %mul3A_225 : i32
      %dma_start3A_227 = arith.constant 2 : i32
      %dma_start3A_228 = arith.constant 0 : i32
      %dma_start3A_229 = arith.constant 0 : i32
      %dma_start3A_230 = tpu.memref_slice %arg13[%dma_start3A_227, %dma_start3A_228, %dma_start3A_229] : memref<4x2x128xi32, #tpu.memory_space<vmem>> -> memref<1x2x128xi32, #tpu.memory_space<vmem>>
      %dma_start3A_231 = tpu.memref_squeeze %dma_start3A_230 : memref<1x2x128xi32, #tpu.memory_space<vmem>> -> memref<2x128xi32, #tpu.memory_space<vmem>>
      %dma_start3A_232 = arith.constant 0 : i32
      %dma_start3A_233 = tpu.memref_slice %arg3[%add3A, %mul3A_226, %dma_start3A_232] : memref<32x200x128xi32, #tpu.memory_space<hbm>> -> memref<1x2x128xi32, #tpu.memory_space<hbm>>
      %dma_start3A_234 = tpu.memref_squeeze %dma_start3A_233 : memref<1x2x128xi32, #tpu.memory_space<hbm>> -> memref<2x128xi32, #tpu.memory_space<hbm>>
      %dma_start3A_235 = arith.constant 0 : i32
      %dma_start3A_236 = arith.constant 0 : i32
      %dma_start3A_237 = tpu.memref_slice %arg13[%dma_start3A_227, %dma_start3A_235, %dma_start3A_236] : memref<4x2x128xi32, #tpu.memory_space<vmem>> -> memref<1x2x128xi32, #tpu.memory_space<vmem>>
      %dma_start3A_238 = tpu.memref_squeeze %dma_start3A_237 : memref<1x2x128xi32, #tpu.memory_space<vmem>> -> memref<2x128xi32, #tpu.memory_space<vmem>>
      %dma_start3A_239 = arith.constant 0 : i32
      %dma_start3A_240 = tpu.memref_slice %arg3[%add3A, %mul3A_226, %dma_start3A_239] : memref<32x200x128xi32, #tpu.memory_space<hbm>> -> memref<1x2x128xi32, #tpu.memory_space<hbm>>
      %dma_start3A_241 = tpu.memref_squeeze %dma_start3A_240 : memref<1x2x128xi32, #tpu.memory_space<hbm>> -> memref<2x128xi32, #tpu.memory_space<hbm>>
      tpu.enqueue_dma source(%dma_start3A_241 : memref<2x128xi32, #tpu.memory_space<hbm>>) target(%dma_start3A_238 : memref<2x128xi32, #tpu.memory_space<vmem>>) target_semaphore(%arg23 : memref<!tpu.dma_semaphore, #tpu.memory_space<semaphore_mem>>)
      %dma_start3A_242 = arith.constant 2 : i32
      %dma_start3A_243 = arith.constant 0 : i32
      %dma_start3A_244 = arith.constant 0 : i32
      %dma_start3A_245 = tpu.memref_slice %arg14[%dma_start3A_242, %dma_start3A_243, %dma_start3A_244] : memref<4x2x128xi32, #tpu.memory_space<vmem>> -> memref<1x2x128xi32, #tpu.memory_space<vmem>>
      %dma_start3A_246 = tpu.memref_squeeze %dma_start3A_245 : memref<1x2x128xi32, #tpu.memory_space<vmem>> -> memref<2x128xi32, #tpu.memory_space<vmem>>
      %dma_start3A_247 = arith.constant 0 : i32
      %dma_start3A_248 = tpu.memref_slice %arg4[%add3A, %mul3A_226, %dma_start3A_247] : memref<32x200x128xi32, #tpu.memory_space<hbm>> -> memref<1x2x128xi32, #tpu.memory_space<hbm>>
      %dma_start3A_249 = tpu.memref_squeeze %dma_start3A_248 : memref<1x2x128xi32, #tpu.memory_space<hbm>> -> memref<2x128xi32, #tpu.memory_space<hbm>>
      %dma_start3A_250 = arith.constant 0 : i32
      %dma_start3A_251 = arith.constant 0 : i32
      %dma_start3A_252 = tpu.memref_slice %arg14[%dma_start3A_242, %dma_start3A_250, %dma_start3A_251] : memref<4x2x128xi32, #tpu.memory_space<vmem>> -> memref<1x2x128xi32, #tpu.memory_space<vmem>>
      %dma_start3A_253 = tpu.memref_squeeze %dma_start3A_252 : memref<1x2x128xi32, #tpu.memory_space<vmem>> -> memref<2x128xi32, #tpu.memory_space<vmem>>
      %dma_start3A_254 = arith.constant 0 : i32
      %dma_start3A_255 = tpu.memref_slice %arg4[%add3A, %mul3A_226, %dma_start3A_254] : memref<32x200x128xi32, #tpu.memory_space<hbm>> -> memref<1x2x128xi32, #tpu.memory_space<hbm>>
      %dma_start3A_256 = tpu.memref_squeeze %dma_start3A_255 : memref<1x2x128xi32, #tpu.memory_space<hbm>> -> memref<2x128xi32, #tpu.memory_space<hbm>>
      tpu.enqueue_dma source(%dma_start3A_256 : memref<2x128xi32, #tpu.memory_space<hbm>>) target(%dma_start3A_253 : memref<2x128xi32, #tpu.memory_space<vmem>>) target_semaphore(%arg23 : memref<!tpu.dma_semaphore, #tpu.memory_space<semaphore_mem>>)
      %add3A_257 = arith.constant 1 : i32
      %add3A_258 = arith.addi %add3A_192, %add3A_257 : i32
      %mul3A_259 = arith.constant 2 : i32
      %mul3A_260 = arith.muli %add3A_258, %mul3A_259 : i32
      %dma_wait3A_261 = arith.constant 1 : i32
      %dma_wait3A_262 = arith.constant 0 : i32
      %dma_wait3A_263 = arith.constant 0 : i32
      %dma_wait3A_264 = tpu.memref_slice %arg13[%dma_wait3A_261, %dma_wait3A_262, %dma_wait3A_263] : memref<4x2x128xi32, #tpu.memory_space<vmem>> -> memref<1x2x128xi32, #tpu.memory_space<vmem>>
      %dma_wait3A_265 = tpu.memref_squeeze %dma_wait3A_264 : memref<1x2x128xi32, #tpu.memory_space<vmem>> -> memref<2x128xi32, #tpu.memory_space<vmem>>
      %dma_wait3A_266 = arith.constant 0 : i32
      %dma_wait3A_267 = tpu.memref_slice %arg3[%add3A, %mul3A_260, %dma_wait3A_266] : memref<32x200x128xi32, #tpu.memory_space<hbm>> -> memref<1x2x128xi32, #tpu.memory_space<hbm>>
      %dma_wait3A_268 = tpu.memref_squeeze %dma_wait3A_267 : memref<1x2x128xi32, #tpu.memory_space<hbm>> -> memref<2x128xi32, #tpu.memory_space<hbm>>
      %dma_wait3A_269 = arith.constant 0 : i32
      %dma_wait3A_270 = arith.constant 0 : i32
      %dma_wait3A_271 = tpu.memref_slice %arg13[%dma_wait3A_261, %dma_wait3A_269, %dma_wait3A_270] : memref<4x2x128xi32, #tpu.memory_space<vmem>> -> memref<1x2x128xi32, #tpu.memory_space<vmem>>
      %dma_wait3A_272 = tpu.memref_squeeze %dma_wait3A_271 : memref<1x2x128xi32, #tpu.memory_space<vmem>> -> memref<2x128xi32, #tpu.memory_space<vmem>>
      %dma_wait3A_273 = arith.constant 0 : i32
      %dma_wait3A_274 = tpu.memref_slice %arg3[%add3A, %mul3A_260, %dma_wait3A_273] : memref<32x200x128xi32, #tpu.memory_space<hbm>> -> memref<1x2x128xi32, #tpu.memory_space<hbm>>
      %dma_wait3A_275 = tpu.memref_squeeze %dma_wait3A_274 : memref<1x2x128xi32, #tpu.memory_space<hbm>> -> memref<2x128xi32, #tpu.memory_space<hbm>>
      tpu.wait_dma2 semaphore(%arg22 : memref<!tpu.dma_semaphore, #tpu.memory_space<semaphore_mem>>) src(%dma_wait3A_275 : memref<2x128xi32, #tpu.memory_space<hbm>>) dst(%dma_wait3A_272 : memref<2x128xi32, #tpu.memory_space<vmem>>)
      %dma_wait3A_276 = arith.constant 1 : i32
      %dma_wait3A_277 = arith.constant 0 : i32
      %dma_wait3A_278 = arith.constant 0 : i32
      %dma_wait3A_279 = tpu.memref_slice %arg14[%dma_wait3A_276, %dma_wait3A_277, %dma_wait3A_278] : memref<4x2x128xi32, #tpu.memory_space<vmem>> -> memref<1x2x128xi32, #tpu.memory_space<vmem>>
      %dma_wait3A_280 = tpu.memref_squeeze %dma_wait3A_279 : memref<1x2x128xi32, #tpu.memory_space<vmem>> -> memref<2x128xi32, #tpu.memory_space<vmem>>
      %dma_wait3A_281 = arith.constant 0 : i32
      %dma_wait3A_282 = tpu.memref_slice %arg4[%add3A, %mul3A_260, %dma_wait3A_281] : memref<32x200x128xi32, #tpu.memory_space<hbm>> -> memref<1x2x128xi32, #tpu.memory_space<hbm>>
      %dma_wait3A_283 = tpu.memref_squeeze %dma_wait3A_282 : memref<1x2x128xi32, #tpu.memory_space<hbm>> -> memref<2x128xi32, #tpu.memory_space<hbm>>
      %dma_wait3A_284 = arith.constant 0 : i32
      %dma_wait3A_285 = arith.constant 0 : i32
      %dma_wait3A_286 = tpu.memref_slice %arg14[%dma_wait3A_276, %dma_wait3A_284, %dma_wait3A_285] : memref<4x2x128xi32, #tpu.memory_space<vmem>> -> memref<1x2x128xi32, #tpu.memory_space<vmem>>
      %dma_wait3A_287 = tpu.memref_squeeze %dma_wait3A_286 : memref<1x2x128xi32, #tpu.memory_space<vmem>> -> memref<2x128xi32, #tpu.memory_space<vmem>>
      %dma_wait3A_288 = arith.constant 0 : i32
      %dma_wait3A_289 = tpu.memref_slice %arg4[%add3A, %mul3A_260, %dma_wait3A_288] : memref<32x200x128xi32, #tpu.memory_space<hbm>> -> memref<1x2x128xi32, #tpu.memory_space<hbm>>
      %dma_wait3A_290 = tpu.memref_squeeze %dma_wait3A_289 : memref<1x2x128xi32, #tpu.memory_space<hbm>> -> memref<2x128xi32, #tpu.memory_space<hbm>>
      tpu.wait_dma2 semaphore(%arg22 : memref<!tpu.dma_semaphore, #tpu.memory_space<semaphore_mem>>) src(%dma_wait3A_290 : memref<2x128xi32, #tpu.memory_space<hbm>>) dst(%dma_wait3A_287 : memref<2x128xi32, #tpu.memory_space<vmem>>)
      %dma_start3A_291 = arith.constant 1 : i32
      %dma_start3A_292 = arith.constant 0 : i32
      %dma_start3A_293 = arith.constant 2 : i32
      %dma_start3A_294 = arith.constant 0 : i32
      %dma_start3A_295 = arith.constant 0 : i32
      %dma_start3A_296 = tpu.memref_slice %arg15[%dma_start3A_293, %dma_start3A_294, %dma_start3A_295] : memref<4x128x32xf32, #tpu.memory_space<vmem>> -> memref<1x128x32xf32, #tpu.memory_space<vmem>>
      %dma_start3A_297 = tpu.memref_squeeze %dma_start3A_296 : memref<1x128x32xf32, #tpu.memory_space<vmem>> -> memref<128x32xf32, #tpu.memory_space<vmem>>
      %dma_start3A_298 = arith.constant 0 : i32
      %dma_start3A_299 = tpu.memref_slice %arg13[%dma_start3A_291, %dma_start3A_292, %dma_start3A_298] : memref<4x2x128xi32, #tpu.memory_space<vmem>> -> memref<1x1x128xi32, #tpu.memory_space<vmem>>
      %dma_start3A_300 = tpu.memref_squeeze %dma_start3A_299 : memref<1x1x128xi32, #tpu.memory_space<vmem>> -> memref<128xi32, #tpu.memory_space<vmem>>
      %dma_start3A_301 = arith.constant 0 : i32
      %dma_start3A_302 = arith.constant 0 : i32
      %dma_start3A_303 = tpu.memref_slice %arg2[%dma_start3A_301, %dma_start3A_302] : memref<50176x32xf32, #tpu.memory_space<hbm>> -> memref<50176x32xf32, #tpu.memory_space<hbm>>
      tpu.enqueue_indirect_dma source(%dma_start3A_303 : memref<50176x32xf32, #tpu.memory_space<hbm>>) target(%dma_start3A_297 : memref<128x32xf32, #tpu.memory_space<vmem>>) offsets(%dma_start3A_300 : memref<128xi32, #tpu.memory_space<vmem>>) semaphore(%arg18 : memref<!tpu.dma_semaphore, #tpu.memory_space<semaphore_mem>>)
      %dma_start3A_304 = arith.constant 1 : i32
      %dma_start3A_305 = arith.constant 1 : i32
      %dma_start3A_306 = arith.constant 3 : i32
      %dma_start3A_307 = arith.constant 0 : i32
      %dma_start3A_308 = arith.constant 0 : i32
      %dma_start3A_309 = tpu.memref_slice %arg15[%dma_start3A_306, %dma_start3A_307, %dma_start3A_308] : memref<4x128x32xf32, #tpu.memory_space<vmem>> -> memref<1x128x32xf32, #tpu.memory_space<vmem>>
      %dma_start3A_310 = tpu.memref_squeeze %dma_start3A_309 : memref<1x128x32xf32, #tpu.memory_space<vmem>> -> memref<128x32xf32, #tpu.memory_space<vmem>>
      %dma_start3A_311 = arith.constant 0 : i32
      %dma_start3A_312 = tpu.memref_slice %arg13[%dma_start3A_304, %dma_start3A_305, %dma_start3A_311] : memref<4x2x128xi32, #tpu.memory_space<vmem>> -> memref<1x1x128xi32, #tpu.memory_space<vmem>>
      %dma_start3A_313 = tpu.memref_squeeze %dma_start3A_312 : memref<1x1x128xi32, #tpu.memory_space<vmem>> -> memref<128xi32, #tpu.memory_space<vmem>>
      %dma_start3A_314 = arith.constant 0 : i32
      %dma_start3A_315 = arith.constant 0 : i32
      %dma_start3A_316 = tpu.memref_slice %arg2[%dma_start3A_314, %dma_start3A_315] : memref<50176x32xf32, #tpu.memory_space<hbm>> -> memref<50176x32xf32, #tpu.memory_space<hbm>>
      tpu.enqueue_indirect_dma source(%dma_start3A_316 : memref<50176x32xf32, #tpu.memory_space<hbm>>) target(%dma_start3A_310 : memref<128x32xf32, #tpu.memory_space<vmem>>) offsets(%dma_start3A_313 : memref<128xi32, #tpu.memory_space<vmem>>) semaphore(%arg18 : memref<!tpu.dma_semaphore, #tpu.memory_space<semaphore_mem>>)
      %dma_start3A_317 = arith.constant 0 : i32
      %dma_start3A_318 = arith.constant 0 : i32
      %dma_start3A_319 = arith.constant 0 : i32
      %dma_start3A_320 = arith.constant 0 : i32
      %dma_start3A_321 = arith.constant 0 : i32
      %dma_start3A_322 = tpu.memref_slice %arg15[%dma_start3A_317, %dma_start3A_320, %dma_start3A_321] : memref<4x128x32xf32, #tpu.memory_space<vmem>> -> memref<1x128x32xf32, #tpu.memory_space<vmem>>
      %dma_start3A_323 = tpu.memref_squeeze %dma_start3A_322 : memref<1x128x32xf32, #tpu.memory_space<vmem>> -> memref<128x32xf32, #tpu.memory_space<vmem>>
      %dma_start3A_324 = arith.constant 0 : i32
      %dma_start3A_325 = tpu.memref_slice %arg14[%dma_start3A_318, %dma_start3A_319, %dma_start3A_324] : memref<4x2x128xi32, #tpu.memory_space<vmem>> -> memref<1x1x128xi32, #tpu.memory_space<vmem>>
      %dma_start3A_326 = tpu.memref_squeeze %dma_start3A_325 : memref<1x1x128xi32, #tpu.memory_space<vmem>> -> memref<128xi32, #tpu.memory_space<vmem>>
      %dma_start3A_327 = arith.constant 0 : i32
      %dma_start3A_328 = arith.constant 0 : i32
      %dma_start3A_329 = tpu.memref_slice %arg11[%dma_start3A_327, %dma_start3A_328] : memref<50176x32xf32, #tpu.memory_space<vmem_shared>> -> memref<50176x32xf32, #tpu.memory_space<vmem_shared>>
      tpu.enqueue_indirect_dma source(%dma_start3A_323 : memref<128x32xf32, #tpu.memory_space<vmem>>) target(%dma_start3A_329 : memref<50176x32xf32, #tpu.memory_space<vmem_shared>>) offsets(%dma_start3A_326 : memref<128xi32, #tpu.memory_space<vmem>>) semaphore(%arg19 : memref<!tpu.dma_semaphore, #tpu.memory_space<semaphore_mem>>) {add = true}
      %dma_start3A_330 = arith.constant 0 : i32
      %dma_start3A_331 = arith.constant 0 : i32
      %dma_start3A_332 = arith.constant 0 : i32
      %dma_start3A_333 = tpu.memref_slice %arg14[%dma_start3A_330, %dma_start3A_331, %dma_start3A_332] : memref<4x2x128xi32, #tpu.memory_space<vmem>> -> memref<1x1x128xi32, #tpu.memory_space<vmem>>
      %dma_start3A_334 = tpu.memref_squeeze %dma_start3A_333 : memref<1x1x128xi32, #tpu.memory_space<vmem>> -> memref<128xi32, #tpu.memory_space<vmem>>
      %dma_start3A_335 = arith.constant 0 : i32
      %dma_start3A_336 = tpu.memref_slice %arg12[%dma_start3A_335] : memref<50176xf32, #tpu.memory_space<vmem_shared>> -> memref<50176xf32, #tpu.memory_space<vmem_shared>>
      tpu.enqueue_indirect_dma source(%arg16 : memref<128xf32, #tpu.memory_space<vmem>>) target(%dma_start3A_336 : memref<50176xf32, #tpu.memory_space<vmem_shared>>) offsets(%dma_start3A_334 : memref<128xi32, #tpu.memory_space<vmem>>) semaphore(%arg19 : memref<!tpu.dma_semaphore, #tpu.memory_space<semaphore_mem>>) {add = true}
      %dma_start3A_337 = arith.constant 1 : i32
      %dma_start3A_338 = arith.constant 0 : i32
      %dma_start3A_339 = arith.constant 1 : i32
      %dma_start3A_340 = arith.constant 0 : i32
      %dma_start3A_341 = arith.constant 0 : i32
      %dma_start3A_342 = tpu.memref_slice %arg15[%dma_start3A_337, %dma_start3A_340, %dma_start3A_341] : memref<4x128x32xf32, #tpu.memory_space<vmem>> -> memref<1x128x32xf32, #tpu.memory_space<vmem>>
      %dma_start3A_343 = tpu.memref_squeeze %dma_start3A_342 : memref<1x128x32xf32, #tpu.memory_space<vmem>> -> memref<128x32xf32, #tpu.memory_space<vmem>>
      %dma_start3A_344 = arith.constant 0 : i32
      %dma_start3A_345 = tpu.memref_slice %arg14[%dma_start3A_338, %dma_start3A_339, %dma_start3A_344] : memref<4x2x128xi32, #tpu.memory_space<vmem>> -> memref<1x1x128xi32, #tpu.memory_space<vmem>>
      %dma_start3A_346 = tpu.memref_squeeze %dma_start3A_345 : memref<1x1x128xi32, #tpu.memory_space<vmem>> -> memref<128xi32, #tpu.memory_space<vmem>>
      %dma_start3A_347 = arith.constant 0 : i32
      %dma_start3A_348 = arith.constant 0 : i32
      %dma_start3A_349 = tpu.memref_slice %arg11[%dma_start3A_347, %dma_start3A_348] : memref<50176x32xf32, #tpu.memory_space<vmem_shared>> -> memref<50176x32xf32, #tpu.memory_space<vmem_shared>>
      tpu.enqueue_indirect_dma source(%dma_start3A_343 : memref<128x32xf32, #tpu.memory_space<vmem>>) target(%dma_start3A_349 : memref<50176x32xf32, #tpu.memory_space<vmem_shared>>) offsets(%dma_start3A_346 : memref<128xi32, #tpu.memory_space<vmem>>) semaphore(%arg19 : memref<!tpu.dma_semaphore, #tpu.memory_space<semaphore_mem>>) {add = true}
      %dma_start3A_350 = arith.constant 0 : i32
      %dma_start3A_351 = arith.constant 1 : i32
      %dma_start3A_352 = arith.constant 0 : i32
      %dma_start3A_353 = tpu.memref_slice %arg14[%dma_start3A_350, %dma_start3A_351, %dma_start3A_352] : memref<4x2x128xi32, #tpu.memory_space<vmem>> -> memref<1x1x128xi32, #tpu.memory_space<vmem>>
      %dma_start3A_354 = tpu.memref_squeeze %dma_start3A_353 : memref<1x1x128xi32, #tpu.memory_space<vmem>> -> memref<128xi32, #tpu.memory_space<vmem>>
      %dma_start3A_355 = arith.constant 0 : i32
      %dma_start3A_356 = tpu.memref_slice %arg12[%dma_start3A_355] : memref<50176xf32, #tpu.memory_space<vmem_shared>> -> memref<50176xf32, #tpu.memory_space<vmem_shared>>
      tpu.enqueue_indirect_dma source(%arg16 : memref<128xf32, #tpu.memory_space<vmem>>) target(%dma_start3A_356 : memref<50176xf32, #tpu.memory_space<vmem_shared>>) offsets(%dma_start3A_354 : memref<128xi32, #tpu.memory_space<vmem>>) semaphore(%arg19 : memref<!tpu.dma_semaphore, #tpu.memory_space<semaphore_mem>>) {add = true}
      %add3A_357 = arith.constant 1 : i32
      %add3A_358 = arith.addi %mul3A_190, %add3A_357 : i32
      %dma_wait3A_359 = arith.constant 1 : i32
      %dma_wait3A_360 = arith.constant 0 : i32
      %dma_wait3A_361 = arith.constant 2 : i32
      %dma_wait3A_362 = arith.constant 0 : i32
      %dma_wait3A_363 = arith.constant 0 : i32
      %dma_wait3A_364 = tpu.memref_slice %arg15[%dma_wait3A_361, %dma_wait3A_362, %dma_wait3A_363] : memref<4x128x32xf32, #tpu.memory_space<vmem>> -> memref<1x128x32xf32, #tpu.memory_space<vmem>>
      %dma_wait3A_365 = tpu.memref_squeeze %dma_wait3A_364 : memref<1x128x32xf32, #tpu.memory_space<vmem>> -> memref<128x32xf32, #tpu.memory_space<vmem>>
      %dma_wait3A_366 = arith.constant 0 : i32
      %dma_wait3A_367 = tpu.memref_slice %arg13[%dma_wait3A_359, %dma_wait3A_360, %dma_wait3A_366] : memref<4x2x128xi32, #tpu.memory_space<vmem>> -> memref<1x1x128xi32, #tpu.memory_space<vmem>>
      %dma_wait3A_368 = tpu.memref_squeeze %dma_wait3A_367 : memref<1x1x128xi32, #tpu.memory_space<vmem>> -> memref<128xi32, #tpu.memory_space<vmem>>
      %dma_wait3A_369 = arith.constant 0 : i32
      %dma_wait3A_370 = arith.constant 0 : i32
      %dma_wait3A_371 = tpu.memref_slice %arg2[%dma_wait3A_369, %dma_wait3A_370] : memref<50176x32xf32, #tpu.memory_space<hbm>> -> memref<50176x32xf32, #tpu.memory_space<hbm>>
      tpu.wait_indirect_dma semaphore(%arg18 : memref<!tpu.dma_semaphore, #tpu.memory_space<semaphore_mem>>) src(%dma_wait3A_371 : memref<50176x32xf32, #tpu.memory_space<hbm>>) dst(%dma_wait3A_365 : memref<128x32xf32, #tpu.memory_space<vmem>>)
      %dma_wait3A_372 = arith.constant 1 : i32
      %dma_wait3A_373 = arith.constant 1 : i32
      %dma_wait3A_374 = arith.constant 3 : i32
      %dma_wait3A_375 = arith.constant 0 : i32
      %dma_wait3A_376 = arith.constant 0 : i32
      %dma_wait3A_377 = tpu.memref_slice %arg15[%dma_wait3A_374, %dma_wait3A_375, %dma_wait3A_376] : memref<4x128x32xf32, #tpu.memory_space<vmem>> -> memref<1x128x32xf32, #tpu.memory_space<vmem>>
      %dma_wait3A_378 = tpu.memref_squeeze %dma_wait3A_377 : memref<1x128x32xf32, #tpu.memory_space<vmem>> -> memref<128x32xf32, #tpu.memory_space<vmem>>
      %dma_wait3A_379 = arith.constant 0 : i32
      %dma_wait3A_380 = tpu.memref_slice %arg13[%dma_wait3A_372, %dma_wait3A_373, %dma_wait3A_379] : memref<4x2x128xi32, #tpu.memory_space<vmem>> -> memref<1x1x128xi32, #tpu.memory_space<vmem>>
      %dma_wait3A_381 = tpu.memref_squeeze %dma_wait3A_380 : memref<1x1x128xi32, #tpu.memory_space<vmem>> -> memref<128xi32, #tpu.memory_space<vmem>>
      %dma_wait3A_382 = arith.constant 0 : i32
      %dma_wait3A_383 = arith.constant 0 : i32
      %dma_wait3A_384 = tpu.memref_slice %arg2[%dma_wait3A_382, %dma_wait3A_383] : memref<50176x32xf32, #tpu.memory_space<hbm>> -> memref<50176x32xf32, #tpu.memory_space<hbm>>
      tpu.wait_indirect_dma semaphore(%arg18 : memref<!tpu.dma_semaphore, #tpu.memory_space<semaphore_mem>>) src(%dma_wait3A_384 : memref<50176x32xf32, #tpu.memory_space<hbm>>) dst(%dma_wait3A_378 : memref<128x32xf32, #tpu.memory_space<vmem>>)
      %dma_wait3A_385 = arith.constant 0 : i32
      %dma_wait3A_386 = arith.constant 0 : i32
      %dma_wait3A_387 = arith.constant 0 : i32
      %dma_wait3A_388 = arith.constant 0 : i32
      %dma_wait3A_389 = arith.constant 0 : i32
      %dma_wait3A_390 = tpu.memref_slice %arg15[%dma_wait3A_385, %dma_wait3A_388, %dma_wait3A_389] : memref<4x128x32xf32, #tpu.memory_space<vmem>> -> memref<1x128x32xf32, #tpu.memory_space<vmem>>
      %dma_wait3A_391 = tpu.memref_squeeze %dma_wait3A_390 : memref<1x128x32xf32, #tpu.memory_space<vmem>> -> memref<128x32xf32, #tpu.memory_space<vmem>>
      %dma_wait3A_392 = arith.constant 0 : i32
      %dma_wait3A_393 = tpu.memref_slice %arg14[%dma_wait3A_386, %dma_wait3A_387, %dma_wait3A_392] : memref<4x2x128xi32, #tpu.memory_space<vmem>> -> memref<1x1x128xi32, #tpu.memory_space<vmem>>
      %dma_wait3A_394 = tpu.memref_squeeze %dma_wait3A_393 : memref<1x1x128xi32, #tpu.memory_space<vmem>> -> memref<128xi32, #tpu.memory_space<vmem>>
      %dma_wait3A_395 = arith.constant 0 : i32
      %dma_wait3A_396 = arith.constant 0 : i32
      %dma_wait3A_397 = tpu.memref_slice %arg11[%dma_wait3A_395, %dma_wait3A_396] : memref<50176x32xf32, #tpu.memory_space<vmem_shared>> -> memref<50176x32xf32, #tpu.memory_space<vmem_shared>>
      tpu.wait_indirect_dma semaphore(%arg19 : memref<!tpu.dma_semaphore, #tpu.memory_space<semaphore_mem>>) src(%dma_wait3A_391 : memref<128x32xf32, #tpu.memory_space<vmem>>) dst(%dma_wait3A_397 : memref<50176x32xf32, #tpu.memory_space<vmem_shared>>)
      %dma_wait3A_398 = arith.constant 0 : i32
      %dma_wait3A_399 = arith.constant 0 : i32
      %dma_wait3A_400 = arith.constant 0 : i32
      %dma_wait3A_401 = tpu.memref_slice %arg14[%dma_wait3A_398, %dma_wait3A_399, %dma_wait3A_400] : memref<4x2x128xi32, #tpu.memory_space<vmem>> -> memref<1x1x128xi32, #tpu.memory_space<vmem>>
      %dma_wait3A_402 = tpu.memref_squeeze %dma_wait3A_401 : memref<1x1x128xi32, #tpu.memory_space<vmem>> -> memref<128xi32, #tpu.memory_space<vmem>>
      %dma_wait3A_403 = arith.constant 0 : i32
      %dma_wait3A_404 = tpu.memref_slice %arg12[%dma_wait3A_403] : memref<50176xf32, #tpu.memory_space<vmem_shared>> -> memref<50176xf32, #tpu.memory_space<vmem_shared>>
      tpu.wait_indirect_dma semaphore(%arg19 : memref<!tpu.dma_semaphore, #tpu.memory_space<semaphore_mem>>) src(%arg16 : memref<128xf32, #tpu.memory_space<vmem>>) dst(%dma_wait3A_404 : memref<50176xf32, #tpu.memory_space<vmem_shared>>)
      %dma_wait3A_405 = arith.constant 1 : i32
      %dma_wait3A_406 = arith.constant 0 : i32
      %dma_wait3A_407 = arith.constant 1 : i32
      %dma_wait3A_408 = arith.constant 0 : i32
      %dma_wait3A_409 = arith.constant 0 : i32
      %dma_wait3A_410 = tpu.memref_slice %arg15[%dma_wait3A_405, %dma_wait3A_408, %dma_wait3A_409] : memref<4x128x32xf32, #tpu.memory_space<vmem>> -> memref<1x128x32xf32, #tpu.memory_space<vmem>>
      %dma_wait3A_411 = tpu.memref_squeeze %dma_wait3A_410 : memref<1x128x32xf32, #tpu.memory_space<vmem>> -> memref<128x32xf32, #tpu.memory_space<vmem>>
      %dma_wait3A_412 = arith.constant 0 : i32
      %dma_wait3A_413 = tpu.memref_slice %arg14[%dma_wait3A_406, %dma_wait3A_407, %dma_wait3A_412] : memref<4x2x128xi32, #tpu.memory_space<vmem>> -> memref<1x1x128xi32, #tpu.memory_space<vmem>>
      %dma_wait3A_414 = tpu.memref_squeeze %dma_wait3A_413 : memref<1x1x128xi32, #tpu.memory_space<vmem>> -> memref<128xi32, #tpu.memory_space<vmem>>
      %dma_wait3A_415 = arith.constant 0 : i32
      %dma_wait3A_416 = arith.constant 0 : i32
      %dma_wait3A_417 = tpu.memref_slice %arg11[%dma_wait3A_415, %dma_wait3A_416] : memref<50176x32xf32, #tpu.memory_space<vmem_shared>> -> memref<50176x32xf32, #tpu.memory_space<vmem_shared>>
      tpu.wait_indirect_dma semaphore(%arg19 : memref<!tpu.dma_semaphore, #tpu.memory_space<semaphore_mem>>) src(%dma_wait3A_411 : memref<128x32xf32, #tpu.memory_space<vmem>>) dst(%dma_wait3A_417 : memref<50176x32xf32, #tpu.memory_space<vmem_shared>>)
      %dma_wait3A_418 = arith.constant 0 : i32
      %dma_wait3A_419 = arith.constant 1 : i32
      %dma_wait3A_420 = arith.constant 0 : i32
      %dma_wait3A_421 = tpu.memref_slice %arg14[%dma_wait3A_418, %dma_wait3A_419, %dma_wait3A_420] : memref<4x2x128xi32, #tpu.memory_space<vmem>> -> memref<1x1x128xi32, #tpu.memory_space<vmem>>
      %dma_wait3A_422 = tpu.memref_squeeze %dma_wait3A_421 : memref<1x1x128xi32, #tpu.memory_space<vmem>> -> memref<128xi32, #tpu.memory_space<vmem>>
      %dma_wait3A_423 = arith.constant 0 : i32
      %dma_wait3A_424 = tpu.memref_slice %arg12[%dma_wait3A_423] : memref<50176xf32, #tpu.memory_space<vmem_shared>> -> memref<50176xf32, #tpu.memory_space<vmem_shared>>
      tpu.wait_indirect_dma semaphore(%arg19 : memref<!tpu.dma_semaphore, #tpu.memory_space<semaphore_mem>>) src(%arg16 : memref<128xf32, #tpu.memory_space<vmem>>) dst(%dma_wait3A_424 : memref<50176xf32, #tpu.memory_space<vmem_shared>>)
      %add3A_425 = arith.constant 2 : i32
      %add3A_426 = arith.addi %add3A_358, %add3A_425 : i32
      %mul3A_427 = arith.constant 2 : i32
      %mul3A_428 = arith.muli %add3A_426, %mul3A_427 : i32
      %dma_start3A_429 = arith.constant 3 : i32
      %dma_start3A_430 = arith.constant 0 : i32
      %dma_start3A_431 = arith.constant 0 : i32
      %dma_start3A_432 = tpu.memref_slice %arg13[%dma_start3A_429, %dma_start3A_430, %dma_start3A_431] : memref<4x2x128xi32, #tpu.memory_space<vmem>> -> memref<1x2x128xi32, #tpu.memory_space<vmem>>
      %dma_start3A_433 = tpu.memref_squeeze %dma_start3A_432 : memref<1x2x128xi32, #tpu.memory_space<vmem>> -> memref<2x128xi32, #tpu.memory_space<vmem>>
      %dma_start3A_434 = arith.constant 0 : i32
      %dma_start3A_435 = tpu.memref_slice %arg3[%add3A, %mul3A_428, %dma_start3A_434] : memref<32x200x128xi32, #tpu.memory_space<hbm>> -> memref<1x2x128xi32, #tpu.memory_space<hbm>>
      %dma_start3A_436 = tpu.memref_squeeze %dma_start3A_435 : memref<1x2x128xi32, #tpu.memory_space<hbm>> -> memref<2x128xi32, #tpu.memory_space<hbm>>
      %dma_start3A_437 = arith.constant 0 : i32
      %dma_start3A_438 = arith.constant 0 : i32
      %dma_start3A_439 = tpu.memref_slice %arg13[%dma_start3A_429, %dma_start3A_437, %dma_start3A_438] : memref<4x2x128xi32, #tpu.memory_space<vmem>> -> memref<1x2x128xi32, #tpu.memory_space<vmem>>
      %dma_start3A_440 = tpu.memref_squeeze %dma_start3A_439 : memref<1x2x128xi32, #tpu.memory_space<vmem>> -> memref<2x128xi32, #tpu.memory_space<vmem>>
      %dma_start3A_441 = arith.constant 0 : i32
      %dma_start3A_442 = tpu.memref_slice %arg3[%add3A, %mul3A_428, %dma_start3A_441] : memref<32x200x128xi32, #tpu.memory_space<hbm>> -> memref<1x2x128xi32, #tpu.memory_space<hbm>>
      %dma_start3A_443 = tpu.memref_squeeze %dma_start3A_442 : memref<1x2x128xi32, #tpu.memory_space<hbm>> -> memref<2x128xi32, #tpu.memory_space<hbm>>
      tpu.enqueue_dma source(%dma_start3A_443 : memref<2x128xi32, #tpu.memory_space<hbm>>) target(%dma_start3A_440 : memref<2x128xi32, #tpu.memory_space<vmem>>) target_semaphore(%arg24 : memref<!tpu.dma_semaphore, #tpu.memory_space<semaphore_mem>>)
      %dma_start3A_444 = arith.constant 3 : i32
      %dma_start3A_445 = arith.constant 0 : i32
      %dma_start3A_446 = arith.constant 0 : i32
      %dma_start3A_447 = tpu.memref_slice %arg14[%dma_start3A_444, %dma_start3A_445, %dma_start3A_446] : memref<4x2x128xi32, #tpu.memory_space<vmem>> -> memref<1x2x128xi32, #tpu.memory_space<vmem>>
      %dma_start3A_448 = tpu.memref_squeeze %dma_start3A_447 : memref<1x2x128xi32, #tpu.memory_space<vmem>> -> memref<2x128xi32, #tpu.memory_space<vmem>>
      %dma_start3A_449 = arith.constant 0 : i32
      %dma_start3A_450 = tpu.memref_slice %arg4[%add3A, %mul3A_428, %dma_start3A_449] : memref<32x200x128xi32, #tpu.memory_space<hbm>> -> memref<1x2x128xi32, #tpu.memory_space<hbm>>
      %dma_start3A_451 = tpu.memref_squeeze %dma_start3A_450 : memref<1x2x128xi32, #tpu.memory_space<hbm>> -> memref<2x128xi32, #tpu.memory_space<hbm>>
      %dma_start3A_452 = arith.constant 0 : i32
      %dma_start3A_453 = arith.constant 0 : i32
      %dma_start3A_454 = tpu.memref_slice %arg14[%dma_start3A_444, %dma_start3A_452, %dma_start3A_453] : memref<4x2x128xi32, #tpu.memory_space<vmem>> -> memref<1x2x128xi32, #tpu.memory_space<vmem>>
      %dma_start3A_455 = tpu.memref_squeeze %dma_start3A_454 : memref<1x2x128xi32, #tpu.memory_space<vmem>> -> memref<2x128xi32, #tpu.memory_space<vmem>>
      %dma_start3A_456 = arith.constant 0 : i32
      %dma_start3A_457 = tpu.memref_slice %arg4[%add3A, %mul3A_428, %dma_start3A_456] : memref<32x200x128xi32, #tpu.memory_space<hbm>> -> memref<1x2x128xi32, #tpu.memory_space<hbm>>
      %dma_start3A_458 = tpu.memref_squeeze %dma_start3A_457 : memref<1x2x128xi32, #tpu.memory_space<hbm>> -> memref<2x128xi32, #tpu.memory_space<hbm>>
      tpu.enqueue_dma source(%dma_start3A_458 : memref<2x128xi32, #tpu.memory_space<hbm>>) target(%dma_start3A_455 : memref<2x128xi32, #tpu.memory_space<vmem>>) target_semaphore(%arg24 : memref<!tpu.dma_semaphore, #tpu.memory_space<semaphore_mem>>)
      %add3A_459 = arith.constant 1 : i32
      %add3A_460 = arith.addi %add3A_358, %add3A_459 : i32
      %mul3A_461 = arith.constant 2 : i32
      %mul3A_462 = arith.muli %add3A_460, %mul3A_461 : i32
      %dma_wait3A_463 = arith.constant 2 : i32
      %dma_wait3A_464 = arith.constant 0 : i32
      %dma_wait3A_465 = arith.constant 0 : i32
      %dma_wait3A_466 = tpu.memref_slice %arg13[%dma_wait3A_463, %dma_wait3A_464, %dma_wait3A_465] : memref<4x2x128xi32, #tpu.memory_space<vmem>> -> memref<1x2x128xi32, #tpu.memory_space<vmem>>
      %dma_wait3A_467 = tpu.memref_squeeze %dma_wait3A_466 : memref<1x2x128xi32, #tpu.memory_space<vmem>> -> memref<2x128xi32, #tpu.memory_space<vmem>>
      %dma_wait3A_468 = arith.constant 0 : i32
      %dma_wait3A_469 = tpu.memref_slice %arg3[%add3A, %mul3A_462, %dma_wait3A_468] : memref<32x200x128xi32, #tpu.memory_space<hbm>> -> memref<1x2x128xi32, #tpu.memory_space<hbm>>
      %dma_wait3A_470 = tpu.memref_squeeze %dma_wait3A_469 : memref<1x2x128xi32, #tpu.memory_space<hbm>> -> memref<2x128xi32, #tpu.memory_space<hbm>>
      %dma_wait3A_471 = arith.constant 0 : i32
      %dma_wait3A_472 = arith.constant 0 : i32
      %dma_wait3A_473 = tpu.memref_slice %arg13[%dma_wait3A_463, %dma_wait3A_471, %dma_wait3A_472] : memref<4x2x128xi32, #tpu.memory_space<vmem>> -> memref<1x2x128xi32, #tpu.memory_space<vmem>>
      %dma_wait3A_474 = tpu.memref_squeeze %dma_wait3A_473 : memref<1x2x128xi32, #tpu.memory_space<vmem>> -> memref<2x128xi32, #tpu.memory_space<vmem>>
      %dma_wait3A_475 = arith.constant 0 : i32
      %dma_wait3A_476 = tpu.memref_slice %arg3[%add3A, %mul3A_462, %dma_wait3A_475] : memref<32x200x128xi32, #tpu.memory_space<hbm>> -> memref<1x2x128xi32, #tpu.memory_space<hbm>>
      %dma_wait3A_477 = tpu.memref_squeeze %dma_wait3A_476 : memref<1x2x128xi32, #tpu.memory_space<hbm>> -> memref<2x128xi32, #tpu.memory_space<hbm>>
      tpu.wait_dma2 semaphore(%arg23 : memref<!tpu.dma_semaphore, #tpu.memory_space<semaphore_mem>>) src(%dma_wait3A_477 : memref<2x128xi32, #tpu.memory_space<hbm>>) dst(%dma_wait3A_474 : memref<2x128xi32, #tpu.memory_space<vmem>>)
      %dma_wait3A_478 = arith.constant 2 : i32
      %dma_wait3A_479 = arith.constant 0 : i32
      %dma_wait3A_480 = arith.constant 0 : i32
      %dma_wait3A_481 = tpu.memref_slice %arg14[%dma_wait3A_478, %dma_wait3A_479, %dma_wait3A_480] : memref<4x2x128xi32, #tpu.memory_space<vmem>> -> memref<1x2x128xi32, #tpu.memory_space<vmem>>
      %dma_wait3A_482 = tpu.memref_squeeze %dma_wait3A_481 : memref<1x2x128xi32, #tpu.memory_space<vmem>> -> memref<2x128xi32, #tpu.memory_space<vmem>>
      %dma_wait3A_483 = arith.constant 0 : i32
      %dma_wait3A_484 = tpu.memref_slice %arg4[%add3A, %mul3A_462, %dma_wait3A_483] : memref<32x200x128xi32, #tpu.memory_space<hbm>> -> memref<1x2x128xi32, #tpu.memory_space<hbm>>
      %dma_wait3A_485 = tpu.memref_squeeze %dma_wait3A_484 : memref<1x2x128xi32, #tpu.memory_space<hbm>> -> memref<2x128xi32, #tpu.memory_space<hbm>>
      %dma_wait3A_486 = arith.constant 0 : i32
      %dma_wait3A_487 = arith.constant 0 : i32
      %dma_wait3A_488 = tpu.memref_slice %arg14[%dma_wait3A_478, %dma_wait3A_486, %dma_wait3A_487] : memref<4x2x128xi32, #tpu.memory_space<vmem>> -> memref<1x2x128xi32, #tpu.memory_space<vmem>>
      %dma_wait3A_489 = tpu.memref_squeeze %dma_wait3A_488 : memref<1x2x128xi32, #tpu.memory_space<vmem>> -> memref<2x128xi32, #tpu.memory_space<vmem>>
      %dma_wait3A_490 = arith.constant 0 : i32
      %dma_wait3A_491 = tpu.memref_slice %arg4[%add3A, %mul3A_462, %dma_wait3A_490] : memref<32x200x128xi32, #tpu.memory_space<hbm>> -> memref<1x2x128xi32, #tpu.memory_space<hbm>>
      %dma_wait3A_492 = tpu.memref_squeeze %dma_wait3A_491 : memref<1x2x128xi32, #tpu.memory_space<hbm>> -> memref<2x128xi32, #tpu.memory_space<hbm>>
      tpu.wait_dma2 semaphore(%arg23 : memref<!tpu.dma_semaphore, #tpu.memory_space<semaphore_mem>>) src(%dma_wait3A_492 : memref<2x128xi32, #tpu.memory_space<hbm>>) dst(%dma_wait3A_489 : memref<2x128xi32, #tpu.memory_space<vmem>>)
      %dma_start3A_493 = arith.constant 2 : i32
      %dma_start3A_494 = arith.constant 0 : i32
      %dma_start3A_495 = arith.constant 0 : i32
      %dma_start3A_496 = arith.constant 0 : i32
      %dma_start3A_497 = arith.constant 0 : i32
      %dma_start3A_498 = tpu.memref_slice %arg15[%dma_start3A_495, %dma_start3A_496, %dma_start3A_497] : memref<4x128x32xf32, #tpu.memory_space<vmem>> -> memref<1x128x32xf32, #tpu.memory_space<vmem>>
      %dma_start3A_499 = tpu.memref_squeeze %dma_start3A_498 : memref<1x128x32xf32, #tpu.memory_space<vmem>> -> memref<128x32xf32, #tpu.memory_space<vmem>>
      %dma_start3A_500 = arith.constant 0 : i32
      %dma_start3A_501 = tpu.memref_slice %arg13[%dma_start3A_493, %dma_start3A_494, %dma_start3A_500] : memref<4x2x128xi32, #tpu.memory_space<vmem>> -> memref<1x1x128xi32, #tpu.memory_space<vmem>>
      %dma_start3A_502 = tpu.memref_squeeze %dma_start3A_501 : memref<1x1x128xi32, #tpu.memory_space<vmem>> -> memref<128xi32, #tpu.memory_space<vmem>>
      %dma_start3A_503 = arith.constant 0 : i32
      %dma_start3A_504 = arith.constant 0 : i32
      %dma_start3A_505 = tpu.memref_slice %arg2[%dma_start3A_503, %dma_start3A_504] : memref<50176x32xf32, #tpu.memory_space<hbm>> -> memref<50176x32xf32, #tpu.memory_space<hbm>>
      tpu.enqueue_indirect_dma source(%dma_start3A_505 : memref<50176x32xf32, #tpu.memory_space<hbm>>) target(%dma_start3A_499 : memref<128x32xf32, #tpu.memory_space<vmem>>) offsets(%dma_start3A_502 : memref<128xi32, #tpu.memory_space<vmem>>) semaphore(%arg17 : memref<!tpu.dma_semaphore, #tpu.memory_space<semaphore_mem>>)
      %dma_start3A_506 = arith.constant 2 : i32
      %dma_start3A_507 = arith.constant 1 : i32
      %dma_start3A_508 = arith.constant 1 : i32
      %dma_start3A_509 = arith.constant 0 : i32
      %dma_start3A_510 = arith.constant 0 : i32
      %dma_start3A_511 = tpu.memref_slice %arg15[%dma_start3A_508, %dma_start3A_509, %dma_start3A_510] : memref<4x128x32xf32, #tpu.memory_space<vmem>> -> memref<1x128x32xf32, #tpu.memory_space<vmem>>
      %dma_start3A_512 = tpu.memref_squeeze %dma_start3A_511 : memref<1x128x32xf32, #tpu.memory_space<vmem>> -> memref<128x32xf32, #tpu.memory_space<vmem>>
      %dma_start3A_513 = arith.constant 0 : i32
      %dma_start3A_514 = tpu.memref_slice %arg13[%dma_start3A_506, %dma_start3A_507, %dma_start3A_513] : memref<4x2x128xi32, #tpu.memory_space<vmem>> -> memref<1x1x128xi32, #tpu.memory_space<vmem>>
      %dma_start3A_515 = tpu.memref_squeeze %dma_start3A_514 : memref<1x1x128xi32, #tpu.memory_space<vmem>> -> memref<128xi32, #tpu.memory_space<vmem>>
      %dma_start3A_516 = arith.constant 0 : i32
      %dma_start3A_517 = arith.constant 0 : i32
      %dma_start3A_518 = tpu.memref_slice %arg2[%dma_start3A_516, %dma_start3A_517] : memref<50176x32xf32, #tpu.memory_space<hbm>> -> memref<50176x32xf32, #tpu.memory_space<hbm>>
      tpu.enqueue_indirect_dma source(%dma_start3A_518 : memref<50176x32xf32, #tpu.memory_space<hbm>>) target(%dma_start3A_512 : memref<128x32xf32, #tpu.memory_space<vmem>>) offsets(%dma_start3A_515 : memref<128xi32, #tpu.memory_space<vmem>>) semaphore(%arg17 : memref<!tpu.dma_semaphore, #tpu.memory_space<semaphore_mem>>)
      %dma_start3A_519 = arith.constant 2 : i32
      %dma_start3A_520 = arith.constant 1 : i32
      %dma_start3A_521 = arith.constant 0 : i32
      %dma_start3A_522 = arith.constant 0 : i32
      %dma_start3A_523 = arith.constant 0 : i32
      %dma_start3A_524 = tpu.memref_slice %arg15[%dma_start3A_519, %dma_start3A_522, %dma_start3A_523] : memref<4x128x32xf32, #tpu.memory_space<vmem>> -> memref<1x128x32xf32, #tpu.memory_space<vmem>>
      %dma_start3A_525 = tpu.memref_squeeze %dma_start3A_524 : memref<1x128x32xf32, #tpu.memory_space<vmem>> -> memref<128x32xf32, #tpu.memory_space<vmem>>
      %dma_start3A_526 = arith.constant 0 : i32
      %dma_start3A_527 = tpu.memref_slice %arg14[%dma_start3A_520, %dma_start3A_521, %dma_start3A_526] : memref<4x2x128xi32, #tpu.memory_space<vmem>> -> memref<1x1x128xi32, #tpu.memory_space<vmem>>
      %dma_start3A_528 = tpu.memref_squeeze %dma_start3A_527 : memref<1x1x128xi32, #tpu.memory_space<vmem>> -> memref<128xi32, #tpu.memory_space<vmem>>
      %dma_start3A_529 = arith.constant 0 : i32
      %dma_start3A_530 = arith.constant 0 : i32
      %dma_start3A_531 = tpu.memref_slice %arg11[%dma_start3A_529, %dma_start3A_530] : memref<50176x32xf32, #tpu.memory_space<vmem_shared>> -> memref<50176x32xf32, #tpu.memory_space<vmem_shared>>
      tpu.enqueue_indirect_dma source(%dma_start3A_525 : memref<128x32xf32, #tpu.memory_space<vmem>>) target(%dma_start3A_531 : memref<50176x32xf32, #tpu.memory_space<vmem_shared>>) offsets(%dma_start3A_528 : memref<128xi32, #tpu.memory_space<vmem>>) semaphore(%arg20 : memref<!tpu.dma_semaphore, #tpu.memory_space<semaphore_mem>>) {add = true}
      %dma_start3A_532 = arith.constant 1 : i32
      %dma_start3A_533 = arith.constant 0 : i32
      %dma_start3A_534 = arith.constant 0 : i32
      %dma_start3A_535 = tpu.memref_slice %arg14[%dma_start3A_532, %dma_start3A_533, %dma_start3A_534] : memref<4x2x128xi32, #tpu.memory_space<vmem>> -> memref<1x1x128xi32, #tpu.memory_space<vmem>>
      %dma_start3A_536 = tpu.memref_squeeze %dma_start3A_535 : memref<1x1x128xi32, #tpu.memory_space<vmem>> -> memref<128xi32, #tpu.memory_space<vmem>>
      %dma_start3A_537 = arith.constant 0 : i32
      %dma_start3A_538 = tpu.memref_slice %arg12[%dma_start3A_537] : memref<50176xf32, #tpu.memory_space<vmem_shared>> -> memref<50176xf32, #tpu.memory_space<vmem_shared>>
      tpu.enqueue_indirect_dma source(%arg16 : memref<128xf32, #tpu.memory_space<vmem>>) target(%dma_start3A_538 : memref<50176xf32, #tpu.memory_space<vmem_shared>>) offsets(%dma_start3A_536 : memref<128xi32, #tpu.memory_space<vmem>>) semaphore(%arg20 : memref<!tpu.dma_semaphore, #tpu.memory_space<semaphore_mem>>) {add = true}
      %dma_start3A_539 = arith.constant 3 : i32
      %dma_start3A_540 = arith.constant 1 : i32
      %dma_start3A_541 = arith.constant 1 : i32
      %dma_start3A_542 = arith.constant 0 : i32
      %dma_start3A_543 = arith.constant 0 : i32
      %dma_start3A_544 = tpu.memref_slice %arg15[%dma_start3A_539, %dma_start3A_542, %dma_start3A_543] : memref<4x128x32xf32, #tpu.memory_space<vmem>> -> memref<1x128x32xf32, #tpu.memory_space<vmem>>
      %dma_start3A_545 = tpu.memref_squeeze %dma_start3A_544 : memref<1x128x32xf32, #tpu.memory_space<vmem>> -> memref<128x32xf32, #tpu.memory_space<vmem>>
      %dma_start3A_546 = arith.constant 0 : i32
      %dma_start3A_547 = tpu.memref_slice %arg14[%dma_start3A_540, %dma_start3A_541, %dma_start3A_546] : memref<4x2x128xi32, #tpu.memory_space<vmem>> -> memref<1x1x128xi32, #tpu.memory_space<vmem>>
      %dma_start3A_548 = tpu.memref_squeeze %dma_start3A_547 : memref<1x1x128xi32, #tpu.memory_space<vmem>> -> memref<128xi32, #tpu.memory_space<vmem>>
      %dma_start3A_549 = arith.constant 0 : i32
      %dma_start3A_550 = arith.constant 0 : i32
      %dma_start3A_551 = tpu.memref_slice %arg11[%dma_start3A_549, %dma_start3A_550] : memref<50176x32xf32, #tpu.memory_space<vmem_shared>> -> memref<50176x32xf32, #tpu.memory_space<vmem_shared>>
      tpu.enqueue_indirect_dma source(%dma_start3A_545 : memref<128x32xf32, #tpu.memory_space<vmem>>) target(%dma_start3A_551 : memref<50176x32xf32, #tpu.memory_space<vmem_shared>>) offsets(%dma_start3A_548 : memref<128xi32, #tpu.memory_space<vmem>>) semaphore(%arg20 : memref<!tpu.dma_semaphore, #tpu.memory_space<semaphore_mem>>) {add = true}
      %dma_start3A_552 = arith.constant 1 : i32
      %dma_start3A_553 = arith.constant 1 : i32
      %dma_start3A_554 = arith.constant 0 : i32
      %dma_start3A_555 = tpu.memref_slice %arg14[%dma_start3A_552, %dma_start3A_553, %dma_start3A_554] : memref<4x2x128xi32, #tpu.memory_space<vmem>> -> memref<1x1x128xi32, #tpu.memory_space<vmem>>
      %dma_start3A_556 = tpu.memref_squeeze %dma_start3A_555 : memref<1x1x128xi32, #tpu.memory_space<vmem>> -> memref<128xi32, #tpu.memory_space<vmem>>
      %dma_start3A_557 = arith.constant 0 : i32
      %dma_start3A_558 = tpu.memref_slice %arg12[%dma_start3A_557] : memref<50176xf32, #tpu.memory_space<vmem_shared>> -> memref<50176xf32, #tpu.memory_space<vmem_shared>>
      tpu.enqueue_indirect_dma source(%arg16 : memref<128xf32, #tpu.memory_space<vmem>>) target(%dma_start3A_558 : memref<50176xf32, #tpu.memory_space<vmem_shared>>) offsets(%dma_start3A_556 : memref<128xi32, #tpu.memory_space<vmem>>) semaphore(%arg20 : memref<!tpu.dma_semaphore, #tpu.memory_space<semaphore_mem>>) {add = true}
      %add3A_559 = arith.constant 2 : i32
      %add3A_560 = arith.addi %mul3A_190, %add3A_559 : i32
      %dma_wait3A_561 = arith.constant 2 : i32
      %dma_wait3A_562 = arith.constant 0 : i32
      %dma_wait3A_563 = arith.constant 0 : i32
      %dma_wait3A_564 = arith.constant 0 : i32
      %dma_wait3A_565 = arith.constant 0 : i32
      %dma_wait3A_566 = tpu.memref_slice %arg15[%dma_wait3A_563, %dma_wait3A_564, %dma_wait3A_565] : memref<4x128x32xf32, #tpu.memory_space<vmem>> -> memref<1x128x32xf32, #tpu.memory_space<vmem>>
      %dma_wait3A_567 = tpu.memref_squeeze %dma_wait3A_566 : memref<1x128x32xf32, #tpu.memory_space<vmem>> -> memref<128x32xf32, #tpu.memory_space<vmem>>
      %dma_wait3A_568 = arith.constant 0 : i32
      %dma_wait3A_569 = tpu.memref_slice %arg13[%dma_wait3A_561, %dma_wait3A_562, %dma_wait3A_568] : memref<4x2x128xi32, #tpu.memory_space<vmem>> -> memref<1x1x128xi32, #tpu.memory_space<vmem>>
      %dma_wait3A_570 = tpu.memref_squeeze %dma_wait3A_569 : memref<1x1x128xi32, #tpu.memory_space<vmem>> -> memref<128xi32, #tpu.memory_space<vmem>>
      %dma_wait3A_571 = arith.constant 0 : i32
      %dma_wait3A_572 = arith.constant 0 : i32
      %dma_wait3A_573 = tpu.memref_slice %arg2[%dma_wait3A_571, %dma_wait3A_572] : memref<50176x32xf32, #tpu.memory_space<hbm>> -> memref<50176x32xf32, #tpu.memory_space<hbm>>
      tpu.wait_indirect_dma semaphore(%arg17 : memref<!tpu.dma_semaphore, #tpu.memory_space<semaphore_mem>>) src(%dma_wait3A_573 : memref<50176x32xf32, #tpu.memory_space<hbm>>) dst(%dma_wait3A_567 : memref<128x32xf32, #tpu.memory_space<vmem>>)
      %dma_wait3A_574 = arith.constant 2 : i32
      %dma_wait3A_575 = arith.constant 1 : i32
      %dma_wait3A_576 = arith.constant 1 : i32
      %dma_wait3A_577 = arith.constant 0 : i32
      %dma_wait3A_578 = arith.constant 0 : i32
      %dma_wait3A_579 = tpu.memref_slice %arg15[%dma_wait3A_576, %dma_wait3A_577, %dma_wait3A_578] : memref<4x128x32xf32, #tpu.memory_space<vmem>> -> memref<1x128x32xf32, #tpu.memory_space<vmem>>
      %dma_wait3A_580 = tpu.memref_squeeze %dma_wait3A_579 : memref<1x128x32xf32, #tpu.memory_space<vmem>> -> memref<128x32xf32, #tpu.memory_space<vmem>>
      %dma_wait3A_581 = arith.constant 0 : i32
      %dma_wait3A_582 = tpu.memref_slice %arg13[%dma_wait3A_574, %dma_wait3A_575, %dma_wait3A_581] : memref<4x2x128xi32, #tpu.memory_space<vmem>> -> memref<1x1x128xi32, #tpu.memory_space<vmem>>
      %dma_wait3A_583 = tpu.memref_squeeze %dma_wait3A_582 : memref<1x1x128xi32, #tpu.memory_space<vmem>> -> memref<128xi32, #tpu.memory_space<vmem>>
      %dma_wait3A_584 = arith.constant 0 : i32
      %dma_wait3A_585 = arith.constant 0 : i32
      %dma_wait3A_586 = tpu.memref_slice %arg2[%dma_wait3A_584, %dma_wait3A_585] : memref<50176x32xf32, #tpu.memory_space<hbm>> -> memref<50176x32xf32, #tpu.memory_space<hbm>>
      tpu.wait_indirect_dma semaphore(%arg17 : memref<!tpu.dma_semaphore, #tpu.memory_space<semaphore_mem>>) src(%dma_wait3A_586 : memref<50176x32xf32, #tpu.memory_space<hbm>>) dst(%dma_wait3A_580 : memref<128x32xf32, #tpu.memory_space<vmem>>)
      %dma_wait3A_587 = arith.constant 2 : i32
      %dma_wait3A_588 = arith.constant 1 : i32
      %dma_wait3A_589 = arith.constant 0 : i32
      %dma_wait3A_590 = arith.constant 0 : i32
      %dma_wait3A_591 = arith.constant 0 : i32
      %dma_wait3A_592 = tpu.memref_slice %arg15[%dma_wait3A_587, %dma_wait3A_590, %dma_wait3A_591] : memref<4x128x32xf32, #tpu.memory_space<vmem>> -> memref<1x128x32xf32, #tpu.memory_space<vmem>>
      %dma_wait3A_593 = tpu.memref_squeeze %dma_wait3A_592 : memref<1x128x32xf32, #tpu.memory_space<vmem>> -> memref<128x32xf32, #tpu.memory_space<vmem>>
      %dma_wait3A_594 = arith.constant 0 : i32
      %dma_wait3A_595 = tpu.memref_slice %arg14[%dma_wait3A_588, %dma_wait3A_589, %dma_wait3A_594] : memref<4x2x128xi32, #tpu.memory_space<vmem>> -> memref<1x1x128xi32, #tpu.memory_space<vmem>>
      %dma_wait3A_596 = tpu.memref_squeeze %dma_wait3A_595 : memref<1x1x128xi32, #tpu.memory_space<vmem>> -> memref<128xi32, #tpu.memory_space<vmem>>
      %dma_wait3A_597 = arith.constant 0 : i32
      %dma_wait3A_598 = arith.constant 0 : i32
      %dma_wait3A_599 = tpu.memref_slice %arg11[%dma_wait3A_597, %dma_wait3A_598] : memref<50176x32xf32, #tpu.memory_space<vmem_shared>> -> memref<50176x32xf32, #tpu.memory_space<vmem_shared>>
      tpu.wait_indirect_dma semaphore(%arg20 : memref<!tpu.dma_semaphore, #tpu.memory_space<semaphore_mem>>) src(%dma_wait3A_593 : memref<128x32xf32, #tpu.memory_space<vmem>>) dst(%dma_wait3A_599 : memref<50176x32xf32, #tpu.memory_space<vmem_shared>>)
      %dma_wait3A_600 = arith.constant 1 : i32
      %dma_wait3A_601 = arith.constant 0 : i32
      %dma_wait3A_602 = arith.constant 0 : i32
      %dma_wait3A_603 = tpu.memref_slice %arg14[%dma_wait3A_600, %dma_wait3A_601, %dma_wait3A_602] : memref<4x2x128xi32, #tpu.memory_space<vmem>> -> memref<1x1x128xi32, #tpu.memory_space<vmem>>
      %dma_wait3A_604 = tpu.memref_squeeze %dma_wait3A_603 : memref<1x1x128xi32, #tpu.memory_space<vmem>> -> memref<128xi32, #tpu.memory_space<vmem>>
      %dma_wait3A_605 = arith.constant 0 : i32
      %dma_wait3A_606 = tpu.memref_slice %arg12[%dma_wait3A_605] : memref<50176xf32, #tpu.memory_space<vmem_shared>> -> memref<50176xf32, #tpu.memory_space<vmem_shared>>
      tpu.wait_indirect_dma semaphore(%arg20 : memref<!tpu.dma_semaphore, #tpu.memory_space<semaphore_mem>>) src(%arg16 : memref<128xf32, #tpu.memory_space<vmem>>) dst(%dma_wait3A_606 : memref<50176xf32, #tpu.memory_space<vmem_shared>>)
      %dma_wait3A_607 = arith.constant 3 : i32
      %dma_wait3A_608 = arith.constant 1 : i32
      %dma_wait3A_609 = arith.constant 1 : i32
      %dma_wait3A_610 = arith.constant 0 : i32
      %dma_wait3A_611 = arith.constant 0 : i32
      %dma_wait3A_612 = tpu.memref_slice %arg15[%dma_wait3A_607, %dma_wait3A_610, %dma_wait3A_611] : memref<4x128x32xf32, #tpu.memory_space<vmem>> -> memref<1x128x32xf32, #tpu.memory_space<vmem>>
      %dma_wait3A_613 = tpu.memref_squeeze %dma_wait3A_612 : memref<1x128x32xf32, #tpu.memory_space<vmem>> -> memref<128x32xf32, #tpu.memory_space<vmem>>
      %dma_wait3A_614 = arith.constant 0 : i32
      %dma_wait3A_615 = tpu.memref_slice %arg14[%dma_wait3A_608, %dma_wait3A_609, %dma_wait3A_614] : memref<4x2x128xi32, #tpu.memory_space<vmem>> -> memref<1x1x128xi32, #tpu.memory_space<vmem>>
      %dma_wait3A_616 = tpu.memref_squeeze %dma_wait3A_615 : memref<1x1x128xi32, #tpu.memory_space<vmem>> -> memref<128xi32, #tpu.memory_space<vmem>>
      %dma_wait3A_617 = arith.constant 0 : i32
      %dma_wait3A_618 = arith.constant 0 : i32
      %dma_wait3A_619 = tpu.memref_slice %arg11[%dma_wait3A_617, %dma_wait3A_618] : memref<50176x32xf32, #tpu.memory_space<vmem_shared>> -> memref<50176x32xf32, #tpu.memory_space<vmem_shared>>
      tpu.wait_indirect_dma semaphore(%arg20 : memref<!tpu.dma_semaphore, #tpu.memory_space<semaphore_mem>>) src(%dma_wait3A_613 : memref<128x32xf32, #tpu.memory_space<vmem>>) dst(%dma_wait3A_619 : memref<50176x32xf32, #tpu.memory_space<vmem_shared>>)
      %dma_wait3A_620 = arith.constant 1 : i32
      %dma_wait3A_621 = arith.constant 1 : i32
      %dma_wait3A_622 = arith.constant 0 : i32
      %dma_wait3A_623 = tpu.memref_slice %arg14[%dma_wait3A_620, %dma_wait3A_621, %dma_wait3A_622] : memref<4x2x128xi32, #tpu.memory_space<vmem>> -> memref<1x1x128xi32, #tpu.memory_space<vmem>>
      %dma_wait3A_624 = tpu.memref_squeeze %dma_wait3A_623 : memref<1x1x128xi32, #tpu.memory_space<vmem>> -> memref<128xi32, #tpu.memory_space<vmem>>
      %dma_wait3A_625 = arith.constant 0 : i32
      %dma_wait3A_626 = tpu.memref_slice %arg12[%dma_wait3A_625] : memref<50176xf32, #tpu.memory_space<vmem_shared>> -> memref<50176xf32, #tpu.memory_space<vmem_shared>>
      tpu.wait_indirect_dma semaphore(%arg20 : memref<!tpu.dma_semaphore, #tpu.memory_space<semaphore_mem>>) src(%arg16 : memref<128xf32, #tpu.memory_space<vmem>>) dst(%dma_wait3A_626 : memref<50176xf32, #tpu.memory_space<vmem_shared>>)
      %lt3A = arith.constant 24 : i32
      %lt3A_627 = arith.cmpi slt, %scan3A_188, %lt3A : i32
      %convert_element_type3A_628 = arith.extui %lt3A_627 : i1 to i32
      %cond3A_629 = arith.constant 0 : i32
      %cond3A_630 = arith.cmpi ne, %convert_element_type3A_628, %cond3A_629 : i32
      scf.if %cond3A_630 {
        %add3A_849 = arith.constant 2 : i32
        %add3A_850 = arith.addi %add3A_560, %add3A_849 : i32
        %mul3A_851 = arith.constant 2 : i32
        %mul3A_852 = arith.muli %add3A_850, %mul3A_851 : i32
        %dma_start3A_853 = arith.constant 0 : i32
        %dma_start3A_854 = arith.constant 0 : i32
        %dma_start3A_855 = arith.constant 0 : i32
        %dma_start3A_856 = tpu.memref_slice %arg13[%dma_start3A_853, %dma_start3A_854, %dma_start3A_855] : memref<4x2x128xi32, #tpu.memory_space<vmem>> -> memref<1x2x128xi32, #tpu.memory_space<vmem>>
        %dma_start3A_857 = tpu.memref_squeeze %dma_start3A_856 : memref<1x2x128xi32, #tpu.memory_space<vmem>> -> memref<2x128xi32, #tpu.memory_space<vmem>>
        %dma_start3A_858 = arith.constant 0 : i32
        %dma_start3A_859 = tpu.memref_slice %arg3[%add3A, %mul3A_852, %dma_start3A_858] : memref<32x200x128xi32, #tpu.memory_space<hbm>> -> memref<1x2x128xi32, #tpu.memory_space<hbm>>
        %dma_start3A_860 = tpu.memref_squeeze %dma_start3A_859 : memref<1x2x128xi32, #tpu.memory_space<hbm>> -> memref<2x128xi32, #tpu.memory_space<hbm>>
        %dma_start3A_861 = arith.constant 0 : i32
        %dma_start3A_862 = arith.constant 0 : i32
        %dma_start3A_863 = tpu.memref_slice %arg13[%dma_start3A_853, %dma_start3A_861, %dma_start3A_862] : memref<4x2x128xi32, #tpu.memory_space<vmem>> -> memref<1x2x128xi32, #tpu.memory_space<vmem>>
        %dma_start3A_864 = tpu.memref_squeeze %dma_start3A_863 : memref<1x2x128xi32, #tpu.memory_space<vmem>> -> memref<2x128xi32, #tpu.memory_space<vmem>>
        %dma_start3A_865 = arith.constant 0 : i32
        %dma_start3A_866 = tpu.memref_slice %arg3[%add3A, %mul3A_852, %dma_start3A_865] : memref<32x200x128xi32, #tpu.memory_space<hbm>> -> memref<1x2x128xi32, #tpu.memory_space<hbm>>
        %dma_start3A_867 = tpu.memref_squeeze %dma_start3A_866 : memref<1x2x128xi32, #tpu.memory_space<hbm>> -> memref<2x128xi32, #tpu.memory_space<hbm>>
        tpu.enqueue_dma source(%dma_start3A_867 : memref<2x128xi32, #tpu.memory_space<hbm>>) target(%dma_start3A_864 : memref<2x128xi32, #tpu.memory_space<vmem>>) target_semaphore(%arg21 : memref<!tpu.dma_semaphore, #tpu.memory_space<semaphore_mem>>)
        %dma_start3A_868 = arith.constant 0 : i32
        %dma_start3A_869 = arith.constant 0 : i32
        %dma_start3A_870 = arith.constant 0 : i32
        %dma_start3A_871 = tpu.memref_slice %arg14[%dma_start3A_868, %dma_start3A_869, %dma_start3A_870] : memref<4x2x128xi32, #tpu.memory_space<vmem>> -> memref<1x2x128xi32, #tpu.memory_space<vmem>>
        %dma_start3A_872 = tpu.memref_squeeze %dma_start3A_871 : memref<1x2x128xi32, #tpu.memory_space<vmem>> -> memref<2x128xi32, #tpu.memory_space<vmem>>
        %dma_start3A_873 = arith.constant 0 : i32
        %dma_start3A_874 = tpu.memref_slice %arg4[%add3A, %mul3A_852, %dma_start3A_873] : memref<32x200x128xi32, #tpu.memory_space<hbm>> -> memref<1x2x128xi32, #tpu.memory_space<hbm>>
        %dma_start3A_875 = tpu.memref_squeeze %dma_start3A_874 : memref<1x2x128xi32, #tpu.memory_space<hbm>> -> memref<2x128xi32, #tpu.memory_space<hbm>>
        %dma_start3A_876 = arith.constant 0 : i32
        %dma_start3A_877 = arith.constant 0 : i32
        %dma_start3A_878 = tpu.memref_slice %arg14[%dma_start3A_868, %dma_start3A_876, %dma_start3A_877] : memref<4x2x128xi32, #tpu.memory_space<vmem>> -> memref<1x2x128xi32, #tpu.memory_space<vmem>>
        %dma_start3A_879 = tpu.memref_squeeze %dma_start3A_878 : memref<1x2x128xi32, #tpu.memory_space<vmem>> -> memref<2x128xi32, #tpu.memory_space<vmem>>
        %dma_start3A_880 = arith.constant 0 : i32
        %dma_start3A_881 = tpu.memref_slice %arg4[%add3A, %mul3A_852, %dma_start3A_880] : memref<32x200x128xi32, #tpu.memory_space<hbm>> -> memref<1x2x128xi32, #tpu.memory_space<hbm>>
        %dma_start3A_882 = tpu.memref_squeeze %dma_start3A_881 : memref<1x2x128xi32, #tpu.memory_space<hbm>> -> memref<2x128xi32, #tpu.memory_space<hbm>>
        tpu.enqueue_dma source(%dma_start3A_882 : memref<2x128xi32, #tpu.memory_space<hbm>>) target(%dma_start3A_879 : memref<2x128xi32, #tpu.memory_space<vmem>>) target_semaphore(%arg21 : memref<!tpu.dma_semaphore, #tpu.memory_space<semaphore_mem>>)
      } else {
      }
      %add3A_631 = arith.constant 1 : i32
      %add3A_632 = arith.addi %add3A_560, %add3A_631 : i32
      %mul3A_633 = arith.constant 2 : i32
      %mul3A_634 = arith.muli %add3A_632, %mul3A_633 : i32
      %dma_wait3A_635 = arith.constant 3 : i32
      %dma_wait3A_636 = arith.constant 0 : i32
      %dma_wait3A_637 = arith.constant 0 : i32
      %dma_wait3A_638 = tpu.memref_slice %arg13[%dma_wait3A_635, %dma_wait3A_636, %dma_wait3A_637] : memref<4x2x128xi32, #tpu.memory_space<vmem>> -> memref<1x2x128xi32, #tpu.memory_space<vmem>>
      %dma_wait3A_639 = tpu.memref_squeeze %dma_wait3A_638 : memref<1x2x128xi32, #tpu.memory_space<vmem>> -> memref<2x128xi32, #tpu.memory_space<vmem>>
      %dma_wait3A_640 = arith.constant 0 : i32
      %dma_wait3A_641 = tpu.memref_slice %arg3[%add3A, %mul3A_634, %dma_wait3A_640] : memref<32x200x128xi32, #tpu.memory_space<hbm>> -> memref<1x2x128xi32, #tpu.memory_space<hbm>>
      %dma_wait3A_642 = tpu.memref_squeeze %dma_wait3A_641 : memref<1x2x128xi32, #tpu.memory_space<hbm>> -> memref<2x128xi32, #tpu.memory_space<hbm>>
      %dma_wait3A_643 = arith.constant 0 : i32
      %dma_wait3A_644 = arith.constant 0 : i32
      %dma_wait3A_645 = tpu.memref_slice %arg13[%dma_wait3A_635, %dma_wait3A_643, %dma_wait3A_644] : memref<4x2x128xi32, #tpu.memory_space<vmem>> -> memref<1x2x128xi32, #tpu.memory_space<vmem>>
      %dma_wait3A_646 = tpu.memref_squeeze %dma_wait3A_645 : memref<1x2x128xi32, #tpu.memory_space<vmem>> -> memref<2x128xi32, #tpu.memory_space<vmem>>
      %dma_wait3A_647 = arith.constant 0 : i32
      %dma_wait3A_648 = tpu.memref_slice %arg3[%add3A, %mul3A_634, %dma_wait3A_647] : memref<32x200x128xi32, #tpu.memory_space<hbm>> -> memref<1x2x128xi32, #tpu.memory_space<hbm>>
      %dma_wait3A_649 = tpu.memref_squeeze %dma_wait3A_648 : memref<1x2x128xi32, #tpu.memory_space<hbm>> -> memref<2x128xi32, #tpu.memory_space<hbm>>
      tpu.wait_dma2 semaphore(%arg24 : memref<!tpu.dma_semaphore, #tpu.memory_space<semaphore_mem>>) src(%dma_wait3A_649 : memref<2x128xi32, #tpu.memory_space<hbm>>) dst(%dma_wait3A_646 : memref<2x128xi32, #tpu.memory_space<vmem>>)
      %dma_wait3A_650 = arith.constant 3 : i32
      %dma_wait3A_651 = arith.constant 0 : i32
      %dma_wait3A_652 = arith.constant 0 : i32
      %dma_wait3A_653 = tpu.memref_slice %arg14[%dma_wait3A_650, %dma_wait3A_651, %dma_wait3A_652] : memref<4x2x128xi32, #tpu.memory_space<vmem>> -> memref<1x2x128xi32, #tpu.memory_space<vmem>>
      %dma_wait3A_654 = tpu.memref_squeeze %dma_wait3A_653 : memref<1x2x128xi32, #tpu.memory_space<vmem>> -> memref<2x128xi32, #tpu.memory_space<vmem>>
      %dma_wait3A_655 = arith.constant 0 : i32
      %dma_wait3A_656 = tpu.memref_slice %arg4[%add3A, %mul3A_634, %dma_wait3A_655] : memref<32x200x128xi32, #tpu.memory_space<hbm>> -> memref<1x2x128xi32, #tpu.memory_space<hbm>>
      %dma_wait3A_657 = tpu.memref_squeeze %dma_wait3A_656 : memref<1x2x128xi32, #tpu.memory_space<hbm>> -> memref<2x128xi32, #tpu.memory_space<hbm>>
      %dma_wait3A_658 = arith.constant 0 : i32
      %dma_wait3A_659 = arith.constant 0 : i32
      %dma_wait3A_660 = tpu.memref_slice %arg14[%dma_wait3A_650, %dma_wait3A_658, %dma_wait3A_659] : memref<4x2x128xi32, #tpu.memory_space<vmem>> -> memref<1x2x128xi32, #tpu.memory_space<vmem>>
      %dma_wait3A_661 = tpu.memref_squeeze %dma_wait3A_660 : memref<1x2x128xi32, #tpu.memory_space<vmem>> -> memref<2x128xi32, #tpu.memory_space<vmem>>
      %dma_wait3A_662 = arith.constant 0 : i32
      %dma_wait3A_663 = tpu.memref_slice %arg4[%add3A, %mul3A_634, %dma_wait3A_662] : memref<32x200x128xi32, #tpu.memory_space<hbm>> -> memref<1x2x128xi32, #tpu.memory_space<hbm>>
      %dma_wait3A_664 = tpu.memref_squeeze %dma_wait3A_663 : memref<1x2x128xi32, #tpu.memory_space<hbm>> -> memref<2x128xi32, #tpu.memory_space<hbm>>
      tpu.wait_dma2 semaphore(%arg24 : memref<!tpu.dma_semaphore, #tpu.memory_space<semaphore_mem>>) src(%dma_wait3A_664 : memref<2x128xi32, #tpu.memory_space<hbm>>) dst(%dma_wait3A_661 : memref<2x128xi32, #tpu.memory_space<vmem>>)
      %dma_start3A_665 = arith.constant 3 : i32
      %dma_start3A_666 = arith.constant 0 : i32
      %dma_start3A_667 = arith.constant 2 : i32
      %dma_start3A_668 = arith.constant 0 : i32
      %dma_start3A_669 = arith.constant 0 : i32
      %dma_start3A_670 = tpu.memref_slice %arg15[%dma_start3A_667, %dma_start3A_668, %dma_start3A_669] : memref<4x128x32xf32, #tpu.memory_space<vmem>> -> memref<1x128x32xf32, #tpu.memory_space<vmem>>
      %dma_start3A_671 = tpu.memref_squeeze %dma_start3A_670 : memref<1x128x32xf32, #tpu.memory_space<vmem>> -> memref<128x32xf32, #tpu.memory_space<vmem>>
      %dma_start3A_672 = arith.constant 0 : i32
      %dma_start3A_673 = tpu.memref_slice %arg13[%dma_start3A_665, %dma_start3A_666, %dma_start3A_672] : memref<4x2x128xi32, #tpu.memory_space<vmem>> -> memref<1x1x128xi32, #tpu.memory_space<vmem>>
      %dma_start3A_674 = tpu.memref_squeeze %dma_start3A_673 : memref<1x1x128xi32, #tpu.memory_space<vmem>> -> memref<128xi32, #tpu.memory_space<vmem>>
      %dma_start3A_675 = arith.constant 0 : i32
      %dma_start3A_676 = arith.constant 0 : i32
      %dma_start3A_677 = tpu.memref_slice %arg2[%dma_start3A_675, %dma_start3A_676] : memref<50176x32xf32, #tpu.memory_space<hbm>> -> memref<50176x32xf32, #tpu.memory_space<hbm>>
      tpu.enqueue_indirect_dma source(%dma_start3A_677 : memref<50176x32xf32, #tpu.memory_space<hbm>>) target(%dma_start3A_671 : memref<128x32xf32, #tpu.memory_space<vmem>>) offsets(%dma_start3A_674 : memref<128xi32, #tpu.memory_space<vmem>>) semaphore(%arg18 : memref<!tpu.dma_semaphore, #tpu.memory_space<semaphore_mem>>)
      %dma_start3A_678 = arith.constant 3 : i32
      %dma_start3A_679 = arith.constant 1 : i32
      %dma_start3A_680 = arith.constant 3 : i32
      %dma_start3A_681 = arith.constant 0 : i32
      %dma_start3A_682 = arith.constant 0 : i32
      %dma_start3A_683 = tpu.memref_slice %arg15[%dma_start3A_680, %dma_start3A_681, %dma_start3A_682] : memref<4x128x32xf32, #tpu.memory_space<vmem>> -> memref<1x128x32xf32, #tpu.memory_space<vmem>>
      %dma_start3A_684 = tpu.memref_squeeze %dma_start3A_683 : memref<1x128x32xf32, #tpu.memory_space<vmem>> -> memref<128x32xf32, #tpu.memory_space<vmem>>
      %dma_start3A_685 = arith.constant 0 : i32
      %dma_start3A_686 = tpu.memref_slice %arg13[%dma_start3A_678, %dma_start3A_679, %dma_start3A_685] : memref<4x2x128xi32, #tpu.memory_space<vmem>> -> memref<1x1x128xi32, #tpu.memory_space<vmem>>
      %dma_start3A_687 = tpu.memref_squeeze %dma_start3A_686 : memref<1x1x128xi32, #tpu.memory_space<vmem>> -> memref<128xi32, #tpu.memory_space<vmem>>
      %dma_start3A_688 = arith.constant 0 : i32
      %dma_start3A_689 = arith.constant 0 : i32
      %dma_start3A_690 = tpu.memref_slice %arg2[%dma_start3A_688, %dma_start3A_689] : memref<50176x32xf32, #tpu.memory_space<hbm>> -> memref<50176x32xf32, #tpu.memory_space<hbm>>
      tpu.enqueue_indirect_dma source(%dma_start3A_690 : memref<50176x32xf32, #tpu.memory_space<hbm>>) target(%dma_start3A_684 : memref<128x32xf32, #tpu.memory_space<vmem>>) offsets(%dma_start3A_687 : memref<128xi32, #tpu.memory_space<vmem>>) semaphore(%arg18 : memref<!tpu.dma_semaphore, #tpu.memory_space<semaphore_mem>>)
      %dma_start3A_691 = arith.constant 0 : i32
      %dma_start3A_692 = arith.constant 2 : i32
      %dma_start3A_693 = arith.constant 0 : i32
      %dma_start3A_694 = arith.constant 0 : i32
      %dma_start3A_695 = arith.constant 0 : i32
      %dma_start3A_696 = tpu.memref_slice %arg15[%dma_start3A_691, %dma_start3A_694, %dma_start3A_695] : memref<4x128x32xf32, #tpu.memory_space<vmem>> -> memref<1x128x32xf32, #tpu.memory_space<vmem>>
      %dma_start3A_697 = tpu.memref_squeeze %dma_start3A_696 : memref<1x128x32xf32, #tpu.memory_space<vmem>> -> memref<128x32xf32, #tpu.memory_space<vmem>>
      %dma_start3A_698 = arith.constant 0 : i32
      %dma_start3A_699 = tpu.memref_slice %arg14[%dma_start3A_692, %dma_start3A_693, %dma_start3A_698] : memref<4x2x128xi32, #tpu.memory_space<vmem>> -> memref<1x1x128xi32, #tpu.memory_space<vmem>>
      %dma_start3A_700 = tpu.memref_squeeze %dma_start3A_699 : memref<1x1x128xi32, #tpu.memory_space<vmem>> -> memref<128xi32, #tpu.memory_space<vmem>>
      %dma_start3A_701 = arith.constant 0 : i32
      %dma_start3A_702 = arith.constant 0 : i32
      %dma_start3A_703 = tpu.memref_slice %arg11[%dma_start3A_701, %dma_start3A_702] : memref<50176x32xf32, #tpu.memory_space<vmem_shared>> -> memref<50176x32xf32, #tpu.memory_space<vmem_shared>>
      tpu.enqueue_indirect_dma source(%dma_start3A_697 : memref<128x32xf32, #tpu.memory_space<vmem>>) target(%dma_start3A_703 : memref<50176x32xf32, #tpu.memory_space<vmem_shared>>) offsets(%dma_start3A_700 : memref<128xi32, #tpu.memory_space<vmem>>) semaphore(%arg19 : memref<!tpu.dma_semaphore, #tpu.memory_space<semaphore_mem>>) {add = true}
      %dma_start3A_704 = arith.constant 2 : i32
      %dma_start3A_705 = arith.constant 0 : i32
      %dma_start3A_706 = arith.constant 0 : i32
      %dma_start3A_707 = tpu.memref_slice %arg14[%dma_start3A_704, %dma_start3A_705, %dma_start3A_706] : memref<4x2x128xi32, #tpu.memory_space<vmem>> -> memref<1x1x128xi32, #tpu.memory_space<vmem>>
      %dma_start3A_708 = tpu.memref_squeeze %dma_start3A_707 : memref<1x1x128xi32, #tpu.memory_space<vmem>> -> memref<128xi32, #tpu.memory_space<vmem>>
      %dma_start3A_709 = arith.constant 0 : i32
      %dma_start3A_710 = tpu.memref_slice %arg12[%dma_start3A_709] : memref<50176xf32, #tpu.memory_space<vmem_shared>> -> memref<50176xf32, #tpu.memory_space<vmem_shared>>
      tpu.enqueue_indirect_dma source(%arg16 : memref<128xf32, #tpu.memory_space<vmem>>) target(%dma_start3A_710 : memref<50176xf32, #tpu.memory_space<vmem_shared>>) offsets(%dma_start3A_708 : memref<128xi32, #tpu.memory_space<vmem>>) semaphore(%arg19 : memref<!tpu.dma_semaphore, #tpu.memory_space<semaphore_mem>>) {add = true}
      %dma_start3A_711 = arith.constant 1 : i32
      %dma_start3A_712 = arith.constant 2 : i32
      %dma_start3A_713 = arith.constant 1 : i32
      %dma_start3A_714 = arith.constant 0 : i32
      %dma_start3A_715 = arith.constant 0 : i32
      %dma_start3A_716 = tpu.memref_slice %arg15[%dma_start3A_711, %dma_start3A_714, %dma_start3A_715] : memref<4x128x32xf32, #tpu.memory_space<vmem>> -> memref<1x128x32xf32, #tpu.memory_space<vmem>>
      %dma_start3A_717 = tpu.memref_squeeze %dma_start3A_716 : memref<1x128x32xf32, #tpu.memory_space<vmem>> -> memref<128x32xf32, #tpu.memory_space<vmem>>
      %dma_start3A_718 = arith.constant 0 : i32
      %dma_start3A_719 = tpu.memref_slice %arg14[%dma_start3A_712, %dma_start3A_713, %dma_start3A_718] : memref<4x2x128xi32, #tpu.memory_space<vmem>> -> memref<1x1x128xi32, #tpu.memory_space<vmem>>
      %dma_start3A_720 = tpu.memref_squeeze %dma_start3A_719 : memref<1x1x128xi32, #tpu.memory_space<vmem>> -> memref<128xi32, #tpu.memory_space<vmem>>
      %dma_start3A_721 = arith.constant 0 : i32
      %dma_start3A_722 = arith.constant 0 : i32
      %dma_start3A_723 = tpu.memref_slice %arg11[%dma_start3A_721, %dma_start3A_722] : memref<50176x32xf32, #tpu.memory_space<vmem_shared>> -> memref<50176x32xf32, #tpu.memory_space<vmem_shared>>
      tpu.enqueue_indirect_dma source(%dma_start3A_717 : memref<128x32xf32, #tpu.memory_space<vmem>>) target(%dma_start3A_723 : memref<50176x32xf32, #tpu.memory_space<vmem_shared>>) offsets(%dma_start3A_720 : memref<128xi32, #tpu.memory_space<vmem>>) semaphore(%arg19 : memref<!tpu.dma_semaphore, #tpu.memory_space<semaphore_mem>>) {add = true}
      %dma_start3A_724 = arith.constant 2 : i32
      %dma_start3A_725 = arith.constant 1 : i32
      %dma_start3A_726 = arith.constant 0 : i32
      %dma_start3A_727 = tpu.memref_slice %arg14[%dma_start3A_724, %dma_start3A_725, %dma_start3A_726] : memref<4x2x128xi32, #tpu.memory_space<vmem>> -> memref<1x1x128xi32, #tpu.memory_space<vmem>>
      %dma_start3A_728 = tpu.memref_squeeze %dma_start3A_727 : memref<1x1x128xi32, #tpu.memory_space<vmem>> -> memref<128xi32, #tpu.memory_space<vmem>>
      %dma_start3A_729 = arith.constant 0 : i32
      %dma_start3A_730 = tpu.memref_slice %arg12[%dma_start3A_729] : memref<50176xf32, #tpu.memory_space<vmem_shared>> -> memref<50176xf32, #tpu.memory_space<vmem_shared>>
      tpu.enqueue_indirect_dma source(%arg16 : memref<128xf32, #tpu.memory_space<vmem>>) target(%dma_start3A_730 : memref<50176xf32, #tpu.memory_space<vmem_shared>>) offsets(%dma_start3A_728 : memref<128xi32, #tpu.memory_space<vmem>>) semaphore(%arg19 : memref<!tpu.dma_semaphore, #tpu.memory_space<semaphore_mem>>) {add = true}
      %add3A_731 = arith.constant 3 : i32
      %add3A_732 = arith.addi %mul3A_190, %add3A_731 : i32
      %dma_wait3A_733 = arith.constant 3 : i32
      %dma_wait3A_734 = arith.constant 0 : i32
      %dma_wait3A_735 = arith.constant 2 : i32
      %dma_wait3A_736 = arith.constant 0 : i32
      %dma_wait3A_737 = arith.constant 0 : i32
      %dma_wait3A_738 = tpu.memref_slice %arg15[%dma_wait3A_735, %dma_wait3A_736, %dma_wait3A_737] : memref<4x128x32xf32, #tpu.memory_space<vmem>> -> memref<1x128x32xf32, #tpu.memory_space<vmem>>
      %dma_wait3A_739 = tpu.memref_squeeze %dma_wait3A_738 : memref<1x128x32xf32, #tpu.memory_space<vmem>> -> memref<128x32xf32, #tpu.memory_space<vmem>>
      %dma_wait3A_740 = arith.constant 0 : i32
      %dma_wait3A_741 = tpu.memref_slice %arg13[%dma_wait3A_733, %dma_wait3A_734, %dma_wait3A_740] : memref<4x2x128xi32, #tpu.memory_space<vmem>> -> memref<1x1x128xi32, #tpu.memory_space<vmem>>
      %dma_wait3A_742 = tpu.memref_squeeze %dma_wait3A_741 : memref<1x1x128xi32, #tpu.memory_space<vmem>> -> memref<128xi32, #tpu.memory_space<vmem>>
      %dma_wait3A_743 = arith.constant 0 : i32
      %dma_wait3A_744 = arith.constant 0 : i32
      %dma_wait3A_745 = tpu.memref_slice %arg2[%dma_wait3A_743, %dma_wait3A_744] : memref<50176x32xf32, #tpu.memory_space<hbm>> -> memref<50176x32xf32, #tpu.memory_space<hbm>>
      tpu.wait_indirect_dma semaphore(%arg18 : memref<!tpu.dma_semaphore, #tpu.memory_space<semaphore_mem>>) src(%dma_wait3A_745 : memref<50176x32xf32, #tpu.memory_space<hbm>>) dst(%dma_wait3A_739 : memref<128x32xf32, #tpu.memory_space<vmem>>)
      %dma_wait3A_746 = arith.constant 3 : i32
      %dma_wait3A_747 = arith.constant 1 : i32
      %dma_wait3A_748 = arith.constant 3 : i32
      %dma_wait3A_749 = arith.constant 0 : i32
      %dma_wait3A_750 = arith.constant 0 : i32
      %dma_wait3A_751 = tpu.memref_slice %arg15[%dma_wait3A_748, %dma_wait3A_749, %dma_wait3A_750] : memref<4x128x32xf32, #tpu.memory_space<vmem>> -> memref<1x128x32xf32, #tpu.memory_space<vmem>>
      %dma_wait3A_752 = tpu.memref_squeeze %dma_wait3A_751 : memref<1x128x32xf32, #tpu.memory_space<vmem>> -> memref<128x32xf32, #tpu.memory_space<vmem>>
      %dma_wait3A_753 = arith.constant 0 : i32
      %dma_wait3A_754 = tpu.memref_slice %arg13[%dma_wait3A_746, %dma_wait3A_747, %dma_wait3A_753] : memref<4x2x128xi32, #tpu.memory_space<vmem>> -> memref<1x1x128xi32, #tpu.memory_space<vmem>>
      %dma_wait3A_755 = tpu.memref_squeeze %dma_wait3A_754 : memref<1x1x128xi32, #tpu.memory_space<vmem>> -> memref<128xi32, #tpu.memory_space<vmem>>
      %dma_wait3A_756 = arith.constant 0 : i32
      %dma_wait3A_757 = arith.constant 0 : i32
      %dma_wait3A_758 = tpu.memref_slice %arg2[%dma_wait3A_756, %dma_wait3A_757] : memref<50176x32xf32, #tpu.memory_space<hbm>> -> memref<50176x32xf32, #tpu.memory_space<hbm>>
      tpu.wait_indirect_dma semaphore(%arg18 : memref<!tpu.dma_semaphore, #tpu.memory_space<semaphore_mem>>) src(%dma_wait3A_758 : memref<50176x32xf32, #tpu.memory_space<hbm>>) dst(%dma_wait3A_752 : memref<128x32xf32, #tpu.memory_space<vmem>>)
      %dma_wait3A_759 = arith.constant 0 : i32
      %dma_wait3A_760 = arith.constant 2 : i32
      %dma_wait3A_761 = arith.constant 0 : i32
      %dma_wait3A_762 = arith.constant 0 : i32
      %dma_wait3A_763 = arith.constant 0 : i32
      %dma_wait3A_764 = tpu.memref_slice %arg15[%dma_wait3A_759, %dma_wait3A_762, %dma_wait3A_763] : memref<4x128x32xf32, #tpu.memory_space<vmem>> -> memref<1x128x32xf32, #tpu.memory_space<vmem>>
      %dma_wait3A_765 = tpu.memref_squeeze %dma_wait3A_764 : memref<1x128x32xf32, #tpu.memory_space<vmem>> -> memref<128x32xf32, #tpu.memory_space<vmem>>
      %dma_wait3A_766 = arith.constant 0 : i32
      %dma_wait3A_767 = tpu.memref_slice %arg14[%dma_wait3A_760, %dma_wait3A_761, %dma_wait3A_766] : memref<4x2x128xi32, #tpu.memory_space<vmem>> -> memref<1x1x128xi32, #tpu.memory_space<vmem>>
      %dma_wait3A_768 = tpu.memref_squeeze %dma_wait3A_767 : memref<1x1x128xi32, #tpu.memory_space<vmem>> -> memref<128xi32, #tpu.memory_space<vmem>>
      %dma_wait3A_769 = arith.constant 0 : i32
      %dma_wait3A_770 = arith.constant 0 : i32
      %dma_wait3A_771 = tpu.memref_slice %arg11[%dma_wait3A_769, %dma_wait3A_770] : memref<50176x32xf32, #tpu.memory_space<vmem_shared>> -> memref<50176x32xf32, #tpu.memory_space<vmem_shared>>
      tpu.wait_indirect_dma semaphore(%arg19 : memref<!tpu.dma_semaphore, #tpu.memory_space<semaphore_mem>>) src(%dma_wait3A_765 : memref<128x32xf32, #tpu.memory_space<vmem>>) dst(%dma_wait3A_771 : memref<50176x32xf32, #tpu.memory_space<vmem_shared>>)
      %dma_wait3A_772 = arith.constant 2 : i32
      %dma_wait3A_773 = arith.constant 0 : i32
      %dma_wait3A_774 = arith.constant 0 : i32
      %dma_wait3A_775 = tpu.memref_slice %arg14[%dma_wait3A_772, %dma_wait3A_773, %dma_wait3A_774] : memref<4x2x128xi32, #tpu.memory_space<vmem>> -> memref<1x1x128xi32, #tpu.memory_space<vmem>>
      %dma_wait3A_776 = tpu.memref_squeeze %dma_wait3A_775 : memref<1x1x128xi32, #tpu.memory_space<vmem>> -> memref<128xi32, #tpu.memory_space<vmem>>
      %dma_wait3A_777 = arith.constant 0 : i32
      %dma_wait3A_778 = tpu.memref_slice %arg12[%dma_wait3A_777] : memref<50176xf32, #tpu.memory_space<vmem_shared>> -> memref<50176xf32, #tpu.memory_space<vmem_shared>>
      tpu.wait_indirect_dma semaphore(%arg19 : memref<!tpu.dma_semaphore, #tpu.memory_space<semaphore_mem>>) src(%arg16 : memref<128xf32, #tpu.memory_space<vmem>>) dst(%dma_wait3A_778 : memref<50176xf32, #tpu.memory_space<vmem_shared>>)
      %dma_wait3A_779 = arith.constant 1 : i32
      %dma_wait3A_780 = arith.constant 2 : i32
      %dma_wait3A_781 = arith.constant 1 : i32
      %dma_wait3A_782 = arith.constant 0 : i32
      %dma_wait3A_783 = arith.constant 0 : i32
      %dma_wait3A_784 = tpu.memref_slice %arg15[%dma_wait3A_779, %dma_wait3A_782, %dma_wait3A_783] : memref<4x128x32xf32, #tpu.memory_space<vmem>> -> memref<1x128x32xf32, #tpu.memory_space<vmem>>
      %dma_wait3A_785 = tpu.memref_squeeze %dma_wait3A_784 : memref<1x128x32xf32, #tpu.memory_space<vmem>> -> memref<128x32xf32, #tpu.memory_space<vmem>>
      %dma_wait3A_786 = arith.constant 0 : i32
      %dma_wait3A_787 = tpu.memref_slice %arg14[%dma_wait3A_780, %dma_wait3A_781, %dma_wait3A_786] : memref<4x2x128xi32, #tpu.memory_space<vmem>> -> memref<1x1x128xi32, #tpu.memory_space<vmem>>
      %dma_wait3A_788 = tpu.memref_squeeze %dma_wait3A_787 : memref<1x1x128xi32, #tpu.memory_space<vmem>> -> memref<128xi32, #tpu.memory_space<vmem>>
      %dma_wait3A_789 = arith.constant 0 : i32
      %dma_wait3A_790 = arith.constant 0 : i32
      %dma_wait3A_791 = tpu.memref_slice %arg11[%dma_wait3A_789, %dma_wait3A_790] : memref<50176x32xf32, #tpu.memory_space<vmem_shared>> -> memref<50176x32xf32, #tpu.memory_space<vmem_shared>>
      tpu.wait_indirect_dma semaphore(%arg19 : memref<!tpu.dma_semaphore, #tpu.memory_space<semaphore_mem>>) src(%dma_wait3A_785 : memref<128x32xf32, #tpu.memory_space<vmem>>) dst(%dma_wait3A_791 : memref<50176x32xf32, #tpu.memory_space<vmem_shared>>)
      %dma_wait3A_792 = arith.constant 2 : i32
      %dma_wait3A_793 = arith.constant 1 : i32
      %dma_wait3A_794 = arith.constant 0 : i32
      %dma_wait3A_795 = tpu.memref_slice %arg14[%dma_wait3A_792, %dma_wait3A_793, %dma_wait3A_794] : memref<4x2x128xi32, #tpu.memory_space<vmem>> -> memref<1x1x128xi32, #tpu.memory_space<vmem>>
      %dma_wait3A_796 = tpu.memref_squeeze %dma_wait3A_795 : memref<1x1x128xi32, #tpu.memory_space<vmem>> -> memref<128xi32, #tpu.memory_space<vmem>>
      %dma_wait3A_797 = arith.constant 0 : i32
      %dma_wait3A_798 = tpu.memref_slice %arg12[%dma_wait3A_797] : memref<50176xf32, #tpu.memory_space<vmem_shared>> -> memref<50176xf32, #tpu.memory_space<vmem_shared>>
      tpu.wait_indirect_dma semaphore(%arg19 : memref<!tpu.dma_semaphore, #tpu.memory_space<semaphore_mem>>) src(%arg16 : memref<128xf32, #tpu.memory_space<vmem>>) dst(%dma_wait3A_798 : memref<50176xf32, #tpu.memory_space<vmem_shared>>)
      %lt3A_799 = arith.constant 24 : i32
      %lt3A_800 = arith.cmpi slt, %scan3A_188, %lt3A_799 : i32
      %convert_element_type3A_801 = arith.extui %lt3A_800 : i1 to i32
      %cond3A_802 = arith.constant 0 : i32
      %cond3A_803 = arith.cmpi ne, %convert_element_type3A_801, %cond3A_802 : i32
      scf.if %cond3A_803 {
        %add3A_849 = arith.constant 2 : i32
        %add3A_850 = arith.addi %add3A_732, %add3A_849 : i32
        %mul3A_851 = arith.constant 2 : i32
        %mul3A_852 = arith.muli %add3A_850, %mul3A_851 : i32
        %dma_start3A_853 = arith.constant 1 : i32
        %dma_start3A_854 = arith.constant 0 : i32
        %dma_start3A_855 = arith.constant 0 : i32
        %dma_start3A_856 = tpu.memref_slice %arg13[%dma_start3A_853, %dma_start3A_854, %dma_start3A_855] : memref<4x2x128xi32, #tpu.memory_space<vmem>> -> memref<1x2x128xi32, #tpu.memory_space<vmem>>
        %dma_start3A_857 = tpu.memref_squeeze %dma_start3A_856 : memref<1x2x128xi32, #tpu.memory_space<vmem>> -> memref<2x128xi32, #tpu.memory_space<vmem>>
        %dma_start3A_858 = arith.constant 0 : i32
        %dma_start3A_859 = tpu.memref_slice %arg3[%add3A, %mul3A_852, %dma_start3A_858] : memref<32x200x128xi32, #tpu.memory_space<hbm>> -> memref<1x2x128xi32, #tpu.memory_space<hbm>>
        %dma_start3A_860 = tpu.memref_squeeze %dma_start3A_859 : memref<1x2x128xi32, #tpu.memory_space<hbm>> -> memref<2x128xi32, #tpu.memory_space<hbm>>
        %dma_start3A_861 = arith.constant 0 : i32
        %dma_start3A_862 = arith.constant 0 : i32
        %dma_start3A_863 = tpu.memref_slice %arg13[%dma_start3A_853, %dma_start3A_861, %dma_start3A_862] : memref<4x2x128xi32, #tpu.memory_space<vmem>> -> memref<1x2x128xi32, #tpu.memory_space<vmem>>
        %dma_start3A_864 = tpu.memref_squeeze %dma_start3A_863 : memref<1x2x128xi32, #tpu.memory_space<vmem>> -> memref<2x128xi32, #tpu.memory_space<vmem>>
        %dma_start3A_865 = arith.constant 0 : i32
        %dma_start3A_866 = tpu.memref_slice %arg3[%add3A, %mul3A_852, %dma_start3A_865] : memref<32x200x128xi32, #tpu.memory_space<hbm>> -> memref<1x2x128xi32, #tpu.memory_space<hbm>>
        %dma_start3A_867 = tpu.memref_squeeze %dma_start3A_866 : memref<1x2x128xi32, #tpu.memory_space<hbm>> -> memref<2x128xi32, #tpu.memory_space<hbm>>
        tpu.enqueue_dma source(%dma_start3A_867 : memref<2x128xi32, #tpu.memory_space<hbm>>) target(%dma_start3A_864 : memref<2x128xi32, #tpu.memory_space<vmem>>) target_semaphore(%arg22 : memref<!tpu.dma_semaphore, #tpu.memory_space<semaphore_mem>>)
        %dma_start3A_868 = arith.constant 1 : i32
        %dma_start3A_869 = arith.constant 0 : i32
        %dma_start3A_870 = arith.constant 0 : i32
        %dma_start3A_871 = tpu.memref_slice %arg14[%dma_start3A_868, %dma_start3A_869, %dma_start3A_870] : memref<4x2x128xi32, #tpu.memory_space<vmem>> -> memref<1x2x128xi32, #tpu.memory_space<vmem>>
        %dma_start3A_872 = tpu.memref_squeeze %dma_start3A_871 : memref<1x2x128xi32, #tpu.memory_space<vmem>> -> memref<2x128xi32, #tpu.memory_space<vmem>>
        %dma_start3A_873 = arith.constant 0 : i32
        %dma_start3A_874 = tpu.memref_slice %arg4[%add3A, %mul3A_852, %dma_start3A_873] : memref<32x200x128xi32, #tpu.memory_space<hbm>> -> memref<1x2x128xi32, #tpu.memory_space<hbm>>
        %dma_start3A_875 = tpu.memref_squeeze %dma_start3A_874 : memref<1x2x128xi32, #tpu.memory_space<hbm>> -> memref<2x128xi32, #tpu.memory_space<hbm>>
        %dma_start3A_876 = arith.constant 0 : i32
        %dma_start3A_877 = arith.constant 0 : i32
        %dma_start3A_878 = tpu.memref_slice %arg14[%dma_start3A_868, %dma_start3A_876, %dma_start3A_877] : memref<4x2x128xi32, #tpu.memory_space<vmem>> -> memref<1x2x128xi32, #tpu.memory_space<vmem>>
        %dma_start3A_879 = tpu.memref_squeeze %dma_start3A_878 : memref<1x2x128xi32, #tpu.memory_space<vmem>> -> memref<2x128xi32, #tpu.memory_space<vmem>>
        %dma_start3A_880 = arith.constant 0 : i32
        %dma_start3A_881 = tpu.memref_slice %arg4[%add3A, %mul3A_852, %dma_start3A_880] : memref<32x200x128xi32, #tpu.memory_space<hbm>> -> memref<1x2x128xi32, #tpu.memory_space<hbm>>
        %dma_start3A_882 = tpu.memref_squeeze %dma_start3A_881 : memref<1x2x128xi32, #tpu.memory_space<hbm>> -> memref<2x128xi32, #tpu.memory_space<hbm>>
        tpu.enqueue_dma source(%dma_start3A_882 : memref<2x128xi32, #tpu.memory_space<hbm>>) target(%dma_start3A_879 : memref<2x128xi32, #tpu.memory_space<vmem>>) target_semaphore(%arg22 : memref<!tpu.dma_semaphore, #tpu.memory_space<semaphore_mem>>)
      } else {
      }
      %lt3A_804 = arith.constant 24 : i32
      %lt3A_805 = arith.cmpi slt, %scan3A_188, %lt3A_804 : i32
      %convert_element_type3A_806 = arith.extui %lt3A_805 : i1 to i32
      %cond3A_807 = arith.constant 0 : i32
      %cond3A_808 = arith.cmpi ne, %convert_element_type3A_806, %cond3A_807 : i32
      scf.if %cond3A_808 {
        %add3A_849 = arith.constant 1 : i32
        %add3A_850 = arith.addi %add3A_732, %add3A_849 : i32
        %mul3A_851 = arith.constant 2 : i32
        %mul3A_852 = arith.muli %add3A_850, %mul3A_851 : i32
        %dma_wait3A_853 = arith.constant 0 : i32
        %dma_wait3A_854 = arith.constant 0 : i32
        %dma_wait3A_855 = arith.constant 0 : i32
        %dma_wait3A_856 = tpu.memref_slice %arg13[%dma_wait3A_853, %dma_wait3A_854, %dma_wait3A_855] : memref<4x2x128xi32, #tpu.memory_space<vmem>> -> memref<1x2x128xi32, #tpu.memory_space<vmem>>
        %dma_wait3A_857 = tpu.memref_squeeze %dma_wait3A_856 : memref<1x2x128xi32, #tpu.memory_space<vmem>> -> memref<2x128xi32, #tpu.memory_space<vmem>>
        %dma_wait3A_858 = arith.constant 0 : i32
        %dma_wait3A_859 = tpu.memref_slice %arg3[%add3A, %mul3A_852, %dma_wait3A_858] : memref<32x200x128xi32, #tpu.memory_space<hbm>> -> memref<1x2x128xi32, #tpu.memory_space<hbm>>
        %dma_wait3A_860 = tpu.memref_squeeze %dma_wait3A_859 : memref<1x2x128xi32, #tpu.memory_space<hbm>> -> memref<2x128xi32, #tpu.memory_space<hbm>>
        %dma_wait3A_861 = arith.constant 0 : i32
        %dma_wait3A_862 = arith.constant 0 : i32
        %dma_wait3A_863 = tpu.memref_slice %arg13[%dma_wait3A_853, %dma_wait3A_861, %dma_wait3A_862] : memref<4x2x128xi32, #tpu.memory_space<vmem>> -> memref<1x2x128xi32, #tpu.memory_space<vmem>>
        %dma_wait3A_864 = tpu.memref_squeeze %dma_wait3A_863 : memref<1x2x128xi32, #tpu.memory_space<vmem>> -> memref<2x128xi32, #tpu.memory_space<vmem>>
        %dma_wait3A_865 = arith.constant 0 : i32
        %dma_wait3A_866 = tpu.memref_slice %arg3[%add3A, %mul3A_852, %dma_wait3A_865] : memref<32x200x128xi32, #tpu.memory_space<hbm>> -> memref<1x2x128xi32, #tpu.memory_space<hbm>>
        %dma_wait3A_867 = tpu.memref_squeeze %dma_wait3A_866 : memref<1x2x128xi32, #tpu.memory_space<hbm>> -> memref<2x128xi32, #tpu.memory_space<hbm>>
        tpu.wait_dma2 semaphore(%arg21 : memref<!tpu.dma_semaphore, #tpu.memory_space<semaphore_mem>>) src(%dma_wait3A_867 : memref<2x128xi32, #tpu.memory_space<hbm>>) dst(%dma_wait3A_864 : memref<2x128xi32, #tpu.memory_space<vmem>>)
        %dma_wait3A_868 = arith.constant 0 : i32
        %dma_wait3A_869 = arith.constant 0 : i32
        %dma_wait3A_870 = arith.constant 0 : i32
        %dma_wait3A_871 = tpu.memref_slice %arg14[%dma_wait3A_868, %dma_wait3A_869, %dma_wait3A_870] : memref<4x2x128xi32, #tpu.memory_space<vmem>> -> memref<1x2x128xi32, #tpu.memory_space<vmem>>
        %dma_wait3A_872 = tpu.memref_squeeze %dma_wait3A_871 : memref<1x2x128xi32, #tpu.memory_space<vmem>> -> memref<2x128xi32, #tpu.memory_space<vmem>>
        %dma_wait3A_873 = arith.constant 0 : i32
        %dma_wait3A_874 = tpu.memref_slice %arg4[%add3A, %mul3A_852, %dma_wait3A_873] : memref<32x200x128xi32, #tpu.memory_space<hbm>> -> memref<1x2x128xi32, #tpu.memory_space<hbm>>
        %dma_wait3A_875 = tpu.memref_squeeze %dma_wait3A_874 : memref<1x2x128xi32, #tpu.memory_space<hbm>> -> memref<2x128xi32, #tpu.memory_space<hbm>>
        %dma_wait3A_876 = arith.constant 0 : i32
        %dma_wait3A_877 = arith.constant 0 : i32
        %dma_wait3A_878 = tpu.memref_slice %arg14[%dma_wait3A_868, %dma_wait3A_876, %dma_wait3A_877] : memref<4x2x128xi32, #tpu.memory_space<vmem>> -> memref<1x2x128xi32, #tpu.memory_space<vmem>>
        %dma_wait3A_879 = tpu.memref_squeeze %dma_wait3A_878 : memref<1x2x128xi32, #tpu.memory_space<vmem>> -> memref<2x128xi32, #tpu.memory_space<vmem>>
        %dma_wait3A_880 = arith.constant 0 : i32
        %dma_wait3A_881 = tpu.memref_slice %arg4[%add3A, %mul3A_852, %dma_wait3A_880] : memref<32x200x128xi32, #tpu.memory_space<hbm>> -> memref<1x2x128xi32, #tpu.memory_space<hbm>>
        %dma_wait3A_882 = tpu.memref_squeeze %dma_wait3A_881 : memref<1x2x128xi32, #tpu.memory_space<hbm>> -> memref<2x128xi32, #tpu.memory_space<hbm>>
        tpu.wait_dma2 semaphore(%arg21 : memref<!tpu.dma_semaphore, #tpu.memory_space<semaphore_mem>>) src(%dma_wait3A_882 : memref<2x128xi32, #tpu.memory_space<hbm>>) dst(%dma_wait3A_879 : memref<2x128xi32, #tpu.memory_space<vmem>>)
        %dma_start3A_883 = arith.constant 0 : i32
        %dma_start3A_884 = arith.constant 0 : i32
        %dma_start3A_885 = arith.constant 0 : i32
        %dma_start3A_886 = arith.constant 0 : i32
        %dma_start3A_887 = arith.constant 0 : i32
        %dma_start3A_888 = tpu.memref_slice %arg15[%dma_start3A_885, %dma_start3A_886, %dma_start3A_887] : memref<4x128x32xf32, #tpu.memory_space<vmem>> -> memref<1x128x32xf32, #tpu.memory_space<vmem>>
        %dma_start3A_889 = tpu.memref_squeeze %dma_start3A_888 : memref<1x128x32xf32, #tpu.memory_space<vmem>> -> memref<128x32xf32, #tpu.memory_space<vmem>>
        %dma_start3A_890 = arith.constant 0 : i32
        %dma_start3A_891 = tpu.memref_slice %arg13[%dma_start3A_883, %dma_start3A_884, %dma_start3A_890] : memref<4x2x128xi32, #tpu.memory_space<vmem>> -> memref<1x1x128xi32, #tpu.memory_space<vmem>>
        %dma_start3A_892 = tpu.memref_squeeze %dma_start3A_891 : memref<1x1x128xi32, #tpu.memory_space<vmem>> -> memref<128xi32, #tpu.memory_space<vmem>>
        %dma_start3A_893 = arith.constant 0 : i32
        %dma_start3A_894 = arith.constant 0 : i32
        %dma_start3A_895 = tpu.memref_slice %arg2[%dma_start3A_893, %dma_start3A_894] : memref<50176x32xf32, #tpu.memory_space<hbm>> -> memref<50176x32xf32, #tpu.memory_space<hbm>>
        tpu.enqueue_indirect_dma source(%dma_start3A_895 : memref<50176x32xf32, #tpu.memory_space<hbm>>) target(%dma_start3A_889 : memref<128x32xf32, #tpu.memory_space<vmem>>) offsets(%dma_start3A_892 : memref<128xi32, #tpu.memory_space<vmem>>) semaphore(%arg17 : memref<!tpu.dma_semaphore, #tpu.memory_space<semaphore_mem>>)
        %dma_start3A_896 = arith.constant 0 : i32
        %dma_start3A_897 = arith.constant 1 : i32
        %dma_start3A_898 = arith.constant 1 : i32
        %dma_start3A_899 = arith.constant 0 : i32
        %dma_start3A_900 = arith.constant 0 : i32
        %dma_start3A_901 = tpu.memref_slice %arg15[%dma_start3A_898, %dma_start3A_899, %dma_start3A_900] : memref<4x128x32xf32, #tpu.memory_space<vmem>> -> memref<1x128x32xf32, #tpu.memory_space<vmem>>
        %dma_start3A_902 = tpu.memref_squeeze %dma_start3A_901 : memref<1x128x32xf32, #tpu.memory_space<vmem>> -> memref<128x32xf32, #tpu.memory_space<vmem>>
        %dma_start3A_903 = arith.constant 0 : i32
        %dma_start3A_904 = tpu.memref_slice %arg13[%dma_start3A_896, %dma_start3A_897, %dma_start3A_903] : memref<4x2x128xi32, #tpu.memory_space<vmem>> -> memref<1x1x128xi32, #tpu.memory_space<vmem>>
        %dma_start3A_905 = tpu.memref_squeeze %dma_start3A_904 : memref<1x1x128xi32, #tpu.memory_space<vmem>> -> memref<128xi32, #tpu.memory_space<vmem>>
        %dma_start3A_906 = arith.constant 0 : i32
        %dma_start3A_907 = arith.constant 0 : i32
        %dma_start3A_908 = tpu.memref_slice %arg2[%dma_start3A_906, %dma_start3A_907] : memref<50176x32xf32, #tpu.memory_space<hbm>> -> memref<50176x32xf32, #tpu.memory_space<hbm>>
        tpu.enqueue_indirect_dma source(%dma_start3A_908 : memref<50176x32xf32, #tpu.memory_space<hbm>>) target(%dma_start3A_902 : memref<128x32xf32, #tpu.memory_space<vmem>>) offsets(%dma_start3A_905 : memref<128xi32, #tpu.memory_space<vmem>>) semaphore(%arg17 : memref<!tpu.dma_semaphore, #tpu.memory_space<semaphore_mem>>)
      } else {
      }
      %dma_start3A_809 = arith.constant 2 : i32
      %dma_start3A_810 = arith.constant 3 : i32
      %dma_start3A_811 = arith.constant 0 : i32
      %dma_start3A_812 = arith.constant 0 : i32
      %dma_start3A_813 = arith.constant 0 : i32
      %dma_start3A_814 = tpu.memref_slice %arg15[%dma_start3A_809, %dma_start3A_812, %dma_start3A_813] : memref<4x128x32xf32, #tpu.memory_space<vmem>> -> memref<1x128x32xf32, #tpu.memory_space<vmem>>
      %dma_start3A_815 = tpu.memref_squeeze %dma_start3A_814 : memref<1x128x32xf32, #tpu.memory_space<vmem>> -> memref<128x32xf32, #tpu.memory_space<vmem>>
      %dma_start3A_816 = arith.constant 0 : i32
      %dma_start3A_817 = tpu.memref_slice %arg14[%dma_start3A_810, %dma_start3A_811, %dma_start3A_816] : memref<4x2x128xi32, #tpu.memory_space<vmem>> -> memref<1x1x128xi32, #tpu.memory_space<vmem>>
      %dma_start3A_818 = tpu.memref_squeeze %dma_start3A_817 : memref<1x1x128xi32, #tpu.memory_space<vmem>> -> memref<128xi32, #tpu.memory_space<vmem>>
      %dma_start3A_819 = arith.constant 0 : i32
      %dma_start3A_820 = arith.constant 0 : i32
      %dma_start3A_821 = tpu.memref_slice %arg11[%dma_start3A_819, %dma_start3A_820] : memref<50176x32xf32, #tpu.memory_space<vmem_shared>> -> memref<50176x32xf32, #tpu.memory_space<vmem_shared>>
      tpu.enqueue_indirect_dma source(%dma_start3A_815 : memref<128x32xf32, #tpu.memory_space<vmem>>) target(%dma_start3A_821 : memref<50176x32xf32, #tpu.memory_space<vmem_shared>>) offsets(%dma_start3A_818 : memref<128xi32, #tpu.memory_space<vmem>>) semaphore(%arg20 : memref<!tpu.dma_semaphore, #tpu.memory_space<semaphore_mem>>) {add = true}
      %dma_start3A_822 = arith.constant 3 : i32
      %dma_start3A_823 = arith.constant 0 : i32
      %dma_start3A_824 = arith.constant 0 : i32
      %dma_start3A_825 = tpu.memref_slice %arg14[%dma_start3A_822, %dma_start3A_823, %dma_start3A_824] : memref<4x2x128xi32, #tpu.memory_space<vmem>> -> memref<1x1x128xi32, #tpu.memory_space<vmem>>
      %dma_start3A_826 = tpu.memref_squeeze %dma_start3A_825 : memref<1x1x128xi32, #tpu.memory_space<vmem>> -> memref<128xi32, #tpu.memory_space<vmem>>
      %dma_start3A_827 = arith.constant 0 : i32
      %dma_start3A_828 = tpu.memref_slice %arg12[%dma_start3A_827] : memref<50176xf32, #tpu.memory_space<vmem_shared>> -> memref<50176xf32, #tpu.memory_space<vmem_shared>>
      tpu.enqueue_indirect_dma source(%arg16 : memref<128xf32, #tpu.memory_space<vmem>>) target(%dma_start3A_828 : memref<50176xf32, #tpu.memory_space<vmem_shared>>) offsets(%dma_start3A_826 : memref<128xi32, #tpu.memory_space<vmem>>) semaphore(%arg20 : memref<!tpu.dma_semaphore, #tpu.memory_space<semaphore_mem>>) {add = true}
      %dma_start3A_829 = arith.constant 3 : i32
      %dma_start3A_830 = arith.constant 3 : i32
      %dma_start3A_831 = arith.constant 1 : i32
      %dma_start3A_832 = arith.constant 0 : i32
      %dma_start3A_833 = arith.constant 0 : i32
      %dma_start3A_834 = tpu.memref_slice %arg15[%dma_start3A_829, %dma_start3A_832, %dma_start3A_833] : memref<4x128x32xf32, #tpu.memory_space<vmem>> -> memref<1x128x32xf32, #tpu.memory_space<vmem>>
      %dma_start3A_835 = tpu.memref_squeeze %dma_start3A_834 : memref<1x128x32xf32, #tpu.memory_space<vmem>> -> memref<128x32xf32, #tpu.memory_space<vmem>>
      %dma_start3A_836 = arith.constant 0 : i32
      %dma_start3A_837 = tpu.memref_slice %arg14[%dma_start3A_830, %dma_start3A_831, %dma_start3A_836] : memref<4x2x128xi32, #tpu.memory_space<vmem>> -> memref<1x1x128xi32, #tpu.memory_space<vmem>>
      %dma_start3A_838 = tpu.memref_squeeze %dma_start3A_837 : memref<1x1x128xi32, #tpu.memory_space<vmem>> -> memref<128xi32, #tpu.memory_space<vmem>>
      %dma_start3A_839 = arith.constant 0 : i32
      %dma_start3A_840 = arith.constant 0 : i32
      %dma_start3A_841 = tpu.memref_slice %arg11[%dma_start3A_839, %dma_start3A_840] : memref<50176x32xf32, #tpu.memory_space<vmem_shared>> -> memref<50176x32xf32, #tpu.memory_space<vmem_shared>>
      tpu.enqueue_indirect_dma source(%dma_start3A_835 : memref<128x32xf32, #tpu.memory_space<vmem>>) target(%dma_start3A_841 : memref<50176x32xf32, #tpu.memory_space<vmem_shared>>) offsets(%dma_start3A_838 : memref<128xi32, #tpu.memory_space<vmem>>) semaphore(%arg20 : memref<!tpu.dma_semaphore, #tpu.memory_space<semaphore_mem>>) {add = true}
      %dma_start3A_842 = arith.constant 3 : i32
      %dma_start3A_843 = arith.constant 1 : i32
      %dma_start3A_844 = arith.constant 0 : i32
      %dma_start3A_845 = tpu.memref_slice %arg14[%dma_start3A_842, %dma_start3A_843, %dma_start3A_844] : memref<4x2x128xi32, #tpu.memory_space<vmem>> -> memref<1x1x128xi32, #tpu.memory_space<vmem>>
      %dma_start3A_846 = tpu.memref_squeeze %dma_start3A_845 : memref<1x1x128xi32, #tpu.memory_space<vmem>> -> memref<128xi32, #tpu.memory_space<vmem>>
      %dma_start3A_847 = arith.constant 0 : i32
      %dma_start3A_848 = tpu.memref_slice %arg12[%dma_start3A_847] : memref<50176xf32, #tpu.memory_space<vmem_shared>> -> memref<50176xf32, #tpu.memory_space<vmem_shared>>
      tpu.enqueue_indirect_dma source(%arg16 : memref<128xf32, #tpu.memory_space<vmem>>) target(%dma_start3A_848 : memref<50176xf32, #tpu.memory_space<vmem_shared>>) offsets(%dma_start3A_846 : memref<128xi32, #tpu.memory_space<vmem>>) semaphore(%arg20 : memref<!tpu.dma_semaphore, #tpu.memory_space<semaphore_mem>>) {add = true}
    }
    %scan3A_139 = arith.constant 25 : i32
    %dma_wait3A_140 = arith.constant 2 : i32
    %dma_wait3A_141 = arith.constant 3 : i32
    %dma_wait3A_142 = arith.constant 0 : i32
    %dma_wait3A_143 = arith.constant 0 : i32
    %dma_wait3A_144 = arith.constant 0 : i32
    %dma_wait3A_145 = tpu.memref_slice %arg15[%dma_wait3A_140, %dma_wait3A_143, %dma_wait3A_144] : memref<4x128x32xf32, #tpu.memory_space<vmem>> -> memref<1x128x32xf32, #tpu.memory_space<vmem>>
    %dma_wait3A_146 = tpu.memref_squeeze %dma_wait3A_145 : memref<1x128x32xf32, #tpu.memory_space<vmem>> -> memref<128x32xf32, #tpu.memory_space<vmem>>
    %dma_wait3A_147 = arith.constant 0 : i32
    %dma_wait3A_148 = tpu.memref_slice %arg14[%dma_wait3A_141, %dma_wait3A_142, %dma_wait3A_147] : memref<4x2x128xi32, #tpu.memory_space<vmem>> -> memref<1x1x128xi32, #tpu.memory_space<vmem>>
    %dma_wait3A_149 = tpu.memref_squeeze %dma_wait3A_148 : memref<1x1x128xi32, #tpu.memory_space<vmem>> -> memref<128xi32, #tpu.memory_space<vmem>>
    %dma_wait3A_150 = arith.constant 0 : i32
    %dma_wait3A_151 = arith.constant 0 : i32
    %dma_wait3A_152 = tpu.memref_slice %arg11[%dma_wait3A_150, %dma_wait3A_151] : memref<50176x32xf32, #tpu.memory_space<vmem_shared>> -> memref<50176x32xf32, #tpu.memory_space<vmem_shared>>
    tpu.wait_indirect_dma semaphore(%arg20 : memref<!tpu.dma_semaphore, #tpu.memory_space<semaphore_mem>>) src(%dma_wait3A_146 : memref<128x32xf32, #tpu.memory_space<vmem>>) dst(%dma_wait3A_152 : memref<50176x32xf32, #tpu.memory_space<vmem_shared>>)
    %dma_wait3A_153 = arith.constant 3 : i32
    %dma_wait3A_154 = arith.constant 0 : i32
    %dma_wait3A_155 = arith.constant 0 : i32
    %dma_wait3A_156 = tpu.memref_slice %arg14[%dma_wait3A_153, %dma_wait3A_154, %dma_wait3A_155] : memref<4x2x128xi32, #tpu.memory_space<vmem>> -> memref<1x1x128xi32, #tpu.memory_space<vmem>>
    %dma_wait3A_157 = tpu.memref_squeeze %dma_wait3A_156 : memref<1x1x128xi32, #tpu.memory_space<vmem>> -> memref<128xi32, #tpu.memory_space<vmem>>
    %dma_wait3A_158 = arith.constant 0 : i32
    %dma_wait3A_159 = tpu.memref_slice %arg12[%dma_wait3A_158] : memref<50176xf32, #tpu.memory_space<vmem_shared>> -> memref<50176xf32, #tpu.memory_space<vmem_shared>>
    tpu.wait_indirect_dma semaphore(%arg20 : memref<!tpu.dma_semaphore, #tpu.memory_space<semaphore_mem>>) src(%arg16 : memref<128xf32, #tpu.memory_space<vmem>>) dst(%dma_wait3A_159 : memref<50176xf32, #tpu.memory_space<vmem_shared>>)
    %dma_wait3A_160 = arith.constant 3 : i32
    %dma_wait3A_161 = arith.constant 3 : i32
    %dma_wait3A_162 = arith.constant 1 : i32
    %dma_wait3A_163 = arith.constant 0 : i32
    %dma_wait3A_164 = arith.constant 0 : i32
    %dma_wait3A_165 = tpu.memref_slice %arg15[%dma_wait3A_160, %dma_wait3A_163, %dma_wait3A_164] : memref<4x128x32xf32, #tpu.memory_space<vmem>> -> memref<1x128x32xf32, #tpu.memory_space<vmem>>
    %dma_wait3A_166 = tpu.memref_squeeze %dma_wait3A_165 : memref<1x128x32xf32, #tpu.memory_space<vmem>> -> memref<128x32xf32, #tpu.memory_space<vmem>>
    %dma_wait3A_167 = arith.constant 0 : i32
    %dma_wait3A_168 = tpu.memref_slice %arg14[%dma_wait3A_161, %dma_wait3A_162, %dma_wait3A_167] : memref<4x2x128xi32, #tpu.memory_space<vmem>> -> memref<1x1x128xi32, #tpu.memory_space<vmem>>
    %dma_wait3A_169 = tpu.memref_squeeze %dma_wait3A_168 : memref<1x1x128xi32, #tpu.memory_space<vmem>> -> memref<128xi32, #tpu.memory_space<vmem>>
    %dma_wait3A_170 = arith.constant 0 : i32
    %dma_wait3A_171 = arith.constant 0 : i32
    %dma_wait3A_172 = tpu.memref_slice %arg11[%dma_wait3A_170, %dma_wait3A_171] : memref<50176x32xf32, #tpu.memory_space<vmem_shared>> -> memref<50176x32xf32, #tpu.memory_space<vmem_shared>>
    tpu.wait_indirect_dma semaphore(%arg20 : memref<!tpu.dma_semaphore, #tpu.memory_space<semaphore_mem>>) src(%dma_wait3A_166 : memref<128x32xf32, #tpu.memory_space<vmem>>) dst(%dma_wait3A_172 : memref<50176x32xf32, #tpu.memory_space<vmem_shared>>)
    %dma_wait3A_173 = arith.constant 3 : i32
    %dma_wait3A_174 = arith.constant 1 : i32
    %dma_wait3A_175 = arith.constant 0 : i32
    %dma_wait3A_176 = tpu.memref_slice %arg14[%dma_wait3A_173, %dma_wait3A_174, %dma_wait3A_175] : memref<4x2x128xi32, #tpu.memory_space<vmem>> -> memref<1x1x128xi32, #tpu.memory_space<vmem>>
    %dma_wait3A_177 = tpu.memref_squeeze %dma_wait3A_176 : memref<1x1x128xi32, #tpu.memory_space<vmem>> -> memref<128xi32, #tpu.memory_space<vmem>>
    %dma_wait3A_178 = arith.constant 0 : i32
    %dma_wait3A_179 = tpu.memref_slice %arg12[%dma_wait3A_178] : memref<50176xf32, #tpu.memory_space<vmem_shared>> -> memref<50176xf32, #tpu.memory_space<vmem_shared>>
    tpu.wait_indirect_dma semaphore(%arg20 : memref<!tpu.dma_semaphore, #tpu.memory_space<semaphore_mem>>) src(%arg16 : memref<128xf32, #tpu.memory_space<vmem>>) dst(%dma_wait3A_179 : memref<50176xf32, #tpu.memory_space<vmem_shared>>)
    %barrier3A_180 = arith.constant 0 : index
    tpu.barrier barrier_id(%barrier3A_180)
    "tpu.region"() ({
      %run_scoped3A = tpu.sem_alloc : memref<!tpu.dma_semaphore, #tpu.memory_space<semaphore_mem>>
      %dma_start3A_188 = arith.constant 0 : i32
      %dma_start3A_189 = tpu.memref_slice %arg8[%arg0, %mul3A_2, %dma_start3A_188] : memref<2x50176x32xf32, #tpu.memory_space<hbm>> -> memref<1x3136x32xf32, #tpu.memory_space<hbm>>
      %dma_start3A_190 = tpu.memref_squeeze %dma_start3A_189 : memref<1x3136x32xf32, #tpu.memory_space<hbm>> -> memref<3136x32xf32, #tpu.memory_space<hbm>>
      %dma_start3A_191 = arith.constant 0 : i32
      %dma_start3A_192 = tpu.memref_slice %arg11[%mul3A_2, %dma_start3A_191] : memref<50176x32xf32, #tpu.memory_space<vmem_shared>> -> memref<3136x32xf32, #tpu.memory_space<vmem_shared>>
      tpu.enqueue_dma source(%dma_start3A_192 : memref<3136x32xf32, #tpu.memory_space<vmem_shared>>) target(%dma_start3A_190 : memref<3136x32xf32, #tpu.memory_space<hbm>>) target_semaphore(%run_scoped3A : memref<!tpu.dma_semaphore, #tpu.memory_space<semaphore_mem>>)
      %dma_wait3A_193 = arith.constant 0 : i32
      %dma_wait3A_194 = tpu.memref_slice %arg8[%arg0, %mul3A_2, %dma_wait3A_193] : memref<2x50176x32xf32, #tpu.memory_space<hbm>> -> memref<1x3136x32xf32, #tpu.memory_space<hbm>>
      %dma_wait3A_195 = tpu.memref_squeeze %dma_wait3A_194 : memref<1x3136x32xf32, #tpu.memory_space<hbm>> -> memref<3136x32xf32, #tpu.memory_space<hbm>>
      %dma_wait3A_196 = arith.constant 0 : i32
      %dma_wait3A_197 = tpu.memref_slice %arg11[%mul3A_2, %dma_wait3A_196] : memref<50176x32xf32, #tpu.memory_space<vmem_shared>> -> memref<3136x32xf32, #tpu.memory_space<vmem_shared>>
      tpu.wait_dma2 semaphore(%run_scoped3A : memref<!tpu.dma_semaphore, #tpu.memory_space<semaphore_mem>>) src(%dma_wait3A_197 : memref<3136x32xf32, #tpu.memory_space<vmem_shared>>) dst(%dma_wait3A_195 : memref<3136x32xf32, #tpu.memory_space<hbm>>)
      tpu.yield
    }) : () -> ()
    %eq3A = arith.constant 0 : i32
    %eq3A_181 = arith.cmpi eq, %arg0, %eq3A : i32
    %convert_element_type3A = arith.extui %eq3A_181 : i1 to i32
    %cond3A = arith.constant 0 : i32
    %cond3A_182 = arith.cmpi ne, %convert_element_type3A, %cond3A : i32
    scf.if %cond3A_182 {
      "tpu.region"() ({
        %run_scoped3A = tpu.sem_alloc : memref<!tpu.dma_semaphore, #tpu.memory_space<semaphore_mem>>
        %dma_start3A_188 = tpu.memref_slice %arg9[%mul3A_2] : memref<50176xf32, #tpu.memory_space<hbm>> -> memref<3136xf32, #tpu.memory_space<hbm>>
        %dma_start3A_189 = tpu.memref_slice %arg12[%mul3A_2] : memref<50176xf32, #tpu.memory_space<vmem_shared>> -> memref<3136xf32, #tpu.memory_space<vmem_shared>>
        tpu.enqueue_dma source(%dma_start3A_189 : memref<3136xf32, #tpu.memory_space<vmem_shared>>) target(%dma_start3A_188 : memref<3136xf32, #tpu.memory_space<hbm>>) target_semaphore(%run_scoped3A : memref<!tpu.dma_semaphore, #tpu.memory_space<semaphore_mem>>)
        %dma_wait3A_190 = tpu.memref_slice %arg9[%mul3A_2] : memref<50176xf32, #tpu.memory_space<hbm>> -> memref<3136xf32, #tpu.memory_space<hbm>>
        %dma_wait3A_191 = tpu.memref_slice %arg12[%mul3A_2] : memref<50176xf32, #tpu.memory_space<vmem_shared>> -> memref<3136xf32, #tpu.memory_space<vmem_shared>>
        tpu.wait_dma2 semaphore(%run_scoped3A : memref<!tpu.dma_semaphore, #tpu.memory_space<semaphore_mem>>) src(%dma_wait3A_191 : memref<3136xf32, #tpu.memory_space<vmem_shared>>) dst(%dma_wait3A_190 : memref<3136xf32, #tpu.memory_space<hbm>>)
        tpu.yield
      }) : () -> ()
    } else {
    }
    %eq3A_183 = arith.constant 1 : i32
    %eq3A_184 = arith.cmpi eq, %arg0, %eq3A_183 : i32
    %convert_element_type3A_185 = arith.extui %eq3A_184 : i1 to i32
    %cond3A_186 = arith.constant 0 : i32
    %cond3A_187 = arith.cmpi ne, %convert_element_type3A_185, %cond3A_186 : i32
    scf.if %cond3A_187 {
      "tpu.region"() ({
        %run_scoped3A = tpu.sem_alloc : memref<!tpu.dma_semaphore, #tpu.memory_space<semaphore_mem>>
        %dma_start3A_188 = tpu.memref_slice %arg10[%mul3A_2] : memref<50176xf32, #tpu.memory_space<hbm>> -> memref<3136xf32, #tpu.memory_space<hbm>>
        %dma_start3A_189 = tpu.memref_slice %arg12[%mul3A_2] : memref<50176xf32, #tpu.memory_space<vmem_shared>> -> memref<3136xf32, #tpu.memory_space<vmem_shared>>
        tpu.enqueue_dma source(%dma_start3A_189 : memref<3136xf32, #tpu.memory_space<vmem_shared>>) target(%dma_start3A_188 : memref<3136xf32, #tpu.memory_space<hbm>>) target_semaphore(%run_scoped3A : memref<!tpu.dma_semaphore, #tpu.memory_space<semaphore_mem>>)
        %dma_wait3A_190 = tpu.memref_slice %arg10[%mul3A_2] : memref<50176xf32, #tpu.memory_space<hbm>> -> memref<3136xf32, #tpu.memory_space<hbm>>
        %dma_wait3A_191 = tpu.memref_slice %arg12[%mul3A_2] : memref<50176xf32, #tpu.memory_space<vmem_shared>> -> memref<3136xf32, #tpu.memory_space<vmem_shared>>
        tpu.wait_dma2 semaphore(%run_scoped3A : memref<!tpu.dma_semaphore, #tpu.memory_space<semaphore_mem>>) src(%dma_wait3A_191 : memref<3136xf32, #tpu.memory_space<vmem_shared>>) dst(%dma_wait3A_190 : memref<3136xf32, #tpu.memory_space<hbm>>)
        tpu.yield
      }) : () -> ()
    } else {
    }
    return
  }
}

#map = affine_map<(d0, d1) -> (0, 0)>
#map1 = affine_map<(d0, d1) -> (0, 0, 0)>
#map2 = affine_map<(d0, d1) -> (0)>
module attributes {stable_mosaic.version = 14 : i64} {
  func.func @_edge_body(%arg0: i32, %arg1: i32, %arg2: memref<50176x32xf32, #tpu.memory_space<hbm>>, %arg3: memref<32x200x128xi32, #tpu.memory_space<hbm>>, %arg4: memref<32x200x128xi32, #tpu.memory_space<hbm>>, %arg5: memref<784x32xf32, #tpu.memory_space<hbm>>, %arg6: memref<3136xf32, #tpu.memory_space<hbm>>, %arg7: memref<128xf32, #tpu.memory_space<hbm>>, %arg8: memref<2x50176x32xf32, #tpu.memory_space<hbm>>, %arg9: memref<50176xf32, #tpu.memory_space<hbm>>, %arg10: memref<50176xf32, #tpu.memory_space<hbm>>, %arg11: memref<50176x32xf32, #tpu.memory_space<vmem_shared>>, %arg12: memref<50176xf32, #tpu.memory_space<vmem_shared>>, %arg13: memref<4x2x128xi32, #tpu.memory_space<vmem>>, %arg14: memref<4x2x128xi32, #tpu.memory_space<vmem>>, %arg15: memref<4x128x32xf32, #tpu.memory_space<vmem>>, %arg16: memref<128xf32, #tpu.memory_space<vmem>>, %arg17: memref<!tpu.dma_semaphore, #tpu.memory_space<semaphore_mem>>, %arg18: memref<!tpu.dma_semaphore, #tpu.memory_space<semaphore_mem>>, %arg19: memref<!tpu.dma_semaphore, #tpu.memory_space<semaphore_mem>>, %arg20: memref<!tpu.dma_semaphore, #tpu.memory_space<semaphore_mem>>, %arg21: memref<!tpu.dma_semaphore, #tpu.memory_space<semaphore_mem>>, %arg22: memref<!tpu.dma_semaphore, #tpu.memory_space<semaphore_mem>>, %arg23: memref<!tpu.dma_semaphore, #tpu.memory_space<semaphore_mem>>, %arg24: memref<!tpu.dma_semaphore, #tpu.memory_space<semaphore_mem>>) attributes {dimension_semantics = [#tpu.dimension_semantics<core_parallel>, #tpu.dimension_semantics<subcore_parallel>], iteration_bounds = array<i64: 2, 16>, scalar_prefetch = 0 : i64, scratch_operands = 14 : i64, tpu.core_type = #tpu.core_type<sc_vector_subcore>, window_params = [{transform_indices = #map}, {transform_indices = #map1}, {transform_indices = #map1}, {transform_indices = #map}, {transform_indices = #map2}, {transform_indices = #map2}, {transform_indices = #map1}, {transform_indices = #map2}, {transform_indices = #map2}]} {
    %mul3A = arith.constant 16 : i32
    %mul3A_0 = arith.muli %arg0, %mul3A : i32
    %add3A = arith.addi %mul3A_0, %arg1 : i32
    "tpu.region"() ({
      %run_scoped3A = tpu.sem_alloc : memref<!tpu.dma_semaphore, #tpu.memory_space<semaphore_mem>>
      tpu.enqueue_dma source(%arg7 : memref<128xf32, #tpu.memory_space<hbm>>) target(%arg16 : memref<128xf32, #tpu.memory_space<vmem>>) target_semaphore(%run_scoped3A : memref<!tpu.dma_semaphore, #tpu.memory_space<semaphore_mem>>)
      tpu.wait_dma2 semaphore(%run_scoped3A : memref<!tpu.dma_semaphore, #tpu.memory_space<semaphore_mem>>) src(%arg7 : memref<128xf32, #tpu.memory_space<hbm>>) dst(%arg16 : memref<128xf32, #tpu.memory_space<vmem>>)
      tpu.yield
    }) : () -> ()
    %mul3A_1 = arith.constant 3136 : i32
    %mul3A_2 = arith.muli %arg1, %mul3A_1 : i32
    %scan3A = arith.constant 0 : i32
    %scan3A_3 = arith.constant 0 : i32
    %scan3A_4 = arith.constant 4 : i32
    %scan3A_5 = arith.addi %scan3A_3, %scan3A_4 : i32
    %scan3A_6 = arith.constant 1 : i32
    scf.for %scan3A_188 = %scan3A_3 to %scan3A_5 step %scan3A_6  : i32 {
      %mul3A_189 = arith.constant 784 : i32
      %mul3A_190 = arith.muli %scan3A_188, %mul3A_189 : i32
      %add3A_191 = arith.addi %mul3A_2, %mul3A_190 : i32
      "tpu.region"() ({
        %run_scoped3A = tpu.sem_alloc : memref<!tpu.dma_semaphore, #tpu.memory_space<semaphore_mem>>
        %dma_start3A_192 = arith.constant 0 : i32
        %dma_start3A_193 = tpu.memref_slice %arg11[%add3A_191, %dma_start3A_192] : memref<50176x32xf32, #tpu.memory_space<vmem_shared>> -> memref<784x32xf32, #tpu.memory_space<vmem_shared>>
        tpu.enqueue_dma source(%arg5 : memref<784x32xf32, #tpu.memory_space<hbm>>) target(%dma_start3A_193 : memref<784x32xf32, #tpu.memory_space<vmem_shared>>) target_semaphore(%run_scoped3A : memref<!tpu.dma_semaphore, #tpu.memory_space<semaphore_mem>>)
        %dma_wait3A_194 = arith.constant 0 : i32
        %dma_wait3A_195 = tpu.memref_slice %arg11[%add3A_191, %dma_wait3A_194] : memref<50176x32xf32, #tpu.memory_space<vmem_shared>> -> memref<784x32xf32, #tpu.memory_space<vmem_shared>>
        tpu.wait_dma2 semaphore(%run_scoped3A : memref<!tpu.dma_semaphore, #tpu.memory_space<semaphore_mem>>) src(%arg5 : memref<784x32xf32, #tpu.memory_space<hbm>>) dst(%dma_wait3A_195 : memref<784x32xf32, #tpu.memory_space<vmem_shared>>)
        tpu.yield
      }) : () -> ()
    }
    %scan3A_7 = arith.constant 4 : i32
    "tpu.region"() ({
      %run_scoped3A = tpu.sem_alloc : memref<!tpu.dma_semaphore, #tpu.memory_space<semaphore_mem>>
      %dma_start3A_188 = tpu.memref_slice %arg12[%mul3A_2] : memref<50176xf32, #tpu.memory_space<vmem_shared>> -> memref<3136xf32, #tpu.memory_space<vmem_shared>>
      tpu.enqueue_dma source(%arg6 : memref<3136xf32, #tpu.memory_space<hbm>>) target(%dma_start3A_188 : memref<3136xf32, #tpu.memory_space<vmem_shared>>) target_semaphore(%run_scoped3A : memref<!tpu.dma_semaphore, #tpu.memory_space<semaphore_mem>>)
      %dma_wait3A_189 = tpu.memref_slice %arg12[%mul3A_2] : memref<50176xf32, #tpu.memory_space<vmem_shared>> -> memref<3136xf32, #tpu.memory_space<vmem_shared>>
      tpu.wait_dma2 semaphore(%run_scoped3A : memref<!tpu.dma_semaphore, #tpu.memory_space<semaphore_mem>>) src(%arg6 : memref<3136xf32, #tpu.memory_space<hbm>>) dst(%dma_wait3A_189 : memref<3136xf32, #tpu.memory_space<vmem_shared>>)
      tpu.yield
    }) : () -> ()
    %barrier3A = arith.constant 0 : index
    tpu.barrier barrier_id(%barrier3A)
    %dma_start3A = arith.constant 0 : i32
    %dma_start3A_8 = arith.constant 0 : i32
    %dma_start3A_9 = arith.constant 0 : i32
    %dma_start3A_10 = tpu.memref_slice %arg13[%dma_start3A, %dma_start3A_8, %dma_start3A_9] : memref<4x2x128xi32, #tpu.memory_space<vmem>> -> memref<1x2x128xi32, #tpu.memory_space<vmem>>
    %dma_start3A_11 = tpu.memref_squeeze %dma_start3A_10 : memref<1x2x128xi32, #tpu.memory_space<vmem>> -> memref<2x128xi32, #tpu.memory_space<vmem>>
    %dma_start3A_12 = arith.constant 0 : i32
    %dma_start3A_13 = arith.constant 0 : i32
    %dma_start3A_14 = tpu.memref_slice %arg3[%add3A, %dma_start3A_12, %dma_start3A_13] : memref<32x200x128xi32, #tpu.memory_space<hbm>> -> memref<1x2x128xi32, #tpu.memory_space<hbm>>
    %dma_start3A_15 = tpu.memref_squeeze %dma_start3A_14 : memref<1x2x128xi32, #tpu.memory_space<hbm>> -> memref<2x128xi32, #tpu.memory_space<hbm>>
    %dma_start3A_16 = arith.constant 0 : i32
    %dma_start3A_17 = arith.constant 0 : i32
    %dma_start3A_18 = tpu.memref_slice %arg13[%dma_start3A, %dma_start3A_16, %dma_start3A_17] : memref<4x2x128xi32, #tpu.memory_space<vmem>> -> memref<1x2x128xi32, #tpu.memory_space<vmem>>
    %dma_start3A_19 = tpu.memref_squeeze %dma_start3A_18 : memref<1x2x128xi32, #tpu.memory_space<vmem>> -> memref<2x128xi32, #tpu.memory_space<vmem>>
    %dma_start3A_20 = arith.constant 0 : i32
    %dma_start3A_21 = arith.constant 0 : i32
    %dma_start3A_22 = tpu.memref_slice %arg3[%add3A, %dma_start3A_20, %dma_start3A_21] : memref<32x200x128xi32, #tpu.memory_space<hbm>> -> memref<1x2x128xi32, #tpu.memory_space<hbm>>
    %dma_start3A_23 = tpu.memref_squeeze %dma_start3A_22 : memref<1x2x128xi32, #tpu.memory_space<hbm>> -> memref<2x128xi32, #tpu.memory_space<hbm>>
    tpu.enqueue_dma source(%dma_start3A_23 : memref<2x128xi32, #tpu.memory_space<hbm>>) target(%dma_start3A_19 : memref<2x128xi32, #tpu.memory_space<vmem>>) target_semaphore(%arg21 : memref<!tpu.dma_semaphore, #tpu.memory_space<semaphore_mem>>)
    %dma_start3A_24 = arith.constant 0 : i32
    %dma_start3A_25 = arith.constant 0 : i32
    %dma_start3A_26 = arith.constant 0 : i32
    %dma_start3A_27 = tpu.memref_slice %arg14[%dma_start3A_24, %dma_start3A_25, %dma_start3A_26] : memref<4x2x128xi32, #tpu.memory_space<vmem>> -> memref<1x2x128xi32, #tpu.memory_space<vmem>>
    %dma_start3A_28 = tpu.memref_squeeze %dma_start3A_27 : memref<1x2x128xi32, #tpu.memory_space<vmem>> -> memref<2x128xi32, #tpu.memory_space<vmem>>
    %dma_start3A_29 = arith.constant 0 : i32
    %dma_start3A_30 = arith.constant 0 : i32
    %dma_start3A_31 = tpu.memref_slice %arg4[%add3A, %dma_start3A_29, %dma_start3A_30] : memref<32x200x128xi32, #tpu.memory_space<hbm>> -> memref<1x2x128xi32, #tpu.memory_space<hbm>>
    %dma_start3A_32 = tpu.memref_squeeze %dma_start3A_31 : memref<1x2x128xi32, #tpu.memory_space<hbm>> -> memref<2x128xi32, #tpu.memory_space<hbm>>
    %dma_start3A_33 = arith.constant 0 : i32
    %dma_start3A_34 = arith.constant 0 : i32
    %dma_start3A_35 = tpu.memref_slice %arg14[%dma_start3A_24, %dma_start3A_33, %dma_start3A_34] : memref<4x2x128xi32, #tpu.memory_space<vmem>> -> memref<1x2x128xi32, #tpu.memory_space<vmem>>
    %dma_start3A_36 = tpu.memref_squeeze %dma_start3A_35 : memref<1x2x128xi32, #tpu.memory_space<vmem>> -> memref<2x128xi32, #tpu.memory_space<vmem>>
    %dma_start3A_37 = arith.constant 0 : i32
    %dma_start3A_38 = arith.constant 0 : i32
    %dma_start3A_39 = tpu.memref_slice %arg4[%add3A, %dma_start3A_37, %dma_start3A_38] : memref<32x200x128xi32, #tpu.memory_space<hbm>> -> memref<1x2x128xi32, #tpu.memory_space<hbm>>
    %dma_start3A_40 = tpu.memref_squeeze %dma_start3A_39 : memref<1x2x128xi32, #tpu.memory_space<hbm>> -> memref<2x128xi32, #tpu.memory_space<hbm>>
    tpu.enqueue_dma source(%dma_start3A_40 : memref<2x128xi32, #tpu.memory_space<hbm>>) target(%dma_start3A_36 : memref<2x128xi32, #tpu.memory_space<vmem>>) target_semaphore(%arg21 : memref<!tpu.dma_semaphore, #tpu.memory_space<semaphore_mem>>)
    %dma_start3A_41 = arith.constant 1 : i32
    %dma_start3A_42 = arith.constant 0 : i32
    %dma_start3A_43 = arith.constant 0 : i32
    %dma_start3A_44 = tpu.memref_slice %arg13[%dma_start3A_41, %dma_start3A_42, %dma_start3A_43] : memref<4x2x128xi32, #tpu.memory_space<vmem>> -> memref<1x2x128xi32, #tpu.memory_space<vmem>>
    %dma_start3A_45 = tpu.memref_squeeze %dma_start3A_44 : memref<1x2x128xi32, #tpu.memory_space<vmem>> -> memref<2x128xi32, #tpu.memory_space<vmem>>
    %dma_start3A_46 = arith.constant 2 : i32
    %dma_start3A_47 = arith.constant 0 : i32
    %dma_start3A_48 = tpu.memref_slice %arg3[%add3A, %dma_start3A_46, %dma_start3A_47] : memref<32x200x128xi32, #tpu.memory_space<hbm>> -> memref<1x2x128xi32, #tpu.memory_space<hbm>>
    %dma_start3A_49 = tpu.memref_squeeze %dma_start3A_48 : memref<1x2x128xi32, #tpu.memory_space<hbm>> -> memref<2x128xi32, #tpu.memory_space<hbm>>
    %dma_start3A_50 = arith.constant 0 : i32
    %dma_start3A_51 = arith.constant 0 : i32
    %dma_start3A_52 = tpu.memref_slice %arg13[%dma_start3A_41, %dma_start3A_50, %dma_start3A_51] : memref<4x2x128xi32, #tpu.memory_space<vmem>> -> memref<1x2x128xi32, #tpu.memory_space<vmem>>
    %dma_start3A_53 = tpu.memref_squeeze %dma_start3A_52 : memref<1x2x128xi32, #tpu.memory_space<vmem>> -> memref<2x128xi32, #tpu.memory_space<vmem>>
    %dma_start3A_54 = arith.constant 2 : i32
    %dma_start3A_55 = arith.constant 0 : i32
    %dma_start3A_56 = tpu.memref_slice %arg3[%add3A, %dma_start3A_54, %dma_start3A_55] : memref<32x200x128xi32, #tpu.memory_space<hbm>> -> memref<1x2x128xi32, #tpu.memory_space<hbm>>
    %dma_start3A_57 = tpu.memref_squeeze %dma_start3A_56 : memref<1x2x128xi32, #tpu.memory_space<hbm>> -> memref<2x128xi32, #tpu.memory_space<hbm>>
    tpu.enqueue_dma source(%dma_start3A_57 : memref<2x128xi32, #tpu.memory_space<hbm>>) target(%dma_start3A_53 : memref<2x128xi32, #tpu.memory_space<vmem>>) target_semaphore(%arg22 : memref<!tpu.dma_semaphore, #tpu.memory_space<semaphore_mem>>)
    %dma_start3A_58 = arith.constant 1 : i32
    %dma_start3A_59 = arith.constant 0 : i32
    %dma_start3A_60 = arith.constant 0 : i32
    %dma_start3A_61 = tpu.memref_slice %arg14[%dma_start3A_58, %dma_start3A_59, %dma_start3A_60] : memref<4x2x128xi32, #tpu.memory_space<vmem>> -> memref<1x2x128xi32, #tpu.memory_space<vmem>>
    %dma_start3A_62 = tpu.memref_squeeze %dma_start3A_61 : memref<1x2x128xi32, #tpu.memory_space<vmem>> -> memref<2x128xi32, #tpu.memory_space<vmem>>
    %dma_start3A_63 = arith.constant 2 : i32
    %dma_start3A_64 = arith.constant 0 : i32
    %dma_start3A_65 = tpu.memref_slice %arg4[%add3A, %dma_start3A_63, %dma_start3A_64] : memref<32x200x128xi32, #tpu.memory_space<hbm>> -> memref<1x2x128xi32, #tpu.memory_space<hbm>>
    %dma_start3A_66 = tpu.memref_squeeze %dma_start3A_65 : memref<1x2x128xi32, #tpu.memory_space<hbm>> -> memref<2x128xi32, #tpu.memory_space<hbm>>
    %dma_start3A_67 = arith.constant 0 : i32
    %dma_start3A_68 = arith.constant 0 : i32
    %dma_start3A_69 = tpu.memref_slice %arg14[%dma_start3A_58, %dma_start3A_67, %dma_start3A_68] : memref<4x2x128xi32, #tpu.memory_space<vmem>> -> memref<1x2x128xi32, #tpu.memory_space<vmem>>
    %dma_start3A_70 = tpu.memref_squeeze %dma_start3A_69 : memref<1x2x128xi32, #tpu.memory_space<vmem>> -> memref<2x128xi32, #tpu.memory_space<vmem>>
    %dma_start3A_71 = arith.constant 2 : i32
    %dma_start3A_72 = arith.constant 0 : i32
    %dma_start3A_73 = tpu.memref_slice %arg4[%add3A, %dma_start3A_71, %dma_start3A_72] : memref<32x200x128xi32, #tpu.memory_space<hbm>> -> memref<1x2x128xi32, #tpu.memory_space<hbm>>
    %dma_start3A_74 = tpu.memref_squeeze %dma_start3A_73 : memref<1x2x128xi32, #tpu.memory_space<hbm>> -> memref<2x128xi32, #tpu.memory_space<hbm>>
    tpu.enqueue_dma source(%dma_start3A_74 : memref<2x128xi32, #tpu.memory_space<hbm>>) target(%dma_start3A_70 : memref<2x128xi32, #tpu.memory_space<vmem>>) target_semaphore(%arg22 : memref<!tpu.dma_semaphore, #tpu.memory_space<semaphore_mem>>)
    %dma_wait3A = arith.constant 0 : i32
    %dma_wait3A_75 = arith.constant 0 : i32
    %dma_wait3A_76 = arith.constant 0 : i32
    %dma_wait3A_77 = tpu.memref_slice %arg13[%dma_wait3A, %dma_wait3A_75, %dma_wait3A_76] : memref<4x2x128xi32, #tpu.memory_space<vmem>> -> memref<1x2x128xi32, #tpu.memory_space<vmem>>
    %dma_wait3A_78 = tpu.memref_squeeze %dma_wait3A_77 : memref<1x2x128xi32, #tpu.memory_space<vmem>> -> memref<2x128xi32, #tpu.memory_space<vmem>>
    %dma_wait3A_79 = arith.constant 0 : i32
    %dma_wait3A_80 = arith.constant 0 : i32
    %dma_wait3A_81 = tpu.memref_slice %arg3[%add3A, %dma_wait3A_79, %dma_wait3A_80] : memref<32x200x128xi32, #tpu.memory_space<hbm>> -> memref<1x2x128xi32, #tpu.memory_space<hbm>>
    %dma_wait3A_82 = tpu.memref_squeeze %dma_wait3A_81 : memref<1x2x128xi32, #tpu.memory_space<hbm>> -> memref<2x128xi32, #tpu.memory_space<hbm>>
    %dma_wait3A_83 = arith.constant 0 : i32
    %dma_wait3A_84 = arith.constant 0 : i32
    %dma_wait3A_85 = tpu.memref_slice %arg13[%dma_wait3A, %dma_wait3A_83, %dma_wait3A_84] : memref<4x2x128xi32, #tpu.memory_space<vmem>> -> memref<1x2x128xi32, #tpu.memory_space<vmem>>
    %dma_wait3A_86 = tpu.memref_squeeze %dma_wait3A_85 : memref<1x2x128xi32, #tpu.memory_space<vmem>> -> memref<2x128xi32, #tpu.memory_space<vmem>>
    %dma_wait3A_87 = arith.constant 0 : i32
    %dma_wait3A_88 = arith.constant 0 : i32
    %dma_wait3A_89 = tpu.memref_slice %arg3[%add3A, %dma_wait3A_87, %dma_wait3A_88] : memref<32x200x128xi32, #tpu.memory_space<hbm>> -> memref<1x2x128xi32, #tpu.memory_space<hbm>>
    %dma_wait3A_90 = tpu.memref_squeeze %dma_wait3A_89 : memref<1x2x128xi32, #tpu.memory_space<hbm>> -> memref<2x128xi32, #tpu.memory_space<hbm>>
    tpu.wait_dma2 semaphore(%arg21 : memref<!tpu.dma_semaphore, #tpu.memory_space<semaphore_mem>>) src(%dma_wait3A_90 : memref<2x128xi32, #tpu.memory_space<hbm>>) dst(%dma_wait3A_86 : memref<2x128xi32, #tpu.memory_space<vmem>>)
    %dma_wait3A_91 = arith.constant 0 : i32
    %dma_wait3A_92 = arith.constant 0 : i32
    %dma_wait3A_93 = arith.constant 0 : i32
    %dma_wait3A_94 = tpu.memref_slice %arg14[%dma_wait3A_91, %dma_wait3A_92, %dma_wait3A_93] : memref<4x2x128xi32, #tpu.memory_space<vmem>> -> memref<1x2x128xi32, #tpu.memory_space<vmem>>
    %dma_wait3A_95 = tpu.memref_squeeze %dma_wait3A_94 : memref<1x2x128xi32, #tpu.memory_space<vmem>> -> memref<2x128xi32, #tpu.memory_space<vmem>>
    %dma_wait3A_96 = arith.constant 0 : i32
    %dma_wait3A_97 = arith.constant 0 : i32
    %dma_wait3A_98 = tpu.memref_slice %arg4[%add3A, %dma_wait3A_96, %dma_wait3A_97] : memref<32x200x128xi32, #tpu.memory_space<hbm>> -> memref<1x2x128xi32, #tpu.memory_space<hbm>>
    %dma_wait3A_99 = tpu.memref_squeeze %dma_wait3A_98 : memref<1x2x128xi32, #tpu.memory_space<hbm>> -> memref<2x128xi32, #tpu.memory_space<hbm>>
    %dma_wait3A_100 = arith.constant 0 : i32
    %dma_wait3A_101 = arith.constant 0 : i32
    %dma_wait3A_102 = tpu.memref_slice %arg14[%dma_wait3A_91, %dma_wait3A_100, %dma_wait3A_101] : memref<4x2x128xi32, #tpu.memory_space<vmem>> -> memref<1x2x128xi32, #tpu.memory_space<vmem>>
    %dma_wait3A_103 = tpu.memref_squeeze %dma_wait3A_102 : memref<1x2x128xi32, #tpu.memory_space<vmem>> -> memref<2x128xi32, #tpu.memory_space<vmem>>
    %dma_wait3A_104 = arith.constant 0 : i32
    %dma_wait3A_105 = arith.constant 0 : i32
    %dma_wait3A_106 = tpu.memref_slice %arg4[%add3A, %dma_wait3A_104, %dma_wait3A_105] : memref<32x200x128xi32, #tpu.memory_space<hbm>> -> memref<1x2x128xi32, #tpu.memory_space<hbm>>
    %dma_wait3A_107 = tpu.memref_squeeze %dma_wait3A_106 : memref<1x2x128xi32, #tpu.memory_space<hbm>> -> memref<2x128xi32, #tpu.memory_space<hbm>>
    tpu.wait_dma2 semaphore(%arg21 : memref<!tpu.dma_semaphore, #tpu.memory_space<semaphore_mem>>) src(%dma_wait3A_107 : memref<2x128xi32, #tpu.memory_space<hbm>>) dst(%dma_wait3A_103 : memref<2x128xi32, #tpu.memory_space<vmem>>)
    %dma_start3A_108 = arith.constant 0 : i32
    %dma_start3A_109 = arith.constant 0 : i32
    %dma_start3A_110 = arith.constant 0 : i32
    %dma_start3A_111 = arith.constant 0 : i32
    %dma_start3A_112 = arith.constant 0 : i32
    %dma_start3A_113 = tpu.memref_slice %arg15[%dma_start3A_110, %dma_start3A_111, %dma_start3A_112] : memref<4x128x32xf32, #tpu.memory_space<vmem>> -> memref<1x128x32xf32, #tpu.memory_space<vmem>>
    %dma_start3A_114 = tpu.memref_squeeze %dma_start3A_113 : memref<1x128x32xf32, #tpu.memory_space<vmem>> -> memref<128x32xf32, #tpu.memory_space<vmem>>
    %dma_start3A_115 = arith.constant 0 : i32
    %dma_start3A_116 = tpu.memref_slice %arg13[%dma_start3A_108, %dma_start3A_109, %dma_start3A_115] : memref<4x2x128xi32, #tpu.memory_space<vmem>> -> memref<1x1x128xi32, #tpu.memory_space<vmem>>
    %dma_start3A_117 = tpu.memref_squeeze %dma_start3A_116 : memref<1x1x128xi32, #tpu.memory_space<vmem>> -> memref<128xi32, #tpu.memory_space<vmem>>
    %dma_start3A_118 = arith.constant 0 : i32
    %dma_start3A_119 = arith.constant 0 : i32
    %dma_start3A_120 = tpu.memref_slice %arg2[%dma_start3A_118, %dma_start3A_119] : memref<50176x32xf32, #tpu.memory_space<hbm>> -> memref<50176x32xf32, #tpu.memory_space<hbm>>
    tpu.enqueue_indirect_dma source(%dma_start3A_120 : memref<50176x32xf32, #tpu.memory_space<hbm>>) target(%dma_start3A_114 : memref<128x32xf32, #tpu.memory_space<vmem>>) offsets(%dma_start3A_117 : memref<128xi32, #tpu.memory_space<vmem>>) semaphore(%arg17 : memref<!tpu.dma_semaphore, #tpu.memory_space<semaphore_mem>>)
    %dma_start3A_121 = arith.constant 0 : i32
    %dma_start3A_122 = arith.constant 1 : i32
    %dma_start3A_123 = arith.constant 1 : i32
    %dma_start3A_124 = arith.constant 0 : i32
    %dma_start3A_125 = arith.constant 0 : i32
    %dma_start3A_126 = tpu.memref_slice %arg15[%dma_start3A_123, %dma_start3A_124, %dma_start3A_125] : memref<4x128x32xf32, #tpu.memory_space<vmem>> -> memref<1x128x32xf32, #tpu.memory_space<vmem>>
    %dma_start3A_127 = tpu.memref_squeeze %dma_start3A_126 : memref<1x128x32xf32, #tpu.memory_space<vmem>> -> memref<128x32xf32, #tpu.memory_space<vmem>>
    %dma_start3A_128 = arith.constant 0 : i32
    %dma_start3A_129 = tpu.memref_slice %arg13[%dma_start3A_121, %dma_start3A_122, %dma_start3A_128] : memref<4x2x128xi32, #tpu.memory_space<vmem>> -> memref<1x1x128xi32, #tpu.memory_space<vmem>>
    %dma_start3A_130 = tpu.memref_squeeze %dma_start3A_129 : memref<1x1x128xi32, #tpu.memory_space<vmem>> -> memref<128xi32, #tpu.memory_space<vmem>>
    %dma_start3A_131 = arith.constant 0 : i32
    %dma_start3A_132 = arith.constant 0 : i32
    %dma_start3A_133 = tpu.memref_slice %arg2[%dma_start3A_131, %dma_start3A_132] : memref<50176x32xf32, #tpu.memory_space<hbm>> -> memref<50176x32xf32, #tpu.memory_space<hbm>>
    tpu.enqueue_indirect_dma source(%dma_start3A_133 : memref<50176x32xf32, #tpu.memory_space<hbm>>) target(%dma_start3A_127 : memref<128x32xf32, #tpu.memory_space<vmem>>) offsets(%dma_start3A_130 : memref<128xi32, #tpu.memory_space<vmem>>) semaphore(%arg17 : memref<!tpu.dma_semaphore, #tpu.memory_space<semaphore_mem>>)
    %scan3A_134 = arith.constant 0 : i32
    %scan3A_135 = arith.constant 0 : i32
    %scan3A_136 = arith.constant 25 : i32
    %scan3A_137 = arith.addi %scan3A_135, %scan3A_136 : i32
    %scan3A_138 = arith.constant 1 : i32
    scf.for %scan3A_188 = %scan3A_135 to %scan3A_137 step %scan3A_138  : i32 {
      %mul3A_189 = arith.constant 4 : i32
      %mul3A_190 = arith.muli %mul3A_189, %scan3A_188 : i32
      %add3A_191 = arith.constant 0 : i32
      %add3A_192 = arith.addi %mul3A_190, %add3A_191 : i32
      %dma_wait3A_193 = arith.constant 0 : i32
      %dma_wait3A_194 = arith.constant 0 : i32
      %dma_wait3A_195 = arith.constant 0 : i32
      %dma_wait3A_196 = arith.constant 0 : i32
      %dma_wait3A_197 = arith.constant 0 : i32
      %dma_wait3A_198 = tpu.memref_slice %arg15[%dma_wait3A_195, %dma_wait3A_196, %dma_wait3A_197] : memref<4x128x32xf32, #tpu.memory_space<vmem>> -> memref<1x128x32xf32, #tpu.memory_space<vmem>>
      %dma_wait3A_199 = tpu.memref_squeeze %dma_wait3A_198 : memref<1x128x32xf32, #tpu.memory_space<vmem>> -> memref<128x32xf32, #tpu.memory_space<vmem>>
      %dma_wait3A_200 = arith.constant 0 : i32
      %dma_wait3A_201 = tpu.memref_slice %arg13[%dma_wait3A_193, %dma_wait3A_194, %dma_wait3A_200] : memref<4x2x128xi32, #tpu.memory_space<vmem>> -> memref<1x1x128xi32, #tpu.memory_space<vmem>>
      %dma_wait3A_202 = tpu.memref_squeeze %dma_wait3A_201 : memref<1x1x128xi32, #tpu.memory_space<vmem>> -> memref<128xi32, #tpu.memory_space<vmem>>
      %dma_wait3A_203 = arith.constant 0 : i32
      %dma_wait3A_204 = arith.constant 0 : i32
      %dma_wait3A_205 = tpu.memref_slice %arg2[%dma_wait3A_203, %dma_wait3A_204] : memref<50176x32xf32, #tpu.memory_space<hbm>> -> memref<50176x32xf32, #tpu.memory_space<hbm>>
      tpu.wait_indirect_dma semaphore(%arg17 : memref<!tpu.dma_semaphore, #tpu.memory_space<semaphore_mem>>) src(%dma_wait3A_205 : memref<50176x32xf32, #tpu.memory_space<hbm>>) dst(%dma_wait3A_199 : memref<128x32xf32, #tpu.memory_space<vmem>>)
      %dma_wait3A_206 = arith.constant 0 : i32
      %dma_wait3A_207 = arith.constant 1 : i32
      %dma_wait3A_208 = arith.constant 1 : i32
      %dma_wait3A_209 = arith.constant 0 : i32
      %dma_wait3A_210 = arith.constant 0 : i32
      %dma_wait3A_211 = tpu.memref_slice %arg15[%dma_wait3A_208, %dma_wait3A_209, %dma_wait3A_210] : memref<4x128x32xf32, #tpu.memory_space<vmem>> -> memref<1x128x32xf32, #tpu.memory_space<vmem>>
      %dma_wait3A_212 = tpu.memref_squeeze %dma_wait3A_211 : memref<1x128x32xf32, #tpu.memory_space<vmem>> -> memref<128x32xf32, #tpu.memory_space<vmem>>
      %dma_wait3A_213 = arith.constant 0 : i32
      %dma_wait3A_214 = tpu.memref_slice %arg13[%dma_wait3A_206, %dma_wait3A_207, %dma_wait3A_213] : memref<4x2x128xi32, #tpu.memory_space<vmem>> -> memref<1x1x128xi32, #tpu.memory_space<vmem>>
      %dma_wait3A_215 = tpu.memref_squeeze %dma_wait3A_214 : memref<1x1x128xi32, #tpu.memory_space<vmem>> -> memref<128xi32, #tpu.memory_space<vmem>>
      %dma_wait3A_216 = arith.constant 0 : i32
      %dma_wait3A_217 = arith.constant 0 : i32
      %dma_wait3A_218 = tpu.memref_slice %arg2[%dma_wait3A_216, %dma_wait3A_217] : memref<50176x32xf32, #tpu.memory_space<hbm>> -> memref<50176x32xf32, #tpu.memory_space<hbm>>
      tpu.wait_indirect_dma semaphore(%arg17 : memref<!tpu.dma_semaphore, #tpu.memory_space<semaphore_mem>>) src(%dma_wait3A_218 : memref<50176x32xf32, #tpu.memory_space<hbm>>) dst(%dma_wait3A_212 : memref<128x32xf32, #tpu.memory_space<vmem>>)
      %gt3A = arith.constant 0 : i32
      %gt3A_219 = arith.cmpi sgt, %scan3A_188, %gt3A : i32
      %convert_element_type3A_220 = arith.extui %gt3A_219 : i1 to i32
      %cond3A_221 = arith.constant 0 : i32
      %cond3A_222 = arith.cmpi ne, %convert_element_type3A_220, %cond3A_221 : i32
      scf.if %cond3A_222 {
        %dma_wait3A_849 = arith.constant 2 : i32
        %dma_wait3A_850 = arith.constant 3 : i32
        %dma_wait3A_851 = arith.constant 0 : i32
        %dma_wait3A_852 = arith.constant 0 : i32
        %dma_wait3A_853 = arith.constant 0 : i32
        %dma_wait3A_854 = tpu.memref_slice %arg15[%dma_wait3A_849, %dma_wait3A_852, %dma_wait3A_853] : memref<4x128x32xf32, #tpu.memory_space<vmem>> -> memref<1x128x32xf32, #tpu.memory_space<vmem>>
        %dma_wait3A_855 = tpu.memref_squeeze %dma_wait3A_854 : memref<1x128x32xf32, #tpu.memory_space<vmem>> -> memref<128x32xf32, #tpu.memory_space<vmem>>
        %dma_wait3A_856 = arith.constant 0 : i32
        %dma_wait3A_857 = tpu.memref_slice %arg14[%dma_wait3A_850, %dma_wait3A_851, %dma_wait3A_856] : memref<4x2x128xi32, #tpu.memory_space<vmem>> -> memref<1x1x128xi32, #tpu.memory_space<vmem>>
        %dma_wait3A_858 = tpu.memref_squeeze %dma_wait3A_857 : memref<1x1x128xi32, #tpu.memory_space<vmem>> -> memref<128xi32, #tpu.memory_space<vmem>>
        %dma_wait3A_859 = arith.constant 0 : i32
        %dma_wait3A_860 = arith.constant 0 : i32
        %dma_wait3A_861 = tpu.memref_slice %arg11[%dma_wait3A_859, %dma_wait3A_860] : memref<50176x32xf32, #tpu.memory_space<vmem_shared>> -> memref<50176x32xf32, #tpu.memory_space<vmem_shared>>
        tpu.wait_indirect_dma semaphore(%arg20 : memref<!tpu.dma_semaphore, #tpu.memory_space<semaphore_mem>>) src(%dma_wait3A_855 : memref<128x32xf32, #tpu.memory_space<vmem>>) dst(%dma_wait3A_861 : memref<50176x32xf32, #tpu.memory_space<vmem_shared>>)
        %dma_wait3A_862 = arith.constant 3 : i32
        %dma_wait3A_863 = arith.constant 0 : i32
        %dma_wait3A_864 = arith.constant 0 : i32
        %dma_wait3A_865 = tpu.memref_slice %arg14[%dma_wait3A_862, %dma_wait3A_863, %dma_wait3A_864] : memref<4x2x128xi32, #tpu.memory_space<vmem>> -> memref<1x1x128xi32, #tpu.memory_space<vmem>>
        %dma_wait3A_866 = tpu.memref_squeeze %dma_wait3A_865 : memref<1x1x128xi32, #tpu.memory_space<vmem>> -> memref<128xi32, #tpu.memory_space<vmem>>
        %dma_wait3A_867 = arith.constant 0 : i32
        %dma_wait3A_868 = tpu.memref_slice %arg12[%dma_wait3A_867] : memref<50176xf32, #tpu.memory_space<vmem_shared>> -> memref<50176xf32, #tpu.memory_space<vmem_shared>>
        tpu.wait_indirect_dma semaphore(%arg20 : memref<!tpu.dma_semaphore, #tpu.memory_space<semaphore_mem>>) src(%arg16 : memref<128xf32, #tpu.memory_space<vmem>>) dst(%dma_wait3A_868 : memref<50176xf32, #tpu.memory_space<vmem_shared>>)
        %dma_wait3A_869 = arith.constant 3 : i32
        %dma_wait3A_870 = arith.constant 3 : i32
        %dma_wait3A_871 = arith.constant 1 : i32
        %dma_wait3A_872 = arith.constant 0 : i32
        %dma_wait3A_873 = arith.constant 0 : i32
        %dma_wait3A_874 = tpu.memref_slice %arg15[%dma_wait3A_869, %dma_wait3A_872, %dma_wait3A_873] : memref<4x128x32xf32, #tpu.memory_space<vmem>> -> memref<1x128x32xf32, #tpu.memory_space<vmem>>
        %dma_wait3A_875 = tpu.memref_squeeze %dma_wait3A_874 : memref<1x128x32xf32, #tpu.memory_space<vmem>> -> memref<128x32xf32, #tpu.memory_space<vmem>>
        %dma_wait3A_876 = arith.constant 0 : i32
        %dma_wait3A_877 = tpu.memref_slice %arg14[%dma_wait3A_870, %dma_wait3A_871, %dma_wait3A_876] : memref<4x2x128xi32, #tpu.memory_space<vmem>> -> memref<1x1x128xi32, #tpu.memory_space<vmem>>
        %dma_wait3A_878 = tpu.memref_squeeze %dma_wait3A_877 : memref<1x1x128xi32, #tpu.memory_space<vmem>> -> memref<128xi32, #tpu.memory_space<vmem>>
        %dma_wait3A_879 = arith.constant 0 : i32
        %dma_wait3A_880 = arith.constant 0 : i32
        %dma_wait3A_881 = tpu.memref_slice %arg11[%dma_wait3A_879, %dma_wait3A_880] : memref<50176x32xf32, #tpu.memory_space<vmem_shared>> -> memref<50176x32xf32, #tpu.memory_space<vmem_shared>>
        tpu.wait_indirect_dma semaphore(%arg20 : memref<!tpu.dma_semaphore, #tpu.memory_space<semaphore_mem>>) src(%dma_wait3A_875 : memref<128x32xf32, #tpu.memory_space<vmem>>) dst(%dma_wait3A_881 : memref<50176x32xf32, #tpu.memory_space<vmem_shared>>)
        %dma_wait3A_882 = arith.constant 3 : i32
        %dma_wait3A_883 = arith.constant 1 : i32
        %dma_wait3A_884 = arith.constant 0 : i32
        %dma_wait3A_885 = tpu.memref_slice %arg14[%dma_wait3A_882, %dma_wait3A_883, %dma_wait3A_884] : memref<4x2x128xi32, #tpu.memory_space<vmem>> -> memref<1x1x128xi32, #tpu.memory_space<vmem>>
        %dma_wait3A_886 = tpu.memref_squeeze %dma_wait3A_885 : memref<1x1x128xi32, #tpu.memory_space<vmem>> -> memref<128xi32, #tpu.memory_space<vmem>>
        %dma_wait3A_887 = arith.constant 0 : i32
        %dma_wait3A_888 = tpu.memref_slice %arg12[%dma_wait3A_887] : memref<50176xf32, #tpu.memory_space<vmem_shared>> -> memref<50176xf32, #tpu.memory_space<vmem_shared>>
        tpu.wait_indirect_dma semaphore(%arg20 : memref<!tpu.dma_semaphore, #tpu.memory_space<semaphore_mem>>) src(%arg16 : memref<128xf32, #tpu.memory_space<vmem>>) dst(%dma_wait3A_888 : memref<50176xf32, #tpu.memory_space<vmem_shared>>)
      } else {
      }
      %add3A_223 = arith.constant 2 : i32
      %add3A_224 = arith.addi %add3A_192, %add3A_223 : i32
      %mul3A_225 = arith.constant 2 : i32
      %mul3A_226 = arith.muli %add3A_224, %mul3A_225 : i32
      %dma_start3A_227 = arith.constant 2 : i32
      %dma_start3A_228 = arith.constant 0 : i32
      %dma_start3A_229 = arith.constant 0 : i32
      %dma_start3A_230 = tpu.memref_slice %arg13[%dma_start3A_227, %dma_start3A_228, %dma_start3A_229] : memref<4x2x128xi32, #tpu.memory_space<vmem>> -> memref<1x2x128xi32, #tpu.memory_space<vmem>>
      %dma_start3A_231 = tpu.memref_squeeze %dma_start3A_230 : memref<1x2x128xi32, #tpu.memory_space<vmem>> -> memref<2x128xi32, #tpu.memory_space<vmem>>
      %dma_start3A_232 = arith.constant 0 : i32
      %dma_start3A_233 = tpu.memref_slice %arg3[%add3A, %mul3A_226, %dma_start3A_232] : memref<32x200x128xi32, #tpu.memory_space<hbm>> -> memref<1x2x128xi32, #tpu.memory_space<hbm>>
      %dma_start3A_234 = tpu.memref_squeeze %dma_start3A_233 : memref<1x2x128xi32, #tpu.memory_space<hbm>> -> memref<2x128xi32, #tpu.memory_space<hbm>>
      %dma_start3A_235 = arith.constant 0 : i32
      %dma_start3A_236 = arith.constant 0 : i32
      %dma_start3A_237 = tpu.memref_slice %arg13[%dma_start3A_227, %dma_start3A_235, %dma_start3A_236] : memref<4x2x128xi32, #tpu.memory_space<vmem>> -> memref<1x2x128xi32, #tpu.memory_space<vmem>>
      %dma_start3A_238 = tpu.memref_squeeze %dma_start3A_237 : memref<1x2x128xi32, #tpu.memory_space<vmem>> -> memref<2x128xi32, #tpu.memory_space<vmem>>
      %dma_start3A_239 = arith.constant 0 : i32
      %dma_start3A_240 = tpu.memref_slice %arg3[%add3A, %mul3A_226, %dma_start3A_239] : memref<32x200x128xi32, #tpu.memory_space<hbm>> -> memref<1x2x128xi32, #tpu.memory_space<hbm>>
      %dma_start3A_241 = tpu.memref_squeeze %dma_start3A_240 : memref<1x2x128xi32, #tpu.memory_space<hbm>> -> memref<2x128xi32, #tpu.memory_space<hbm>>
      tpu.enqueue_dma source(%dma_start3A_241 : memref<2x128xi32, #tpu.memory_space<hbm>>) target(%dma_start3A_238 : memref<2x128xi32, #tpu.memory_space<vmem>>) target_semaphore(%arg23 : memref<!tpu.dma_semaphore, #tpu.memory_space<semaphore_mem>>)
      %dma_start3A_242 = arith.constant 2 : i32
      %dma_start3A_243 = arith.constant 0 : i32
      %dma_start3A_244 = arith.constant 0 : i32
      %dma_start3A_245 = tpu.memref_slice %arg14[%dma_start3A_242, %dma_start3A_243, %dma_start3A_244] : memref<4x2x128xi32, #tpu.memory_space<vmem>> -> memref<1x2x128xi32, #tpu.memory_space<vmem>>
      %dma_start3A_246 = tpu.memref_squeeze %dma_start3A_245 : memref<1x2x128xi32, #tpu.memory_space<vmem>> -> memref<2x128xi32, #tpu.memory_space<vmem>>
      %dma_start3A_247 = arith.constant 0 : i32
      %dma_start3A_248 = tpu.memref_slice %arg4[%add3A, %mul3A_226, %dma_start3A_247] : memref<32x200x128xi32, #tpu.memory_space<hbm>> -> memref<1x2x128xi32, #tpu.memory_space<hbm>>
      %dma_start3A_249 = tpu.memref_squeeze %dma_start3A_248 : memref<1x2x128xi32, #tpu.memory_space<hbm>> -> memref<2x128xi32, #tpu.memory_space<hbm>>
      %dma_start3A_250 = arith.constant 0 : i32
      %dma_start3A_251 = arith.constant 0 : i32
      %dma_start3A_252 = tpu.memref_slice %arg14[%dma_start3A_242, %dma_start3A_250, %dma_start3A_251] : memref<4x2x128xi32, #tpu.memory_space<vmem>> -> memref<1x2x128xi32, #tpu.memory_space<vmem>>
      %dma_start3A_253 = tpu.memref_squeeze %dma_start3A_252 : memref<1x2x128xi32, #tpu.memory_space<vmem>> -> memref<2x128xi32, #tpu.memory_space<vmem>>
      %dma_start3A_254 = arith.constant 0 : i32
      %dma_start3A_255 = tpu.memref_slice %arg4[%add3A, %mul3A_226, %dma_start3A_254] : memref<32x200x128xi32, #tpu.memory_space<hbm>> -> memref<1x2x128xi32, #tpu.memory_space<hbm>>
      %dma_start3A_256 = tpu.memref_squeeze %dma_start3A_255 : memref<1x2x128xi32, #tpu.memory_space<hbm>> -> memref<2x128xi32, #tpu.memory_space<hbm>>
      tpu.enqueue_dma source(%dma_start3A_256 : memref<2x128xi32, #tpu.memory_space<hbm>>) target(%dma_start3A_253 : memref<2x128xi32, #tpu.memory_space<vmem>>) target_semaphore(%arg23 : memref<!tpu.dma_semaphore, #tpu.memory_space<semaphore_mem>>)
      %add3A_257 = arith.constant 1 : i32
      %add3A_258 = arith.addi %add3A_192, %add3A_257 : i32
      %mul3A_259 = arith.constant 2 : i32
      %mul3A_260 = arith.muli %add3A_258, %mul3A_259 : i32
      %dma_wait3A_261 = arith.constant 1 : i32
      %dma_wait3A_262 = arith.constant 0 : i32
      %dma_wait3A_263 = arith.constant 0 : i32
      %dma_wait3A_264 = tpu.memref_slice %arg13[%dma_wait3A_261, %dma_wait3A_262, %dma_wait3A_263] : memref<4x2x128xi32, #tpu.memory_space<vmem>> -> memref<1x2x128xi32, #tpu.memory_space<vmem>>
      %dma_wait3A_265 = tpu.memref_squeeze %dma_wait3A_264 : memref<1x2x128xi32, #tpu.memory_space<vmem>> -> memref<2x128xi32, #tpu.memory_space<vmem>>
      %dma_wait3A_266 = arith.constant 0 : i32
      %dma_wait3A_267 = tpu.memref_slice %arg3[%add3A, %mul3A_260, %dma_wait3A_266] : memref<32x200x128xi32, #tpu.memory_space<hbm>> -> memref<1x2x128xi32, #tpu.memory_space<hbm>>
      %dma_wait3A_268 = tpu.memref_squeeze %dma_wait3A_267 : memref<1x2x128xi32, #tpu.memory_space<hbm>> -> memref<2x128xi32, #tpu.memory_space<hbm>>
      %dma_wait3A_269 = arith.constant 0 : i32
      %dma_wait3A_270 = arith.constant 0 : i32
      %dma_wait3A_271 = tpu.memref_slice %arg13[%dma_wait3A_261, %dma_wait3A_269, %dma_wait3A_270] : memref<4x2x128xi32, #tpu.memory_space<vmem>> -> memref<1x2x128xi32, #tpu.memory_space<vmem>>
      %dma_wait3A_272 = tpu.memref_squeeze %dma_wait3A_271 : memref<1x2x128xi32, #tpu.memory_space<vmem>> -> memref<2x128xi32, #tpu.memory_space<vmem>>
      %dma_wait3A_273 = arith.constant 0 : i32
      %dma_wait3A_274 = tpu.memref_slice %arg3[%add3A, %mul3A_260, %dma_wait3A_273] : memref<32x200x128xi32, #tpu.memory_space<hbm>> -> memref<1x2x128xi32, #tpu.memory_space<hbm>>
      %dma_wait3A_275 = tpu.memref_squeeze %dma_wait3A_274 : memref<1x2x128xi32, #tpu.memory_space<hbm>> -> memref<2x128xi32, #tpu.memory_space<hbm>>
      tpu.wait_dma2 semaphore(%arg22 : memref<!tpu.dma_semaphore, #tpu.memory_space<semaphore_mem>>) src(%dma_wait3A_275 : memref<2x128xi32, #tpu.memory_space<hbm>>) dst(%dma_wait3A_272 : memref<2x128xi32, #tpu.memory_space<vmem>>)
      %dma_wait3A_276 = arith.constant 1 : i32
      %dma_wait3A_277 = arith.constant 0 : i32
      %dma_wait3A_278 = arith.constant 0 : i32
      %dma_wait3A_279 = tpu.memref_slice %arg14[%dma_wait3A_276, %dma_wait3A_277, %dma_wait3A_278] : memref<4x2x128xi32, #tpu.memory_space<vmem>> -> memref<1x2x128xi32, #tpu.memory_space<vmem>>
      %dma_wait3A_280 = tpu.memref_squeeze %dma_wait3A_279 : memref<1x2x128xi32, #tpu.memory_space<vmem>> -> memref<2x128xi32, #tpu.memory_space<vmem>>
      %dma_wait3A_281 = arith.constant 0 : i32
      %dma_wait3A_282 = tpu.memref_slice %arg4[%add3A, %mul3A_260, %dma_wait3A_281] : memref<32x200x128xi32, #tpu.memory_space<hbm>> -> memref<1x2x128xi32, #tpu.memory_space<hbm>>
      %dma_wait3A_283 = tpu.memref_squeeze %dma_wait3A_282 : memref<1x2x128xi32, #tpu.memory_space<hbm>> -> memref<2x128xi32, #tpu.memory_space<hbm>>
      %dma_wait3A_284 = arith.constant 0 : i32
      %dma_wait3A_285 = arith.constant 0 : i32
      %dma_wait3A_286 = tpu.memref_slice %arg14[%dma_wait3A_276, %dma_wait3A_284, %dma_wait3A_285] : memref<4x2x128xi32, #tpu.memory_space<vmem>> -> memref<1x2x128xi32, #tpu.memory_space<vmem>>
      %dma_wait3A_287 = tpu.memref_squeeze %dma_wait3A_286 : memref<1x2x128xi32, #tpu.memory_space<vmem>> -> memref<2x128xi32, #tpu.memory_space<vmem>>
      %dma_wait3A_288 = arith.constant 0 : i32
      %dma_wait3A_289 = tpu.memref_slice %arg4[%add3A, %mul3A_260, %dma_wait3A_288] : memref<32x200x128xi32, #tpu.memory_space<hbm>> -> memref<1x2x128xi32, #tpu.memory_space<hbm>>
      %dma_wait3A_290 = tpu.memref_squeeze %dma_wait3A_289 : memref<1x2x128xi32, #tpu.memory_space<hbm>> -> memref<2x128xi32, #tpu.memory_space<hbm>>
      tpu.wait_dma2 semaphore(%arg22 : memref<!tpu.dma_semaphore, #tpu.memory_space<semaphore_mem>>) src(%dma_wait3A_290 : memref<2x128xi32, #tpu.memory_space<hbm>>) dst(%dma_wait3A_287 : memref<2x128xi32, #tpu.memory_space<vmem>>)
      %dma_start3A_291 = arith.constant 1 : i32
      %dma_start3A_292 = arith.constant 0 : i32
      %dma_start3A_293 = arith.constant 2 : i32
      %dma_start3A_294 = arith.constant 0 : i32
      %dma_start3A_295 = arith.constant 0 : i32
      %dma_start3A_296 = tpu.memref_slice %arg15[%dma_start3A_293, %dma_start3A_294, %dma_start3A_295] : memref<4x128x32xf32, #tpu.memory_space<vmem>> -> memref<1x128x32xf32, #tpu.memory_space<vmem>>
      %dma_start3A_297 = tpu.memref_squeeze %dma_start3A_296 : memref<1x128x32xf32, #tpu.memory_space<vmem>> -> memref<128x32xf32, #tpu.memory_space<vmem>>
      %dma_start3A_298 = arith.constant 0 : i32
      %dma_start3A_299 = tpu.memref_slice %arg13[%dma_start3A_291, %dma_start3A_292, %dma_start3A_298] : memref<4x2x128xi32, #tpu.memory_space<vmem>> -> memref<1x1x128xi32, #tpu.memory_space<vmem>>
      %dma_start3A_300 = tpu.memref_squeeze %dma_start3A_299 : memref<1x1x128xi32, #tpu.memory_space<vmem>> -> memref<128xi32, #tpu.memory_space<vmem>>
      %dma_start3A_301 = arith.constant 0 : i32
      %dma_start3A_302 = arith.constant 0 : i32
      %dma_start3A_303 = tpu.memref_slice %arg2[%dma_start3A_301, %dma_start3A_302] : memref<50176x32xf32, #tpu.memory_space<hbm>> -> memref<50176x32xf32, #tpu.memory_space<hbm>>
      tpu.enqueue_indirect_dma source(%dma_start3A_303 : memref<50176x32xf32, #tpu.memory_space<hbm>>) target(%dma_start3A_297 : memref<128x32xf32, #tpu.memory_space<vmem>>) offsets(%dma_start3A_300 : memref<128xi32, #tpu.memory_space<vmem>>) semaphore(%arg18 : memref<!tpu.dma_semaphore, #tpu.memory_space<semaphore_mem>>)
      %dma_start3A_304 = arith.constant 1 : i32
      %dma_start3A_305 = arith.constant 1 : i32
      %dma_start3A_306 = arith.constant 3 : i32
      %dma_start3A_307 = arith.constant 0 : i32
      %dma_start3A_308 = arith.constant 0 : i32
      %dma_start3A_309 = tpu.memref_slice %arg15[%dma_start3A_306, %dma_start3A_307, %dma_start3A_308] : memref<4x128x32xf32, #tpu.memory_space<vmem>> -> memref<1x128x32xf32, #tpu.memory_space<vmem>>
      %dma_start3A_310 = tpu.memref_squeeze %dma_start3A_309 : memref<1x128x32xf32, #tpu.memory_space<vmem>> -> memref<128x32xf32, #tpu.memory_space<vmem>>
      %dma_start3A_311 = arith.constant 0 : i32
      %dma_start3A_312 = tpu.memref_slice %arg13[%dma_start3A_304, %dma_start3A_305, %dma_start3A_311] : memref<4x2x128xi32, #tpu.memory_space<vmem>> -> memref<1x1x128xi32, #tpu.memory_space<vmem>>
      %dma_start3A_313 = tpu.memref_squeeze %dma_start3A_312 : memref<1x1x128xi32, #tpu.memory_space<vmem>> -> memref<128xi32, #tpu.memory_space<vmem>>
      %dma_start3A_314 = arith.constant 0 : i32
      %dma_start3A_315 = arith.constant 0 : i32
      %dma_start3A_316 = tpu.memref_slice %arg2[%dma_start3A_314, %dma_start3A_315] : memref<50176x32xf32, #tpu.memory_space<hbm>> -> memref<50176x32xf32, #tpu.memory_space<hbm>>
      tpu.enqueue_indirect_dma source(%dma_start3A_316 : memref<50176x32xf32, #tpu.memory_space<hbm>>) target(%dma_start3A_310 : memref<128x32xf32, #tpu.memory_space<vmem>>) offsets(%dma_start3A_313 : memref<128xi32, #tpu.memory_space<vmem>>) semaphore(%arg18 : memref<!tpu.dma_semaphore, #tpu.memory_space<semaphore_mem>>)
      %dma_start3A_317 = arith.constant 0 : i32
      %dma_start3A_318 = arith.constant 0 : i32
      %dma_start3A_319 = arith.constant 0 : i32
      %dma_start3A_320 = arith.constant 0 : i32
      %dma_start3A_321 = arith.constant 0 : i32
      %dma_start3A_322 = tpu.memref_slice %arg15[%dma_start3A_317, %dma_start3A_320, %dma_start3A_321] : memref<4x128x32xf32, #tpu.memory_space<vmem>> -> memref<1x128x32xf32, #tpu.memory_space<vmem>>
      %dma_start3A_323 = tpu.memref_squeeze %dma_start3A_322 : memref<1x128x32xf32, #tpu.memory_space<vmem>> -> memref<128x32xf32, #tpu.memory_space<vmem>>
      %dma_start3A_324 = arith.constant 0 : i32
      %dma_start3A_325 = tpu.memref_slice %arg14[%dma_start3A_318, %dma_start3A_319, %dma_start3A_324] : memref<4x2x128xi32, #tpu.memory_space<vmem>> -> memref<1x1x128xi32, #tpu.memory_space<vmem>>
      %dma_start3A_326 = tpu.memref_squeeze %dma_start3A_325 : memref<1x1x128xi32, #tpu.memory_space<vmem>> -> memref<128xi32, #tpu.memory_space<vmem>>
      %dma_start3A_327 = arith.constant 0 : i32
      %dma_start3A_328 = arith.constant 0 : i32
      %dma_start3A_329 = tpu.memref_slice %arg11[%dma_start3A_327, %dma_start3A_328] : memref<50176x32xf32, #tpu.memory_space<vmem_shared>> -> memref<50176x32xf32, #tpu.memory_space<vmem_shared>>
      tpu.enqueue_indirect_dma source(%dma_start3A_323 : memref<128x32xf32, #tpu.memory_space<vmem>>) target(%dma_start3A_329 : memref<50176x32xf32, #tpu.memory_space<vmem_shared>>) offsets(%dma_start3A_326 : memref<128xi32, #tpu.memory_space<vmem>>) semaphore(%arg19 : memref<!tpu.dma_semaphore, #tpu.memory_space<semaphore_mem>>) {add = true}
      %dma_start3A_330 = arith.constant 0 : i32
      %dma_start3A_331 = arith.constant 0 : i32
      %dma_start3A_332 = arith.constant 0 : i32
      %dma_start3A_333 = tpu.memref_slice %arg14[%dma_start3A_330, %dma_start3A_331, %dma_start3A_332] : memref<4x2x128xi32, #tpu.memory_space<vmem>> -> memref<1x1x128xi32, #tpu.memory_space<vmem>>
      %dma_start3A_334 = tpu.memref_squeeze %dma_start3A_333 : memref<1x1x128xi32, #tpu.memory_space<vmem>> -> memref<128xi32, #tpu.memory_space<vmem>>
      %dma_start3A_335 = arith.constant 0 : i32
      %dma_start3A_336 = tpu.memref_slice %arg12[%dma_start3A_335] : memref<50176xf32, #tpu.memory_space<vmem_shared>> -> memref<50176xf32, #tpu.memory_space<vmem_shared>>
      tpu.enqueue_indirect_dma source(%arg16 : memref<128xf32, #tpu.memory_space<vmem>>) target(%dma_start3A_336 : memref<50176xf32, #tpu.memory_space<vmem_shared>>) offsets(%dma_start3A_334 : memref<128xi32, #tpu.memory_space<vmem>>) semaphore(%arg19 : memref<!tpu.dma_semaphore, #tpu.memory_space<semaphore_mem>>) {add = true}
      %dma_start3A_337 = arith.constant 1 : i32
      %dma_start3A_338 = arith.constant 0 : i32
      %dma_start3A_339 = arith.constant 1 : i32
      %dma_start3A_340 = arith.constant 0 : i32
      %dma_start3A_341 = arith.constant 0 : i32
      %dma_start3A_342 = tpu.memref_slice %arg15[%dma_start3A_337, %dma_start3A_340, %dma_start3A_341] : memref<4x128x32xf32, #tpu.memory_space<vmem>> -> memref<1x128x32xf32, #tpu.memory_space<vmem>>
      %dma_start3A_343 = tpu.memref_squeeze %dma_start3A_342 : memref<1x128x32xf32, #tpu.memory_space<vmem>> -> memref<128x32xf32, #tpu.memory_space<vmem>>
      %dma_start3A_344 = arith.constant 0 : i32
      %dma_start3A_345 = tpu.memref_slice %arg14[%dma_start3A_338, %dma_start3A_339, %dma_start3A_344] : memref<4x2x128xi32, #tpu.memory_space<vmem>> -> memref<1x1x128xi32, #tpu.memory_space<vmem>>
      %dma_start3A_346 = tpu.memref_squeeze %dma_start3A_345 : memref<1x1x128xi32, #tpu.memory_space<vmem>> -> memref<128xi32, #tpu.memory_space<vmem>>
      %dma_start3A_347 = arith.constant 0 : i32
      %dma_start3A_348 = arith.constant 0 : i32
      %dma_start3A_349 = tpu.memref_slice %arg11[%dma_start3A_347, %dma_start3A_348] : memref<50176x32xf32, #tpu.memory_space<vmem_shared>> -> memref<50176x32xf32, #tpu.memory_space<vmem_shared>>
      tpu.enqueue_indirect_dma source(%dma_start3A_343 : memref<128x32xf32, #tpu.memory_space<vmem>>) target(%dma_start3A_349 : memref<50176x32xf32, #tpu.memory_space<vmem_shared>>) offsets(%dma_start3A_346 : memref<128xi32, #tpu.memory_space<vmem>>) semaphore(%arg19 : memref<!tpu.dma_semaphore, #tpu.memory_space<semaphore_mem>>) {add = true}
      %dma_start3A_350 = arith.constant 0 : i32
      %dma_start3A_351 = arith.constant 1 : i32
      %dma_start3A_352 = arith.constant 0 : i32
      %dma_start3A_353 = tpu.memref_slice %arg14[%dma_start3A_350, %dma_start3A_351, %dma_start3A_352] : memref<4x2x128xi32, #tpu.memory_space<vmem>> -> memref<1x1x128xi32, #tpu.memory_space<vmem>>
      %dma_start3A_354 = tpu.memref_squeeze %dma_start3A_353 : memref<1x1x128xi32, #tpu.memory_space<vmem>> -> memref<128xi32, #tpu.memory_space<vmem>>
      %dma_start3A_355 = arith.constant 0 : i32
      %dma_start3A_356 = tpu.memref_slice %arg12[%dma_start3A_355] : memref<50176xf32, #tpu.memory_space<vmem_shared>> -> memref<50176xf32, #tpu.memory_space<vmem_shared>>
      tpu.enqueue_indirect_dma source(%arg16 : memref<128xf32, #tpu.memory_space<vmem>>) target(%dma_start3A_356 : memref<50176xf32, #tpu.memory_space<vmem_shared>>) offsets(%dma_start3A_354 : memref<128xi32, #tpu.memory_space<vmem>>) semaphore(%arg19 : memref<!tpu.dma_semaphore, #tpu.memory_space<semaphore_mem>>) {add = true}
      %add3A_357 = arith.constant 1 : i32
      %add3A_358 = arith.addi %mul3A_190, %add3A_357 : i32
      %dma_wait3A_359 = arith.constant 1 : i32
      %dma_wait3A_360 = arith.constant 0 : i32
      %dma_wait3A_361 = arith.constant 2 : i32
      %dma_wait3A_362 = arith.constant 0 : i32
      %dma_wait3A_363 = arith.constant 0 : i32
      %dma_wait3A_364 = tpu.memref_slice %arg15[%dma_wait3A_361, %dma_wait3A_362, %dma_wait3A_363] : memref<4x128x32xf32, #tpu.memory_space<vmem>> -> memref<1x128x32xf32, #tpu.memory_space<vmem>>
      %dma_wait3A_365 = tpu.memref_squeeze %dma_wait3A_364 : memref<1x128x32xf32, #tpu.memory_space<vmem>> -> memref<128x32xf32, #tpu.memory_space<vmem>>
      %dma_wait3A_366 = arith.constant 0 : i32
      %dma_wait3A_367 = tpu.memref_slice %arg13[%dma_wait3A_359, %dma_wait3A_360, %dma_wait3A_366] : memref<4x2x128xi32, #tpu.memory_space<vmem>> -> memref<1x1x128xi32, #tpu.memory_space<vmem>>
      %dma_wait3A_368 = tpu.memref_squeeze %dma_wait3A_367 : memref<1x1x128xi32, #tpu.memory_space<vmem>> -> memref<128xi32, #tpu.memory_space<vmem>>
      %dma_wait3A_369 = arith.constant 0 : i32
      %dma_wait3A_370 = arith.constant 0 : i32
      %dma_wait3A_371 = tpu.memref_slice %arg2[%dma_wait3A_369, %dma_wait3A_370] : memref<50176x32xf32, #tpu.memory_space<hbm>> -> memref<50176x32xf32, #tpu.memory_space<hbm>>
      tpu.wait_indirect_dma semaphore(%arg18 : memref<!tpu.dma_semaphore, #tpu.memory_space<semaphore_mem>>) src(%dma_wait3A_371 : memref<50176x32xf32, #tpu.memory_space<hbm>>) dst(%dma_wait3A_365 : memref<128x32xf32, #tpu.memory_space<vmem>>)
      %dma_wait3A_372 = arith.constant 1 : i32
      %dma_wait3A_373 = arith.constant 1 : i32
      %dma_wait3A_374 = arith.constant 3 : i32
      %dma_wait3A_375 = arith.constant 0 : i32
      %dma_wait3A_376 = arith.constant 0 : i32
      %dma_wait3A_377 = tpu.memref_slice %arg15[%dma_wait3A_374, %dma_wait3A_375, %dma_wait3A_376] : memref<4x128x32xf32, #tpu.memory_space<vmem>> -> memref<1x128x32xf32, #tpu.memory_space<vmem>>
      %dma_wait3A_378 = tpu.memref_squeeze %dma_wait3A_377 : memref<1x128x32xf32, #tpu.memory_space<vmem>> -> memref<128x32xf32, #tpu.memory_space<vmem>>
      %dma_wait3A_379 = arith.constant 0 : i32
      %dma_wait3A_380 = tpu.memref_slice %arg13[%dma_wait3A_372, %dma_wait3A_373, %dma_wait3A_379] : memref<4x2x128xi32, #tpu.memory_space<vmem>> -> memref<1x1x128xi32, #tpu.memory_space<vmem>>
      %dma_wait3A_381 = tpu.memref_squeeze %dma_wait3A_380 : memref<1x1x128xi32, #tpu.memory_space<vmem>> -> memref<128xi32, #tpu.memory_space<vmem>>
      %dma_wait3A_382 = arith.constant 0 : i32
      %dma_wait3A_383 = arith.constant 0 : i32
      %dma_wait3A_384 = tpu.memref_slice %arg2[%dma_wait3A_382, %dma_wait3A_383] : memref<50176x32xf32, #tpu.memory_space<hbm>> -> memref<50176x32xf32, #tpu.memory_space<hbm>>
      tpu.wait_indirect_dma semaphore(%arg18 : memref<!tpu.dma_semaphore, #tpu.memory_space<semaphore_mem>>) src(%dma_wait3A_384 : memref<50176x32xf32, #tpu.memory_space<hbm>>) dst(%dma_wait3A_378 : memref<128x32xf32, #tpu.memory_space<vmem>>)
      %dma_wait3A_385 = arith.constant 0 : i32
      %dma_wait3A_386 = arith.constant 0 : i32
      %dma_wait3A_387 = arith.constant 0 : i32
      %dma_wait3A_388 = arith.constant 0 : i32
      %dma_wait3A_389 = arith.constant 0 : i32
      %dma_wait3A_390 = tpu.memref_slice %arg15[%dma_wait3A_385, %dma_wait3A_388, %dma_wait3A_389] : memref<4x128x32xf32, #tpu.memory_space<vmem>> -> memref<1x128x32xf32, #tpu.memory_space<vmem>>
      %dma_wait3A_391 = tpu.memref_squeeze %dma_wait3A_390 : memref<1x128x32xf32, #tpu.memory_space<vmem>> -> memref<128x32xf32, #tpu.memory_space<vmem>>
      %dma_wait3A_392 = arith.constant 0 : i32
      %dma_wait3A_393 = tpu.memref_slice %arg14[%dma_wait3A_386, %dma_wait3A_387, %dma_wait3A_392] : memref<4x2x128xi32, #tpu.memory_space<vmem>> -> memref<1x1x128xi32, #tpu.memory_space<vmem>>
      %dma_wait3A_394 = tpu.memref_squeeze %dma_wait3A_393 : memref<1x1x128xi32, #tpu.memory_space<vmem>> -> memref<128xi32, #tpu.memory_space<vmem>>
      %dma_wait3A_395 = arith.constant 0 : i32
      %dma_wait3A_396 = arith.constant 0 : i32
      %dma_wait3A_397 = tpu.memref_slice %arg11[%dma_wait3A_395, %dma_wait3A_396] : memref<50176x32xf32, #tpu.memory_space<vmem_shared>> -> memref<50176x32xf32, #tpu.memory_space<vmem_shared>>
      tpu.wait_indirect_dma semaphore(%arg19 : memref<!tpu.dma_semaphore, #tpu.memory_space<semaphore_mem>>) src(%dma_wait3A_391 : memref<128x32xf32, #tpu.memory_space<vmem>>) dst(%dma_wait3A_397 : memref<50176x32xf32, #tpu.memory_space<vmem_shared>>)
      %dma_wait3A_398 = arith.constant 0 : i32
      %dma_wait3A_399 = arith.constant 0 : i32
      %dma_wait3A_400 = arith.constant 0 : i32
      %dma_wait3A_401 = tpu.memref_slice %arg14[%dma_wait3A_398, %dma_wait3A_399, %dma_wait3A_400] : memref<4x2x128xi32, #tpu.memory_space<vmem>> -> memref<1x1x128xi32, #tpu.memory_space<vmem>>
      %dma_wait3A_402 = tpu.memref_squeeze %dma_wait3A_401 : memref<1x1x128xi32, #tpu.memory_space<vmem>> -> memref<128xi32, #tpu.memory_space<vmem>>
      %dma_wait3A_403 = arith.constant 0 : i32
      %dma_wait3A_404 = tpu.memref_slice %arg12[%dma_wait3A_403] : memref<50176xf32, #tpu.memory_space<vmem_shared>> -> memref<50176xf32, #tpu.memory_space<vmem_shared>>
      tpu.wait_indirect_dma semaphore(%arg19 : memref<!tpu.dma_semaphore, #tpu.memory_space<semaphore_mem>>) src(%arg16 : memref<128xf32, #tpu.memory_space<vmem>>) dst(%dma_wait3A_404 : memref<50176xf32, #tpu.memory_space<vmem_shared>>)
      %dma_wait3A_405 = arith.constant 1 : i32
      %dma_wait3A_406 = arith.constant 0 : i32
      %dma_wait3A_407 = arith.constant 1 : i32
      %dma_wait3A_408 = arith.constant 0 : i32
      %dma_wait3A_409 = arith.constant 0 : i32
      %dma_wait3A_410 = tpu.memref_slice %arg15[%dma_wait3A_405, %dma_wait3A_408, %dma_wait3A_409] : memref<4x128x32xf32, #tpu.memory_space<vmem>> -> memref<1x128x32xf32, #tpu.memory_space<vmem>>
      %dma_wait3A_411 = tpu.memref_squeeze %dma_wait3A_410 : memref<1x128x32xf32, #tpu.memory_space<vmem>> -> memref<128x32xf32, #tpu.memory_space<vmem>>
      %dma_wait3A_412 = arith.constant 0 : i32
      %dma_wait3A_413 = tpu.memref_slice %arg14[%dma_wait3A_406, %dma_wait3A_407, %dma_wait3A_412] : memref<4x2x128xi32, #tpu.memory_space<vmem>> -> memref<1x1x128xi32, #tpu.memory_space<vmem>>
      %dma_wait3A_414 = tpu.memref_squeeze %dma_wait3A_413 : memref<1x1x128xi32, #tpu.memory_space<vmem>> -> memref<128xi32, #tpu.memory_space<vmem>>
      %dma_wait3A_415 = arith.constant 0 : i32
      %dma_wait3A_416 = arith.constant 0 : i32
      %dma_wait3A_417 = tpu.memref_slice %arg11[%dma_wait3A_415, %dma_wait3A_416] : memref<50176x32xf32, #tpu.memory_space<vmem_shared>> -> memref<50176x32xf32, #tpu.memory_space<vmem_shared>>
      tpu.wait_indirect_dma semaphore(%arg19 : memref<!tpu.dma_semaphore, #tpu.memory_space<semaphore_mem>>) src(%dma_wait3A_411 : memref<128x32xf32, #tpu.memory_space<vmem>>) dst(%dma_wait3A_417 : memref<50176x32xf32, #tpu.memory_space<vmem_shared>>)
      %dma_wait3A_418 = arith.constant 0 : i32
      %dma_wait3A_419 = arith.constant 1 : i32
      %dma_wait3A_420 = arith.constant 0 : i32
      %dma_wait3A_421 = tpu.memref_slice %arg14[%dma_wait3A_418, %dma_wait3A_419, %dma_wait3A_420] : memref<4x2x128xi32, #tpu.memory_space<vmem>> -> memref<1x1x128xi32, #tpu.memory_space<vmem>>
      %dma_wait3A_422 = tpu.memref_squeeze %dma_wait3A_421 : memref<1x1x128xi32, #tpu.memory_space<vmem>> -> memref<128xi32, #tpu.memory_space<vmem>>
      %dma_wait3A_423 = arith.constant 0 : i32
      %dma_wait3A_424 = tpu.memref_slice %arg12[%dma_wait3A_423] : memref<50176xf32, #tpu.memory_space<vmem_shared>> -> memref<50176xf32, #tpu.memory_space<vmem_shared>>
      tpu.wait_indirect_dma semaphore(%arg19 : memref<!tpu.dma_semaphore, #tpu.memory_space<semaphore_mem>>) src(%arg16 : memref<128xf32, #tpu.memory_space<vmem>>) dst(%dma_wait3A_424 : memref<50176xf32, #tpu.memory_space<vmem_shared>>)
      %add3A_425 = arith.constant 2 : i32
      %add3A_426 = arith.addi %add3A_358, %add3A_425 : i32
      %mul3A_427 = arith.constant 2 : i32
      %mul3A_428 = arith.muli %add3A_426, %mul3A_427 : i32
      %dma_start3A_429 = arith.constant 3 : i32
      %dma_start3A_430 = arith.constant 0 : i32
      %dma_start3A_431 = arith.constant 0 : i32
      %dma_start3A_432 = tpu.memref_slice %arg13[%dma_start3A_429, %dma_start3A_430, %dma_start3A_431] : memref<4x2x128xi32, #tpu.memory_space<vmem>> -> memref<1x2x128xi32, #tpu.memory_space<vmem>>
      %dma_start3A_433 = tpu.memref_squeeze %dma_start3A_432 : memref<1x2x128xi32, #tpu.memory_space<vmem>> -> memref<2x128xi32, #tpu.memory_space<vmem>>
      %dma_start3A_434 = arith.constant 0 : i32
      %dma_start3A_435 = tpu.memref_slice %arg3[%add3A, %mul3A_428, %dma_start3A_434] : memref<32x200x128xi32, #tpu.memory_space<hbm>> -> memref<1x2x128xi32, #tpu.memory_space<hbm>>
      %dma_start3A_436 = tpu.memref_squeeze %dma_start3A_435 : memref<1x2x128xi32, #tpu.memory_space<hbm>> -> memref<2x128xi32, #tpu.memory_space<hbm>>
      %dma_start3A_437 = arith.constant 0 : i32
      %dma_start3A_438 = arith.constant 0 : i32
      %dma_start3A_439 = tpu.memref_slice %arg13[%dma_start3A_429, %dma_start3A_437, %dma_start3A_438] : memref<4x2x128xi32, #tpu.memory_space<vmem>> -> memref<1x2x128xi32, #tpu.memory_space<vmem>>
      %dma_start3A_440 = tpu.memref_squeeze %dma_start3A_439 : memref<1x2x128xi32, #tpu.memory_space<vmem>> -> memref<2x128xi32, #tpu.memory_space<vmem>>
      %dma_start3A_441 = arith.constant 0 : i32
      %dma_start3A_442 = tpu.memref_slice %arg3[%add3A, %mul3A_428, %dma_start3A_441] : memref<32x200x128xi32, #tpu.memory_space<hbm>> -> memref<1x2x128xi32, #tpu.memory_space<hbm>>
      %dma_start3A_443 = tpu.memref_squeeze %dma_start3A_442 : memref<1x2x128xi32, #tpu.memory_space<hbm>> -> memref<2x128xi32, #tpu.memory_space<hbm>>
      tpu.enqueue_dma source(%dma_start3A_443 : memref<2x128xi32, #tpu.memory_space<hbm>>) target(%dma_start3A_440 : memref<2x128xi32, #tpu.memory_space<vmem>>) target_semaphore(%arg24 : memref<!tpu.dma_semaphore, #tpu.memory_space<semaphore_mem>>)
      %dma_start3A_444 = arith.constant 3 : i32
      %dma_start3A_445 = arith.constant 0 : i32
      %dma_start3A_446 = arith.constant 0 : i32
      %dma_start3A_447 = tpu.memref_slice %arg14[%dma_start3A_444, %dma_start3A_445, %dma_start3A_446] : memref<4x2x128xi32, #tpu.memory_space<vmem>> -> memref<1x2x128xi32, #tpu.memory_space<vmem>>
      %dma_start3A_448 = tpu.memref_squeeze %dma_start3A_447 : memref<1x2x128xi32, #tpu.memory_space<vmem>> -> memref<2x128xi32, #tpu.memory_space<vmem>>
      %dma_start3A_449 = arith.constant 0 : i32
      %dma_start3A_450 = tpu.memref_slice %arg4[%add3A, %mul3A_428, %dma_start3A_449] : memref<32x200x128xi32, #tpu.memory_space<hbm>> -> memref<1x2x128xi32, #tpu.memory_space<hbm>>
      %dma_start3A_451 = tpu.memref_squeeze %dma_start3A_450 : memref<1x2x128xi32, #tpu.memory_space<hbm>> -> memref<2x128xi32, #tpu.memory_space<hbm>>
      %dma_start3A_452 = arith.constant 0 : i32
      %dma_start3A_453 = arith.constant 0 : i32
      %dma_start3A_454 = tpu.memref_slice %arg14[%dma_start3A_444, %dma_start3A_452, %dma_start3A_453] : memref<4x2x128xi32, #tpu.memory_space<vmem>> -> memref<1x2x128xi32, #tpu.memory_space<vmem>>
      %dma_start3A_455 = tpu.memref_squeeze %dma_start3A_454 : memref<1x2x128xi32, #tpu.memory_space<vmem>> -> memref<2x128xi32, #tpu.memory_space<vmem>>
      %dma_start3A_456 = arith.constant 0 : i32
      %dma_start3A_457 = tpu.memref_slice %arg4[%add3A, %mul3A_428, %dma_start3A_456] : memref<32x200x128xi32, #tpu.memory_space<hbm>> -> memref<1x2x128xi32, #tpu.memory_space<hbm>>
      %dma_start3A_458 = tpu.memref_squeeze %dma_start3A_457 : memref<1x2x128xi32, #tpu.memory_space<hbm>> -> memref<2x128xi32, #tpu.memory_space<hbm>>
      tpu.enqueue_dma source(%dma_start3A_458 : memref<2x128xi32, #tpu.memory_space<hbm>>) target(%dma_start3A_455 : memref<2x128xi32, #tpu.memory_space<vmem>>) target_semaphore(%arg24 : memref<!tpu.dma_semaphore, #tpu.memory_space<semaphore_mem>>)
      %add3A_459 = arith.constant 1 : i32
      %add3A_460 = arith.addi %add3A_358, %add3A_459 : i32
      %mul3A_461 = arith.constant 2 : i32
      %mul3A_462 = arith.muli %add3A_460, %mul3A_461 : i32
      %dma_wait3A_463 = arith.constant 2 : i32
      %dma_wait3A_464 = arith.constant 0 : i32
      %dma_wait3A_465 = arith.constant 0 : i32
      %dma_wait3A_466 = tpu.memref_slice %arg13[%dma_wait3A_463, %dma_wait3A_464, %dma_wait3A_465] : memref<4x2x128xi32, #tpu.memory_space<vmem>> -> memref<1x2x128xi32, #tpu.memory_space<vmem>>
      %dma_wait3A_467 = tpu.memref_squeeze %dma_wait3A_466 : memref<1x2x128xi32, #tpu.memory_space<vmem>> -> memref<2x128xi32, #tpu.memory_space<vmem>>
      %dma_wait3A_468 = arith.constant 0 : i32
      %dma_wait3A_469 = tpu.memref_slice %arg3[%add3A, %mul3A_462, %dma_wait3A_468] : memref<32x200x128xi32, #tpu.memory_space<hbm>> -> memref<1x2x128xi32, #tpu.memory_space<hbm>>
      %dma_wait3A_470 = tpu.memref_squeeze %dma_wait3A_469 : memref<1x2x128xi32, #tpu.memory_space<hbm>> -> memref<2x128xi32, #tpu.memory_space<hbm>>
      %dma_wait3A_471 = arith.constant 0 : i32
      %dma_wait3A_472 = arith.constant 0 : i32
      %dma_wait3A_473 = tpu.memref_slice %arg13[%dma_wait3A_463, %dma_wait3A_471, %dma_wait3A_472] : memref<4x2x128xi32, #tpu.memory_space<vmem>> -> memref<1x2x128xi32, #tpu.memory_space<vmem>>
      %dma_wait3A_474 = tpu.memref_squeeze %dma_wait3A_473 : memref<1x2x128xi32, #tpu.memory_space<vmem>> -> memref<2x128xi32, #tpu.memory_space<vmem>>
      %dma_wait3A_475 = arith.constant 0 : i32
      %dma_wait3A_476 = tpu.memref_slice %arg3[%add3A, %mul3A_462, %dma_wait3A_475] : memref<32x200x128xi32, #tpu.memory_space<hbm>> -> memref<1x2x128xi32, #tpu.memory_space<hbm>>
      %dma_wait3A_477 = tpu.memref_squeeze %dma_wait3A_476 : memref<1x2x128xi32, #tpu.memory_space<hbm>> -> memref<2x128xi32, #tpu.memory_space<hbm>>
      tpu.wait_dma2 semaphore(%arg23 : memref<!tpu.dma_semaphore, #tpu.memory_space<semaphore_mem>>) src(%dma_wait3A_477 : memref<2x128xi32, #tpu.memory_space<hbm>>) dst(%dma_wait3A_474 : memref<2x128xi32, #tpu.memory_space<vmem>>)
      %dma_wait3A_478 = arith.constant 2 : i32
      %dma_wait3A_479 = arith.constant 0 : i32
      %dma_wait3A_480 = arith.constant 0 : i32
      %dma_wait3A_481 = tpu.memref_slice %arg14[%dma_wait3A_478, %dma_wait3A_479, %dma_wait3A_480] : memref<4x2x128xi32, #tpu.memory_space<vmem>> -> memref<1x2x128xi32, #tpu.memory_space<vmem>>
      %dma_wait3A_482 = tpu.memref_squeeze %dma_wait3A_481 : memref<1x2x128xi32, #tpu.memory_space<vmem>> -> memref<2x128xi32, #tpu.memory_space<vmem>>
      %dma_wait3A_483 = arith.constant 0 : i32
      %dma_wait3A_484 = tpu.memref_slice %arg4[%add3A, %mul3A_462, %dma_wait3A_483] : memref<32x200x128xi32, #tpu.memory_space<hbm>> -> memref<1x2x128xi32, #tpu.memory_space<hbm>>
      %dma_wait3A_485 = tpu.memref_squeeze %dma_wait3A_484 : memref<1x2x128xi32, #tpu.memory_space<hbm>> -> memref<2x128xi32, #tpu.memory_space<hbm>>
      %dma_wait3A_486 = arith.constant 0 : i32
      %dma_wait3A_487 = arith.constant 0 : i32
      %dma_wait3A_488 = tpu.memref_slice %arg14[%dma_wait3A_478, %dma_wait3A_486, %dma_wait3A_487] : memref<4x2x128xi32, #tpu.memory_space<vmem>> -> memref<1x2x128xi32, #tpu.memory_space<vmem>>
      %dma_wait3A_489 = tpu.memref_squeeze %dma_wait3A_488 : memref<1x2x128xi32, #tpu.memory_space<vmem>> -> memref<2x128xi32, #tpu.memory_space<vmem>>
      %dma_wait3A_490 = arith.constant 0 : i32
      %dma_wait3A_491 = tpu.memref_slice %arg4[%add3A, %mul3A_462, %dma_wait3A_490] : memref<32x200x128xi32, #tpu.memory_space<hbm>> -> memref<1x2x128xi32, #tpu.memory_space<hbm>>
      %dma_wait3A_492 = tpu.memref_squeeze %dma_wait3A_491 : memref<1x2x128xi32, #tpu.memory_space<hbm>> -> memref<2x128xi32, #tpu.memory_space<hbm>>
      tpu.wait_dma2 semaphore(%arg23 : memref<!tpu.dma_semaphore, #tpu.memory_space<semaphore_mem>>) src(%dma_wait3A_492 : memref<2x128xi32, #tpu.memory_space<hbm>>) dst(%dma_wait3A_489 : memref<2x128xi32, #tpu.memory_space<vmem>>)
      %dma_start3A_493 = arith.constant 2 : i32
      %dma_start3A_494 = arith.constant 0 : i32
      %dma_start3A_495 = arith.constant 0 : i32
      %dma_start3A_496 = arith.constant 0 : i32
      %dma_start3A_497 = arith.constant 0 : i32
      %dma_start3A_498 = tpu.memref_slice %arg15[%dma_start3A_495, %dma_start3A_496, %dma_start3A_497] : memref<4x128x32xf32, #tpu.memory_space<vmem>> -> memref<1x128x32xf32, #tpu.memory_space<vmem>>
      %dma_start3A_499 = tpu.memref_squeeze %dma_start3A_498 : memref<1x128x32xf32, #tpu.memory_space<vmem>> -> memref<128x32xf32, #tpu.memory_space<vmem>>
      %dma_start3A_500 = arith.constant 0 : i32
      %dma_start3A_501 = tpu.memref_slice %arg13[%dma_start3A_493, %dma_start3A_494, %dma_start3A_500] : memref<4x2x128xi32, #tpu.memory_space<vmem>> -> memref<1x1x128xi32, #tpu.memory_space<vmem>>
      %dma_start3A_502 = tpu.memref_squeeze %dma_start3A_501 : memref<1x1x128xi32, #tpu.memory_space<vmem>> -> memref<128xi32, #tpu.memory_space<vmem>>
      %dma_start3A_503 = arith.constant 0 : i32
      %dma_start3A_504 = arith.constant 0 : i32
      %dma_start3A_505 = tpu.memref_slice %arg2[%dma_start3A_503, %dma_start3A_504] : memref<50176x32xf32, #tpu.memory_space<hbm>> -> memref<50176x32xf32, #tpu.memory_space<hbm>>
      tpu.enqueue_indirect_dma source(%dma_start3A_505 : memref<50176x32xf32, #tpu.memory_space<hbm>>) target(%dma_start3A_499 : memref<128x32xf32, #tpu.memory_space<vmem>>) offsets(%dma_start3A_502 : memref<128xi32, #tpu.memory_space<vmem>>) semaphore(%arg17 : memref<!tpu.dma_semaphore, #tpu.memory_space<semaphore_mem>>)
      %dma_start3A_506 = arith.constant 2 : i32
      %dma_start3A_507 = arith.constant 1 : i32
      %dma_start3A_508 = arith.constant 1 : i32
      %dma_start3A_509 = arith.constant 0 : i32
      %dma_start3A_510 = arith.constant 0 : i32
      %dma_start3A_511 = tpu.memref_slice %arg15[%dma_start3A_508, %dma_start3A_509, %dma_start3A_510] : memref<4x128x32xf32, #tpu.memory_space<vmem>> -> memref<1x128x32xf32, #tpu.memory_space<vmem>>
      %dma_start3A_512 = tpu.memref_squeeze %dma_start3A_511 : memref<1x128x32xf32, #tpu.memory_space<vmem>> -> memref<128x32xf32, #tpu.memory_space<vmem>>
      %dma_start3A_513 = arith.constant 0 : i32
      %dma_start3A_514 = tpu.memref_slice %arg13[%dma_start3A_506, %dma_start3A_507, %dma_start3A_513] : memref<4x2x128xi32, #tpu.memory_space<vmem>> -> memref<1x1x128xi32, #tpu.memory_space<vmem>>
      %dma_start3A_515 = tpu.memref_squeeze %dma_start3A_514 : memref<1x1x128xi32, #tpu.memory_space<vmem>> -> memref<128xi32, #tpu.memory_space<vmem>>
      %dma_start3A_516 = arith.constant 0 : i32
      %dma_start3A_517 = arith.constant 0 : i32
      %dma_start3A_518 = tpu.memref_slice %arg2[%dma_start3A_516, %dma_start3A_517] : memref<50176x32xf32, #tpu.memory_space<hbm>> -> memref<50176x32xf32, #tpu.memory_space<hbm>>
      tpu.enqueue_indirect_dma source(%dma_start3A_518 : memref<50176x32xf32, #tpu.memory_space<hbm>>) target(%dma_start3A_512 : memref<128x32xf32, #tpu.memory_space<vmem>>) offsets(%dma_start3A_515 : memref<128xi32, #tpu.memory_space<vmem>>) semaphore(%arg17 : memref<!tpu.dma_semaphore, #tpu.memory_space<semaphore_mem>>)
      %dma_start3A_519 = arith.constant 2 : i32
      %dma_start3A_520 = arith.constant 1 : i32
      %dma_start3A_521 = arith.constant 0 : i32
      %dma_start3A_522 = arith.constant 0 : i32
      %dma_start3A_523 = arith.constant 0 : i32
      %dma_start3A_524 = tpu.memref_slice %arg15[%dma_start3A_519, %dma_start3A_522, %dma_start3A_523] : memref<4x128x32xf32, #tpu.memory_space<vmem>> -> memref<1x128x32xf32, #tpu.memory_space<vmem>>
      %dma_start3A_525 = tpu.memref_squeeze %dma_start3A_524 : memref<1x128x32xf32, #tpu.memory_space<vmem>> -> memref<128x32xf32, #tpu.memory_space<vmem>>
      %dma_start3A_526 = arith.constant 0 : i32
      %dma_start3A_527 = tpu.memref_slice %arg14[%dma_start3A_520, %dma_start3A_521, %dma_start3A_526] : memref<4x2x128xi32, #tpu.memory_space<vmem>> -> memref<1x1x128xi32, #tpu.memory_space<vmem>>
      %dma_start3A_528 = tpu.memref_squeeze %dma_start3A_527 : memref<1x1x128xi32, #tpu.memory_space<vmem>> -> memref<128xi32, #tpu.memory_space<vmem>>
      %dma_start3A_529 = arith.constant 0 : i32
      %dma_start3A_530 = arith.constant 0 : i32
      %dma_start3A_531 = tpu.memref_slice %arg11[%dma_start3A_529, %dma_start3A_530] : memref<50176x32xf32, #tpu.memory_space<vmem_shared>> -> memref<50176x32xf32, #tpu.memory_space<vmem_shared>>
      tpu.enqueue_indirect_dma source(%dma_start3A_525 : memref<128x32xf32, #tpu.memory_space<vmem>>) target(%dma_start3A_531 : memref<50176x32xf32, #tpu.memory_space<vmem_shared>>) offsets(%dma_start3A_528 : memref<128xi32, #tpu.memory_space<vmem>>) semaphore(%arg20 : memref<!tpu.dma_semaphore, #tpu.memory_space<semaphore_mem>>) {add = true}
      %dma_start3A_532 = arith.constant 1 : i32
      %dma_start3A_533 = arith.constant 0 : i32
      %dma_start3A_534 = arith.constant 0 : i32
      %dma_start3A_535 = tpu.memref_slice %arg14[%dma_start3A_532, %dma_start3A_533, %dma_start3A_534] : memref<4x2x128xi32, #tpu.memory_space<vmem>> -> memref<1x1x128xi32, #tpu.memory_space<vmem>>
      %dma_start3A_536 = tpu.memref_squeeze %dma_start3A_535 : memref<1x1x128xi32, #tpu.memory_space<vmem>> -> memref<128xi32, #tpu.memory_space<vmem>>
      %dma_start3A_537 = arith.constant 0 : i32
      %dma_start3A_538 = tpu.memref_slice %arg12[%dma_start3A_537] : memref<50176xf32, #tpu.memory_space<vmem_shared>> -> memref<50176xf32, #tpu.memory_space<vmem_shared>>
      tpu.enqueue_indirect_dma source(%arg16 : memref<128xf32, #tpu.memory_space<vmem>>) target(%dma_start3A_538 : memref<50176xf32, #tpu.memory_space<vmem_shared>>) offsets(%dma_start3A_536 : memref<128xi32, #tpu.memory_space<vmem>>) semaphore(%arg20 : memref<!tpu.dma_semaphore, #tpu.memory_space<semaphore_mem>>) {add = true}
      %dma_start3A_539 = arith.constant 3 : i32
      %dma_start3A_540 = arith.constant 1 : i32
      %dma_start3A_541 = arith.constant 1 : i32
      %dma_start3A_542 = arith.constant 0 : i32
      %dma_start3A_543 = arith.constant 0 : i32
      %dma_start3A_544 = tpu.memref_slice %arg15[%dma_start3A_539, %dma_start3A_542, %dma_start3A_543] : memref<4x128x32xf32, #tpu.memory_space<vmem>> -> memref<1x128x32xf32, #tpu.memory_space<vmem>>
      %dma_start3A_545 = tpu.memref_squeeze %dma_start3A_544 : memref<1x128x32xf32, #tpu.memory_space<vmem>> -> memref<128x32xf32, #tpu.memory_space<vmem>>
      %dma_start3A_546 = arith.constant 0 : i32
      %dma_start3A_547 = tpu.memref_slice %arg14[%dma_start3A_540, %dma_start3A_541, %dma_start3A_546] : memref<4x2x128xi32, #tpu.memory_space<vmem>> -> memref<1x1x128xi32, #tpu.memory_space<vmem>>
      %dma_start3A_548 = tpu.memref_squeeze %dma_start3A_547 : memref<1x1x128xi32, #tpu.memory_space<vmem>> -> memref<128xi32, #tpu.memory_space<vmem>>
      %dma_start3A_549 = arith.constant 0 : i32
      %dma_start3A_550 = arith.constant 0 : i32
      %dma_start3A_551 = tpu.memref_slice %arg11[%dma_start3A_549, %dma_start3A_550] : memref<50176x32xf32, #tpu.memory_space<vmem_shared>> -> memref<50176x32xf32, #tpu.memory_space<vmem_shared>>
      tpu.enqueue_indirect_dma source(%dma_start3A_545 : memref<128x32xf32, #tpu.memory_space<vmem>>) target(%dma_start3A_551 : memref<50176x32xf32, #tpu.memory_space<vmem_shared>>) offsets(%dma_start3A_548 : memref<128xi32, #tpu.memory_space<vmem>>) semaphore(%arg20 : memref<!tpu.dma_semaphore, #tpu.memory_space<semaphore_mem>>) {add = true}
      %dma_start3A_552 = arith.constant 1 : i32
      %dma_start3A_553 = arith.constant 1 : i32
      %dma_start3A_554 = arith.constant 0 : i32
      %dma_start3A_555 = tpu.memref_slice %arg14[%dma_start3A_552, %dma_start3A_553, %dma_start3A_554] : memref<4x2x128xi32, #tpu.memory_space<vmem>> -> memref<1x1x128xi32, #tpu.memory_space<vmem>>
      %dma_start3A_556 = tpu.memref_squeeze %dma_start3A_555 : memref<1x1x128xi32, #tpu.memory_space<vmem>> -> memref<128xi32, #tpu.memory_space<vmem>>
      %dma_start3A_557 = arith.constant 0 : i32
      %dma_start3A_558 = tpu.memref_slice %arg12[%dma_start3A_557] : memref<50176xf32, #tpu.memory_space<vmem_shared>> -> memref<50176xf32, #tpu.memory_space<vmem_shared>>
      tpu.enqueue_indirect_dma source(%arg16 : memref<128xf32, #tpu.memory_space<vmem>>) target(%dma_start3A_558 : memref<50176xf32, #tpu.memory_space<vmem_shared>>) offsets(%dma_start3A_556 : memref<128xi32, #tpu.memory_space<vmem>>) semaphore(%arg20 : memref<!tpu.dma_semaphore, #tpu.memory_space<semaphore_mem>>) {add = true}
      %add3A_559 = arith.constant 2 : i32
      %add3A_560 = arith.addi %mul3A_190, %add3A_559 : i32
      %dma_wait3A_561 = arith.constant 2 : i32
      %dma_wait3A_562 = arith.constant 0 : i32
      %dma_wait3A_563 = arith.constant 0 : i32
      %dma_wait3A_564 = arith.constant 0 : i32
      %dma_wait3A_565 = arith.constant 0 : i32
      %dma_wait3A_566 = tpu.memref_slice %arg15[%dma_wait3A_563, %dma_wait3A_564, %dma_wait3A_565] : memref<4x128x32xf32, #tpu.memory_space<vmem>> -> memref<1x128x32xf32, #tpu.memory_space<vmem>>
      %dma_wait3A_567 = tpu.memref_squeeze %dma_wait3A_566 : memref<1x128x32xf32, #tpu.memory_space<vmem>> -> memref<128x32xf32, #tpu.memory_space<vmem>>
      %dma_wait3A_568 = arith.constant 0 : i32
      %dma_wait3A_569 = tpu.memref_slice %arg13[%dma_wait3A_561, %dma_wait3A_562, %dma_wait3A_568] : memref<4x2x128xi32, #tpu.memory_space<vmem>> -> memref<1x1x128xi32, #tpu.memory_space<vmem>>
      %dma_wait3A_570 = tpu.memref_squeeze %dma_wait3A_569 : memref<1x1x128xi32, #tpu.memory_space<vmem>> -> memref<128xi32, #tpu.memory_space<vmem>>
      %dma_wait3A_571 = arith.constant 0 : i32
      %dma_wait3A_572 = arith.constant 0 : i32
      %dma_wait3A_573 = tpu.memref_slice %arg2[%dma_wait3A_571, %dma_wait3A_572] : memref<50176x32xf32, #tpu.memory_space<hbm>> -> memref<50176x32xf32, #tpu.memory_space<hbm>>
      tpu.wait_indirect_dma semaphore(%arg17 : memref<!tpu.dma_semaphore, #tpu.memory_space<semaphore_mem>>) src(%dma_wait3A_573 : memref<50176x32xf32, #tpu.memory_space<hbm>>) dst(%dma_wait3A_567 : memref<128x32xf32, #tpu.memory_space<vmem>>)
      %dma_wait3A_574 = arith.constant 2 : i32
      %dma_wait3A_575 = arith.constant 1 : i32
      %dma_wait3A_576 = arith.constant 1 : i32
      %dma_wait3A_577 = arith.constant 0 : i32
      %dma_wait3A_578 = arith.constant 0 : i32
      %dma_wait3A_579 = tpu.memref_slice %arg15[%dma_wait3A_576, %dma_wait3A_577, %dma_wait3A_578] : memref<4x128x32xf32, #tpu.memory_space<vmem>> -> memref<1x128x32xf32, #tpu.memory_space<vmem>>
      %dma_wait3A_580 = tpu.memref_squeeze %dma_wait3A_579 : memref<1x128x32xf32, #tpu.memory_space<vmem>> -> memref<128x32xf32, #tpu.memory_space<vmem>>
      %dma_wait3A_581 = arith.constant 0 : i32
      %dma_wait3A_582 = tpu.memref_slice %arg13[%dma_wait3A_574, %dma_wait3A_575, %dma_wait3A_581] : memref<4x2x128xi32, #tpu.memory_space<vmem>> -> memref<1x1x128xi32, #tpu.memory_space<vmem>>
      %dma_wait3A_583 = tpu.memref_squeeze %dma_wait3A_582 : memref<1x1x128xi32, #tpu.memory_space<vmem>> -> memref<128xi32, #tpu.memory_space<vmem>>
      %dma_wait3A_584 = arith.constant 0 : i32
      %dma_wait3A_585 = arith.constant 0 : i32
      %dma_wait3A_586 = tpu.memref_slice %arg2[%dma_wait3A_584, %dma_wait3A_585] : memref<50176x32xf32, #tpu.memory_space<hbm>> -> memref<50176x32xf32, #tpu.memory_space<hbm>>
      tpu.wait_indirect_dma semaphore(%arg17 : memref<!tpu.dma_semaphore, #tpu.memory_space<semaphore_mem>>) src(%dma_wait3A_586 : memref<50176x32xf32, #tpu.memory_space<hbm>>) dst(%dma_wait3A_580 : memref<128x32xf32, #tpu.memory_space<vmem>>)
      %dma_wait3A_587 = arith.constant 2 : i32
      %dma_wait3A_588 = arith.constant 1 : i32
      %dma_wait3A_589 = arith.constant 0 : i32
      %dma_wait3A_590 = arith.constant 0 : i32
      %dma_wait3A_591 = arith.constant 0 : i32
      %dma_wait3A_592 = tpu.memref_slice %arg15[%dma_wait3A_587, %dma_wait3A_590, %dma_wait3A_591] : memref<4x128x32xf32, #tpu.memory_space<vmem>> -> memref<1x128x32xf32, #tpu.memory_space<vmem>>
      %dma_wait3A_593 = tpu.memref_squeeze %dma_wait3A_592 : memref<1x128x32xf32, #tpu.memory_space<vmem>> -> memref<128x32xf32, #tpu.memory_space<vmem>>
      %dma_wait3A_594 = arith.constant 0 : i32
      %dma_wait3A_595 = tpu.memref_slice %arg14[%dma_wait3A_588, %dma_wait3A_589, %dma_wait3A_594] : memref<4x2x128xi32, #tpu.memory_space<vmem>> -> memref<1x1x128xi32, #tpu.memory_space<vmem>>
      %dma_wait3A_596 = tpu.memref_squeeze %dma_wait3A_595 : memref<1x1x128xi32, #tpu.memory_space<vmem>> -> memref<128xi32, #tpu.memory_space<vmem>>
      %dma_wait3A_597 = arith.constant 0 : i32
      %dma_wait3A_598 = arith.constant 0 : i32
      %dma_wait3A_599 = tpu.memref_slice %arg11[%dma_wait3A_597, %dma_wait3A_598] : memref<50176x32xf32, #tpu.memory_space<vmem_shared>> -> memref<50176x32xf32, #tpu.memory_space<vmem_shared>>
      tpu.wait_indirect_dma semaphore(%arg20 : memref<!tpu.dma_semaphore, #tpu.memory_space<semaphore_mem>>) src(%dma_wait3A_593 : memref<128x32xf32, #tpu.memory_space<vmem>>) dst(%dma_wait3A_599 : memref<50176x32xf32, #tpu.memory_space<vmem_shared>>)
      %dma_wait3A_600 = arith.constant 1 : i32
      %dma_wait3A_601 = arith.constant 0 : i32
      %dma_wait3A_602 = arith.constant 0 : i32
      %dma_wait3A_603 = tpu.memref_slice %arg14[%dma_wait3A_600, %dma_wait3A_601, %dma_wait3A_602] : memref<4x2x128xi32, #tpu.memory_space<vmem>> -> memref<1x1x128xi32, #tpu.memory_space<vmem>>
      %dma_wait3A_604 = tpu.memref_squeeze %dma_wait3A_603 : memref<1x1x128xi32, #tpu.memory_space<vmem>> -> memref<128xi32, #tpu.memory_space<vmem>>
      %dma_wait3A_605 = arith.constant 0 : i32
      %dma_wait3A_606 = tpu.memref_slice %arg12[%dma_wait3A_605] : memref<50176xf32, #tpu.memory_space<vmem_shared>> -> memref<50176xf32, #tpu.memory_space<vmem_shared>>
      tpu.wait_indirect_dma semaphore(%arg20 : memref<!tpu.dma_semaphore, #tpu.memory_space<semaphore_mem>>) src(%arg16 : memref<128xf32, #tpu.memory_space<vmem>>) dst(%dma_wait3A_606 : memref<50176xf32, #tpu.memory_space<vmem_shared>>)
      %dma_wait3A_607 = arith.constant 3 : i32
      %dma_wait3A_608 = arith.constant 1 : i32
      %dma_wait3A_609 = arith.constant 1 : i32
      %dma_wait3A_610 = arith.constant 0 : i32
      %dma_wait3A_611 = arith.constant 0 : i32
      %dma_wait3A_612 = tpu.memref_slice %arg15[%dma_wait3A_607, %dma_wait3A_610, %dma_wait3A_611] : memref<4x128x32xf32, #tpu.memory_space<vmem>> -> memref<1x128x32xf32, #tpu.memory_space<vmem>>
      %dma_wait3A_613 = tpu.memref_squeeze %dma_wait3A_612 : memref<1x128x32xf32, #tpu.memory_space<vmem>> -> memref<128x32xf32, #tpu.memory_space<vmem>>
      %dma_wait3A_614 = arith.constant 0 : i32
      %dma_wait3A_615 = tpu.memref_slice %arg14[%dma_wait3A_608, %dma_wait3A_609, %dma_wait3A_614] : memref<4x2x128xi32, #tpu.memory_space<vmem>> -> memref<1x1x128xi32, #tpu.memory_space<vmem>>
      %dma_wait3A_616 = tpu.memref_squeeze %dma_wait3A_615 : memref<1x1x128xi32, #tpu.memory_space<vmem>> -> memref<128xi32, #tpu.memory_space<vmem>>
      %dma_wait3A_617 = arith.constant 0 : i32
      %dma_wait3A_618 = arith.constant 0 : i32
      %dma_wait3A_619 = tpu.memref_slice %arg11[%dma_wait3A_617, %dma_wait3A_618] : memref<50176x32xf32, #tpu.memory_space<vmem_shared>> -> memref<50176x32xf32, #tpu.memory_space<vmem_shared>>
      tpu.wait_indirect_dma semaphore(%arg20 : memref<!tpu.dma_semaphore, #tpu.memory_space<semaphore_mem>>) src(%dma_wait3A_613 : memref<128x32xf32, #tpu.memory_space<vmem>>) dst(%dma_wait3A_619 : memref<50176x32xf32, #tpu.memory_space<vmem_shared>>)
      %dma_wait3A_620 = arith.constant 1 : i32
      %dma_wait3A_621 = arith.constant 1 : i32
      %dma_wait3A_622 = arith.constant 0 : i32
      %dma_wait3A_623 = tpu.memref_slice %arg14[%dma_wait3A_620, %dma_wait3A_621, %dma_wait3A_622] : memref<4x2x128xi32, #tpu.memory_space<vmem>> -> memref<1x1x128xi32, #tpu.memory_space<vmem>>
      %dma_wait3A_624 = tpu.memref_squeeze %dma_wait3A_623 : memref<1x1x128xi32, #tpu.memory_space<vmem>> -> memref<128xi32, #tpu.memory_space<vmem>>
      %dma_wait3A_625 = arith.constant 0 : i32
      %dma_wait3A_626 = tpu.memref_slice %arg12[%dma_wait3A_625] : memref<50176xf32, #tpu.memory_space<vmem_shared>> -> memref<50176xf32, #tpu.memory_space<vmem_shared>>
      tpu.wait_indirect_dma semaphore(%arg20 : memref<!tpu.dma_semaphore, #tpu.memory_space<semaphore_mem>>) src(%arg16 : memref<128xf32, #tpu.memory_space<vmem>>) dst(%dma_wait3A_626 : memref<50176xf32, #tpu.memory_space<vmem_shared>>)
      %lt3A = arith.constant 24 : i32
      %lt3A_627 = arith.cmpi slt, %scan3A_188, %lt3A : i32
      %convert_element_type3A_628 = arith.extui %lt3A_627 : i1 to i32
      %cond3A_629 = arith.constant 0 : i32
      %cond3A_630 = arith.cmpi ne, %convert_element_type3A_628, %cond3A_629 : i32
      scf.if %cond3A_630 {
        %add3A_849 = arith.constant 2 : i32
        %add3A_850 = arith.addi %add3A_560, %add3A_849 : i32
        %mul3A_851 = arith.constant 2 : i32
        %mul3A_852 = arith.muli %add3A_850, %mul3A_851 : i32
        %dma_start3A_853 = arith.constant 0 : i32
        %dma_start3A_854 = arith.constant 0 : i32
        %dma_start3A_855 = arith.constant 0 : i32
        %dma_start3A_856 = tpu.memref_slice %arg13[%dma_start3A_853, %dma_start3A_854, %dma_start3A_855] : memref<4x2x128xi32, #tpu.memory_space<vmem>> -> memref<1x2x128xi32, #tpu.memory_space<vmem>>
        %dma_start3A_857 = tpu.memref_squeeze %dma_start3A_856 : memref<1x2x128xi32, #tpu.memory_space<vmem>> -> memref<2x128xi32, #tpu.memory_space<vmem>>
        %dma_start3A_858 = arith.constant 0 : i32
        %dma_start3A_859 = tpu.memref_slice %arg3[%add3A, %mul3A_852, %dma_start3A_858] : memref<32x200x128xi32, #tpu.memory_space<hbm>> -> memref<1x2x128xi32, #tpu.memory_space<hbm>>
        %dma_start3A_860 = tpu.memref_squeeze %dma_start3A_859 : memref<1x2x128xi32, #tpu.memory_space<hbm>> -> memref<2x128xi32, #tpu.memory_space<hbm>>
        %dma_start3A_861 = arith.constant 0 : i32
        %dma_start3A_862 = arith.constant 0 : i32
        %dma_start3A_863 = tpu.memref_slice %arg13[%dma_start3A_853, %dma_start3A_861, %dma_start3A_862] : memref<4x2x128xi32, #tpu.memory_space<vmem>> -> memref<1x2x128xi32, #tpu.memory_space<vmem>>
        %dma_start3A_864 = tpu.memref_squeeze %dma_start3A_863 : memref<1x2x128xi32, #tpu.memory_space<vmem>> -> memref<2x128xi32, #tpu.memory_space<vmem>>
        %dma_start3A_865 = arith.constant 0 : i32
        %dma_start3A_866 = tpu.memref_slice %arg3[%add3A, %mul3A_852, %dma_start3A_865] : memref<32x200x128xi32, #tpu.memory_space<hbm>> -> memref<1x2x128xi32, #tpu.memory_space<hbm>>
        %dma_start3A_867 = tpu.memref_squeeze %dma_start3A_866 : memref<1x2x128xi32, #tpu.memory_space<hbm>> -> memref<2x128xi32, #tpu.memory_space<hbm>>
        tpu.enqueue_dma source(%dma_start3A_867 : memref<2x128xi32, #tpu.memory_space<hbm>>) target(%dma_start3A_864 : memref<2x128xi32, #tpu.memory_space<vmem>>) target_semaphore(%arg21 : memref<!tpu.dma_semaphore, #tpu.memory_space<semaphore_mem>>)
        %dma_start3A_868 = arith.constant 0 : i32
        %dma_start3A_869 = arith.constant 0 : i32
        %dma_start3A_870 = arith.constant 0 : i32
        %dma_start3A_871 = tpu.memref_slice %arg14[%dma_start3A_868, %dma_start3A_869, %dma_start3A_870] : memref<4x2x128xi32, #tpu.memory_space<vmem>> -> memref<1x2x128xi32, #tpu.memory_space<vmem>>
        %dma_start3A_872 = tpu.memref_squeeze %dma_start3A_871 : memref<1x2x128xi32, #tpu.memory_space<vmem>> -> memref<2x128xi32, #tpu.memory_space<vmem>>
        %dma_start3A_873 = arith.constant 0 : i32
        %dma_start3A_874 = tpu.memref_slice %arg4[%add3A, %mul3A_852, %dma_start3A_873] : memref<32x200x128xi32, #tpu.memory_space<hbm>> -> memref<1x2x128xi32, #tpu.memory_space<hbm>>
        %dma_start3A_875 = tpu.memref_squeeze %dma_start3A_874 : memref<1x2x128xi32, #tpu.memory_space<hbm>> -> memref<2x128xi32, #tpu.memory_space<hbm>>
        %dma_start3A_876 = arith.constant 0 : i32
        %dma_start3A_877 = arith.constant 0 : i32
        %dma_start3A_878 = tpu.memref_slice %arg14[%dma_start3A_868, %dma_start3A_876, %dma_start3A_877] : memref<4x2x128xi32, #tpu.memory_space<vmem>> -> memref<1x2x128xi32, #tpu.memory_space<vmem>>
        %dma_start3A_879 = tpu.memref_squeeze %dma_start3A_878 : memref<1x2x128xi32, #tpu.memory_space<vmem>> -> memref<2x128xi32, #tpu.memory_space<vmem>>
        %dma_start3A_880 = arith.constant 0 : i32
        %dma_start3A_881 = tpu.memref_slice %arg4[%add3A, %mul3A_852, %dma_start3A_880] : memref<32x200x128xi32, #tpu.memory_space<hbm>> -> memref<1x2x128xi32, #tpu.memory_space<hbm>>
        %dma_start3A_882 = tpu.memref_squeeze %dma_start3A_881 : memref<1x2x128xi32, #tpu.memory_space<hbm>> -> memref<2x128xi32, #tpu.memory_space<hbm>>
        tpu.enqueue_dma source(%dma_start3A_882 : memref<2x128xi32, #tpu.memory_space<hbm>>) target(%dma_start3A_879 : memref<2x128xi32, #tpu.memory_space<vmem>>) target_semaphore(%arg21 : memref<!tpu.dma_semaphore, #tpu.memory_space<semaphore_mem>>)
      } else {
      }
      %add3A_631 = arith.constant 1 : i32
      %add3A_632 = arith.addi %add3A_560, %add3A_631 : i32
      %mul3A_633 = arith.constant 2 : i32
      %mul3A_634 = arith.muli %add3A_632, %mul3A_633 : i32
      %dma_wait3A_635 = arith.constant 3 : i32
      %dma_wait3A_636 = arith.constant 0 : i32
      %dma_wait3A_637 = arith.constant 0 : i32
      %dma_wait3A_638 = tpu.memref_slice %arg13[%dma_wait3A_635, %dma_wait3A_636, %dma_wait3A_637] : memref<4x2x128xi32, #tpu.memory_space<vmem>> -> memref<1x2x128xi32, #tpu.memory_space<vmem>>
      %dma_wait3A_639 = tpu.memref_squeeze %dma_wait3A_638 : memref<1x2x128xi32, #tpu.memory_space<vmem>> -> memref<2x128xi32, #tpu.memory_space<vmem>>
      %dma_wait3A_640 = arith.constant 0 : i32
      %dma_wait3A_641 = tpu.memref_slice %arg3[%add3A, %mul3A_634, %dma_wait3A_640] : memref<32x200x128xi32, #tpu.memory_space<hbm>> -> memref<1x2x128xi32, #tpu.memory_space<hbm>>
      %dma_wait3A_642 = tpu.memref_squeeze %dma_wait3A_641 : memref<1x2x128xi32, #tpu.memory_space<hbm>> -> memref<2x128xi32, #tpu.memory_space<hbm>>
      %dma_wait3A_643 = arith.constant 0 : i32
      %dma_wait3A_644 = arith.constant 0 : i32
      %dma_wait3A_645 = tpu.memref_slice %arg13[%dma_wait3A_635, %dma_wait3A_643, %dma_wait3A_644] : memref<4x2x128xi32, #tpu.memory_space<vmem>> -> memref<1x2x128xi32, #tpu.memory_space<vmem>>
      %dma_wait3A_646 = tpu.memref_squeeze %dma_wait3A_645 : memref<1x2x128xi32, #tpu.memory_space<vmem>> -> memref<2x128xi32, #tpu.memory_space<vmem>>
      %dma_wait3A_647 = arith.constant 0 : i32
      %dma_wait3A_648 = tpu.memref_slice %arg3[%add3A, %mul3A_634, %dma_wait3A_647] : memref<32x200x128xi32, #tpu.memory_space<hbm>> -> memref<1x2x128xi32, #tpu.memory_space<hbm>>
      %dma_wait3A_649 = tpu.memref_squeeze %dma_wait3A_648 : memref<1x2x128xi32, #tpu.memory_space<hbm>> -> memref<2x128xi32, #tpu.memory_space<hbm>>
      tpu.wait_dma2 semaphore(%arg24 : memref<!tpu.dma_semaphore, #tpu.memory_space<semaphore_mem>>) src(%dma_wait3A_649 : memref<2x128xi32, #tpu.memory_space<hbm>>) dst(%dma_wait3A_646 : memref<2x128xi32, #tpu.memory_space<vmem>>)
      %dma_wait3A_650 = arith.constant 3 : i32
      %dma_wait3A_651 = arith.constant 0 : i32
      %dma_wait3A_652 = arith.constant 0 : i32
      %dma_wait3A_653 = tpu.memref_slice %arg14[%dma_wait3A_650, %dma_wait3A_651, %dma_wait3A_652] : memref<4x2x128xi32, #tpu.memory_space<vmem>> -> memref<1x2x128xi32, #tpu.memory_space<vmem>>
      %dma_wait3A_654 = tpu.memref_squeeze %dma_wait3A_653 : memref<1x2x128xi32, #tpu.memory_space<vmem>> -> memref<2x128xi32, #tpu.memory_space<vmem>>
      %dma_wait3A_655 = arith.constant 0 : i32
      %dma_wait3A_656 = tpu.memref_slice %arg4[%add3A, %mul3A_634, %dma_wait3A_655] : memref<32x200x128xi32, #tpu.memory_space<hbm>> -> memref<1x2x128xi32, #tpu.memory_space<hbm>>
      %dma_wait3A_657 = tpu.memref_squeeze %dma_wait3A_656 : memref<1x2x128xi32, #tpu.memory_space<hbm>> -> memref<2x128xi32, #tpu.memory_space<hbm>>
      %dma_wait3A_658 = arith.constant 0 : i32
      %dma_wait3A_659 = arith.constant 0 : i32
      %dma_wait3A_660 = tpu.memref_slice %arg14[%dma_wait3A_650, %dma_wait3A_658, %dma_wait3A_659] : memref<4x2x128xi32, #tpu.memory_space<vmem>> -> memref<1x2x128xi32, #tpu.memory_space<vmem>>
      %dma_wait3A_661 = tpu.memref_squeeze %dma_wait3A_660 : memref<1x2x128xi32, #tpu.memory_space<vmem>> -> memref<2x128xi32, #tpu.memory_space<vmem>>
      %dma_wait3A_662 = arith.constant 0 : i32
      %dma_wait3A_663 = tpu.memref_slice %arg4[%add3A, %mul3A_634, %dma_wait3A_662] : memref<32x200x128xi32, #tpu.memory_space<hbm>> -> memref<1x2x128xi32, #tpu.memory_space<hbm>>
      %dma_wait3A_664 = tpu.memref_squeeze %dma_wait3A_663 : memref<1x2x128xi32, #tpu.memory_space<hbm>> -> memref<2x128xi32, #tpu.memory_space<hbm>>
      tpu.wait_dma2 semaphore(%arg24 : memref<!tpu.dma_semaphore, #tpu.memory_space<semaphore_mem>>) src(%dma_wait3A_664 : memref<2x128xi32, #tpu.memory_space<hbm>>) dst(%dma_wait3A_661 : memref<2x128xi32, #tpu.memory_space<vmem>>)
      %dma_start3A_665 = arith.constant 3 : i32
      %dma_start3A_666 = arith.constant 0 : i32
      %dma_start3A_667 = arith.constant 2 : i32
      %dma_start3A_668 = arith.constant 0 : i32
      %dma_start3A_669 = arith.constant 0 : i32
      %dma_start3A_670 = tpu.memref_slice %arg15[%dma_start3A_667, %dma_start3A_668, %dma_start3A_669] : memref<4x128x32xf32, #tpu.memory_space<vmem>> -> memref<1x128x32xf32, #tpu.memory_space<vmem>>
      %dma_start3A_671 = tpu.memref_squeeze %dma_start3A_670 : memref<1x128x32xf32, #tpu.memory_space<vmem>> -> memref<128x32xf32, #tpu.memory_space<vmem>>
      %dma_start3A_672 = arith.constant 0 : i32
      %dma_start3A_673 = tpu.memref_slice %arg13[%dma_start3A_665, %dma_start3A_666, %dma_start3A_672] : memref<4x2x128xi32, #tpu.memory_space<vmem>> -> memref<1x1x128xi32, #tpu.memory_space<vmem>>
      %dma_start3A_674 = tpu.memref_squeeze %dma_start3A_673 : memref<1x1x128xi32, #tpu.memory_space<vmem>> -> memref<128xi32, #tpu.memory_space<vmem>>
      %dma_start3A_675 = arith.constant 0 : i32
      %dma_start3A_676 = arith.constant 0 : i32
      %dma_start3A_677 = tpu.memref_slice %arg2[%dma_start3A_675, %dma_start3A_676] : memref<50176x32xf32, #tpu.memory_space<hbm>> -> memref<50176x32xf32, #tpu.memory_space<hbm>>
      tpu.enqueue_indirect_dma source(%dma_start3A_677 : memref<50176x32xf32, #tpu.memory_space<hbm>>) target(%dma_start3A_671 : memref<128x32xf32, #tpu.memory_space<vmem>>) offsets(%dma_start3A_674 : memref<128xi32, #tpu.memory_space<vmem>>) semaphore(%arg18 : memref<!tpu.dma_semaphore, #tpu.memory_space<semaphore_mem>>)
      %dma_start3A_678 = arith.constant 3 : i32
      %dma_start3A_679 = arith.constant 1 : i32
      %dma_start3A_680 = arith.constant 3 : i32
      %dma_start3A_681 = arith.constant 0 : i32
      %dma_start3A_682 = arith.constant 0 : i32
      %dma_start3A_683 = tpu.memref_slice %arg15[%dma_start3A_680, %dma_start3A_681, %dma_start3A_682] : memref<4x128x32xf32, #tpu.memory_space<vmem>> -> memref<1x128x32xf32, #tpu.memory_space<vmem>>
      %dma_start3A_684 = tpu.memref_squeeze %dma_start3A_683 : memref<1x128x32xf32, #tpu.memory_space<vmem>> -> memref<128x32xf32, #tpu.memory_space<vmem>>
      %dma_start3A_685 = arith.constant 0 : i32
      %dma_start3A_686 = tpu.memref_slice %arg13[%dma_start3A_678, %dma_start3A_679, %dma_start3A_685] : memref<4x2x128xi32, #tpu.memory_space<vmem>> -> memref<1x1x128xi32, #tpu.memory_space<vmem>>
      %dma_start3A_687 = tpu.memref_squeeze %dma_start3A_686 : memref<1x1x128xi32, #tpu.memory_space<vmem>> -> memref<128xi32, #tpu.memory_space<vmem>>
      %dma_start3A_688 = arith.constant 0 : i32
      %dma_start3A_689 = arith.constant 0 : i32
      %dma_start3A_690 = tpu.memref_slice %arg2[%dma_start3A_688, %dma_start3A_689] : memref<50176x32xf32, #tpu.memory_space<hbm>> -> memref<50176x32xf32, #tpu.memory_space<hbm>>
      tpu.enqueue_indirect_dma source(%dma_start3A_690 : memref<50176x32xf32, #tpu.memory_space<hbm>>) target(%dma_start3A_684 : memref<128x32xf32, #tpu.memory_space<vmem>>) offsets(%dma_start3A_687 : memref<128xi32, #tpu.memory_space<vmem>>) semaphore(%arg18 : memref<!tpu.dma_semaphore, #tpu.memory_space<semaphore_mem>>)
      %dma_start3A_691 = arith.constant 0 : i32
      %dma_start3A_692 = arith.constant 2 : i32
      %dma_start3A_693 = arith.constant 0 : i32
      %dma_start3A_694 = arith.constant 0 : i32
      %dma_start3A_695 = arith.constant 0 : i32
      %dma_start3A_696 = tpu.memref_slice %arg15[%dma_start3A_691, %dma_start3A_694, %dma_start3A_695] : memref<4x128x32xf32, #tpu.memory_space<vmem>> -> memref<1x128x32xf32, #tpu.memory_space<vmem>>
      %dma_start3A_697 = tpu.memref_squeeze %dma_start3A_696 : memref<1x128x32xf32, #tpu.memory_space<vmem>> -> memref<128x32xf32, #tpu.memory_space<vmem>>
      %dma_start3A_698 = arith.constant 0 : i32
      %dma_start3A_699 = tpu.memref_slice %arg14[%dma_start3A_692, %dma_start3A_693, %dma_start3A_698] : memref<4x2x128xi32, #tpu.memory_space<vmem>> -> memref<1x1x128xi32, #tpu.memory_space<vmem>>
      %dma_start3A_700 = tpu.memref_squeeze %dma_start3A_699 : memref<1x1x128xi32, #tpu.memory_space<vmem>> -> memref<128xi32, #tpu.memory_space<vmem>>
      %dma_start3A_701 = arith.constant 0 : i32
      %dma_start3A_702 = arith.constant 0 : i32
      %dma_start3A_703 = tpu.memref_slice %arg11[%dma_start3A_701, %dma_start3A_702] : memref<50176x32xf32, #tpu.memory_space<vmem_shared>> -> memref<50176x32xf32, #tpu.memory_space<vmem_shared>>
      tpu.enqueue_indirect_dma source(%dma_start3A_697 : memref<128x32xf32, #tpu.memory_space<vmem>>) target(%dma_start3A_703 : memref<50176x32xf32, #tpu.memory_space<vmem_shared>>) offsets(%dma_start3A_700 : memref<128xi32, #tpu.memory_space<vmem>>) semaphore(%arg19 : memref<!tpu.dma_semaphore, #tpu.memory_space<semaphore_mem>>) {add = true}
      %dma_start3A_704 = arith.constant 2 : i32
      %dma_start3A_705 = arith.constant 0 : i32
      %dma_start3A_706 = arith.constant 0 : i32
      %dma_start3A_707 = tpu.memref_slice %arg14[%dma_start3A_704, %dma_start3A_705, %dma_start3A_706] : memref<4x2x128xi32, #tpu.memory_space<vmem>> -> memref<1x1x128xi32, #tpu.memory_space<vmem>>
      %dma_start3A_708 = tpu.memref_squeeze %dma_start3A_707 : memref<1x1x128xi32, #tpu.memory_space<vmem>> -> memref<128xi32, #tpu.memory_space<vmem>>
      %dma_start3A_709 = arith.constant 0 : i32
      %dma_start3A_710 = tpu.memref_slice %arg12[%dma_start3A_709] : memref<50176xf32, #tpu.memory_space<vmem_shared>> -> memref<50176xf32, #tpu.memory_space<vmem_shared>>
      tpu.enqueue_indirect_dma source(%arg16 : memref<128xf32, #tpu.memory_space<vmem>>) target(%dma_start3A_710 : memref<50176xf32, #tpu.memory_space<vmem_shared>>) offsets(%dma_start3A_708 : memref<128xi32, #tpu.memory_space<vmem>>) semaphore(%arg19 : memref<!tpu.dma_semaphore, #tpu.memory_space<semaphore_mem>>) {add = true}
      %dma_start3A_711 = arith.constant 1 : i32
      %dma_start3A_712 = arith.constant 2 : i32
      %dma_start3A_713 = arith.constant 1 : i32
      %dma_start3A_714 = arith.constant 0 : i32
      %dma_start3A_715 = arith.constant 0 : i32
      %dma_start3A_716 = tpu.memref_slice %arg15[%dma_start3A_711, %dma_start3A_714, %dma_start3A_715] : memref<4x128x32xf32, #tpu.memory_space<vmem>> -> memref<1x128x32xf32, #tpu.memory_space<vmem>>
      %dma_start3A_717 = tpu.memref_squeeze %dma_start3A_716 : memref<1x128x32xf32, #tpu.memory_space<vmem>> -> memref<128x32xf32, #tpu.memory_space<vmem>>
      %dma_start3A_718 = arith.constant 0 : i32
      %dma_start3A_719 = tpu.memref_slice %arg14[%dma_start3A_712, %dma_start3A_713, %dma_start3A_718] : memref<4x2x128xi32, #tpu.memory_space<vmem>> -> memref<1x1x128xi32, #tpu.memory_space<vmem>>
      %dma_start3A_720 = tpu.memref_squeeze %dma_start3A_719 : memref<1x1x128xi32, #tpu.memory_space<vmem>> -> memref<128xi32, #tpu.memory_space<vmem>>
      %dma_start3A_721 = arith.constant 0 : i32
      %dma_start3A_722 = arith.constant 0 : i32
      %dma_start3A_723 = tpu.memref_slice %arg11[%dma_start3A_721, %dma_start3A_722] : memref<50176x32xf32, #tpu.memory_space<vmem_shared>> -> memref<50176x32xf32, #tpu.memory_space<vmem_shared>>
      tpu.enqueue_indirect_dma source(%dma_start3A_717 : memref<128x32xf32, #tpu.memory_space<vmem>>) target(%dma_start3A_723 : memref<50176x32xf32, #tpu.memory_space<vmem_shared>>) offsets(%dma_start3A_720 : memref<128xi32, #tpu.memory_space<vmem>>) semaphore(%arg19 : memref<!tpu.dma_semaphore, #tpu.memory_space<semaphore_mem>>) {add = true}
      %dma_start3A_724 = arith.constant 2 : i32
      %dma_start3A_725 = arith.constant 1 : i32
      %dma_start3A_726 = arith.constant 0 : i32
      %dma_start3A_727 = tpu.memref_slice %arg14[%dma_start3A_724, %dma_start3A_725, %dma_start3A_726] : memref<4x2x128xi32, #tpu.memory_space<vmem>> -> memref<1x1x128xi32, #tpu.memory_space<vmem>>
      %dma_start3A_728 = tpu.memref_squeeze %dma_start3A_727 : memref<1x1x128xi32, #tpu.memory_space<vmem>> -> memref<128xi32, #tpu.memory_space<vmem>>
      %dma_start3A_729 = arith.constant 0 : i32
      %dma_start3A_730 = tpu.memref_slice %arg12[%dma_start3A_729] : memref<50176xf32, #tpu.memory_space<vmem_shared>> -> memref<50176xf32, #tpu.memory_space<vmem_shared>>
      tpu.enqueue_indirect_dma source(%arg16 : memref<128xf32, #tpu.memory_space<vmem>>) target(%dma_start3A_730 : memref<50176xf32, #tpu.memory_space<vmem_shared>>) offsets(%dma_start3A_728 : memref<128xi32, #tpu.memory_space<vmem>>) semaphore(%arg19 : memref<!tpu.dma_semaphore, #tpu.memory_space<semaphore_mem>>) {add = true}
      %add3A_731 = arith.constant 3 : i32
      %add3A_732 = arith.addi %mul3A_190, %add3A_731 : i32
      %dma_wait3A_733 = arith.constant 3 : i32
      %dma_wait3A_734 = arith.constant 0 : i32
      %dma_wait3A_735 = arith.constant 2 : i32
      %dma_wait3A_736 = arith.constant 0 : i32
      %dma_wait3A_737 = arith.constant 0 : i32
      %dma_wait3A_738 = tpu.memref_slice %arg15[%dma_wait3A_735, %dma_wait3A_736, %dma_wait3A_737] : memref<4x128x32xf32, #tpu.memory_space<vmem>> -> memref<1x128x32xf32, #tpu.memory_space<vmem>>
      %dma_wait3A_739 = tpu.memref_squeeze %dma_wait3A_738 : memref<1x128x32xf32, #tpu.memory_space<vmem>> -> memref<128x32xf32, #tpu.memory_space<vmem>>
      %dma_wait3A_740 = arith.constant 0 : i32
      %dma_wait3A_741 = tpu.memref_slice %arg13[%dma_wait3A_733, %dma_wait3A_734, %dma_wait3A_740] : memref<4x2x128xi32, #tpu.memory_space<vmem>> -> memref<1x1x128xi32, #tpu.memory_space<vmem>>
      %dma_wait3A_742 = tpu.memref_squeeze %dma_wait3A_741 : memref<1x1x128xi32, #tpu.memory_space<vmem>> -> memref<128xi32, #tpu.memory_space<vmem>>
      %dma_wait3A_743 = arith.constant 0 : i32
      %dma_wait3A_744 = arith.constant 0 : i32
      %dma_wait3A_745 = tpu.memref_slice %arg2[%dma_wait3A_743, %dma_wait3A_744] : memref<50176x32xf32, #tpu.memory_space<hbm>> -> memref<50176x32xf32, #tpu.memory_space<hbm>>
      tpu.wait_indirect_dma semaphore(%arg18 : memref<!tpu.dma_semaphore, #tpu.memory_space<semaphore_mem>>) src(%dma_wait3A_745 : memref<50176x32xf32, #tpu.memory_space<hbm>>) dst(%dma_wait3A_739 : memref<128x32xf32, #tpu.memory_space<vmem>>)
      %dma_wait3A_746 = arith.constant 3 : i32
      %dma_wait3A_747 = arith.constant 1 : i32
      %dma_wait3A_748 = arith.constant 3 : i32
      %dma_wait3A_749 = arith.constant 0 : i32
      %dma_wait3A_750 = arith.constant 0 : i32
      %dma_wait3A_751 = tpu.memref_slice %arg15[%dma_wait3A_748, %dma_wait3A_749, %dma_wait3A_750] : memref<4x128x32xf32, #tpu.memory_space<vmem>> -> memref<1x128x32xf32, #tpu.memory_space<vmem>>
      %dma_wait3A_752 = tpu.memref_squeeze %dma_wait3A_751 : memref<1x128x32xf32, #tpu.memory_space<vmem>> -> memref<128x32xf32, #tpu.memory_space<vmem>>
      %dma_wait3A_753 = arith.constant 0 : i32
      %dma_wait3A_754 = tpu.memref_slice %arg13[%dma_wait3A_746, %dma_wait3A_747, %dma_wait3A_753] : memref<4x2x128xi32, #tpu.memory_space<vmem>> -> memref<1x1x128xi32, #tpu.memory_space<vmem>>
      %dma_wait3A_755 = tpu.memref_squeeze %dma_wait3A_754 : memref<1x1x128xi32, #tpu.memory_space<vmem>> -> memref<128xi32, #tpu.memory_space<vmem>>
      %dma_wait3A_756 = arith.constant 0 : i32
      %dma_wait3A_757 = arith.constant 0 : i32
      %dma_wait3A_758 = tpu.memref_slice %arg2[%dma_wait3A_756, %dma_wait3A_757] : memref<50176x32xf32, #tpu.memory_space<hbm>> -> memref<50176x32xf32, #tpu.memory_space<hbm>>
      tpu.wait_indirect_dma semaphore(%arg18 : memref<!tpu.dma_semaphore, #tpu.memory_space<semaphore_mem>>) src(%dma_wait3A_758 : memref<50176x32xf32, #tpu.memory_space<hbm>>) dst(%dma_wait3A_752 : memref<128x32xf32, #tpu.memory_space<vmem>>)
      %dma_wait3A_759 = arith.constant 0 : i32
      %dma_wait3A_760 = arith.constant 2 : i32
      %dma_wait3A_761 = arith.constant 0 : i32
      %dma_wait3A_762 = arith.constant 0 : i32
      %dma_wait3A_763 = arith.constant 0 : i32
      %dma_wait3A_764 = tpu.memref_slice %arg15[%dma_wait3A_759, %dma_wait3A_762, %dma_wait3A_763] : memref<4x128x32xf32, #tpu.memory_space<vmem>> -> memref<1x128x32xf32, #tpu.memory_space<vmem>>
      %dma_wait3A_765 = tpu.memref_squeeze %dma_wait3A_764 : memref<1x128x32xf32, #tpu.memory_space<vmem>> -> memref<128x32xf32, #tpu.memory_space<vmem>>
      %dma_wait3A_766 = arith.constant 0 : i32
      %dma_wait3A_767 = tpu.memref_slice %arg14[%dma_wait3A_760, %dma_wait3A_761, %dma_wait3A_766] : memref<4x2x128xi32, #tpu.memory_space<vmem>> -> memref<1x1x128xi32, #tpu.memory_space<vmem>>
      %dma_wait3A_768 = tpu.memref_squeeze %dma_wait3A_767 : memref<1x1x128xi32, #tpu.memory_space<vmem>> -> memref<128xi32, #tpu.memory_space<vmem>>
      %dma_wait3A_769 = arith.constant 0 : i32
      %dma_wait3A_770 = arith.constant 0 : i32
      %dma_wait3A_771 = tpu.memref_slice %arg11[%dma_wait3A_769, %dma_wait3A_770] : memref<50176x32xf32, #tpu.memory_space<vmem_shared>> -> memref<50176x32xf32, #tpu.memory_space<vmem_shared>>
      tpu.wait_indirect_dma semaphore(%arg19 : memref<!tpu.dma_semaphore, #tpu.memory_space<semaphore_mem>>) src(%dma_wait3A_765 : memref<128x32xf32, #tpu.memory_space<vmem>>) dst(%dma_wait3A_771 : memref<50176x32xf32, #tpu.memory_space<vmem_shared>>)
      %dma_wait3A_772 = arith.constant 2 : i32
      %dma_wait3A_773 = arith.constant 0 : i32
      %dma_wait3A_774 = arith.constant 0 : i32
      %dma_wait3A_775 = tpu.memref_slice %arg14[%dma_wait3A_772, %dma_wait3A_773, %dma_wait3A_774] : memref<4x2x128xi32, #tpu.memory_space<vmem>> -> memref<1x1x128xi32, #tpu.memory_space<vmem>>
      %dma_wait3A_776 = tpu.memref_squeeze %dma_wait3A_775 : memref<1x1x128xi32, #tpu.memory_space<vmem>> -> memref<128xi32, #tpu.memory_space<vmem>>
      %dma_wait3A_777 = arith.constant 0 : i32
      %dma_wait3A_778 = tpu.memref_slice %arg12[%dma_wait3A_777] : memref<50176xf32, #tpu.memory_space<vmem_shared>> -> memref<50176xf32, #tpu.memory_space<vmem_shared>>
      tpu.wait_indirect_dma semaphore(%arg19 : memref<!tpu.dma_semaphore, #tpu.memory_space<semaphore_mem>>) src(%arg16 : memref<128xf32, #tpu.memory_space<vmem>>) dst(%dma_wait3A_778 : memref<50176xf32, #tpu.memory_space<vmem_shared>>)
      %dma_wait3A_779 = arith.constant 1 : i32
      %dma_wait3A_780 = arith.constant 2 : i32
      %dma_wait3A_781 = arith.constant 1 : i32
      %dma_wait3A_782 = arith.constant 0 : i32
      %dma_wait3A_783 = arith.constant 0 : i32
      %dma_wait3A_784 = tpu.memref_slice %arg15[%dma_wait3A_779, %dma_wait3A_782, %dma_wait3A_783] : memref<4x128x32xf32, #tpu.memory_space<vmem>> -> memref<1x128x32xf32, #tpu.memory_space<vmem>>
      %dma_wait3A_785 = tpu.memref_squeeze %dma_wait3A_784 : memref<1x128x32xf32, #tpu.memory_space<vmem>> -> memref<128x32xf32, #tpu.memory_space<vmem>>
      %dma_wait3A_786 = arith.constant 0 : i32
      %dma_wait3A_787 = tpu.memref_slice %arg14[%dma_wait3A_780, %dma_wait3A_781, %dma_wait3A_786] : memref<4x2x128xi32, #tpu.memory_space<vmem>> -> memref<1x1x128xi32, #tpu.memory_space<vmem>>
      %dma_wait3A_788 = tpu.memref_squeeze %dma_wait3A_787 : memref<1x1x128xi32, #tpu.memory_space<vmem>> -> memref<128xi32, #tpu.memory_space<vmem>>
      %dma_wait3A_789 = arith.constant 0 : i32
      %dma_wait3A_790 = arith.constant 0 : i32
      %dma_wait3A_791 = tpu.memref_slice %arg11[%dma_wait3A_789, %dma_wait3A_790] : memref<50176x32xf32, #tpu.memory_space<vmem_shared>> -> memref<50176x32xf32, #tpu.memory_space<vmem_shared>>
      tpu.wait_indirect_dma semaphore(%arg19 : memref<!tpu.dma_semaphore, #tpu.memory_space<semaphore_mem>>) src(%dma_wait3A_785 : memref<128x32xf32, #tpu.memory_space<vmem>>) dst(%dma_wait3A_791 : memref<50176x32xf32, #tpu.memory_space<vmem_shared>>)
      %dma_wait3A_792 = arith.constant 2 : i32
      %dma_wait3A_793 = arith.constant 1 : i32
      %dma_wait3A_794 = arith.constant 0 : i32
      %dma_wait3A_795 = tpu.memref_slice %arg14[%dma_wait3A_792, %dma_wait3A_793, %dma_wait3A_794] : memref<4x2x128xi32, #tpu.memory_space<vmem>> -> memref<1x1x128xi32, #tpu.memory_space<vmem>>
      %dma_wait3A_796 = tpu.memref_squeeze %dma_wait3A_795 : memref<1x1x128xi32, #tpu.memory_space<vmem>> -> memref<128xi32, #tpu.memory_space<vmem>>
      %dma_wait3A_797 = arith.constant 0 : i32
      %dma_wait3A_798 = tpu.memref_slice %arg12[%dma_wait3A_797] : memref<50176xf32, #tpu.memory_space<vmem_shared>> -> memref<50176xf32, #tpu.memory_space<vmem_shared>>
      tpu.wait_indirect_dma semaphore(%arg19 : memref<!tpu.dma_semaphore, #tpu.memory_space<semaphore_mem>>) src(%arg16 : memref<128xf32, #tpu.memory_space<vmem>>) dst(%dma_wait3A_798 : memref<50176xf32, #tpu.memory_space<vmem_shared>>)
      %lt3A_799 = arith.constant 24 : i32
      %lt3A_800 = arith.cmpi slt, %scan3A_188, %lt3A_799 : i32
      %convert_element_type3A_801 = arith.extui %lt3A_800 : i1 to i32
      %cond3A_802 = arith.constant 0 : i32
      %cond3A_803 = arith.cmpi ne, %convert_element_type3A_801, %cond3A_802 : i32
      scf.if %cond3A_803 {
        %add3A_849 = arith.constant 2 : i32
        %add3A_850 = arith.addi %add3A_732, %add3A_849 : i32
        %mul3A_851 = arith.constant 2 : i32
        %mul3A_852 = arith.muli %add3A_850, %mul3A_851 : i32
        %dma_start3A_853 = arith.constant 1 : i32
        %dma_start3A_854 = arith.constant 0 : i32
        %dma_start3A_855 = arith.constant 0 : i32
        %dma_start3A_856 = tpu.memref_slice %arg13[%dma_start3A_853, %dma_start3A_854, %dma_start3A_855] : memref<4x2x128xi32, #tpu.memory_space<vmem>> -> memref<1x2x128xi32, #tpu.memory_space<vmem>>
        %dma_start3A_857 = tpu.memref_squeeze %dma_start3A_856 : memref<1x2x128xi32, #tpu.memory_space<vmem>> -> memref<2x128xi32, #tpu.memory_space<vmem>>
        %dma_start3A_858 = arith.constant 0 : i32
        %dma_start3A_859 = tpu.memref_slice %arg3[%add3A, %mul3A_852, %dma_start3A_858] : memref<32x200x128xi32, #tpu.memory_space<hbm>> -> memref<1x2x128xi32, #tpu.memory_space<hbm>>
        %dma_start3A_860 = tpu.memref_squeeze %dma_start3A_859 : memref<1x2x128xi32, #tpu.memory_space<hbm>> -> memref<2x128xi32, #tpu.memory_space<hbm>>
        %dma_start3A_861 = arith.constant 0 : i32
        %dma_start3A_862 = arith.constant 0 : i32
        %dma_start3A_863 = tpu.memref_slice %arg13[%dma_start3A_853, %dma_start3A_861, %dma_start3A_862] : memref<4x2x128xi32, #tpu.memory_space<vmem>> -> memref<1x2x128xi32, #tpu.memory_space<vmem>>
        %dma_start3A_864 = tpu.memref_squeeze %dma_start3A_863 : memref<1x2x128xi32, #tpu.memory_space<vmem>> -> memref<2x128xi32, #tpu.memory_space<vmem>>
        %dma_start3A_865 = arith.constant 0 : i32
        %dma_start3A_866 = tpu.memref_slice %arg3[%add3A, %mul3A_852, %dma_start3A_865] : memref<32x200x128xi32, #tpu.memory_space<hbm>> -> memref<1x2x128xi32, #tpu.memory_space<hbm>>
        %dma_start3A_867 = tpu.memref_squeeze %dma_start3A_866 : memref<1x2x128xi32, #tpu.memory_space<hbm>> -> memref<2x128xi32, #tpu.memory_space<hbm>>
        tpu.enqueue_dma source(%dma_start3A_867 : memref<2x128xi32, #tpu.memory_space<hbm>>) target(%dma_start3A_864 : memref<2x128xi32, #tpu.memory_space<vmem>>) target_semaphore(%arg22 : memref<!tpu.dma_semaphore, #tpu.memory_space<semaphore_mem>>)
        %dma_start3A_868 = arith.constant 1 : i32
        %dma_start3A_869 = arith.constant 0 : i32
        %dma_start3A_870 = arith.constant 0 : i32
        %dma_start3A_871 = tpu.memref_slice %arg14[%dma_start3A_868, %dma_start3A_869, %dma_start3A_870] : memref<4x2x128xi32, #tpu.memory_space<vmem>> -> memref<1x2x128xi32, #tpu.memory_space<vmem>>
        %dma_start3A_872 = tpu.memref_squeeze %dma_start3A_871 : memref<1x2x128xi32, #tpu.memory_space<vmem>> -> memref<2x128xi32, #tpu.memory_space<vmem>>
        %dma_start3A_873 = arith.constant 0 : i32
        %dma_start3A_874 = tpu.memref_slice %arg4[%add3A, %mul3A_852, %dma_start3A_873] : memref<32x200x128xi32, #tpu.memory_space<hbm>> -> memref<1x2x128xi32, #tpu.memory_space<hbm>>
        %dma_start3A_875 = tpu.memref_squeeze %dma_start3A_874 : memref<1x2x128xi32, #tpu.memory_space<hbm>> -> memref<2x128xi32, #tpu.memory_space<hbm>>
        %dma_start3A_876 = arith.constant 0 : i32
        %dma_start3A_877 = arith.constant 0 : i32
        %dma_start3A_878 = tpu.memref_slice %arg14[%dma_start3A_868, %dma_start3A_876, %dma_start3A_877] : memref<4x2x128xi32, #tpu.memory_space<vmem>> -> memref<1x2x128xi32, #tpu.memory_space<vmem>>
        %dma_start3A_879 = tpu.memref_squeeze %dma_start3A_878 : memref<1x2x128xi32, #tpu.memory_space<vmem>> -> memref<2x128xi32, #tpu.memory_space<vmem>>
        %dma_start3A_880 = arith.constant 0 : i32
        %dma_start3A_881 = tpu.memref_slice %arg4[%add3A, %mul3A_852, %dma_start3A_880] : memref<32x200x128xi32, #tpu.memory_space<hbm>> -> memref<1x2x128xi32, #tpu.memory_space<hbm>>
        %dma_start3A_882 = tpu.memref_squeeze %dma_start3A_881 : memref<1x2x128xi32, #tpu.memory_space<hbm>> -> memref<2x128xi32, #tpu.memory_space<hbm>>
        tpu.enqueue_dma source(%dma_start3A_882 : memref<2x128xi32, #tpu.memory_space<hbm>>) target(%dma_start3A_879 : memref<2x128xi32, #tpu.memory_space<vmem>>) target_semaphore(%arg22 : memref<!tpu.dma_semaphore, #tpu.memory_space<semaphore_mem>>)
      } else {
      }
      %lt3A_804 = arith.constant 24 : i32
      %lt3A_805 = arith.cmpi slt, %scan3A_188, %lt3A_804 : i32
      %convert_element_type3A_806 = arith.extui %lt3A_805 : i1 to i32
      %cond3A_807 = arith.constant 0 : i32
      %cond3A_808 = arith.cmpi ne, %convert_element_type3A_806, %cond3A_807 : i32
      scf.if %cond3A_808 {
        %add3A_849 = arith.constant 1 : i32
        %add3A_850 = arith.addi %add3A_732, %add3A_849 : i32
        %mul3A_851 = arith.constant 2 : i32
        %mul3A_852 = arith.muli %add3A_850, %mul3A_851 : i32
        %dma_wait3A_853 = arith.constant 0 : i32
        %dma_wait3A_854 = arith.constant 0 : i32
        %dma_wait3A_855 = arith.constant 0 : i32
        %dma_wait3A_856 = tpu.memref_slice %arg13[%dma_wait3A_853, %dma_wait3A_854, %dma_wait3A_855] : memref<4x2x128xi32, #tpu.memory_space<vmem>> -> memref<1x2x128xi32, #tpu.memory_space<vmem>>
        %dma_wait3A_857 = tpu.memref_squeeze %dma_wait3A_856 : memref<1x2x128xi32, #tpu.memory_space<vmem>> -> memref<2x128xi32, #tpu.memory_space<vmem>>
        %dma_wait3A_858 = arith.constant 0 : i32
        %dma_wait3A_859 = tpu.memref_slice %arg3[%add3A, %mul3A_852, %dma_wait3A_858] : memref<32x200x128xi32, #tpu.memory_space<hbm>> -> memref<1x2x128xi32, #tpu.memory_space<hbm>>
        %dma_wait3A_860 = tpu.memref_squeeze %dma_wait3A_859 : memref<1x2x128xi32, #tpu.memory_space<hbm>> -> memref<2x128xi32, #tpu.memory_space<hbm>>
        %dma_wait3A_861 = arith.constant 0 : i32
        %dma_wait3A_862 = arith.constant 0 : i32
        %dma_wait3A_863 = tpu.memref_slice %arg13[%dma_wait3A_853, %dma_wait3A_861, %dma_wait3A_862] : memref<4x2x128xi32, #tpu.memory_space<vmem>> -> memref<1x2x128xi32, #tpu.memory_space<vmem>>
        %dma_wait3A_864 = tpu.memref_squeeze %dma_wait3A_863 : memref<1x2x128xi32, #tpu.memory_space<vmem>> -> memref<2x128xi32, #tpu.memory_space<vmem>>
        %dma_wait3A_865 = arith.constant 0 : i32
        %dma_wait3A_866 = tpu.memref_slice %arg3[%add3A, %mul3A_852, %dma_wait3A_865] : memref<32x200x128xi32, #tpu.memory_space<hbm>> -> memref<1x2x128xi32, #tpu.memory_space<hbm>>
        %dma_wait3A_867 = tpu.memref_squeeze %dma_wait3A_866 : memref<1x2x128xi32, #tpu.memory_space<hbm>> -> memref<2x128xi32, #tpu.memory_space<hbm>>
        tpu.wait_dma2 semaphore(%arg21 : memref<!tpu.dma_semaphore, #tpu.memory_space<semaphore_mem>>) src(%dma_wait3A_867 : memref<2x128xi32, #tpu.memory_space<hbm>>) dst(%dma_wait3A_864 : memref<2x128xi32, #tpu.memory_space<vmem>>)
        %dma_wait3A_868 = arith.constant 0 : i32
        %dma_wait3A_869 = arith.constant 0 : i32
        %dma_wait3A_870 = arith.constant 0 : i32
        %dma_wait3A_871 = tpu.memref_slice %arg14[%dma_wait3A_868, %dma_wait3A_869, %dma_wait3A_870] : memref<4x2x128xi32, #tpu.memory_space<vmem>> -> memref<1x2x128xi32, #tpu.memory_space<vmem>>
        %dma_wait3A_872 = tpu.memref_squeeze %dma_wait3A_871 : memref<1x2x128xi32, #tpu.memory_space<vmem>> -> memref<2x128xi32, #tpu.memory_space<vmem>>
        %dma_wait3A_873 = arith.constant 0 : i32
        %dma_wait3A_874 = tpu.memref_slice %arg4[%add3A, %mul3A_852, %dma_wait3A_873] : memref<32x200x128xi32, #tpu.memory_space<hbm>> -> memref<1x2x128xi32, #tpu.memory_space<hbm>>
        %dma_wait3A_875 = tpu.memref_squeeze %dma_wait3A_874 : memref<1x2x128xi32, #tpu.memory_space<hbm>> -> memref<2x128xi32, #tpu.memory_space<hbm>>
        %dma_wait3A_876 = arith.constant 0 : i32
        %dma_wait3A_877 = arith.constant 0 : i32
        %dma_wait3A_878 = tpu.memref_slice %arg14[%dma_wait3A_868, %dma_wait3A_876, %dma_wait3A_877] : memref<4x2x128xi32, #tpu.memory_space<vmem>> -> memref<1x2x128xi32, #tpu.memory_space<vmem>>
        %dma_wait3A_879 = tpu.memref_squeeze %dma_wait3A_878 : memref<1x2x128xi32, #tpu.memory_space<vmem>> -> memref<2x128xi32, #tpu.memory_space<vmem>>
        %dma_wait3A_880 = arith.constant 0 : i32
        %dma_wait3A_881 = tpu.memref_slice %arg4[%add3A, %mul3A_852, %dma_wait3A_880] : memref<32x200x128xi32, #tpu.memory_space<hbm>> -> memref<1x2x128xi32, #tpu.memory_space<hbm>>
        %dma_wait3A_882 = tpu.memref_squeeze %dma_wait3A_881 : memref<1x2x128xi32, #tpu.memory_space<hbm>> -> memref<2x128xi32, #tpu.memory_space<hbm>>
        tpu.wait_dma2 semaphore(%arg21 : memref<!tpu.dma_semaphore, #tpu.memory_space<semaphore_mem>>) src(%dma_wait3A_882 : memref<2x128xi32, #tpu.memory_space<hbm>>) dst(%dma_wait3A_879 : memref<2x128xi32, #tpu.memory_space<vmem>>)
        %dma_start3A_883 = arith.constant 0 : i32
        %dma_start3A_884 = arith.constant 0 : i32
        %dma_start3A_885 = arith.constant 0 : i32
        %dma_start3A_886 = arith.constant 0 : i32
        %dma_start3A_887 = arith.constant 0 : i32
        %dma_start3A_888 = tpu.memref_slice %arg15[%dma_start3A_885, %dma_start3A_886, %dma_start3A_887] : memref<4x128x32xf32, #tpu.memory_space<vmem>> -> memref<1x128x32xf32, #tpu.memory_space<vmem>>
        %dma_start3A_889 = tpu.memref_squeeze %dma_start3A_888 : memref<1x128x32xf32, #tpu.memory_space<vmem>> -> memref<128x32xf32, #tpu.memory_space<vmem>>
        %dma_start3A_890 = arith.constant 0 : i32
        %dma_start3A_891 = tpu.memref_slice %arg13[%dma_start3A_883, %dma_start3A_884, %dma_start3A_890] : memref<4x2x128xi32, #tpu.memory_space<vmem>> -> memref<1x1x128xi32, #tpu.memory_space<vmem>>
        %dma_start3A_892 = tpu.memref_squeeze %dma_start3A_891 : memref<1x1x128xi32, #tpu.memory_space<vmem>> -> memref<128xi32, #tpu.memory_space<vmem>>
        %dma_start3A_893 = arith.constant 0 : i32
        %dma_start3A_894 = arith.constant 0 : i32
        %dma_start3A_895 = tpu.memref_slice %arg2[%dma_start3A_893, %dma_start3A_894] : memref<50176x32xf32, #tpu.memory_space<hbm>> -> memref<50176x32xf32, #tpu.memory_space<hbm>>
        tpu.enqueue_indirect_dma source(%dma_start3A_895 : memref<50176x32xf32, #tpu.memory_space<hbm>>) target(%dma_start3A_889 : memref<128x32xf32, #tpu.memory_space<vmem>>) offsets(%dma_start3A_892 : memref<128xi32, #tpu.memory_space<vmem>>) semaphore(%arg17 : memref<!tpu.dma_semaphore, #tpu.memory_space<semaphore_mem>>)
        %dma_start3A_896 = arith.constant 0 : i32
        %dma_start3A_897 = arith.constant 1 : i32
        %dma_start3A_898 = arith.constant 1 : i32
        %dma_start3A_899 = arith.constant 0 : i32
        %dma_start3A_900 = arith.constant 0 : i32
        %dma_start3A_901 = tpu.memref_slice %arg15[%dma_start3A_898, %dma_start3A_899, %dma_start3A_900] : memref<4x128x32xf32, #tpu.memory_space<vmem>> -> memref<1x128x32xf32, #tpu.memory_space<vmem>>
        %dma_start3A_902 = tpu.memref_squeeze %dma_start3A_901 : memref<1x128x32xf32, #tpu.memory_space<vmem>> -> memref<128x32xf32, #tpu.memory_space<vmem>>
        %dma_start3A_903 = arith.constant 0 : i32
        %dma_start3A_904 = tpu.memref_slice %arg13[%dma_start3A_896, %dma_start3A_897, %dma_start3A_903] : memref<4x2x128xi32, #tpu.memory_space<vmem>> -> memref<1x1x128xi32, #tpu.memory_space<vmem>>
        %dma_start3A_905 = tpu.memref_squeeze %dma_start3A_904 : memref<1x1x128xi32, #tpu.memory_space<vmem>> -> memref<128xi32, #tpu.memory_space<vmem>>
        %dma_start3A_906 = arith.constant 0 : i32
        %dma_start3A_907 = arith.constant 0 : i32
        %dma_start3A_908 = tpu.memref_slice %arg2[%dma_start3A_906, %dma_start3A_907] : memref<50176x32xf32, #tpu.memory_space<hbm>> -> memref<50176x32xf32, #tpu.memory_space<hbm>>
        tpu.enqueue_indirect_dma source(%dma_start3A_908 : memref<50176x32xf32, #tpu.memory_space<hbm>>) target(%dma_start3A_902 : memref<128x32xf32, #tpu.memory_space<vmem>>) offsets(%dma_start3A_905 : memref<128xi32, #tpu.memory_space<vmem>>) semaphore(%arg17 : memref<!tpu.dma_semaphore, #tpu.memory_space<semaphore_mem>>)
      } else {
      }
      %dma_start3A_809 = arith.constant 2 : i32
      %dma_start3A_810 = arith.constant 3 : i32
      %dma_start3A_811 = arith.constant 0 : i32
      %dma_start3A_812 = arith.constant 0 : i32
      %dma_start3A_813 = arith.constant 0 : i32
      %dma_start3A_814 = tpu.memref_slice %arg15[%dma_start3A_809, %dma_start3A_812, %dma_start3A_813] : memref<4x128x32xf32, #tpu.memory_space<vmem>> -> memref<1x128x32xf32, #tpu.memory_space<vmem>>
      %dma_start3A_815 = tpu.memref_squeeze %dma_start3A_814 : memref<1x128x32xf32, #tpu.memory_space<vmem>> -> memref<128x32xf32, #tpu.memory_space<vmem>>
      %dma_start3A_816 = arith.constant 0 : i32
      %dma_start3A_817 = tpu.memref_slice %arg14[%dma_start3A_810, %dma_start3A_811, %dma_start3A_816] : memref<4x2x128xi32, #tpu.memory_space<vmem>> -> memref<1x1x128xi32, #tpu.memory_space<vmem>>
      %dma_start3A_818 = tpu.memref_squeeze %dma_start3A_817 : memref<1x1x128xi32, #tpu.memory_space<vmem>> -> memref<128xi32, #tpu.memory_space<vmem>>
      %dma_start3A_819 = arith.constant 0 : i32
      %dma_start3A_820 = arith.constant 0 : i32
      %dma_start3A_821 = tpu.memref_slice %arg11[%dma_start3A_819, %dma_start3A_820] : memref<50176x32xf32, #tpu.memory_space<vmem_shared>> -> memref<50176x32xf32, #tpu.memory_space<vmem_shared>>
      tpu.enqueue_indirect_dma source(%dma_start3A_815 : memref<128x32xf32, #tpu.memory_space<vmem>>) target(%dma_start3A_821 : memref<50176x32xf32, #tpu.memory_space<vmem_shared>>) offsets(%dma_start3A_818 : memref<128xi32, #tpu.memory_space<vmem>>) semaphore(%arg20 : memref<!tpu.dma_semaphore, #tpu.memory_space<semaphore_mem>>) {add = true}
      %dma_start3A_822 = arith.constant 3 : i32
      %dma_start3A_823 = arith.constant 0 : i32
      %dma_start3A_824 = arith.constant 0 : i32
      %dma_start3A_825 = tpu.memref_slice %arg14[%dma_start3A_822, %dma_start3A_823, %dma_start3A_824] : memref<4x2x128xi32, #tpu.memory_space<vmem>> -> memref<1x1x128xi32, #tpu.memory_space<vmem>>
      %dma_start3A_826 = tpu.memref_squeeze %dma_start3A_825 : memref<1x1x128xi32, #tpu.memory_space<vmem>> -> memref<128xi32, #tpu.memory_space<vmem>>
      %dma_start3A_827 = arith.constant 0 : i32
      %dma_start3A_828 = tpu.memref_slice %arg12[%dma_start3A_827] : memref<50176xf32, #tpu.memory_space<vmem_shared>> -> memref<50176xf32, #tpu.memory_space<vmem_shared>>
      tpu.enqueue_indirect_dma source(%arg16 : memref<128xf32, #tpu.memory_space<vmem>>) target(%dma_start3A_828 : memref<50176xf32, #tpu.memory_space<vmem_shared>>) offsets(%dma_start3A_826 : memref<128xi32, #tpu.memory_space<vmem>>) semaphore(%arg20 : memref<!tpu.dma_semaphore, #tpu.memory_space<semaphore_mem>>) {add = true}
      %dma_start3A_829 = arith.constant 3 : i32
      %dma_start3A_830 = arith.constant 3 : i32
      %dma_start3A_831 = arith.constant 1 : i32
      %dma_start3A_832 = arith.constant 0 : i32
      %dma_start3A_833 = arith.constant 0 : i32
      %dma_start3A_834 = tpu.memref_slice %arg15[%dma_start3A_829, %dma_start3A_832, %dma_start3A_833] : memref<4x128x32xf32, #tpu.memory_space<vmem>> -> memref<1x128x32xf32, #tpu.memory_space<vmem>>
      %dma_start3A_835 = tpu.memref_squeeze %dma_start3A_834 : memref<1x128x32xf32, #tpu.memory_space<vmem>> -> memref<128x32xf32, #tpu.memory_space<vmem>>
      %dma_start3A_836 = arith.constant 0 : i32
      %dma_start3A_837 = tpu.memref_slice %arg14[%dma_start3A_830, %dma_start3A_831, %dma_start3A_836] : memref<4x2x128xi32, #tpu.memory_space<vmem>> -> memref<1x1x128xi32, #tpu.memory_space<vmem>>
      %dma_start3A_838 = tpu.memref_squeeze %dma_start3A_837 : memref<1x1x128xi32, #tpu.memory_space<vmem>> -> memref<128xi32, #tpu.memory_space<vmem>>
      %dma_start3A_839 = arith.constant 0 : i32
      %dma_start3A_840 = arith.constant 0 : i32
      %dma_start3A_841 = tpu.memref_slice %arg11[%dma_start3A_839, %dma_start3A_840] : memref<50176x32xf32, #tpu.memory_space<vmem_shared>> -> memref<50176x32xf32, #tpu.memory_space<vmem_shared>>
      tpu.enqueue_indirect_dma source(%dma_start3A_835 : memref<128x32xf32, #tpu.memory_space<vmem>>) target(%dma_start3A_841 : memref<50176x32xf32, #tpu.memory_space<vmem_shared>>) offsets(%dma_start3A_838 : memref<128xi32, #tpu.memory_space<vmem>>) semaphore(%arg20 : memref<!tpu.dma_semaphore, #tpu.memory_space<semaphore_mem>>) {add = true}
      %dma_start3A_842 = arith.constant 3 : i32
      %dma_start3A_843 = arith.constant 1 : i32
      %dma_start3A_844 = arith.constant 0 : i32
      %dma_start3A_845 = tpu.memref_slice %arg14[%dma_start3A_842, %dma_start3A_843, %dma_start3A_844] : memref<4x2x128xi32, #tpu.memory_space<vmem>> -> memref<1x1x128xi32, #tpu.memory_space<vmem>>
      %dma_start3A_846 = tpu.memref_squeeze %dma_start3A_845 : memref<1x1x128xi32, #tpu.memory_space<vmem>> -> memref<128xi32, #tpu.memory_space<vmem>>
      %dma_start3A_847 = arith.constant 0 : i32
      %dma_start3A_848 = tpu.memref_slice %arg12[%dma_start3A_847] : memref<50176xf32, #tpu.memory_space<vmem_shared>> -> memref<50176xf32, #tpu.memory_space<vmem_shared>>
      tpu.enqueue_indirect_dma source(%arg16 : memref<128xf32, #tpu.memory_space<vmem>>) target(%dma_start3A_848 : memref<50176xf32, #tpu.memory_space<vmem_shared>>) offsets(%dma_start3A_846 : memref<128xi32, #tpu.memory_space<vmem>>) semaphore(%arg20 : memref<!tpu.dma_semaphore, #tpu.memory_space<semaphore_mem>>) {add = true}
    }
    %scan3A_139 = arith.constant 25 : i32
    %dma_wait3A_140 = arith.constant 2 : i32
    %dma_wait3A_141 = arith.constant 3 : i32
    %dma_wait3A_142 = arith.constant 0 : i32
    %dma_wait3A_143 = arith.constant 0 : i32
    %dma_wait3A_144 = arith.constant 0 : i32
    %dma_wait3A_145 = tpu.memref_slice %arg15[%dma_wait3A_140, %dma_wait3A_143, %dma_wait3A_144] : memref<4x128x32xf32, #tpu.memory_space<vmem>> -> memref<1x128x32xf32, #tpu.memory_space<vmem>>
    %dma_wait3A_146 = tpu.memref_squeeze %dma_wait3A_145 : memref<1x128x32xf32, #tpu.memory_space<vmem>> -> memref<128x32xf32, #tpu.memory_space<vmem>>
    %dma_wait3A_147 = arith.constant 0 : i32
    %dma_wait3A_148 = tpu.memref_slice %arg14[%dma_wait3A_141, %dma_wait3A_142, %dma_wait3A_147] : memref<4x2x128xi32, #tpu.memory_space<vmem>> -> memref<1x1x128xi32, #tpu.memory_space<vmem>>
    %dma_wait3A_149 = tpu.memref_squeeze %dma_wait3A_148 : memref<1x1x128xi32, #tpu.memory_space<vmem>> -> memref<128xi32, #tpu.memory_space<vmem>>
    %dma_wait3A_150 = arith.constant 0 : i32
    %dma_wait3A_151 = arith.constant 0 : i32
    %dma_wait3A_152 = tpu.memref_slice %arg11[%dma_wait3A_150, %dma_wait3A_151] : memref<50176x32xf32, #tpu.memory_space<vmem_shared>> -> memref<50176x32xf32, #tpu.memory_space<vmem_shared>>
    tpu.wait_indirect_dma semaphore(%arg20 : memref<!tpu.dma_semaphore, #tpu.memory_space<semaphore_mem>>) src(%dma_wait3A_146 : memref<128x32xf32, #tpu.memory_space<vmem>>) dst(%dma_wait3A_152 : memref<50176x32xf32, #tpu.memory_space<vmem_shared>>)
    %dma_wait3A_153 = arith.constant 3 : i32
    %dma_wait3A_154 = arith.constant 0 : i32
    %dma_wait3A_155 = arith.constant 0 : i32
    %dma_wait3A_156 = tpu.memref_slice %arg14[%dma_wait3A_153, %dma_wait3A_154, %dma_wait3A_155] : memref<4x2x128xi32, #tpu.memory_space<vmem>> -> memref<1x1x128xi32, #tpu.memory_space<vmem>>
    %dma_wait3A_157 = tpu.memref_squeeze %dma_wait3A_156 : memref<1x1x128xi32, #tpu.memory_space<vmem>> -> memref<128xi32, #tpu.memory_space<vmem>>
    %dma_wait3A_158 = arith.constant 0 : i32
    %dma_wait3A_159 = tpu.memref_slice %arg12[%dma_wait3A_158] : memref<50176xf32, #tpu.memory_space<vmem_shared>> -> memref<50176xf32, #tpu.memory_space<vmem_shared>>
    tpu.wait_indirect_dma semaphore(%arg20 : memref<!tpu.dma_semaphore, #tpu.memory_space<semaphore_mem>>) src(%arg16 : memref<128xf32, #tpu.memory_space<vmem>>) dst(%dma_wait3A_159 : memref<50176xf32, #tpu.memory_space<vmem_shared>>)
    %dma_wait3A_160 = arith.constant 3 : i32
    %dma_wait3A_161 = arith.constant 3 : i32
    %dma_wait3A_162 = arith.constant 1 : i32
    %dma_wait3A_163 = arith.constant 0 : i32
    %dma_wait3A_164 = arith.constant 0 : i32
    %dma_wait3A_165 = tpu.memref_slice %arg15[%dma_wait3A_160, %dma_wait3A_163, %dma_wait3A_164] : memref<4x128x32xf32, #tpu.memory_space<vmem>> -> memref<1x128x32xf32, #tpu.memory_space<vmem>>
    %dma_wait3A_166 = tpu.memref_squeeze %dma_wait3A_165 : memref<1x128x32xf32, #tpu.memory_space<vmem>> -> memref<128x32xf32, #tpu.memory_space<vmem>>
    %dma_wait3A_167 = arith.constant 0 : i32
    %dma_wait3A_168 = tpu.memref_slice %arg14[%dma_wait3A_161, %dma_wait3A_162, %dma_wait3A_167] : memref<4x2x128xi32, #tpu.memory_space<vmem>> -> memref<1x1x128xi32, #tpu.memory_space<vmem>>
    %dma_wait3A_169 = tpu.memref_squeeze %dma_wait3A_168 : memref<1x1x128xi32, #tpu.memory_space<vmem>> -> memref<128xi32, #tpu.memory_space<vmem>>
    %dma_wait3A_170 = arith.constant 0 : i32
    %dma_wait3A_171 = arith.constant 0 : i32
    %dma_wait3A_172 = tpu.memref_slice %arg11[%dma_wait3A_170, %dma_wait3A_171] : memref<50176x32xf32, #tpu.memory_space<vmem_shared>> -> memref<50176x32xf32, #tpu.memory_space<vmem_shared>>
    tpu.wait_indirect_dma semaphore(%arg20 : memref<!tpu.dma_semaphore, #tpu.memory_space<semaphore_mem>>) src(%dma_wait3A_166 : memref<128x32xf32, #tpu.memory_space<vmem>>) dst(%dma_wait3A_172 : memref<50176x32xf32, #tpu.memory_space<vmem_shared>>)
    %dma_wait3A_173 = arith.constant 3 : i32
    %dma_wait3A_174 = arith.constant 1 : i32
    %dma_wait3A_175 = arith.constant 0 : i32
    %dma_wait3A_176 = tpu.memref_slice %arg14[%dma_wait3A_173, %dma_wait3A_174, %dma_wait3A_175] : memref<4x2x128xi32, #tpu.memory_space<vmem>> -> memref<1x1x128xi32, #tpu.memory_space<vmem>>
    %dma_wait3A_177 = tpu.memref_squeeze %dma_wait3A_176 : memref<1x1x128xi32, #tpu.memory_space<vmem>> -> memref<128xi32, #tpu.memory_space<vmem>>
    %dma_wait3A_178 = arith.constant 0 : i32
    %dma_wait3A_179 = tpu.memref_slice %arg12[%dma_wait3A_178] : memref<50176xf32, #tpu.memory_space<vmem_shared>> -> memref<50176xf32, #tpu.memory_space<vmem_shared>>
    tpu.wait_indirect_dma semaphore(%arg20 : memref<!tpu.dma_semaphore, #tpu.memory_space<semaphore_mem>>) src(%arg16 : memref<128xf32, #tpu.memory_space<vmem>>) dst(%dma_wait3A_179 : memref<50176xf32, #tpu.memory_space<vmem_shared>>)
    %barrier3A_180 = arith.constant 0 : index
    tpu.barrier barrier_id(%barrier3A_180)
    "tpu.region"() ({
      %run_scoped3A = tpu.sem_alloc : memref<!tpu.dma_semaphore, #tpu.memory_space<semaphore_mem>>
      %dma_start3A_188 = arith.constant 0 : i32
      %dma_start3A_189 = tpu.memref_slice %arg8[%arg0, %mul3A_2, %dma_start3A_188] : memref<2x50176x32xf32, #tpu.memory_space<hbm>> -> memref<1x3136x32xf32, #tpu.memory_space<hbm>>
      %dma_start3A_190 = tpu.memref_squeeze %dma_start3A_189 : memref<1x3136x32xf32, #tpu.memory_space<hbm>> -> memref<3136x32xf32, #tpu.memory_space<hbm>>
      %dma_start3A_191 = arith.constant 0 : i32
      %dma_start3A_192 = tpu.memref_slice %arg11[%mul3A_2, %dma_start3A_191] : memref<50176x32xf32, #tpu.memory_space<vmem_shared>> -> memref<3136x32xf32, #tpu.memory_space<vmem_shared>>
      tpu.enqueue_dma source(%dma_start3A_192 : memref<3136x32xf32, #tpu.memory_space<vmem_shared>>) target(%dma_start3A_190 : memref<3136x32xf32, #tpu.memory_space<hbm>>) target_semaphore(%run_scoped3A : memref<!tpu.dma_semaphore, #tpu.memory_space<semaphore_mem>>)
      %dma_wait3A_193 = arith.constant 0 : i32
      %dma_wait3A_194 = tpu.memref_slice %arg8[%arg0, %mul3A_2, %dma_wait3A_193] : memref<2x50176x32xf32, #tpu.memory_space<hbm>> -> memref<1x3136x32xf32, #tpu.memory_space<hbm>>
      %dma_wait3A_195 = tpu.memref_squeeze %dma_wait3A_194 : memref<1x3136x32xf32, #tpu.memory_space<hbm>> -> memref<3136x32xf32, #tpu.memory_space<hbm>>
      %dma_wait3A_196 = arith.constant 0 : i32
      %dma_wait3A_197 = tpu.memref_slice %arg11[%mul3A_2, %dma_wait3A_196] : memref<50176x32xf32, #tpu.memory_space<vmem_shared>> -> memref<3136x32xf32, #tpu.memory_space<vmem_shared>>
      tpu.wait_dma2 semaphore(%run_scoped3A : memref<!tpu.dma_semaphore, #tpu.memory_space<semaphore_mem>>) src(%dma_wait3A_197 : memref<3136x32xf32, #tpu.memory_space<vmem_shared>>) dst(%dma_wait3A_195 : memref<3136x32xf32, #tpu.memory_space<hbm>>)
      tpu.yield
    }) : () -> ()
    %eq3A = arith.constant 0 : i32
    %eq3A_181 = arith.cmpi eq, %arg0, %eq3A : i32
    %convert_element_type3A = arith.extui %eq3A_181 : i1 to i32
    %cond3A = arith.constant 0 : i32
    %cond3A_182 = arith.cmpi ne, %convert_element_type3A, %cond3A : i32
    scf.if %cond3A_182 {
      "tpu.region"() ({
        %run_scoped3A = tpu.sem_alloc : memref<!tpu.dma_semaphore, #tpu.memory_space<semaphore_mem>>
        %dma_start3A_188 = tpu.memref_slice %arg9[%mul3A_2] : memref<50176xf32, #tpu.memory_space<hbm>> -> memref<3136xf32, #tpu.memory_space<hbm>>
        %dma_start3A_189 = tpu.memref_slice %arg12[%mul3A_2] : memref<50176xf32, #tpu.memory_space<vmem_shared>> -> memref<3136xf32, #tpu.memory_space<vmem_shared>>
        tpu.enqueue_dma source(%dma_start3A_189 : memref<3136xf32, #tpu.memory_space<vmem_shared>>) target(%dma_start3A_188 : memref<3136xf32, #tpu.memory_space<hbm>>) target_semaphore(%run_scoped3A : memref<!tpu.dma_semaphore, #tpu.memory_space<semaphore_mem>>)
        %dma_wait3A_190 = tpu.memref_slice %arg9[%mul3A_2] : memref<50176xf32, #tpu.memory_space<hbm>> -> memref<3136xf32, #tpu.memory_space<hbm>>
        %dma_wait3A_191 = tpu.memref_slice %arg12[%mul3A_2] : memref<50176xf32, #tpu.memory_space<vmem_shared>> -> memref<3136xf32, #tpu.memory_space<vmem_shared>>
        tpu.wait_dma2 semaphore(%run_scoped3A : memref<!tpu.dma_semaphore, #tpu.memory_space<semaphore_mem>>) src(%dma_wait3A_191 : memref<3136xf32, #tpu.memory_space<vmem_shared>>) dst(%dma_wait3A_190 : memref<3136xf32, #tpu.memory_space<hbm>>)
        tpu.yield
      }) : () -> ()
    } else {
    }
    %eq3A_183 = arith.constant 1 : i32
    %eq3A_184 = arith.cmpi eq, %arg0, %eq3A_183 : i32
    %convert_element_type3A_185 = arith.extui %eq3A_184 : i1 to i32
    %cond3A_186 = arith.constant 0 : i32
    %cond3A_187 = arith.cmpi ne, %convert_element_type3A_185, %cond3A_186 : i32
    scf.if %cond3A_187 {
      "tpu.region"() ({
        %run_scoped3A = tpu.sem_alloc : memref<!tpu.dma_semaphore, #tpu.memory_space<semaphore_mem>>
        %dma_start3A_188 = tpu.memref_slice %arg10[%mul3A_2] : memref<50176xf32, #tpu.memory_space<hbm>> -> memref<3136xf32, #tpu.memory_space<hbm>>
        %dma_start3A_189 = tpu.memref_slice %arg12[%mul3A_2] : memref<50176xf32, #tpu.memory_space<vmem_shared>> -> memref<3136xf32, #tpu.memory_space<vmem_shared>>
        tpu.enqueue_dma source(%dma_start3A_189 : memref<3136xf32, #tpu.memory_space<vmem_shared>>) target(%dma_start3A_188 : memref<3136xf32, #tpu.memory_space<hbm>>) target_semaphore(%run_scoped3A : memref<!tpu.dma_semaphore, #tpu.memory_space<semaphore_mem>>)
        %dma_wait3A_190 = tpu.memref_slice %arg10[%mul3A_2] : memref<50176xf32, #tpu.memory_space<hbm>> -> memref<3136xf32, #tpu.memory_space<hbm>>
        %dma_wait3A_191 = tpu.memref_slice %arg12[%mul3A_2] : memref<50176xf32, #tpu.memory_space<vmem_shared>> -> memref<3136xf32, #tpu.memory_space<vmem_shared>>
        tpu.wait_dma2 semaphore(%run_scoped3A : memref<!tpu.dma_semaphore, #tpu.memory_space<semaphore_mem>>) src(%dma_wait3A_191 : memref<3136xf32, #tpu.memory_space<vmem_shared>>) dst(%dma_wait3A_190 : memref<3136xf32, #tpu.memory_space<hbm>>)
        tpu.yield
      }) : () -> ()
    } else {
    }
    return
  }
}

module attributes {stable_mosaic.version = 14 : i64} {
  func.func @_scale_body(%arg0: i32, %arg1: memref<1792x128xf32, #tpu.memory_space<vmem>>, %arg2: memref<56x128xf32, #tpu.memory_space<vmem>>, %arg3: memref<128x4096xf32, #tpu.memory_space<vmem>>, %arg4: memref<1792x128xf32, #tpu.memory_space<vmem>>) attributes {dimension_semantics = [#tpu.dimension_semantics<arbitrary>], iteration_bounds = array<i64: 7>, scalar_prefetch = 0 : i64, scratch_operands = 0 : i64, tpu.core_type = #tpu.core_type<tc>, window_params = [{transform_indices = @transform_0, window_bounds = array<i64: 1792, 128>}, {transform_indices = @transform_1, window_bounds = array<i64: 56, 128>}, {pipeline_mode = #tpu.pipeline_mode<synchronous>, transform_indices = @transform_2, window_bounds = array<i64: 128, 4096>}, {transform_indices = @transform_3, window_bounds = array<i64: 1792, 128>}]} {
    %get3A = arith.constant 0 : index
    %get3A_0 = arith.constant 0 : index
    %get3A_1 = vector.load %arg1[%get3A, %get3A_0] : memref<1792x128xf32, #tpu.memory_space<vmem>>, vector<1792x128xf32>
    %get3A_2 = arith.constant 0 : index
    %get3A_3 = arith.constant 0 : index
    %get3A_4 = vector.load %arg2[%get3A_2, %get3A_3] : memref<56x128xf32, #tpu.memory_space<vmem>>, vector<56x128xf32>
    %get3A_5 = arith.constant 0 : index
    %get3A_6 = arith.constant 0 : index
    %get3A_7 = vector.load %arg3[%get3A_5, %get3A_6] : memref<128x4096xf32, #tpu.memory_space<vmem>>, vector<128x4096xf32>
    %dot_general3A = arith.constant dense<0.000000e+00> : vector<56x4096xf32>
    %dot_general3A_8 = tpu.matmul %get3A_4, %get3A_7, %dot_general3A {dimension_numbers = #tpu.dot_dimension_numbers<[1], [0], [0], [1], [0, 0, 1, 1], [], []>, transpose_lhs_hint = false} : vector<56x128xf32>, vector<128x4096xf32>, vector<56x4096xf32> -> vector<56x4096xf32>
    %reshape3A = vector.shape_cast %dot_general3A_8 : vector<56x4096xf32> to vector<1792x128xf32>
    %mul3A = arith.mulf %get3A_1, %reshape3A : vector<1792x128xf32>
    %swap3A = arith.constant 0 : index
    %swap3A_9 = arith.constant 0 : index
    %swap3A_10 = vector.load %arg4[%swap3A, %swap3A_9] : memref<1792x128xf32, #tpu.memory_space<vmem>>, vector<1792x128xf32>
    tpu.vector_store %arg4[%swap3A, %swap3A_9], %mul3A {strides = array<i32>} : memref<1792x128xf32, #tpu.memory_space<vmem>>, vector<1792x128xf32>,
    return
  }
  func.func @transform_0(%arg0: i32) -> (i32, i32) {
    %c0_i32 = arith.constant 0 : i32
    %c0_i32_0 = arith.constant 0 : i32
    return %arg0, %c0_i32 : i32, i32
  }
  func.func @transform_1(%arg0: i32) -> (i32, i32) {
    %c0_i32 = arith.constant 0 : i32
    %c0_i32_0 = arith.constant 0 : i32
    return %arg0, %c0_i32 : i32, i32
  }
  func.func @transform_2(%arg0: i32) -> (i32, i32) {
    %c0_i32 = arith.constant 0 : i32
    %c0_i32_0 = arith.constant 0 : i32
    %c0_i32_1 = arith.constant 0 : i32
    return %c0_i32, %c0_i32_0 : i32, i32
  }
  func.func @transform_3(%arg0: i32) -> (i32, i32) {
    %c0_i32 = arith.constant 0 : i32
    %c0_i32_0 = arith.constant 0 : i32
    return %arg0, %c0_i32 : i32, i32
  }
}

module attributes {stable_mosaic.version = 14 : i64} {
  func.func @_merge_body(%arg0: i32, %arg1: memref<1x1792x128xf32, #tpu.memory_space<vmem>>, %arg2: memref<1x1792x128xf32, #tpu.memory_space<vmem>>, %arg3: memref<56x128xf32, #tpu.memory_space<vmem>>, %arg4: memref<56x128xf32, #tpu.memory_space<vmem>>, %arg5: memref<56x128xf32, #tpu.memory_space<vmem>>, %arg6: memref<128x4096xf32, #tpu.memory_space<vmem>>, %arg7: memref<1792x128xf32, #tpu.memory_space<vmem>>) attributes {dimension_semantics = [#tpu.dimension_semantics<arbitrary>], iteration_bounds = array<i64: 7>, scalar_prefetch = 0 : i64, scratch_operands = 0 : i64, tpu.core_type = #tpu.core_type<tc>, window_params = [{transform_indices = @transform_0, window_bounds = array<i64: 1, 1792, 128>}, {transform_indices = @transform_1, window_bounds = array<i64: 1, 1792, 128>}, {transform_indices = @transform_2, window_bounds = array<i64: 56, 128>}, {transform_indices = @transform_3, window_bounds = array<i64: 56, 128>}, {transform_indices = @transform_4, window_bounds = array<i64: 56, 128>}, {pipeline_mode = #tpu.pipeline_mode<synchronous>, transform_indices = @transform_5, window_bounds = array<i64: 128, 4096>}, {transform_indices = @transform_6, window_bounds = array<i64: 1792, 128>}]} {
    %get3A = arith.constant 0 : index
    %get3A_0 = arith.constant 0 : index
    %get3A_1 = arith.constant 0 : index
    %get3A_2 = vector.load %arg1[%get3A, %get3A_0, %get3A_1] : memref<1x1792x128xf32, #tpu.memory_space<vmem>>, vector<1x1792x128xf32>
    %get3A_3 = vector.shape_cast %get3A_2 : vector<1x1792x128xf32> to vector<1792x128xf32>
    %get3A_4 = arith.constant 0 : index
    %get3A_5 = arith.constant 0 : index
    %get3A_6 = arith.constant 0 : index
    %get3A_7 = vector.load %arg2[%get3A_4, %get3A_5, %get3A_6] : memref<1x1792x128xf32, #tpu.memory_space<vmem>>, vector<1x1792x128xf32>
    %get3A_8 = vector.shape_cast %get3A_7 : vector<1x1792x128xf32> to vector<1792x128xf32>
    %add3A = arith.addf %get3A_3, %get3A_8 : vector<1792x128xf32>
    %get3A_9 = arith.constant 0 : index
    %get3A_10 = arith.constant 0 : index
    %get3A_11 = vector.load %arg3[%get3A_9, %get3A_10] : memref<56x128xf32, #tpu.memory_space<vmem>>, vector<56x128xf32>
    %get3A_12 = arith.constant 0 : index
    %get3A_13 = arith.constant 0 : index
    %get3A_14 = vector.load %arg4[%get3A_12, %get3A_13] : memref<56x128xf32, #tpu.memory_space<vmem>>, vector<56x128xf32>
    %add3A_15 = arith.addf %get3A_11, %get3A_14 : vector<56x128xf32>
    %get3A_16 = arith.constant 0 : index
    %get3A_17 = arith.constant 0 : index
    %get3A_18 = vector.load %arg6[%get3A_16, %get3A_17] : memref<128x4096xf32, #tpu.memory_space<vmem>>, vector<128x4096xf32>
    %dot_general3A = arith.constant dense<0.000000e+00> : vector<56x4096xf32>
    %dot_general3A_19 = tpu.matmul %add3A_15, %get3A_18, %dot_general3A {dimension_numbers = #tpu.dot_dimension_numbers<[1], [0], [0], [1], [0, 0, 1, 1], [], []>, transpose_lhs_hint = false} : vector<56x128xf32>, vector<128x4096xf32>, vector<56x4096xf32> -> vector<56x4096xf32>
    %reshape3A = vector.shape_cast %dot_general3A_19 : vector<56x4096xf32> to vector<1792x128xf32>
    %max3A = arith.constant 1.000000e+00 : f32
    %max3A_20 = vector.broadcast %max3A : f32 to vector<1792x128xf32>
    %max3A_21 = arith.maximumf %reshape3A, %max3A_20 : vector<1792x128xf32>
    %div3A = arith.divf %add3A, %max3A_21 : vector<1792x128xf32>
    %max3A_22 = arith.constant 0.000000e+00 : f32
    %max3A_23 = vector.broadcast %max3A_22 : f32 to vector<1792x128xf32>
    %max3A_24 = arith.maximumf %div3A, %max3A_23 : vector<1792x128xf32>
    %get3A_25 = arith.constant 0 : index
    %get3A_26 = arith.constant 0 : index
    %get3A_27 = vector.load %arg5[%get3A_25, %get3A_26] : memref<56x128xf32, #tpu.memory_space<vmem>>, vector<56x128xf32>
    %get3A_28 = arith.constant 0 : index
    %get3A_29 = arith.constant 0 : index
    %get3A_30 = vector.load %arg6[%get3A_28, %get3A_29] : memref<128x4096xf32, #tpu.memory_space<vmem>>, vector<128x4096xf32>
    %dot_general3A_31 = arith.constant dense<0.000000e+00> : vector<56x4096xf32>
    %dot_general3A_32 = tpu.matmul %get3A_27, %get3A_30, %dot_general3A_31 {dimension_numbers = #tpu.dot_dimension_numbers<[1], [0], [0], [1], [0, 0, 1, 1], [], []>, transpose_lhs_hint = false} : vector<56x128xf32>, vector<128x4096xf32>, vector<56x4096xf32> -> vector<56x4096xf32>
    %reshape3A_33 = vector.shape_cast %dot_general3A_32 : vector<56x4096xf32> to vector<1792x128xf32>
    %mul3A = arith.mulf %max3A_24, %reshape3A_33 : vector<1792x128xf32>
    %swap3A = arith.constant 0 : index
    %swap3A_34 = arith.constant 0 : index
    %swap3A_35 = vector.load %arg7[%swap3A, %swap3A_34] : memref<1792x128xf32, #tpu.memory_space<vmem>>, vector<1792x128xf32>
    tpu.vector_store %arg7[%swap3A, %swap3A_34], %mul3A {strides = array<i32>} : memref<1792x128xf32, #tpu.memory_space<vmem>>, vector<1792x128xf32>,
    return
  }
  func.func @transform_0(%arg0: i32) -> (i32, i32, i32) {
    %c0_i32 = arith.constant 0 : i32
    %c0_i32_0 = arith.constant 0 : i32
    %c0_i32_1 = arith.constant 0 : i32
    return %c0_i32, %arg0, %c0_i32_0 : i32, i32, i32
  }
  func.func @transform_1(%arg0: i32) -> (i32, i32, i32) {
    %c1_i32 = arith.constant 1 : i32
    %c0_i32 = arith.constant 0 : i32
    %c0_i32_0 = arith.constant 0 : i32
    return %c1_i32, %arg0, %c0_i32 : i32, i32, i32
  }
  func.func @transform_2(%arg0: i32) -> (i32, i32) {
    %c0_i32 = arith.constant 0 : i32
    %c0_i32_0 = arith.constant 0 : i32
    return %arg0, %c0_i32 : i32, i32
  }
  func.func @transform_3(%arg0: i32) -> (i32, i32) {
    %c0_i32 = arith.constant 0 : i32
    %c0_i32_0 = arith.constant 0 : i32
    return %arg0, %c0_i32 : i32, i32
  }
  func.func @transform_4(%arg0: i32) -> (i32, i32) {
    %c0_i32 = arith.constant 0 : i32
    %c0_i32_0 = arith.constant 0 : i32
    return %arg0, %c0_i32 : i32, i32
  }
  func.func @transform_5(%arg0: i32) -> (i32, i32) {
    %c0_i32 = arith.constant 0 : i32
    %c0_i32_0 = arith.constant 0 : i32
    %c0_i32_1 = arith.constant 0 : i32
    return %c0_i32, %c0_i32_0 : i32, i32
  }
  func.func @transform_6(%arg0: i32) -> (i32, i32) {
    %c0_i32 = arith.constant 0 : i32
    %c0_i32_0 = arith.constant 0 : i32
    return %arg0, %c0_i32 : i32, i32
  }
}

module attributes {stable_mosaic.version = 14 : i64} {
  func.func @_mm_body(%arg0: i32, %arg1: memref<1x1792x128xf32, #tpu.memory_space<vmem>>, %arg2: memref<1x1792x128xf32, #tpu.memory_space<vmem>>, %arg3: memref<56x128xf32, #tpu.memory_space<vmem>>, %arg4: memref<56x128xf32, #tpu.memory_space<vmem>>, %arg5: memref<128x4096xf32, #tpu.memory_space<vmem>>, %arg6: memref<256x1792xf32, #tpu.memory_space<vmem>>, %arg7: memref<256x1792xf32, #tpu.memory_space<vmem>>, %arg8: memref<256x1792xf32, #tpu.memory_space<vmem>>, %arg9: memref<256x1792xf32, #tpu.memory_space<vmem>>, %arg10: memref<256x32xf32, #tpu.memory_space<vmem>>, %arg11: memref<256x32xf32, #tpu.memory_space<vmem>>) attributes {dimension_semantics = [#tpu.dimension_semantics<arbitrary>], iteration_bounds = array<i64: 7>, scalar_prefetch = 0 : i64, scratch_operands = 1 : i64, tpu.core_type = #tpu.core_type<tc>, window_params = [{transform_indices = @transform_0, window_bounds = array<i64: 1, 1792, 128>}, {transform_indices = @transform_1, window_bounds = array<i64: 1, 1792, 128>}, {transform_indices = @transform_2, window_bounds = array<i64: 56, 128>}, {transform_indices = @transform_3, window_bounds = array<i64: 56, 128>}, {pipeline_mode = #tpu.pipeline_mode<synchronous>, transform_indices = @transform_4, window_bounds = array<i64: 128, 4096>}, {transform_indices = @transform_5, window_bounds = array<i64: 256, 1792>}, {transform_indices = @transform_6, window_bounds = array<i64: 256, 1792>}, {transform_indices = @transform_7, window_bounds = array<i64: 256, 1792>}, {transform_indices = @transform_8, window_bounds = array<i64: 256, 1792>}, {pipeline_mode = #tpu.pipeline_mode<synchronous>, transform_indices = @transform_9, window_bounds = array<i64: 256, 32>}]} {
    %eq3A = arith.constant 0 : i32
    %eq3A_0 = arith.cmpi eq, %arg0, %eq3A : i32
    %convert_element_type3A = arith.extui %eq3A_0 : i1 to i32
    %cond3A = arith.constant 0 : i32
    %cond3A_1 = arith.cmpi ne, %convert_element_type3A, %cond3A : i32
    scf.if %cond3A_1 {
      %broadcast_in_dim3A_110 = arith.constant 0.000000e+00 : f32
      %broadcast_in_dim3A_111 = vector.broadcast %broadcast_in_dim3A_110 : f32 to vector<256x32xf32>
      %swap3A_112 = arith.constant 0 : index
      %swap3A_113 = arith.constant 0 : index
      %swap3A_114 = vector.load %arg11[%swap3A_112, %swap3A_113] : memref<256x32xf32, #tpu.memory_space<vmem>>, vector<256x32xf32>
      tpu.vector_store %arg11[%swap3A_112, %swap3A_113], %broadcast_in_dim3A_111 {strides = array<i32>} : memref<256x32xf32, #tpu.memory_space<vmem>>, vector<256x32xf32>,
    } else {
    }
    %get3A = arith.constant 0 : index
    %get3A_2 = arith.constant 0 : index
    %get3A_3 = arith.constant 0 : index
    %get3A_4 = vector.load %arg1[%get3A, %get3A_2, %get3A_3] : memref<1x1792x128xf32, #tpu.memory_space<vmem>>, vector<1x1792x128xf32>
    %get3A_5 = vector.shape_cast %get3A_4 : vector<1x1792x128xf32> to vector<1792x128xf32>
    %get3A_6 = arith.constant 0 : index
    %get3A_7 = arith.constant 0 : index
    %get3A_8 = arith.constant 0 : index
    %get3A_9 = vector.load %arg2[%get3A_6, %get3A_7, %get3A_8] : memref<1x1792x128xf32, #tpu.memory_space<vmem>>, vector<1x1792x128xf32>
    %get3A_10 = vector.shape_cast %get3A_9 : vector<1x1792x128xf32> to vector<1792x128xf32>
    %add3A = arith.addf %get3A_5, %get3A_10 : vector<1792x128xf32>
    %get3A_11 = arith.constant 0 : index
    %get3A_12 = arith.constant 0 : index
    %get3A_13 = vector.load %arg3[%get3A_11, %get3A_12] : memref<56x128xf32, #tpu.memory_space<vmem>>, vector<56x128xf32>
    %get3A_14 = arith.constant 0 : index
    %get3A_15 = arith.constant 0 : index
    %get3A_16 = vector.load %arg4[%get3A_14, %get3A_15] : memref<56x128xf32, #tpu.memory_space<vmem>>, vector<56x128xf32>
    %add3A_17 = arith.addf %get3A_13, %get3A_16 : vector<56x128xf32>
    %get3A_18 = arith.constant 0 : index
    %get3A_19 = arith.constant 0 : index
    %get3A_20 = vector.load %arg5[%get3A_18, %get3A_19] : memref<128x4096xf32, #tpu.memory_space<vmem>>, vector<128x4096xf32>
    %dot_general3A = arith.constant dense<0.000000e+00> : vector<56x4096xf32>
    %dot_general3A_21 = tpu.matmul %add3A_17, %get3A_20, %dot_general3A {dimension_numbers = #tpu.dot_dimension_numbers<[1], [0], [0], [1], [0, 0, 1, 1], [], []>, transpose_lhs_hint = false} : vector<56x128xf32>, vector<128x4096xf32>, vector<56x4096xf32> -> vector<56x4096xf32>
    %reshape3A = vector.shape_cast %dot_general3A_21 : vector<56x4096xf32> to vector<1792x128xf32>
    %max3A = arith.constant 1.000000e+00 : f32
    %max3A_22 = vector.broadcast %max3A : f32 to vector<1792x128xf32>
    %max3A_23 = arith.maximumf %reshape3A, %max3A_22 : vector<1792x128xf32>
    %div3A = arith.divf %add3A, %max3A_23 : vector<1792x128xf32>
    %max3A_24 = arith.constant 0.000000e+00 : f32
    %max3A_25 = vector.broadcast %max3A_24 : f32 to vector<1792x128xf32>
    %max3A_26 = arith.maximumf %div3A, %max3A_25 : vector<1792x128xf32>
    %get3A_27 = arith.constant 0 : index
    %get3A_28 = arith.constant 0 : index
    %get3A_29 = vector.load %arg11[%get3A_27, %get3A_28] : memref<256x32xf32, #tpu.memory_space<vmem>>, vector<256x32xf32>
    %mul3A = arith.constant 1792 : i32
    %mul3A_30 = arith.muli %arg0, %mul3A : i32
    %add3A_31 = arith.constant 0 : i32
    %add3A_32 = arith.addi %add3A_31, %mul3A_30 : i32
    %iota3A = tpu.iota {dimensions = array<i32: 1>} : vector<256x1792xi32>
    %add3A_33 = vector.broadcast %add3A_32 : i32 to vector<256x1792xi32>
    %add3A_34 = arith.addi %add3A_33, %iota3A : vector<256x1792xi32>
    %lt3A = arith.constant 50000 : i32
    %lt3A_35 = vector.broadcast %lt3A : i32 to vector<256x1792xi32>
    %lt3A_36 = arith.cmpi slt, %add3A_34, %lt3A_35 : vector<256x1792xi32>
    %get3A_37 = arith.constant 0 : index
    %get3A_38 = arith.constant 0 : index
    %get3A_39 = vector.load %arg6[%get3A_37, %get3A_38] : memref<256x1792xf32, #tpu.memory_space<vmem>>, vector<256x1792xf32>
    %jit3A = arith.constant 0.000000e+00 : f32
    %broadcast_in_dim3A = vector.broadcast %jit3A : f32 to vector<256x1792xf32>
    %select_n3A = arith.select %lt3A_36, %get3A_39, %broadcast_in_dim3A : vector<256x1792xi1>, vector<256x1792xf32>
    %slice3A = vector.extract_strided_slice %max3A_26 {offsets = [0, 0], sizes = [1792, 32], strides = [1, 1]} : vector<1792x128xf32> to vector<1792x32xf32>
    %dot_general3A_40 = arith.constant dense<0.000000e+00> : vector<256x32xf32>
    %dot_general3A_41 = tpu.matmul %select_n3A, %slice3A, %dot_general3A_40 {dimension_numbers = #tpu.dot_dimension_numbers<[1], [0], [0], [1], [0, 0, 1, 1], [], []>, transpose_lhs_hint = false} : vector<256x1792xf32>, vector<1792x32xf32>, vector<256x32xf32> -> vector<256x32xf32>
    %add3A_42 = arith.addf %get3A_29, %dot_general3A_41 : vector<256x32xf32>
    %mul3A_43 = arith.constant 1792 : i32
    %mul3A_44 = arith.muli %arg0, %mul3A_43 : i32
    %add3A_45 = arith.constant 12544 : i32
    %add3A_46 = arith.addi %add3A_45, %mul3A_44 : i32
    %iota3A_47 = tpu.iota {dimensions = array<i32: 1>} : vector<256x1792xi32>
    %add3A_48 = vector.broadcast %add3A_46 : i32 to vector<256x1792xi32>
    %add3A_49 = arith.addi %add3A_48, %iota3A_47 : vector<256x1792xi32>
    %lt3A_50 = arith.constant 50000 : i32
    %lt3A_51 = vector.broadcast %lt3A_50 : i32 to vector<256x1792xi32>
    %lt3A_52 = arith.cmpi slt, %add3A_49, %lt3A_51 : vector<256x1792xi32>
    %get3A_53 = arith.constant 0 : index
    %get3A_54 = arith.constant 0 : index
    %get3A_55 = vector.load %arg7[%get3A_53, %get3A_54] : memref<256x1792xf32, #tpu.memory_space<vmem>>, vector<256x1792xf32>
    %jit3A_56 = arith.constant 0.000000e+00 : f32
    %broadcast_in_dim3A_57 = vector.broadcast %jit3A_56 : f32 to vector<256x1792xf32>
    %select_n3A_58 = arith.select %lt3A_52, %get3A_55, %broadcast_in_dim3A_57 : vector<256x1792xi1>, vector<256x1792xf32>
    %slice3A_59 = vector.extract_strided_slice %max3A_26 {offsets = [0, 32], sizes = [1792, 32], strides = [1, 1]} : vector<1792x128xf32> to vector<1792x32xf32>
    %dot_general3A_60 = arith.constant dense<0.000000e+00> : vector<256x32xf32>
    %dot_general3A_61 = tpu.matmul %select_n3A_58, %slice3A_59, %dot_general3A_60 {dimension_numbers = #tpu.dot_dimension_numbers<[1], [0], [0], [1], [0, 0, 1, 1], [], []>, transpose_lhs_hint = false} : vector<256x1792xf32>, vector<1792x32xf32>, vector<256x32xf32> -> vector<256x32xf32>
    %add3A_62 = arith.addf %add3A_42, %dot_general3A_61 : vector<256x32xf32>
    %mul3A_63 = arith.constant 1792 : i32
    %mul3A_64 = arith.muli %arg0, %mul3A_63 : i32
    %add3A_65 = arith.constant 25088 : i32
    %add3A_66 = arith.addi %add3A_65, %mul3A_64 : i32
    %iota3A_67 = tpu.iota {dimensions = array<i32: 1>} : vector<256x1792xi32>
    %add3A_68 = vector.broadcast %add3A_66 : i32 to vector<256x1792xi32>
    %add3A_69 = arith.addi %add3A_68, %iota3A_67 : vector<256x1792xi32>
    %lt3A_70 = arith.constant 50000 : i32
    %lt3A_71 = vector.broadcast %lt3A_70 : i32 to vector<256x1792xi32>
    %lt3A_72 = arith.cmpi slt, %add3A_69, %lt3A_71 : vector<256x1792xi32>
    %get3A_73 = arith.constant 0 : index
    %get3A_74 = arith.constant 0 : index
    %get3A_75 = vector.load %arg8[%get3A_73, %get3A_74] : memref<256x1792xf32, #tpu.memory_space<vmem>>, vector<256x1792xf32>
    %jit3A_76 = arith.constant 0.000000e+00 : f32
    %broadcast_in_dim3A_77 = vector.broadcast %jit3A_76 : f32 to vector<256x1792xf32>
    %select_n3A_78 = arith.select %lt3A_72, %get3A_75, %broadcast_in_dim3A_77 : vector<256x1792xi1>, vector<256x1792xf32>
    %slice3A_79 = vector.extract_strided_slice %max3A_26 {offsets = [0, 64], sizes = [1792, 32], strides = [1, 1]} : vector<1792x128xf32> to vector<1792x32xf32>
    %dot_general3A_80 = arith.constant dense<0.000000e+00> : vector<256x32xf32>
    %dot_general3A_81 = tpu.matmul %select_n3A_78, %slice3A_79, %dot_general3A_80 {dimension_numbers = #tpu.dot_dimension_numbers<[1], [0], [0], [1], [0, 0, 1, 1], [], []>, transpose_lhs_hint = false} : vector<256x1792xf32>, vector<1792x32xf32>, vector<256x32xf32> -> vector<256x32xf32>
    %add3A_82 = arith.addf %add3A_62, %dot_general3A_81 : vector<256x32xf32>
    %mul3A_83 = arith.constant 1792 : i32
    %mul3A_84 = arith.muli %arg0, %mul3A_83 : i32
    %add3A_85 = arith.constant 37632 : i32
    %add3A_86 = arith.addi %add3A_85, %mul3A_84 : i32
    %iota3A_87 = tpu.iota {dimensions = array<i32: 1>} : vector<256x1792xi32>
    %add3A_88 = vector.broadcast %add3A_86 : i32 to vector<256x1792xi32>
    %add3A_89 = arith.addi %add3A_88, %iota3A_87 : vector<256x1792xi32>
    %lt3A_90 = arith.constant 50000 : i32
    %lt3A_91 = vector.broadcast %lt3A_90 : i32 to vector<256x1792xi32>
    %lt3A_92 = arith.cmpi slt, %add3A_89, %lt3A_91 : vector<256x1792xi32>
    %get3A_93 = arith.constant 0 : index
    %get3A_94 = arith.constant 0 : index
    %get3A_95 = vector.load %arg9[%get3A_93, %get3A_94] : memref<256x1792xf32, #tpu.memory_space<vmem>>, vector<256x1792xf32>
    %jit3A_96 = arith.constant 0.000000e+00 : f32
    %broadcast_in_dim3A_97 = vector.broadcast %jit3A_96 : f32 to vector<256x1792xf32>
    %select_n3A_98 = arith.select %lt3A_92, %get3A_95, %broadcast_in_dim3A_97 : vector<256x1792xi1>, vector<256x1792xf32>
    %slice3A_99 = vector.extract_strided_slice %max3A_26 {offsets = [0, 96], sizes = [1792, 32], strides = [1, 1]} : vector<1792x128xf32> to vector<1792x32xf32>
    %dot_general3A_100 = arith.constant dense<0.000000e+00> : vector<256x32xf32>
    %dot_general3A_101 = tpu.matmul %select_n3A_98, %slice3A_99, %dot_general3A_100 {dimension_numbers = #tpu.dot_dimension_numbers<[1], [0], [0], [1], [0, 0, 1, 1], [], []>, transpose_lhs_hint = false} : vector<256x1792xf32>, vector<1792x32xf32>, vector<256x32xf32> -> vector<256x32xf32>
    %add3A_102 = arith.addf %add3A_82, %dot_general3A_101 : vector<256x32xf32>
    %swap3A = arith.constant 0 : index
    %swap3A_103 = arith.constant 0 : index
    %swap3A_104 = vector.load %arg11[%swap3A, %swap3A_103] : memref<256x32xf32, #tpu.memory_space<vmem>>, vector<256x32xf32>
    tpu.vector_store %arg11[%swap3A, %swap3A_103], %add3A_102 {strides = array<i32>} : memref<256x32xf32, #tpu.memory_space<vmem>>, vector<256x32xf32>,
    %eq3A_105 = arith.constant 6 : i32
    %eq3A_106 = arith.cmpi eq, %arg0, %eq3A_105 : i32
    %convert_element_type3A_107 = arith.extui %eq3A_106 : i1 to i32
    %cond3A_108 = arith.constant 0 : i32
    %cond3A_109 = arith.cmpi ne, %convert_element_type3A_107, %cond3A_108 : i32
    scf.if %cond3A_109 {
      %get3A_110 = arith.constant 0 : index
      %get3A_111 = arith.constant 0 : index
      %get3A_112 = vector.load %arg11[%get3A_110, %get3A_111] : memref<256x32xf32, #tpu.memory_space<vmem>>, vector<256x32xf32>
      %swap3A_113 = arith.constant 0 : index
      %swap3A_114 = arith.constant 0 : index
      %swap3A_115 = vector.load %arg10[%swap3A_113, %swap3A_114] : memref<256x32xf32, #tpu.memory_space<vmem>>, vector<256x32xf32>
      tpu.vector_store %arg10[%swap3A_113, %swap3A_114], %get3A_112 {strides = array<i32>} : memref<256x32xf32, #tpu.memory_space<vmem>>, vector<256x32xf32>,
    } else {
    }
    return
  }
  func.func @transform_0(%arg0: i32) -> (i32, i32, i32) {
    %c0_i32 = arith.constant 0 : i32
    %c0_i32_0 = arith.constant 0 : i32
    %c0_i32_1 = arith.constant 0 : i32
    return %c0_i32, %arg0, %c0_i32_0 : i32, i32, i32
  }
  func.func @transform_1(%arg0: i32) -> (i32, i32, i32) {
    %c1_i32 = arith.constant 1 : i32
    %c0_i32 = arith.constant 0 : i32
    %c0_i32_0 = arith.constant 0 : i32
    return %c1_i32, %arg0, %c0_i32 : i32, i32, i32
  }
  func.func @transform_2(%arg0: i32) -> (i32, i32) {
    %c0_i32 = arith.constant 0 : i32
    %c0_i32_0 = arith.constant 0 : i32
    return %arg0, %c0_i32 : i32, i32
  }
  func.func @transform_3(%arg0: i32) -> (i32, i32) {
    %c0_i32 = arith.constant 0 : i32
    %c0_i32_0 = arith.constant 0 : i32
    return %arg0, %c0_i32 : i32, i32
  }
  func.func @transform_4(%arg0: i32) -> (i32, i32) {
    %c0_i32 = arith.constant 0 : i32
    %c0_i32_0 = arith.constant 0 : i32
    %c0_i32_1 = arith.constant 0 : i32
    return %c0_i32, %c0_i32_0 : i32, i32
  }
  func.func @transform_5(%arg0: i32) -> (i32, i32) {
    %add3A = arith.constant 0 : i32
    %add3A_0 = arith.addi %arg0, %add3A : i32
    %c0_i32 = arith.constant 0 : i32
    %c0_i32_1 = arith.constant 0 : i32
    return %c0_i32, %add3A_0 : i32, i32
  }
  func.func @transform_6(%arg0: i32) -> (i32, i32) {
    %add3A = arith.constant 7 : i32
    %add3A_0 = arith.addi %arg0, %add3A : i32
    %c0_i32 = arith.constant 0 : i32
    %c0_i32_1 = arith.constant 0 : i32
    return %c0_i32, %add3A_0 : i32, i32
  }
  func.func @transform_7(%arg0: i32) -> (i32, i32) {
    %add3A = arith.constant 14 : i32
    %add3A_0 = arith.addi %arg0, %add3A : i32
    %c0_i32 = arith.constant 0 : i32
    %c0_i32_1 = arith.constant 0 : i32
    return %c0_i32, %add3A_0 : i32, i32
  }
  func.func @transform_8(%arg0: i32) -> (i32, i32) {
    %add3A = arith.constant 21 : i32
    %add3A_0 = arith.addi %arg0, %add3A : i32
    %c0_i32 = arith.constant 0 : i32
    %c0_i32_1 = arith.constant 0 : i32
    return %c0_i32, %add3A_0 : i32, i32
  }
  func.func @transform_9(%arg0: i32) -> (i32, i32) {
    %c0_i32 = arith.constant 0 : i32
    %c0_i32_0 = arith.constant 0 : i32
    %c0_i32_1 = arith.constant 0 : i32
    return %c0_i32, %c0_i32_0 : i32, i32
  }
}

</mosaic_0001>

<sc_bundles>
// kernel: kernel.10.cloned.1.call-start
scs
__scs_entry_jumppad:
0x0: {  	(pc) =	sbr.rel $0x88, $3  }
0x1: {  	(tag) =	ssettag $0x0;
	lr =	simm.s32 $0x1  }
0x2: {  	[smem:$0x3F9A] =	sst lr;
	_ =	strace $0xD0000000  }
0x3: {  	_ = 	snop  }
0x4: {  	_ = 	snop  }
0x5: {  	_ = 	snop  }
0x6: {  	_ = 	snop  }
0x7: {  	_ = 	snop  }
__scs_overlays_trampoline_lowered:
0x8: {  	[smem:$0x3FA9] =	sst s0  }
0x9: {  	[smem:$0x3FAA] =	sst s1  }
0xa: {  	[smem:$0x3FAB] =	sst s2  }
0xb: {  	[smem:$0x3FAC] =	sst s3  }
0xc: {  	[smem:$0x3FAD] =	sst s4  }
0xd: {  	[smem:$0x3FAE] =	sst s5  }
0xe: {  	[smem:$0x3FAF] =	sst s6  }
0xf: {  	[smem:$0x3FB0] =	sst s7  }
0x10: {  	[smem:$0x3FB1] =	sst s8  }
0x11: {  	[smem:$0x3FB2] =	sst s9;
	s0 =	simm.s32 @!p0 $0x0  }
0x12: {  	s1 =	sld [smem:$0x3F98];
	s0 =	simm.s32 @p0 $0x1  }
0x13: {  	[smem:$0x3FB3] =	sst s0;
	s0 =	simm.s32 @!p1 $0x0  }
0x14: {  	s2 =	sld [smem:$0x3F97];
	s0 =	simm.s32 @p1 $0x1  }
0x15: {  	[smem:$0x3FB4] =	sst s0;
	s0 =	simm.s32 @!p2 $0x0  }
0x16: {  	s3 =	sld [smem:$0x3FDB];
	s0 =	simm.s32 @p2 $0x1  }
0x17: {  	s4 =	simm.s32 $0x1BF5;
	[smem:$0x3FB6] =	sst s0  }
0x18: {  	s0 =	sld [smem:$0x3F99];
	_ =	swait.ge [sflag:s4], $0x0  }
0x19: {  	s7 =	sld [smem:$0x3F9A]  }
0x1a: {  	s8 =	sadd.s32 $0xFFFFE003, lr  }
0x1b: {  	s9 =	sadd.s32 $0xFFFFFEF7, lr;
	s5 =	simm.s32 $0xFFFFFFFF;
	p2 =	slt.u32 s8, $0xFFFFF086  }
0x1c: {  	p1 =	slt.u32 s9, $0xF7A;
	s5 =	simm.s32 @!p2 $0x0  }
0x1d: {  	s5 =	simm.s32 @p1 $0x1;
	p0 =	seq.s32 s7, s2  }
0x1e: {  	s7 =	smul.u32 @!p0 $0xF7A, s2;
	p2 =	seq.s32 @!p0 s5, $0x0  }
0x1f: {  	s9 =	smul.u32 $0xF7A, s1;
	s8 =	simm.s32 @!p0 $0x1BF5;
	p2 =	por !p2, p0  }
0x20: {  	[sflag:s8] =	ssyncset.s32 @!p0 $0xFFFFF086;
	s6 =	sadd.s32 @!p0 s3, s7;
	s7 =	simm.s32 @!p0 $0x108  }
0x21: {  	s3 =	sadd.s32 s3, s9;
	s6 =	sadd.s32 @!p0 $0x88, s6;
	s7 =	simm.s32 @p2 $0x1082  }
0x22: {  	[simem:s7], [sflag:s8] =	dma.local @!p0 [hbm:s6], $0xF7A  }
0x23: {  	s9 =	sor.u32 $0xD0000000, s2;
	s6 =	simm.s32 $0x108;
	_ =	swait.ge @!p0 [sflag:s8], $0x0  }
0x24: {  	s3 =	sadd.s32 $0x88, s3;
	s6 =	simm.s32 @!p1 $0x1082;
	[sflag:s4] =	ssyncset.s32 $0xFFFFF086  }
0x25: {  	[simem:s6], [sflag:s4] =	dma.local [hbm:s3], $0xF7A  }
0x26: {  	[smem:$0x3F9A] =	sst s1;
	(tag) =	ssettag s2;
	_ =	strace s9  }
0x27: {  	s1 =	sld [smem:$0x3FAA]  }
0x28: {  	s2 =	sld [smem:$0x3FAB]  }
0x29: {  	s4 =	sld [smem:$0x3FAD]  }
0x2a: {  	p0 =	seq.s32 s5, $0x0;
	s5 =	sld [smem:$0x3FAE]  }
0x2b: {  	s6 =	sld [smem:$0x3FAF]  }
0x2c: {  	s7 =	sld [smem:$0x3FB0]  }
0x2d: {  	s3 =	simm.s32 $0x108;
	s8 =	sld [smem:$0x3FB1]  }
0x2e: {  	s3 =	simm.s32 @!p0 $0x1082;
	s9 =	sld [smem:$0x3FB2]  }
0x2f: {  	lr =	sadd.s32 s0, s3;
	s0 =	sld [smem:$0x3FA9]  }
0x30: {  	s3 =	sld [smem:$0x3FAC]  }
0x31: {  	[smem:$0x3FB5] =	sst s10  }
0x32: {  	s10 =	sld [smem:$0x3FB3];
	_ =	sdelay $0x3  }
0x33: {  	p0 =	seq.s32 s10, $0x1;
	s10 =	sld [smem:$0x3FB5];
	_ =	sdelay $0x3  }
0x34: {  	[smem:$0x3FB5] =	sst s10  }
0x35: {  	s10 =	sld [smem:$0x3FB4];
	_ =	sdelay $0x3  }
0x36: {  	p1 =	seq.s32 s10, $0x1;
	s10 =	sld [smem:$0x3FB5];
	_ =	sdelay $0x3  }
0x37: {  	[smem:$0x3FB5] =	sst s10  }
0x38: {  	s10 =	sld [smem:$0x3FB6]  }
0x39: {  	_ = 	snop;
	(pc) =	sbr.ind lr, $3  }
0x3a: {  	_ = 	snop  }
0x3b: {  	_ = 	snop  }
0x3c: {  	p2 =	seq.s32 s10, $0x1;
	s10 =	sld [smem:$0x3FB5]  }
0x3d: {  	_ =	shalt  }
0x3e: {  	_ =	shalt  }
0x3f: {  	_ =	shalt  }
0x40: {  	_ =	shalt  }
0x41: {  	_ =	shalt  }
0x42: {  	_ =	shalt  }
0x43: {  	_ =	shalt  }
0x44: {  	_ =	shalt  }
0x45: {  	_ =	shalt  }
0x46: {  	_ =	shalt  }
0x47: {  	_ =	shalt  }
0x48: {  	_ =	shalt  }
0x49: {  	_ =	shalt  }
0x4a: {  	_ =	shalt  }
0x4b: {  	_ =	shalt  }
0x4c: {  	_ =	shalt  }
0x4d: {  	_ =	shalt  }
0x4e: {  	_ =	shalt  }
0x4f: {  	_ =	shalt  }
0x50: {  	_ =	shalt  }
0x51: {  	_ =	shalt  }
0x52: {  	_ =	shalt  }
0x53: {  	_ =	shalt  }
0x54: {  	_ =	shalt  }
0x55: {  	_ =	shalt  }
0x56: {  	_ =	shalt  }
0x57: {  	_ =	shalt  }
0x58: {  	_ =	shalt  }
0x59: {  	_ =	shalt  }
0x5a: {  	_ =	shalt  }
0x5b: {  	_ =	shalt  }
0x5c: {  	_ =	shalt  }
0x5d: {  	_ =	shalt  }
0x5e: {  	_ =	shalt  }
0x5f: {  	_ =	shalt  }
0x60: {  	_ =	shalt  }
0x61: {  	_ =	shalt  }
0x62: {  	_ =	shalt  }
0x63: {  	_ =	shalt  }
0x64: {  	_ =	shalt  }
0x65: {  	_ =	shalt  }
0x66: {  	_ =	shalt  }
0x67: {  	_ =	shalt  }
0x68: {  	_ =	shalt  }
0x69: {  	_ =	shalt  }
0x6a: {  	_ =	shalt  }
0x6b: {  	_ =	shalt  }
0x6c: {  	_ =	shalt  }
0x6d: {  	_ =	shalt  }
0x6e: {  	_ =	shalt  }
0x6f: {  	_ =	shalt  }
0x70: {  	_ =	shalt  }
0x71: {  	_ =	shalt  }
0x72: {  	_ =	shalt  }
0x73: {  	_ =	shalt  }
0x74: {  	_ =	shalt  }
0x75: {  	_ =	shalt  }
0x76: {  	_ =	shalt  }
0x77: {  	_ =	shalt  }
0x78: {  	_ =	shalt  }
0x79: {  	_ =	shalt  }
0x7a: {  	_ =	shalt  }
0x7b: {  	_ =	shalt  }
0x7c: {  	_ =	shalt  }
0x7d: {  	_ =	shalt  }
0x7e: {  	_ =	shalt  }
0x7f: {  	_ =	shalt  }
0x80: {  	_ =	shalt  }
0x81: {  	_ =	shalt  }
0x82: {  	_ =	shalt  }
0x83: {  	_ =	shalt  }
0x84: {  	_ =	shalt  }
0x85: {  	_ =	shalt  }
0x86: {  	_ =	shalt  }
0x87: {  	_ =	shalt  }
.Lfunc_end0:
.L_simem_size_0:
called_computation.1_lowered:
.L_overlay_start_0:
0x88: {  	s2 =	sld [smem:$0x3FD9]  }
0x89: {  	s3 =	sld [smem:$0x3FFE];
	_ =	sdelay $0x1  }
0x8a: {  	s1 =	srdreg.scid  }
0x8b: {  	s0 =	sand.u32 $0x1, s1  }
0x8c: {  	s17 =	sshll.u32 s0, $0xA;
	s2 =	sadd.s32 s3, s2  }
0x8d: {  	s2 =	sadd.s32 s2, s17  }
0x8e: {  	[smem:$0x3FC1] =	sst s2  }
0x8f: {  	_ = 	snop  }
0x90: {  	s2 =	sld [smem:$0x3FD0];
	(tm) =	ssettm $0x1  }
0x91: {  	s18 =	sld [smem:$0x3FFB];
	_ =	sdelay $0x3  }
0x92: {  	_ =	strace s18  }
0x93: {  	s3 =	sld [smem:$0x3FFC];
	_ =	sdelay $0x3  }
0x94: {  	_ =	strace s3  }
0x95: {  	s3 =	sld [smem:$0x3FFD];
	_ =	sdelay $0x3  }
0x96: {  	_ =	strace s3  }
0x97: {  	_ =	strace $0x8FFFFFFF  }
0x98: {  	s19 =	sld [smem:$0x3FDB];
	_ =	sdelay $0x1  }
0x99: {  	s4 =	simm.s32 $_scs_section_size  }
0x9a: {  	s5 =	simm.s32 $_size__tile_overlayer_lowered;
	s6 =	simm.s32 $_tile_overlayer_lowered  }
0x9b: {  	s22 =	simm.s32 $0x1BFF;
	s21 =	sshll.u32 s6, $0x1;
	s3 =	sadd.s32 s4, s19  }
0x9c: {  	s7 =	simm.s32 $0x0;
	s20 =	sshll.u32 s5, $0x1;
	s5 =	sadd.s32 s21, s3  }
0x9d: {  	[timem:s7], [sflag:s22] =	dma.local [hbm:s5], s20  }
0x9e: {  	_ =	swait.ge [sflag:s22], s20  }
0x9f: {  	s4 =	ssub.s32 $0x0, s20;
	[sflag:s22] =	ssyncset.done $0x0  }
0xa0: {  	[sflag:s22] =	ssyncadd.s32 s4;
	_ =	sdelay $0x1  }
0xa1: {  	s23 =	simm.s32 $0x1B8B  }
0xa2: {  	_ =	swait.ge [sflag:s23], $0x1  }
0xa3: {  	[sflag:s23] =	ssyncset.done $0x0  }
0xa4: {  	s25 =	simm.s32 $0x1B8E;
	s24 =	sld [smem:$0x3FFE];
	[sflag:s23] =	ssyncadd.s32 $0xFFFFFFFF  }
0xa5: {  	s26 =	simm.s32 $execute0_lowered;
	[smem:$0x3FD2] =	sst s25  }
0xa6: {  	s5 =	sshll.u32 s26, $0x1;
	_ =	strace $0x80000049;
	[dreg:$0x1] =	wrdreg $0xFFFFFFFF  }
0xa7: {  	s28 =	simm.s32 $_size_execute0_lowered;
	s3 =	sadd.s32 s3, s5;
	[dreg:$0x0] =	wrdreg $0x0  }
0xa8: {  	s5 =	sshll.u32 s28, $0x1;
	[dreg:$0x2] =	wrdreg s3  }
0xa9: {  	[dreg:$0x3] =	wrdreg s5  }
0xaa: {  	[dreg:$0x4] =	wrdreg $0xC0  }
0xab: {  	_ =	task [dreg:s7], $0x5FFFF  }
0xac: {  	[dreg:$0x1] =	wrdreg $0xFFFFFFFF  }
0xad: {  	[dreg:$0x0] =	wrdreg $0x60  }
0xae: {  	[dreg:$0x2] =	wrdreg s24  }
0xaf: {  	[dreg:$0x3] =	wrdreg s2  }
0xb0: {  	[dreg:$0x4] =	wrdreg $0x0  }
0xb1: {  	[dreg:$0x5] =	wrdreg $0x188000  }
0xb2: {  	[dreg:$0x6] =	wrdreg $0x9  }
0xb3: {  	_ =	task.clear_ibuf [dreg:s7], $0x7FFFF;
	_ =	strace $0x90000049  }
0xb4: {  	s29 =	simm.s32 $0x9;
	_ =	strace $0x8000004B  }
0xb5: {  	_ =	swait.ge [sflag:s29], $0x1  }
0xb6: {  	[sflag:s29] =	ssyncadd.s32 $0xFFFFFFFF  }
0xb7: {  	_ =	strace $0x9000004B  }
0xb8: {  	_ =	sfence  }
0xb9: {  	s30 =	sld [smem:$0x0];
	_ =	sdelay $0x2  }
0xba: {  	s31 =	sshll.u32 s1, $0xD;
	s1 =	sshrl.u32 s1, $0x2  }
0xbb: {  	s3 =	sand.u32 $0x4000, s31;
	s1 =	sadd.s32 s1, s30  }
0xbc: {  	s0 =	sor.u32 s3, s0;
	s1 =	sshll.u32 s1, $0x11  }
0xbd: {  	s0 =	sor.u32 s1, s0  }
0xbe: {  	s0 =	sadd.s32 $0x8F2B, s0  }
0xbf: {  	[sflag:s0] =	ssyncadd.remote.s32 $0x1  }
0xc0: {  	_ =	sfence.sel $0xFFFF  }
0xc1: {  	[dreg:$0x0] =	wrdreg $0xFFFFFFFF;
	(pc) =	sbr.abs _section_cstart, $3  }
0xc2: {  	[dreg:$0x1] =	wrdreg $0xFFFFFFFF  }
0xc3: {  	_ =	task.clear_ibuf [dreg:s7], $0x2FFFF;
	_ =	strace $0x9FFFFFFF  }
0xc4: {  	(tm) =	ssettm $0x7FFFFFFF  }
0xc5: {  	_ =	shalt  }
tec
execute0_lowered:
.L_overlay_start_1:
0x0: {  	(tag) =	ssettag $0x1  }
0x1: {  	s0 =	rddreg [dreg:$0x0]  }
0x2: {  	s2 =	rddreg [dreg:$0x2]  }
0x3: {  	s3 =	rddreg [dreg:$0x3];
	s4 =	simm.s32 $0x0;
	s1 =	srdreg.scid  }
0x4: {  	s14 =	stileid.u32;
	s29 =	simm.s32 $0x19540;
	s28 =	simm.s32 $0x3  }
0x5: {  	s30 =	simm.s32 $0x19B40;
	s31 =	simm.s32 $0x19BC0;
	[smem:$0x7FF] =	sst s4  }
0x6: {  	s1 =	sand.u32 $0x1, s1;
	s6 =	sadd.s32 $0x2400, s0;
	s7 =	smul.u32 $0x18800, s14  }
0x7: {  	s17 =	sadd.s32 $0x7CC00, s0;
	s22 =	sadd.s32 $0xF7C00, s0;
	s11 =	smul.u32 $0xC40, s14  }
0x8: {  	s8 =	sadd.s32 $0x34400, s0;
	s9 =	sadd.s32 $0x35200, s0;
	s13 =	smul.u32 $0x6400, s14  }
0x9: {  	s20 =	smul.u32 $0x62000, s14;
	_ =	strace $0x8000004A;
	[dreg:$0xe] =	wrdreg s8  }
0xa: {  	s5 =	smul.u32 $0x188000, s1;
	s23 =	sshll.u32 s1, $0x4;
	[dreg:$0xf] =	wrdreg s9  }
0xb: {  	s24 =	ssub.s32 $0x2, s1;
	s25 =	smul.u32 $0x64000, s1;
	p0 =	seq.s32 s1, $0x1  }
0xc: {  	s8 =	sor.u32 s14, s23;
	s10 =	sshrl.u32 s24, $0x1;
	s12 =	sadd.s32 s11, s3  }
0xd: {  	s19 =	sshrl.u32 s11, $0x3;
	s5 =	sadd.s32 s7, s5;
	s8 =	smul.u32 $0x6400, s8  }
0xe: {  	s9 =	ssub.s32 s24, s10;
	[dreg:$0x10] =	wrdreg s12;
	s7 =	sadd.s32 s7, s2  }
0xf: {  	s5 =	sshrl.u32 s5, $0x3;
	s9 =	smax.u32 s9, $0x1;
	s8 =	sshrl.u32 s8, $0x3  }
0x10: {  	s5 =	sadd.s32 s5, s0;
	[dreg:$0x16] =	wrdreg s9;
	s15 =	sadd.s32 s17, s8  }
0x11: {  	s26 =	sor.u32 $0x20, s8;
	s8 =	sadd.s32 s22, s8;
	[dreg:$0x11] =	wrdreg s15  }
0x12: {  	s9 =	sshrl.u32 s20, $0x2;
	s5 =	sadd.s32 $0x95C00, s5;
	[dreg:$0x12] =	wrdreg s8  }
0x13: {  	s15 =	sadd.s32 s17, s26;
	s16 =	sadd.s32 s22, s26;
	[dreg:$0x15] =	wrdreg s5  }
0x14: {  	s5 =	sadd.s32 s13, s25;
	s13 =	sadd.s32 s9, s2;
	[dreg:$0x13] =	wrdreg s15  }
0x15: {  	s9 =	simm.s32 $0x36E00;
	s8 =	simm.s32 $0x0;
	[dreg:$0x14] =	wrdreg s16  }
0x16: {  	s18 =	sadd.s32 $0x500, s5;
	s23 =	sor.u32 $0x300, s5;
	s26 =	sor.u32 $0x200, s5  }
0x17: {  	s14 =	sadd.s32 $0x6200, s13;
	s9 =	simm.s32 @!p0 $0x35400;
	s15 =	simm.s32 $0x195C0  }
0x18: {  	s16 =	sadd.s32 $0xC400, s13;
	[dreg:$0x17] =	wrdreg s13;
	s20 =	sadd.s32 $0x12600, s13  }
0x19: {  	s5 =	sadd.s32 $0x400, s5;
	s13 =	simm.s32 $0x1AC40;
	[dreg:$0xb] =	wrdreg s15  }
0x1a: {  	s1 =	sshrl.u32 s18, $0x3;
	s18 =	simm.s32 $0x196C0;
	[dreg:$0x19] =	wrdreg s5  }
0x1b: {  	s24 =	sshrl.u32 s23, $0x3;
	s23 =	sshrl.u32 s14, $0x3;
	[dreg:$0xc] =	wrdreg s18  }
0x1c: {  	s11 =	sshrl.u32 s26, $0x3;
	s26 =	sshrl.u32 s7, $0x3;
	[dreg:$0x1a] =	wrdreg s23  }
0x1d: {  	s0 =	sadd.s32 s9, s0;
	s21 =	sadd.s32 s1, s22;
	[dreg:$0x1d] =	wrdreg s26  }
0x1e: {  	s9 =	simm.s32 $0x19640;
	s1 =	sadd.s32 s1, s17;
	[dreg:$0x5] =	wrdreg s21  }
0x1f: {  	s14 =	simm.s32 $0x6;
	s25 =	sadd.s32 s24, s22;
	[dreg:$0x6] =	wrdreg s1  }
0x20: {  	s15 =	simm.s32 $0x1BC40;
	s10 =	sadd.s32 s24, s17;
	[dreg:$0x7] =	wrdreg s25  }
0x21: {  	s5 =	simm.s32 $0x198C0;
	s12 =	sadd.s32 s11, s22;
	[dreg:$0x8] =	wrdreg s10  }
0x22: {  	s0 =	sadd.s32 s0, s19;
	s19 =	simm.s32 $0x197C0;
	[dreg:$0x9] =	wrdreg s12  }
0x23: {  	s24 =	sshrl.u32 s16, $0x3;
	s23 =	simm.s32 $0x19A40;
	[dreg:$0x18] =	wrdreg s0  }
0x24: {  	s16 =	simm.s32 $0x1CC40;
	s18 =	simm.s32 $0x4;
	[dreg:$0xd] =	wrdreg s19  }
0x25: {  	s10 =	sadd.s32 s11, s17;
	s21 =	simm.s32 $0x1DC40;
	[dreg:$0x1b] =	wrdreg s24  }
0x26: {  	s25 =	sshrl.u32 s20, $0x3;
	s12 =	simm.s32 $0x9;
	s0 =	simm.s32 $0x19940  }
0x27: {  	s1 =	simm.s32 $0x80;
	s11 =	simm.s32 $0x1;
	s19 =	simm.s32 $0x2  }
0x28: {  	s24 =	simm.s32 $0x7;
	s20 =	simm.s32 $0x8;
	[dreg:$0xa] =	wrdreg s10  }
0x29: {  	[dreg:$0x1c] =	wrdreg s25;
	s25 =	simm.s32 $0x19840;
	s10 =	simm.s32 $0x19C40  }
.LBB2_1:
0x2a: {  	[dreg:$0x1e] =	wrdreg s8  }
0x2b: {  	s7 =	rddreg [dreg:$0xf];
	s26 =	stileid.u32  }
0x2c: {  	[tilespmem:s21], [sflag:$0x9] =	stream.linear.gather [hbm4b:s7+s4], $0x80, $0x38;
	[tilespmem:$0x1DCC0] =	vst v63  }
0x2d: {  	s7 =	sshll.u32 s26, $0x6;
	_ =	swait.ge [sflag:s12], $0x80  }
0x2e: {  	s26 =	sor.u32 $0x1C09, s7;
	[sflag:s12] =	ssyncset.done $0x0;
	s8 =	rddreg [dreg:$0x17]  }
0x2f: {  	[sflag:s12] =	ssyncadd.s32 $0xFFFFFF80;
	s7 =	sshrl.u32 s8, $0x3;
	s8 =	rddreg [dreg:$0xe]  }
0x30: {  	[spmem:s7], [sflag:s26] =	dma.local [hbm:s8], $0xC40  }
0x31: {  	_ =	swait.ge [sflag:s12], $0xC40  }
0x32: {  	[sflag:s12] =	ssyncset.done $0x0  }
0x33: {  	s7 =	rddreg [dreg:$0x1a];
	[sflag:s12] =	ssyncadd.s32 $0xFFFFF3C0  }
0x34: {  	[spmem:s7], [sflag:s26] =	dma.local [hbm:s8], $0xC40  }
0x35: {  	_ =	swait.ge [sflag:s12], $0xC40  }
0x36: {  	[sflag:s12] =	ssyncset.done $0x0  }
0x37: {  	s7 =	rddreg [dreg:$0x1b];
	[sflag:s12] =	ssyncadd.s32 $0xFFFFF3C0  }
0x38: {  	[spmem:s7], [sflag:s26] =	dma.local [hbm:s8], $0xC40  }
0x39: {  	_ =	swait.ge [sflag:s12], $0xC40  }
0x3a: {  	[sflag:s12] =	ssyncset.done $0x0  }
0x3b: {  	s7 =	rddreg [dreg:$0x1c];
	[sflag:s12] =	ssyncadd.s32 $0xFFFFF3C0  }
0x3c: {  	[spmem:s7], [sflag:s26] =	dma.local [hbm:s8], $0xC40  }
0x3d: {  	_ =	swait.ge [sflag:s12], $0xC40  }
0x3e: {  	[dreg:$0x1f] =	wrdreg s26;
	[sflag:s12] =	ssyncset.done $0x0  }
0x3f: {  	s8 =	rddreg [dreg:$0x10];
	[sflag:s12] =	ssyncadd.s32 $0xFFFFF3C0  }
0x40: {  	s8 =	sshrl.u32 s8, $0x3;
	s7 =	rddreg [dreg:$0x1]  }
0x41: {  	[smem:$0x7FD] =	sst s8  }
0x42: {  	[spmem:s8], [sflag:s26] =	dma.local [hbm:s7], $0x188  }
0x43: {  	_ =	swait.ge [sflag:s12], $0x188  }
0x44: {  	[sflag:s12] =	ssyncset.done $0x0  }
0x45: {  	[sflag:s12] =	ssyncadd.s32 $0xFFFFFE78  }
0x46: {  	[bflag:$0x0] =	sbarrier.arrive $0xFFFF  }
0x47: {  	s8 =	simm.s32 $0x19440;
	s26 =	rddreg [dreg:$0x11]  }
0x48: {  	[tilespmem:s8], [sflag:$0x5] =	stream.linear.gather [hbm4b:s26+s4], $0x100, $0x38;
	[tilespmem:$0x1DCC0] =	vst v63  }
0x49: {  	s12 =	rddreg [dreg:$0x12]  }
0x4a: {  	[tilespmem:s25], [sflag:$0x5] =	stream.linear.gather [hbm4b:s12+s4], $0x100, $0x38;
	[tilespmem:$0x1DCC0] =	vst v63  }
0x4b: {  	s26 =	rddreg [dreg:$0x13]  }
0x4c: {  	[tilespmem:s29], [sflag:$0x6] =	stream.linear.gather [hbm4b:s26+s4], $0x100, $0x38;
	[tilespmem:$0x1DCC0] =	vst v63  }
0x4d: {  	s12 =	rddreg [dreg:$0x14];
	s26 =	simm.s32 $0x5  }
0x4e: {  	[tilespmem:s0], [sflag:$0x6] =	stream.linear.gather [hbm4b:s12+s4], $0x100, $0x38;
	[tilespmem:$0x1DCC0] =	vst v63  }
0x4f: {  	_ =	swait.ge [sflag:s26], $0x100  }
0x50: {  	[sflag:s26] =	ssyncset.done $0x0  }
0x51: {  	[sflag:s26] =	ssyncadd.s32 $0xFFFFFF00  }
0x52: {  	_ =	swait.ge [sflag:s26], $0x100  }
0x53: {  	[sflag:s26] =	ssyncset.done $0x0  }
0x54: {  	[sflag:s26] =	ssyncadd.s32 $0xFFFFFF00  }
0x55: {  	[tilespmem:s10], [sflag:$0x1] =	stream.indirect.gather [hbm4b:s6+s1], $0x20, s8, s1, $0xb8;
	[tilespmem:$0x1DCC0] =	vst v63  }
0x56: {  	s12 =	simm.s32 $0x194C0  }
0x57: {  	[tilespmem:s13], [sflag:$0x1] =	stream.indirect.gather [hbm4b:s6+s1], $0x20, s12, s1, $0xb8;
	[tilespmem:$0x1DCC0] =	vst v63  }
0x58: {  	_ =	swait.ge [sflag:s11], $0x1000  }
0x59: {  	[sflag:s11] =	ssyncset.done $0x0  }
0x5a: {  	[sflag:s11] =	ssyncadd.s32 $0xFFFFF000  }
0x5b: {  	_ =	swait.ge [sflag:s11], $0x1000  }
0x5c: {  	p0 =	por $0x1, $0x1;
	[sflag:s11] =	ssyncset.done $0x0  }
0x5d: {  	s7 =	simm.s32 @!p0 $0x4;
	[sflag:s11] =	ssyncadd.s32 $0xFFFFF000  }
0x5e: {  	_ =	swait.ge @!p0 [sflag:s7], $0x1000  }
0x5f: {  	[sflag:s7] =	ssyncset.done @!p0 $0x0  }
0x60: {  	[sflag:s7] =	ssyncadd.s32 @!p0 $0xFFFFF000  }
0x61: {  	_ =	swait.ge @!p0 [sflag:s7], $0x80  }
0x62: {  	[sflag:s7] =	ssyncset.done @!p0 $0x0  }
0x63: {  	[sflag:s7] =	ssyncadd.s32 @!p0 $0xFFFFFF80  }
0x64: {  	_ =	swait.ge @!p0 [sflag:s7], $0x1000  }
0x65: {  	[sflag:s7] =	ssyncset.done @!p0 $0x0  }
0x66: {  	[sflag:s7] =	ssyncadd.s32 @!p0 $0xFFFFF000  }
0x67: {  	_ =	swait.ge @!p0 [sflag:s7], $0x80  }
0x68: {  	s26 =	rddreg [dreg:$0xa];
	[sflag:s7] =	ssyncset.done @!p0 $0x0  }
0x69: {  	s12 =	rddreg [dreg:$0x9];
	[sflag:s7] =	ssyncadd.s32 @!p0 $0xFFFFFF80;
	s8 =	sadd.s32 $0x0, s26  }
0x6a: {  	[tilespmem:s9], [sflag:$0x7] =	stream.linear.gather [hbm4b:s8+s4], $0x100, $0x38;
	[tilespmem:$0x1DCC0] =	vst v63  }
0x6b: {  	s12 =	sadd.s32 $0x0, s12  }
0x6c: {  	[tilespmem:s23], [sflag:$0x7] =	stream.linear.gather [hbm4b:s12+s4], $0x100, $0x38;
	[tilespmem:$0x1DCC0] =	vst v63  }
0x6d: {  	_ =	swait.ge [sflag:s14], $0x100  }
0x6e: {  	[sflag:s14] =	ssyncset.done $0x0  }
0x6f: {  	[sflag:s14] =	ssyncadd.s32 $0xFFFFFF00  }
0x70: {  	_ =	swait.ge [sflag:s14], $0x100  }
0x71: {  	[sflag:s14] =	ssyncset.done $0x0  }
0x72: {  	[sflag:s14] =	ssyncadd.s32 $0xFFFFFF00  }
0x73: {  	[tilespmem:s15], [sflag:$0x2] =	stream.indirect.gather [hbm4b:s6+s1], $0x20, s29, s1, $0xb8;
	[tilespmem:$0x1DCC0] =	vst v63  }
0x74: {  	s26 =	rddreg [dreg:$0xb]  }
0x75: {  	[tilespmem:s16], [sflag:$0x2] =	stream.indirect.gather [hbm4b:s6+s1], $0x20, s26, s1, $0xb8;
	[tilespmem:$0x1DCC0] =	vst v63  }
0x76: {  	_ = 	snop  }
0x77: {  	[spmem:s2] =	stream.indirect.scatter.add.f32 [tilespmem:s10], [sflag:$0x3], $0x20, s25, s1, $0xb8;
	[tilespmem:$0x1DCC0] =	vst v63  }
0x78: {  	_ = 	snop  }
0x79: {  	[spmem:s3] =	stream.indirect.scatter.add.f32 [tilespmem:s21], [sflag:$0x3], $0x1, s25, s1, $0xb8;
	[tilespmem:$0x1DCC0] =	vst v63  }
0x7a: {  	_ = 	snop  }
0x7b: {  	[spmem:s2] =	stream.indirect.scatter.add.f32 [tilespmem:s13], [sflag:$0x3], $0x20, s5, s1, $0xb8;
	[tilespmem:$0x1DCC0] =	vst v63  }
0x7c: {  	_ = 	snop  }
0x7d: {  	[spmem:s3] =	stream.indirect.scatter.add.f32 [tilespmem:s21], [sflag:$0x3], $0x1, s5, s1, $0xb8;
	[tilespmem:$0x1DCC0] =	vst v63  }
0x7e: {  	_ =	swait.ge [sflag:s19], $0x1000  }
0x7f: {  	[sflag:s19] =	ssyncset.done $0x0  }
0x80: {  	[sflag:s19] =	ssyncadd.s32 $0xFFFFF000  }
0x81: {  	_ =	swait.ge [sflag:s19], $0x1000  }
0x82: {  	[sflag:s19] =	ssyncset.done $0x0  }
0x83: {  	[sflag:s19] =	ssyncadd.s32 $0xFFFFF000  }
0x84: {  	_ =	swait.ge [sflag:s28], $0x1000  }
0x85: {  	[sflag:s28] =	ssyncset.done $0x0  }
0x86: {  	[sflag:s28] =	ssyncadd.s32 $0xFFFFF000  }
0x87: {  	_ =	swait.ge [sflag:s28], $0x80  }
0x88: {  	[sflag:s28] =	ssyncset.done $0x0  }
0x89: {  	[sflag:s28] =	ssyncadd.s32 $0xFFFFFF80  }
0x8a: {  	_ =	swait.ge [sflag:s28], $0x1000  }
0x8b: {  	[sflag:s28] =	ssyncset.done $0x0  }
0x8c: {  	[sflag:s28] =	ssyncadd.s32 $0xFFFFF000  }
0x8d: {  	_ =	swait.ge [sflag:s28], $0x80  }
0x8e: {  	s5 =	simm.s32 $0x19740;
	s8 =	rddreg [dreg:$0x8];
	[sflag:s28] =	ssyncset.done $0x0  }
0x8f: {  	s12 =	rddreg [dreg:$0x7];
	[sflag:s28] =	ssyncadd.s32 $0xFFFFFF80;
	s7 =	sadd.s32 $0x0, s8  }
0x90: {  	[tilespmem:s5], [sflag:$0x8] =	stream.linear.gather [hbm4b:s7+s4], $0x100, $0x38;
	[tilespmem:$0x1DCC0] =	vst v63  }
0x91: {  	s26 =	sadd.s32 $0x0, s12  }
0x92: {  	[tilespmem:s30], [sflag:$0x8] =	stream.linear.gather [hbm4b:s26+s4], $0x100, $0x38;
	[tilespmem:$0x1DCC0] =	vst v63  }
0x93: {  	_ =	swait.ge [sflag:s24], $0x100  }
0x94: {  	[sflag:s24] =	ssyncset.done $0x0  }
0x95: {  	[sflag:s24] =	ssyncadd.s32 $0xFFFFFF00  }
0x96: {  	_ =	swait.ge [sflag:s24], $0x100  }
0x97: {  	[sflag:s24] =	ssyncset.done $0x0  }
0x98: {  	[sflag:s24] =	ssyncadd.s32 $0xFFFFFF00  }
0x99: {  	[tilespmem:s10], [sflag:$0x1] =	stream.indirect.gather [hbm4b:s6+s1], $0x20, s9, s1, $0xb8;
	[tilespmem:$0x1DCC0] =	vst v63  }
0x9a: {  	s29 =	rddreg [dreg:$0xc]  }
0x9b: {  	[tilespmem:s13], [sflag:$0x1] =	stream.indirect.gather [hbm4b:s6+s1], $0x20, s29, s1, $0xb8;
	[tilespmem:$0x1DCC0] =	vst v63  }
0x9c: {  	_ = 	snop  }
0x9d: {  	[spmem:s2] =	stream.indirect.scatter.add.f32 [tilespmem:s15], [sflag:$0x4], $0x20, s0, s1, $0xb8;
	[tilespmem:$0x1DCC0] =	vst v63  }
0x9e: {  	_ = 	snop  }
0x9f: {  	[spmem:s3] =	stream.indirect.scatter.add.f32 [tilespmem:s21], [sflag:$0x4], $0x1, s0, s1, $0xb8;
	[tilespmem:$0x1DCC0] =	vst v63  }
0xa0: {  	s8 =	simm.s32 $0x199C0  }
0xa1: {  	[spmem:s2] =	stream.indirect.scatter.add.f32 [tilespmem:s16], [sflag:$0x4], $0x20, s8, s1, $0xb8;
	[tilespmem:$0x1DCC0] =	vst v63  }
0xa2: {  	_ = 	snop  }
0xa3: {  	[spmem:s3] =	stream.indirect.scatter.add.f32 [tilespmem:s21], [sflag:$0x4], $0x1, s8, s1, $0xb8;
	[tilespmem:$0x1DCC0] =	vst v63  }
0xa4: {  	_ =	swait.ge [sflag:s11], $0x1000  }
0xa5: {  	[sflag:s11] =	ssyncset.done $0x0  }
0xa6: {  	[sflag:s11] =	ssyncadd.s32 $0xFFFFF000  }
0xa7: {  	_ =	swait.ge [sflag:s11], $0x1000  }
0xa8: {  	[sflag:s11] =	ssyncset.done $0x0  }
0xa9: {  	[sflag:s11] =	ssyncadd.s32 $0xFFFFF000  }
0xaa: {  	_ =	swait.ge [sflag:s18], $0x1000  }
0xab: {  	[sflag:s18] =	ssyncset.done $0x0  }
0xac: {  	[sflag:s18] =	ssyncadd.s32 $0xFFFFF000  }
0xad: {  	_ =	swait.ge [sflag:s18], $0x80  }
0xae: {  	[sflag:s18] =	ssyncset.done $0x0  }
0xaf: {  	[sflag:s18] =	ssyncadd.s32 $0xFFFFFF80  }
0xb0: {  	_ =	swait.ge [sflag:s18], $0x1000  }
0xb1: {  	[sflag:s18] =	ssyncset.done $0x0  }
0xb2: {  	[sflag:s18] =	ssyncadd.s32 $0xFFFFF000  }
0xb3: {  	_ =	swait.ge [sflag:s18], $0x80  }
0xb4: {  	p0 =	por $0x0, $0x0;
	s12 =	rddreg [dreg:$0x19]  }
0xb5: {  	s29 =	simm.s32 @!p0 $0x0;
	[sflag:s18] =	ssyncset.done $0x0;
	s7 =	sshrl.u32 @!p0 s12, $0x3  }
0xb6: {  	s8 =	simm.s32 @!p0 $0x19440;
	[sflag:s18] =	ssyncadd.s32 $0xFFFFFF80;
	s26 =	sadd.s32 @!p0 s17, s7  }
0xb7: {  	[tilespmem:s8], [sflag:$0x5] =	stream.linear.gather @!p0 [hbm4b:s26+s29], $0x100, $0x38;
	[tilespmem:$0x1DCC0] =	vst v63  }
0xb8: {  	s7 =	sadd.s32 @!p0 s22, s7;
	s26 =	simm.s32 @!p0 $0x19840  }
0xb9: {  	[tilespmem:s26], [sflag:$0x5] =	stream.linear.gather @!p0 [hbm4b:s7+s29], $0x100, $0x38;
	[tilespmem:$0x1DCC0] =	vst v63  }
0xba: {  	_ =	swait.ge [sflag:s20], $0x100  }
0xbb: {  	[sflag:s20] =	ssyncset.done $0x0  }
0xbc: {  	[sflag:s20] =	ssyncadd.s32 $0xFFFFFF00  }
0xbd: {  	_ =	swait.ge [sflag:s20], $0x100  }
0xbe: {  	[sflag:s20] =	ssyncset.done $0x0  }
0xbf: {  	[sflag:s20] =	ssyncadd.s32 $0xFFFFFF00  }
0xc0: {  	[tilespmem:s15], [sflag:$0x2] =	stream.indirect.gather [hbm4b:s6+s1], $0x20, s5, s1, $0xb8;
	[tilespmem:$0x1DCC0] =	vst v63  }
0xc1: {  	s9 =	rddreg [dreg:$0xd]  }
0xc2: {  	[tilespmem:s16], [sflag:$0x2] =	stream.indirect.gather [hbm4b:s6+s1], $0x20, s9, s1, $0xb8;
	[tilespmem:$0x1DCC0] =	vst v63  }
0xc3: {  	_ = 	snop  }
0xc4: {  	[spmem:s2] =	stream.indirect.scatter.add.f32 [tilespmem:s10], [sflag:$0x3], $0x20, s23, s1, $0xb8;
	[tilespmem:$0x1DCC0] =	vst v63  }
0xc5: {  	_ = 	snop  }
0xc6: {  	[spmem:s3] =	stream.indirect.scatter.add.f32 [tilespmem:s21], [sflag:$0x3], $0x1, s23, s1, $0xb8;
	[tilespmem:$0x1DCC0] =	vst v63  }
0xc7: {  	s26 =	simm.s32 $0x19AC0  }
0xc8: {  	[spmem:s2] =	stream.indirect.scatter.add.f32 [tilespmem:s13], [sflag:$0x3], $0x20, s26, s1, $0xb8;
	[tilespmem:$0x1DCC0] =	vst v63  }
0xc9: {  	_ = 	snop  }
0xca: {  	[spmem:s3] =	stream.indirect.scatter.add.f32 [tilespmem:s21], [sflag:$0x3], $0x1, s26, s1, $0xb8;
	[tilespmem:$0x1DCC0] =	vst v63  }
0xcb: {  	_ =	swait.ge [sflag:s19], $0x1000  }
0xcc: {  	[sflag:s19] =	ssyncset.done $0x0  }
0xcd: {  	[sflag:s19] =	ssyncadd.s32 $0xFFFFF000  }
0xce: {  	_ =	swait.ge [sflag:s19], $0x1000  }
0xcf: {  	[sflag:s19] =	ssyncset.done $0x0  }
0xd0: {  	[sflag:s19] =	ssyncadd.s32 $0xFFFFF000  }
0xd1: {  	_ =	swait.ge [sflag:s28], $0x1000  }
0xd2: {  	[sflag:s28] =	ssyncset.done $0x0  }
0xd3: {  	[sflag:s28] =	ssyncadd.s32 $0xFFFFF000  }
0xd4: {  	_ =	swait.ge [sflag:s28], $0x80  }
0xd5: {  	[sflag:s28] =	ssyncset.done $0x0  }
0xd6: {  	[sflag:s28] =	ssyncadd.s32 $0xFFFFFF80  }
0xd7: {  	_ =	swait.ge [sflag:s28], $0x1000  }
0xd8: {  	[sflag:s28] =	ssyncset.done $0x0  }
0xd9: {  	[sflag:s28] =	ssyncadd.s32 $0xFFFFF000  }
0xda: {  	_ =	swait.ge [sflag:s28], $0x80  }
0xdb: {  	s30 =	simm.s32 @!p0 $0x19540;
	s7 =	rddreg [dreg:$0x6];
	[sflag:s28] =	ssyncset.done $0x0  }
0xdc: {  	s26 =	rddreg [dreg:$0x5];
	[sflag:s28] =	ssyncadd.s32 $0xFFFFFF80;
	s7 =	sadd.s32 @!p0 $0x0, s7  }
0xdd: {  	[tilespmem:s30], [sflag:$0x6] =	stream.linear.gather @!p0 [hbm4b:s7+s29], $0x100, $0x38;
	[tilespmem:$0x1DCC0] =	vst v63  }
0xde: {  	s7 =	sadd.s32 @!p0 $0x0, s26;
	s26 =	simm.s32 @!p0 $0x19940  }
0xdf: {  	[tilespmem:s26], [sflag:$0x6] =	stream.linear.gather @!p0 [hbm4b:s7+s29], $0x100, $0x38;
	[tilespmem:$0x1DCC0] =	vst v63  }
0xe0: {  	s7 =	simm.s32 @!p0 $0x5  }
0xe1: {  	_ =	swait.ge @!p0 [sflag:s7], $0x100  }
0xe2: {  	[sflag:s7] =	ssyncset.done @!p0 $0x0  }
0xe3: {  	[sflag:s7] =	ssyncadd.s32 @!p0 $0xFFFFFF00  }
0xe4: {  	_ =	swait.ge @!p0 [sflag:s7], $0x100  }
0xe5: {  	[sflag:s7] =	ssyncset.done @!p0 $0x0  }
0xe6: {  	s26 =	simm.s32 @!p0 $0x19C40;
	[sflag:s7] =	ssyncadd.s32 @!p0 $0xFFFFFF00;
	s7 =	simm.s32 @!p0 $0x80  }
0xe7: {  	[tilespmem:s26], [sflag:$0x1] =	stream.indirect.gather @!p0 [hbm4b:s6+s7], $0x20, s8, s7, $0xb8;
	[tilespmem:$0x1DCC0] =	vst v63  }
0xe8: {  	s8 =	simm.s32 @!p0 $0x194C0;
	s26 =	simm.s32 @!p0 $0x1AC40  }
0xe9: {  	[tilespmem:s26], [sflag:$0x1] =	stream.indirect.gather @!p0 [hbm4b:s6+s7], $0x20, s8, s7, $0xb8;
	[tilespmem:$0x1DCC0] =	vst v63  }
0xea: {  	s0 =	simm.s32 $0x19B40  }
0xeb: {  	[spmem:s2] =	stream.indirect.scatter.add.f32 [tilespmem:s15], [sflag:$0x4], $0x20, s0, s1, $0xb8;
	[tilespmem:$0x1DCC0] =	vst v63  }
0xec: {  	s10 =	simm.s32 $0x19C40;
	s23 =	simm.s32 $0x19A40  }
0xed: {  	[spmem:s3] =	stream.indirect.scatter.add.f32 [tilespmem:s21], [sflag:$0x4], $0x1, s0, s1, $0xb8;
	[tilespmem:$0x1DCC0] =	vst v63  }
0xee: {  	s13 =	simm.s32 $0x1AC40;
	s30 =	sadd.s32 $0x400, s12;
	s26 =	simm.s32 $0x80  }
0xef: {  	[spmem:s2] =	stream.indirect.scatter.add.f32 [tilespmem:s16], [sflag:$0x4], $0x20, s31, s1, $0xb8;
	[tilespmem:$0x1DCC0] =	vst v63  }
.LBB2_2:
0xf0: {  	s5 =	simm.s32 $0x19BC0  }
0xf1: {  	[spmem:s3] =	stream.indirect.scatter.add.f32 [tilespmem:s21], [sflag:$0x4], $0x1, s5, s1, $0xb8;
	[tilespmem:$0x1DCC0] =	vst v63  }
0xf2: {  	_ =	swait.ge [sflag:s11], $0x1000  }
0xf3: {  	[sflag:s11] =	ssyncset.done $0x0  }
0xf4: {  	[sflag:s11] =	ssyncadd.s32 $0xFFFFF000  }
0xf5: {  	s7 =	smov.u32 s26;
	_ =	swait.ge [sflag:s11], $0x1000  }
0xf6: {  	p1 =	seq.s32 s7, $0x0;
	[sflag:s11] =	ssyncset.done $0x0  }
0xf7: {  	s8 =	simm.s32 @!p1 $0x4;
	[sflag:s11] =	ssyncadd.s32 $0xFFFFF000  }
0xf8: {  	_ =	swait.ge @!p1 [sflag:s8], $0x1000  }
0xf9: {  	[sflag:s8] =	ssyncset.done @!p1 $0x0  }
0xfa: {  	[sflag:s8] =	ssyncadd.s32 @!p1 $0xFFFFF000  }
0xfb: {  	_ =	swait.ge @!p1 [sflag:s8], $0x80  }
0xfc: {  	[sflag:s8] =	ssyncset.done @!p1 $0x0  }
0xfd: {  	[sflag:s8] =	ssyncadd.s32 @!p1 $0xFFFFFF80  }
0xfe: {  	_ =	swait.ge @!p1 [sflag:s8], $0x1000  }
0xff: {  	[sflag:s8] =	ssyncset.done @!p1 $0x0  }
0x100: {  	[sflag:s8] =	ssyncadd.s32 @!p1 $0xFFFFF000  }
0x101: {  	_ =	swait.ge @!p1 [sflag:s8], $0x80  }
0x102: {  	s9 =	simm.s32 $0x19640;
	s29 =	rddreg [dreg:$0xa];
	[sflag:s8] =	ssyncset.done @!p1 $0x0  }
0x103: {  	s31 =	rddreg [dreg:$0x9];
	[sflag:s8] =	ssyncadd.s32 @!p1 $0xFFFFFF80;
	s29 =	sadd.s32 s7, s29  }
0x104: {  	[tilespmem:s9], [sflag:$0x7] =	stream.linear.gather [hbm4b:s29+s4], $0x100, $0x38;
	[tilespmem:$0x1DCC0] =	vst v63  }
0x105: {  	s12 =	sadd.s32 s7, s31  }
0x106: {  	[tilespmem:s23], [sflag:$0x7] =	stream.linear.gather [hbm4b:s12+s4], $0x100, $0x38;
	[tilespmem:$0x1DCC0] =	vst v63  }
0x107: {  	_ =	swait.ge [sflag:s14], $0x100  }
0x108: {  	[sflag:s14] =	ssyncset.done $0x0  }
0x109: {  	[sflag:s14] =	ssyncadd.s32 $0xFFFFFF00  }
0x10a: {  	_ =	swait.ge [sflag:s14], $0x100  }
0x10b: {  	[sflag:s14] =	ssyncset.done $0x0  }
0x10c: {  	s12 =	simm.s32 $0x19540;
	[sflag:s14] =	ssyncadd.s32 $0xFFFFFF00  }
0x10d: {  	[tilespmem:s15], [sflag:$0x2] =	stream.indirect.gather [hbm4b:s6+s1], $0x20, s12, s1, $0xb8;
	[tilespmem:$0x1DCC0] =	vst v63  }
0x10e: {  	s29 =	rddreg [dreg:$0xb]  }
0x10f: {  	[tilespmem:s16], [sflag:$0x2] =	stream.indirect.gather [hbm4b:s6+s1], $0x20, s29, s1, $0xb8;
	[tilespmem:$0x1DCC0] =	vst v63  }
0x110: {  	_ = 	snop  }
0x111: {  	[spmem:s2] =	stream.indirect.scatter.add.f32 [tilespmem:s10], [sflag:$0x3], $0x20, s25, s1, $0xb8;
	[tilespmem:$0x1DCC0] =	vst v63  }
0x112: {  	_ = 	snop  }
0x113: {  	[spmem:s3] =	stream.indirect.scatter.add.f32 [tilespmem:s21], [sflag:$0x3], $0x1, s25, s1, $0xb8;
	[tilespmem:$0x1DCC0] =	vst v63  }
0x114: {  	s12 =	simm.s32 $0x198C0  }
0x115: {  	[spmem:s2] =	stream.indirect.scatter.add.f32 [tilespmem:s13], [sflag:$0x3], $0x20, s12, s1, $0xb8;
	[tilespmem:$0x1DCC0] =	vst v63  }
0x116: {  	_ = 	snop  }
0x117: {  	[spmem:s3] =	stream.indirect.scatter.add.f32 [tilespmem:s21], [sflag:$0x3], $0x1, s12, s1, $0xb8;
	[tilespmem:$0x1DCC0] =	vst v63  }
0x118: {  	_ =	swait.ge [sflag:s19], $0x1000  }
0x119: {  	[sflag:s19] =	ssyncset.done $0x0  }
0x11a: {  	[sflag:s19] =	ssyncadd.s32 $0xFFFFF000  }
0x11b: {  	_ =	swait.ge [sflag:s19], $0x1000  }
0x11c: {  	[sflag:s19] =	ssyncset.done $0x0  }
0x11d: {  	[sflag:s19] =	ssyncadd.s32 $0xFFFFF000  }
0x11e: {  	_ =	swait.ge [sflag:s28], $0x1000  }
0x11f: {  	[sflag:s28] =	ssyncset.done $0x0  }
0x120: {  	[sflag:s28] =	ssyncadd.s32 $0xFFFFF000  }
0x121: {  	_ =	swait.ge [sflag:s28], $0x80  }
0x122: {  	[sflag:s28] =	ssyncset.done $0x0  }
0x123: {  	[sflag:s28] =	ssyncadd.s32 $0xFFFFFF80  }
0x124: {  	_ =	swait.ge [sflag:s28], $0x1000  }
0x125: {  	[sflag:s28] =	ssyncset.done $0x0  }
0x126: {  	[sflag:s28] =	ssyncadd.s32 $0xFFFFF000  }
0x127: {  	_ =	swait.ge [sflag:s28], $0x80  }
0x128: {  	s25 =	rddreg [dreg:$0x8]  }
0x129: {  	[sflag:s28] =	ssyncset.done $0x0;
	s12 =	rddreg [dreg:$0x7]  }
0x12a: {  	[sflag:s28] =	ssyncadd.s32 $0xFFFFFF80;
	s8 =	sadd.s32 s7, s25;
	s25 =	simm.s32 $0x19740  }
0x12b: {  	[tilespmem:s25], [sflag:$0x8] =	stream.linear.gather [hbm4b:s8+s4], $0x100, $0x38;
	[tilespmem:$0x1DCC0] =	vst v63  }
0x12c: {  	s12 =	sadd.s32 s7, s12  }
0x12d: {  	[tilespmem:s0], [sflag:$0x8] =	stream.linear.gather [hbm4b:s12+s4], $0x100, $0x38;
	[tilespmem:$0x1DCC0] =	vst v63  }
0x12e: {  	_ =	swait.ge [sflag:s24], $0x100  }
0x12f: {  	[sflag:s24] =	ssyncset.done $0x0  }
0x130: {  	[sflag:s24] =	ssyncadd.s32 $0xFFFFFF00  }
0x131: {  	_ =	swait.ge [sflag:s24], $0x100  }
0x132: {  	[sflag:s24] =	ssyncset.done $0x0  }
0x133: {  	[sflag:s24] =	ssyncadd.s32 $0xFFFFFF00  }
0x134: {  	[tilespmem:s10], [sflag:$0x1] =	stream.indirect.gather [hbm4b:s6+s1], $0x20, s9, s1, $0xb8;
	[tilespmem:$0x1DCC0] =	vst v63  }
0x135: {  	s29 =	rddreg [dreg:$0xc]  }
0x136: {  	[tilespmem:s13], [sflag:$0x1] =	stream.indirect.gather [hbm4b:s6+s1], $0x20, s29, s1, $0xb8;
	[tilespmem:$0x1DCC0] =	vst v63  }
0x137: {  	s12 =	simm.s32 $0x19940  }
0x138: {  	[spmem:s2] =	stream.indirect.scatter.add.f32 [tilespmem:s15], [sflag:$0x4], $0x20, s12, s1, $0xb8;
	[tilespmem:$0x1DCC0] =	vst v63  }
0x139: {  	_ = 	snop  }
0x13a: {  	[spmem:s3] =	stream.indirect.scatter.add.f32 [tilespmem:s21], [sflag:$0x4], $0x1, s12, s1, $0xb8;
	[tilespmem:$0x1DCC0] =	vst v63  }
0x13b: {  	s29 =	simm.s32 $0x199C0  }
0x13c: {  	[spmem:s2] =	stream.indirect.scatter.add.f32 [tilespmem:s16], [sflag:$0x4], $0x20, s29, s1, $0xb8;
	[tilespmem:$0x1DCC0] =	vst v63  }
0x13d: {  	_ = 	snop  }
0x13e: {  	[spmem:s3] =	stream.indirect.scatter.add.f32 [tilespmem:s21], [sflag:$0x4], $0x1, s29, s1, $0xb8;
	[tilespmem:$0x1DCC0] =	vst v63  }
0x13f: {  	_ =	swait.ge [sflag:s11], $0x1000  }
0x140: {  	[sflag:s11] =	ssyncset.done $0x0  }
0x141: {  	[sflag:s11] =	ssyncadd.s32 $0xFFFFF000  }
0x142: {  	_ =	swait.ge [sflag:s11], $0x1000  }
0x143: {  	[sflag:s11] =	ssyncset.done $0x0  }
0x144: {  	[sflag:s11] =	ssyncadd.s32 $0xFFFFF000  }
0x145: {  	_ =	swait.ge [sflag:s18], $0x1000  }
0x146: {  	[sflag:s18] =	ssyncset.done $0x0  }
0x147: {  	[sflag:s18] =	ssyncadd.s32 $0xFFFFF000  }
0x148: {  	_ =	swait.ge [sflag:s18], $0x80  }
0x149: {  	[sflag:s18] =	ssyncset.done $0x0  }
0x14a: {  	[sflag:s18] =	ssyncadd.s32 $0xFFFFFF80  }
0x14b: {  	_ =	swait.ge [sflag:s18], $0x1000  }
0x14c: {  	[sflag:s18] =	ssyncset.done $0x0  }
0x14d: {  	[sflag:s18] =	ssyncadd.s32 $0xFFFFF000  }
0x14e: {  	p1 =	seq.s32 s7, $0xC00;
	_ =	swait.ge [sflag:s18], $0x80  }
0x14f: {  	s31 =	sshrl.u32 @!p1 s30, $0x3;
	s8 =	simm.s32 @!p1 $0x19440;
	[sflag:s18] =	ssyncset.done $0x0  }
0x150: {  	s12 =	sadd.s32 @!p1 s17, s31;
	s29 =	simm.s32 @!p1 $0x0;
	[sflag:s18] =	ssyncadd.s32 $0xFFFFFF80  }
0x151: {  	[tilespmem:s8], [sflag:$0x5] =	stream.linear.gather @!p1 [hbm4b:s12+s29], $0x100, $0x38;
	[tilespmem:$0x1DCC0] =	vst v63  }
0x152: {  	s12 =	sadd.s32 @!p1 s22, s31;
	s31 =	simm.s32 @!p1 $0x19840  }
0x153: {  	[tilespmem:s31], [sflag:$0x5] =	stream.linear.gather @!p1 [hbm4b:s12+s29], $0x100, $0x38;
	[tilespmem:$0x1DCC0] =	vst v63  }
0x154: {  	_ =	swait.ge [sflag:s20], $0x100  }
0x155: {  	[sflag:s20] =	ssyncset.done $0x0  }
0x156: {  	[sflag:s20] =	ssyncadd.s32 $0xFFFFFF00  }
0x157: {  	_ =	swait.ge [sflag:s20], $0x100  }
0x158: {  	[sflag:s20] =	ssyncset.done $0x0  }
0x159: {  	[sflag:s20] =	ssyncadd.s32 $0xFFFFFF00  }
0x15a: {  	[tilespmem:s15], [sflag:$0x2] =	stream.indirect.gather [hbm4b:s6+s1], $0x20, s25, s1, $0xb8;
	[tilespmem:$0x1DCC0] =	vst v63  }
0x15b: {  	s9 =	rddreg [dreg:$0xd]  }
0x15c: {  	[tilespmem:s16], [sflag:$0x2] =	stream.indirect.gather [hbm4b:s6+s1], $0x20, s9, s1, $0xb8;
	[tilespmem:$0x1DCC0] =	vst v63  }
0x15d: {  	_ = 	snop  }
0x15e: {  	[spmem:s2] =	stream.indirect.scatter.add.f32 [tilespmem:s10], [sflag:$0x3], $0x20, s23, s1, $0xb8;
	[tilespmem:$0x1DCC0] =	vst v63  }
0x15f: {  	_ = 	snop  }
0x160: {  	[spmem:s3] =	stream.indirect.scatter.add.f32 [tilespmem:s21], [sflag:$0x3], $0x1, s23, s1, $0xb8;
	[tilespmem:$0x1DCC0] =	vst v63  }
0x161: {  	s25 =	simm.s32 $0x19AC0  }
0x162: {  	[spmem:s2] =	stream.indirect.scatter.add.f32 [tilespmem:s13], [sflag:$0x3], $0x20, s25, s1, $0xb8;
	[tilespmem:$0x1DCC0] =	vst v63  }
0x163: {  	_ = 	snop  }
0x164: {  	[spmem:s3] =	stream.indirect.scatter.add.f32 [tilespmem:s21], [sflag:$0x3], $0x1, s25, s1, $0xb8;
	[tilespmem:$0x1DCC0] =	vst v63  }
0x165: {  	_ =	swait.ge [sflag:s19], $0x1000  }
0x166: {  	[sflag:s19] =	ssyncset.done $0x0  }
0x167: {  	[sflag:s19] =	ssyncadd.s32 $0xFFFFF000  }
0x168: {  	_ =	swait.ge [sflag:s19], $0x1000  }
0x169: {  	[sflag:s19] =	ssyncset.done $0x0  }
0x16a: {  	[sflag:s19] =	ssyncadd.s32 $0xFFFFF000  }
0x16b: {  	_ =	swait.ge [sflag:s28], $0x1000  }
0x16c: {  	[sflag:s28] =	ssyncset.done $0x0  }
0x16d: {  	[sflag:s28] =	ssyncadd.s32 $0xFFFFF000  }
0x16e: {  	_ =	swait.ge [sflag:s28], $0x80  }
0x16f: {  	[sflag:s28] =	ssyncset.done $0x0  }
0x170: {  	[sflag:s28] =	ssyncadd.s32 $0xFFFFFF80  }
0x171: {  	_ =	swait.ge [sflag:s28], $0x1000  }
0x172: {  	[sflag:s28] =	ssyncset.done $0x0  }
0x173: {  	[sflag:s28] =	ssyncadd.s32 $0xFFFFF000  }
0x174: {  	s9 =	smov.u32 s17;
	_ =	swait.ge [sflag:s28], $0x80  }
0x175: {  	s17 =	simm.s32 @!p1 $0x19540;
	s12 =	rddreg [dreg:$0x6];
	[sflag:s28] =	ssyncset.done $0x0  }
0x176: {  	s31 =	rddreg [dreg:$0x5];
	[sflag:s28] =	ssyncadd.s32 $0xFFFFFF80;
	s12 =	sadd.s32 @!p1 s7, s12  }
0x177: {  	[tilespmem:s17], [sflag:$0x6] =	stream.linear.gather @!p1 [hbm4b:s12+s29], $0x100, $0x38;
	[tilespmem:$0x1DCC0] =	vst v63  }
0x178: {  	s7 =	sadd.s32 @!p1 s7, s31;
	s12 =	simm.s32 @!p1 $0x19940;
	s17 =	simm.s32 @!p1 $0x5  }
0x179: {  	[tilespmem:s12], [sflag:$0x6] =	stream.linear.gather @!p1 [hbm4b:s7+s29], $0x100, $0x38;
	[tilespmem:$0x1DCC0] =	vst v63  }
0x17a: {  	_ =	swait.ge @!p1 [sflag:s17], $0x100  }
0x17b: {  	[sflag:s17] =	ssyncset.done @!p1 $0x0  }
0x17c: {  	[sflag:s17] =	ssyncadd.s32 @!p1 $0xFFFFFF00  }
0x17d: {  	_ =	swait.ge @!p1 [sflag:s17], $0x100  }
0x17e: {  	[sflag:s17] =	ssyncset.done @!p1 $0x0  }
0x17f: {  	s7 =	simm.s32 @!p1 $0x80;
	s12 =	simm.s32 @!p1 $0x19C40;
	[sflag:s17] =	ssyncadd.s32 @!p1 $0xFFFFFF00  }
0x180: {  	[tilespmem:s12], [sflag:$0x1] =	stream.indirect.gather @!p1 [hbm4b:s6+s7], $0x20, s8, s7, $0xb8;
	[tilespmem:$0x1DCC0] =	vst v63  }
0x181: {  	s26 =	sadd.s32 $0x80, s26;
	s8 =	simm.s32 @!p1 $0x194C0;
	s12 =	simm.s32 @!p1 $0x1AC40  }
0x182: {  	[tilespmem:s12], [sflag:$0x1] =	stream.indirect.gather @!p1 [hbm4b:s6+s7], $0x20, s8, s7, $0xb8;
	[tilespmem:$0x1DCC0] =	vst v63  }
0x183: {  	p0 =	sne.s32 s26, $0xC80  }
0x184: {  	[spmem:s2] =	stream.indirect.scatter.add.f32 [tilespmem:s15], [sflag:$0x4], $0x20, s0, s1, $0xb8;
	[tilespmem:$0x1DCC0] =	vst v63  }
.Ltmp0:
0x185: {  	s25 =	smov.u32 s22;
	(pc) =	sbr.rel @p0 .LBB2_2-.Ltmp0, $4  }
0x186: {  	s30 =	sadd.s32 $0x400, s30;
	s22 =	smov.u32 s25  }
0x187: {  	[spmem:s3] =	stream.indirect.scatter.add.f32 [tilespmem:s21], [sflag:$0x4], $0x1, s0, s1, $0xb8;
	[tilespmem:$0x1DCC0] =	vst v63  }
0x188: {  	s25 =	simm.s32 $0x19840;
	s31 =	simm.s32 $0x19BC0;
	s17 =	smov.u32 s9  }
0x189: {  	[spmem:s2] =	stream.indirect.scatter.add.f32 [tilespmem:s16], [sflag:$0x4], $0x20, s5, s1, $0xb8;
	[tilespmem:$0x1DCC0] =	vst v63  }
0x18a: {  	[spmem:s3] =	stream.indirect.scatter.add.f32 [tilespmem:s21], [sflag:$0x4], $0x1, s31, s1, $0xb8;
	[tilespmem:$0x1DCC0] =	vst v63  }
0x18b: {  	_ =	swait.ge [sflag:s18], $0x1000  }
0x18c: {  	[sflag:s18] =	ssyncset.done $0x0  }
0x18d: {  	[sflag:s18] =	ssyncadd.s32 $0xFFFFF000  }
0x18e: {  	_ =	swait.ge [sflag:s18], $0x80  }
0x18f: {  	[sflag:s18] =	ssyncset.done $0x0  }
0x190: {  	[sflag:s18] =	ssyncadd.s32 $0xFFFFFF80  }
0x191: {  	_ =	swait.ge [sflag:s18], $0x1000  }
0x192: {  	[sflag:s18] =	ssyncset.done $0x0  }
0x193: {  	[sflag:s18] =	ssyncadd.s32 $0xFFFFF000  }
0x194: {  	_ =	swait.ge [sflag:s18], $0x80  }
0x195: {  	[sflag:s18] =	ssyncset.done $0x0  }
0x196: {  	[sflag:s18] =	ssyncadd.s32 $0xFFFFFF80  }
0x197: {  	[bflag:$0x0] =	sbarrier.arrive $0xFFFF  }
0x198: {  	s7 =	rddreg [dreg:$0x15]  }
0x199: {  	s8 =	rddreg [dreg:$0x1d]  }
0x19a: {  	s12 =	simm.s32 $0x9;
	s0 =	rddreg [dreg:$0x1f]  }
0x19b: {  	[hbm:s7], [sflag:s0] =	dma.local [spmem:s8], $0x3100  }
0x19c: {  	_ =	swait.ge [sflag:s12], $0x3100  }
0x19d: {  	s5 =	sld [smem:$0x7FD]  }
0x19e: {  	[sflag:s12] =	ssyncset.done $0x0  }
0x19f: {  	s13 =	rddreg [dreg:$0x18];
	[sflag:s12] =	ssyncadd.s32 $0xFFFFCF00  }
0x1a0: {  	[hbm:s13], [sflag:s0] =	dma.local [spmem:s5], $0x188  }
0x1a1: {  	_ =	swait.ge [sflag:s12], $0x188  }
0x1a2: {  	s23 =	rddreg [dreg:$0x1e]  }
0x1a3: {  	s26 =	rddreg [dreg:$0x16];
	s8 =	sadd.s32 $0x1, s23  }
0x1a4: {  	p0 =	sne.s32 s8, s26  }
.Ltmp1:
0x1a5: {  	_ = 	snop;
	(pc) =	sbr.rel @p0 .LBB2_1-.Ltmp1, $4  }
0x1a6: {  	s29 =	simm.s32 $0x19540  }
0x1a7: {  	s9 =	simm.s32 $0x19640;
	s10 =	simm.s32 $0x19C40;
	s30 =	simm.s32 $0x19B40  }
0x1a8: {  	s0 =	simm.s32 $0x19940;
	s5 =	simm.s32 $0x198C0;
	[sflag:s12] =	ssyncset.done $0x0  }
0x1a9: {  	s13 =	simm.s32 $0x1AC40;
	[sflag:s12] =	ssyncadd.s32 $0xFFFFFE78;
	s23 =	simm.s32 $0x19A40  }
0x1aa: {  	_ =	sfence.sel $0x180000  }
0x1ab: {  	[bflag:$0x0] =	sbarrier.arrive $0xFFFF  }
0x1ac: {  	_ =	strace $0x9000004A  }
0x1ad: {  	s0 =	stileid.u32;
	[bflag:$0x2] =	sbarrier.arrive $0xFFFF  }
0x1ae: {  	p0 =	sne.s32 s0, $0x0;
	s0 =	rddreg [dreg:$0x4]  }
0x1af: {  	s0 =	sadd.s32 @!p0 $0x100000, s0  }
0x1b0: {  	[sflag:s0] =	ssyncadd.tile.s32 @!p0 $0x1;
	_ =	shalt  }
.Lfunc_end2:
_tile_overlayer_lowered:
.L_overlay_start_2:
0x1b1: {  	(tag) =	ssettag $0x2  }
0x1b2: {  	s0 =	rddreg [dreg:$0x0];
	s2 =	stileid.u32  }
0x1b3: {  	s1 =	rddreg [dreg:$0x1];
	p0 =	sne.s32 s2, $0x0  }
0x1b4: {  	s3 =	rddreg [dreg:$0x2];
	[bflag:$0x3] =	sbarrier.arrive $0xFFFF;
	s2 =	simm.s32 @!p0 $0x1C09  }
0x1b5: {  	[timem:s3], [sflag:s2] =	dma.local @!p0 [hbm:s0], s1  }
0x1b6: {  	s0 =	simm.s32 @!p0 $0x9  }
0x1b7: {  	_ =	swait.ge @!p0 [sflag:s0], s1  }
0x1b8: {  	s1 =	ssub.s32 @!p0 $0x0, s1;
	[sflag:s0] =	ssyncset.done @!p0 $0x0  }
0x1b9: {  	[sflag:s0] =	ssyncadd.s32 @!p0 s1  }
0x1ba: {  	[bflag:$0x3] =	sbarrier.arrive $0xFFFF  }
0x1bb: {  	_ =	shalt  }

// kernel: kernel.7.cloned.1.call-start
scs
__scs_entry_jumppad:
0x0: {  	(pc) =	sbr.rel $0x88, $3  }
0x1: {  	(tag) =	ssettag $0x0;
	lr =	simm.s32 $0x1  }
0x2: {  	[smem:$0x3F9A] =	sst lr;
	_ =	strace $0xD0000000  }
0x3: {  	_ = 	snop  }
0x4: {  	_ = 	snop  }
0x5: {  	_ = 	snop  }
0x6: {  	_ = 	snop  }
0x7: {  	_ = 	snop  }
__scs_overlays_trampoline_lowered:
0x8: {  	[smem:$0x3FA9] =	sst s0  }
0x9: {  	[smem:$0x3FAA] =	sst s1  }
0xa: {  	[smem:$0x3FAB] =	sst s2  }
0xb: {  	[smem:$0x3FAC] =	sst s3  }
0xc: {  	[smem:$0x3FAD] =	sst s4  }
0xd: {  	[smem:$0x3FAE] =	sst s5  }
0xe: {  	[smem:$0x3FAF] =	sst s6  }
0xf: {  	[smem:$0x3FB0] =	sst s7  }
0x10: {  	[smem:$0x3FB1] =	sst s8  }
0x11: {  	[smem:$0x3FB2] =	sst s9;
	s0 =	simm.s32 @!p0 $0x0  }
0x12: {  	s1 =	sld [smem:$0x3F98];
	s0 =	simm.s32 @p0 $0x1  }
0x13: {  	[smem:$0x3FB3] =	sst s0;
	s0 =	simm.s32 @!p1 $0x0  }
0x14: {  	s2 =	sld [smem:$0x3F97];
	s0 =	simm.s32 @p1 $0x1  }
0x15: {  	[smem:$0x3FB4] =	sst s0;
	s0 =	simm.s32 @!p2 $0x0  }
0x16: {  	s3 =	sld [smem:$0x3FDB];
	s0 =	simm.s32 @p2 $0x1  }
0x17: {  	s4 =	simm.s32 $0x1BF5;
	[smem:$0x3FB6] =	sst s0  }
0x18: {  	s0 =	sld [smem:$0x3F99];
	_ =	swait.ge [sflag:s4], $0x0  }
0x19: {  	s7 =	sld [smem:$0x3F9A]  }
0x1a: {  	s8 =	sadd.s32 $0xFFFFE003, lr  }
0x1b: {  	s9 =	sadd.s32 $0xFFFFFEF7, lr;
	s5 =	simm.s32 $0xFFFFFFFF;
	p2 =	slt.u32 s8, $0xFFFFF086  }
0x1c: {  	p1 =	slt.u32 s9, $0xF7A;
	s5 =	simm.s32 @!p2 $0x0  }
0x1d: {  	s5 =	simm.s32 @p1 $0x1;
	p0 =	seq.s32 s7, s2  }
0x1e: {  	s7 =	smul.u32 @!p0 $0xF7A, s2;
	p2 =	seq.s32 @!p0 s5, $0x0  }
0x1f: {  	s9 =	smul.u32 $0xF7A, s1;
	s8 =	simm.s32 @!p0 $0x1BF5;
	p2 =	por !p2, p0  }
0x20: {  	[sflag:s8] =	ssyncset.s32 @!p0 $0xFFFFF086;
	s6 =	sadd.s32 @!p0 s3, s7;
	s7 =	simm.s32 @!p0 $0x108  }
0x21: {  	s3 =	sadd.s32 s3, s9;
	s6 =	sadd.s32 @!p0 $0x88, s6;
	s7 =	simm.s32 @p2 $0x1082  }
0x22: {  	[simem:s7], [sflag:s8] =	dma.local @!p0 [hbm:s6], $0xF7A  }
0x23: {  	s9 =	sor.u32 $0xD0000000, s2;
	s6 =	simm.s32 $0x108;
	_ =	swait.ge @!p0 [sflag:s8], $0x0  }
0x24: {  	s3 =	sadd.s32 $0x88, s3;
	s6 =	simm.s32 @!p1 $0x1082;
	[sflag:s4] =	ssyncset.s32 $0xFFFFF086  }
0x25: {  	[simem:s6], [sflag:s4] =	dma.local [hbm:s3], $0xF7A  }
0x26: {  	[smem:$0x3F9A] =	sst s1;
	(tag) =	ssettag s2;
	_ =	strace s9  }
0x27: {  	s1 =	sld [smem:$0x3FAA]  }
0x28: {  	s2 =	sld [smem:$0x3FAB]  }
0x29: {  	s4 =	sld [smem:$0x3FAD]  }
0x2a: {  	p0 =	seq.s32 s5, $0x0;
	s5 =	sld [smem:$0x3FAE]  }
0x2b: {  	s6 =	sld [smem:$0x3FAF]  }
0x2c: {  	s7 =	sld [smem:$0x3FB0]  }
0x2d: {  	s3 =	simm.s32 $0x108;
	s8 =	sld [smem:$0x3FB1]  }
0x2e: {  	s3 =	simm.s32 @!p0 $0x1082;
	s9 =	sld [smem:$0x3FB2]  }
0x2f: {  	lr =	sadd.s32 s0, s3;
	s0 =	sld [smem:$0x3FA9]  }
0x30: {  	s3 =	sld [smem:$0x3FAC]  }
0x31: {  	[smem:$0x3FB5] =	sst s10  }
0x32: {  	s10 =	sld [smem:$0x3FB3];
	_ =	sdelay $0x3  }
0x33: {  	p0 =	seq.s32 s10, $0x1;
	s10 =	sld [smem:$0x3FB5];
	_ =	sdelay $0x3  }
0x34: {  	[smem:$0x3FB5] =	sst s10  }
0x35: {  	s10 =	sld [smem:$0x3FB4];
	_ =	sdelay $0x3  }
0x36: {  	p1 =	seq.s32 s10, $0x1;
	s10 =	sld [smem:$0x3FB5];
	_ =	sdelay $0x3  }
0x37: {  	[smem:$0x3FB5] =	sst s10  }
0x38: {  	s10 =	sld [smem:$0x3FB6]  }
0x39: {  	_ = 	snop;
	(pc) =	sbr.ind lr, $3  }
0x3a: {  	_ = 	snop  }
0x3b: {  	_ = 	snop  }
0x3c: {  	p2 =	seq.s32 s10, $0x1;
	s10 =	sld [smem:$0x3FB5]  }
0x3d: {  	_ =	shalt  }
0x3e: {  	_ =	shalt  }
0x3f: {  	_ =	shalt  }
0x40: {  	_ =	shalt  }
0x41: {  	_ =	shalt  }
0x42: {  	_ =	shalt  }
0x43: {  	_ =	shalt  }
0x44: {  	_ =	shalt  }
0x45: {  	_ =	shalt  }
0x46: {  	_ =	shalt  }
0x47: {  	_ =	shalt  }
0x48: {  	_ =	shalt  }
0x49: {  	_ =	shalt  }
0x4a: {  	_ =	shalt  }
0x4b: {  	_ =	shalt  }
0x4c: {  	_ =	shalt  }
0x4d: {  	_ =	shalt  }
0x4e: {  	_ =	shalt  }
0x4f: {  	_ =	shalt  }
0x50: {  	_ =	shalt  }
0x51: {  	_ =	shalt  }
0x52: {  	_ =	shalt  }
0x53: {  	_ =	shalt  }
0x54: {  	_ =	shalt  }
0x55: {  	_ =	shalt  }
0x56: {  	_ =	shalt  }
0x57: {  	_ =	shalt  }
0x58: {  	_ =	shalt  }
0x59: {  	_ =	shalt  }
0x5a: {  	_ =	shalt  }
0x5b: {  	_ =	shalt  }
0x5c: {  	_ =	shalt  }
0x5d: {  	_ =	shalt  }
0x5e: {  	_ =	shalt  }
0x5f: {  	_ =	shalt  }
0x60: {  	_ =	shalt  }
0x61: {  	_ =	shalt  }
0x62: {  	_ =	shalt  }
0x63: {  	_ =	shalt  }
0x64: {  	_ =	shalt  }
0x65: {  	_ =	shalt  }
0x66: {  	_ =	shalt  }
0x67: {  	_ =	shalt  }
0x68: {  	_ =	shalt  }
0x69: {  	_ =	shalt  }
0x6a: {  	_ =	shalt  }
0x6b: {  	_ =	shalt  }
0x6c: {  	_ =	shalt  }
0x6d: {  	_ =	shalt  }
0x6e: {  	_ =	shalt  }
0x6f: {  	_ =	shalt  }
0x70: {  	_ =	shalt  }
0x71: {  	_ =	shalt  }
0x72: {  	_ =	shalt  }
0x73: {  	_ =	shalt  }
0x74: {  	_ =	shalt  }
0x75: {  	_ =	shalt  }
0x76: {  	_ =	shalt  }
0x77: {  	_ =	shalt  }
0x78: {  	_ =	shalt  }
0x79: {  	_ =	shalt  }
0x7a: {  	_ =	shalt  }
0x7b: {  	_ =	shalt  }
0x7c: {  	_ =	shalt  }
0x7d: {  	_ =	shalt  }
0x7e: {  	_ =	shalt  }
0x7f: {  	_ =	shalt  }
0x80: {  	_ =	shalt  }
0x81: {  	_ =	shalt  }
0x82: {  	_ =	shalt  }
0x83: {  	_ =	shalt  }
0x84: {  	_ =	shalt  }
0x85: {  	_ =	shalt  }
0x86: {  	_ =	shalt  }
0x87: {  	_ =	shalt  }
.Lfunc_end0:
.L_simem_size_0:
called_computation_lowered:
.L_overlay_start_0:
0x88: {  	s2 =	sld [smem:$0x3FD9]  }
0x89: {  	s3 =	sld [smem:$0x3FFE];
	_ =	sdelay $0x1  }
0x8a: {  	s1 =	srdreg.scid  }
0x8b: {  	s0 =	sand.u32 $0x1, s1  }
0x8c: {  	s17 =	sshll.u32 s0, $0xA;
	s2 =	sadd.s32 s3, s2  }
0x8d: {  	s2 =	sadd.s32 s2, s17  }
0x8e: {  	[smem:$0x3FC1] =	sst s2  }
0x8f: {  	_ = 	snop  }
0x90: {  	s2 =	sld [smem:$0x3FD0];
	(tm) =	ssettm $0x1  }
0x91: {  	s18 =	sld [smem:$0x3FFB];
	_ =	sdelay $0x3  }
0x92: {  	_ =	strace s18  }
0x93: {  	s3 =	sld [smem:$0x3FFC];
	_ =	sdelay $0x3  }
0x94: {  	_ =	strace s3  }
0x95: {  	s3 =	sld [smem:$0x3FFD];
	_ =	sdelay $0x3  }
0x96: {  	_ =	strace s3  }
0x97: {  	_ =	strace $0x8FFFFFFF  }
0x98: {  	s19 =	sld [smem:$0x3FDB];
	_ =	sdelay $0x1  }
0x99: {  	s4 =	simm.s32 $_scs_section_size  }
0x9a: {  	s5 =	simm.s32 $_size__tile_overlayer_lowered;
	s6 =	simm.s32 $_tile_overlayer_lowered  }
0x9b: {  	s22 =	simm.s32 $0x1BFF;
	s21 =	sshll.u32 s6, $0x1;
	s3 =	sadd.s32 s4, s19  }
0x9c: {  	s7 =	simm.s32 $0x0;
	s20 =	sshll.u32 s5, $0x1;
	s5 =	sadd.s32 s21, s3  }
0x9d: {  	[timem:s7], [sflag:s22] =	dma.local [hbm:s5], s20  }
0x9e: {  	_ =	swait.ge [sflag:s22], s20  }
0x9f: {  	s4 =	ssub.s32 $0x0, s20;
	[sflag:s22] =	ssyncset.done $0x0  }
0xa0: {  	[sflag:s22] =	ssyncadd.s32 s4;
	_ =	sdelay $0x1  }
0xa1: {  	s23 =	simm.s32 $0x1B8B  }
0xa2: {  	_ =	swait.ge [sflag:s23], $0x1  }
0xa3: {  	[sflag:s23] =	ssyncset.done $0x0  }
0xa4: {  	s25 =	simm.s32 $0x1B8E;
	s24 =	sld [smem:$0x3FFE];
	[sflag:s23] =	ssyncadd.s32 $0xFFFFFFFF  }
0xa5: {  	s26 =	simm.s32 $execute0_lowered;
	[smem:$0x3FD2] =	sst s25  }
0xa6: {  	s5 =	sshll.u32 s26, $0x1;
	_ =	strace $0x80000046;
	[dreg:$0x1] =	wrdreg $0xFFFFFFFF  }
0xa7: {  	s28 =	simm.s32 $_size_execute0_lowered;
	s3 =	sadd.s32 s3, s5;
	[dreg:$0x0] =	wrdreg $0x0  }
0xa8: {  	s5 =	sshll.u32 s28, $0x1;
	[dreg:$0x2] =	wrdreg s3  }
0xa9: {  	[dreg:$0x3] =	wrdreg s5  }
0xaa: {  	[dreg:$0x4] =	wrdreg $0xC0  }
0xab: {  	_ =	task [dreg:s7], $0x5FFFF  }
0xac: {  	[dreg:$0x1] =	wrdreg $0xFFFFFFFF  }
0xad: {  	[dreg:$0x0] =	wrdreg $0x60  }
0xae: {  	[dreg:$0x2] =	wrdreg s24  }
0xaf: {  	[dreg:$0x3] =	wrdreg s2  }
0xb0: {  	[dreg:$0x4] =	wrdreg $0x0  }
0xb1: {  	[dreg:$0x5] =	wrdreg $0x188000  }
0xb2: {  	[dreg:$0x6] =	wrdreg $0x9  }
0xb3: {  	_ =	task.clear_ibuf [dreg:s7], $0x7FFFF;
	_ =	strace $0x90000046  }
0xb4: {  	s29 =	simm.s32 $0x9;
	_ =	strace $0x80000048  }
0xb5: {  	_ =	swait.ge [sflag:s29], $0x1  }
0xb6: {  	[sflag:s29] =	ssyncadd.s32 $0xFFFFFFFF  }
0xb7: {  	_ =	strace $0x90000048  }
0xb8: {  	_ =	sfence  }
0xb9: {  	s30 =	sld [smem:$0x0];
	_ =	sdelay $0x2  }
0xba: {  	s31 =	sshll.u32 s1, $0xD;
	s1 =	sshrl.u32 s1, $0x2  }
0xbb: {  	s3 =	sand.u32 $0x4000, s31;
	s1 =	sadd.s32 s1, s30  }
0xbc: {  	s0 =	sor.u32 s3, s0;
	s1 =	sshll.u32 s1, $0x11  }
0xbd: {  	s0 =	sor.u32 s1, s0  }
0xbe: {  	s0 =	sadd.s32 $0x8F2B, s0  }
0xbf: {  	[sflag:s0] =	ssyncadd.remote.s32 $0x1  }
0xc0: {  	_ =	sfence.sel $0xFFFF  }
0xc1: {  	[dreg:$0x0] =	wrdreg $0xFFFFFFFF;
	(pc) =	sbr.abs _section_cstart, $3  }
0xc2: {  	[dreg:$0x1] =	wrdreg $0xFFFFFFFF  }
0xc3: {  	_ =	task.clear_ibuf [dreg:s7], $0x2FFFF;
	_ =	strace $0x9FFFFFFF  }
0xc4: {  	(tm) =	ssettm $0x7FFFFFFF  }
0xc5: {  	_ =	shalt  }
tec
execute0_lowered:
.L_overlay_start_1:
0x0: {  	(tag) =	ssettag $0x1  }
0x1: {  	s0 =	rddreg [dreg:$0x0]  }
0x2: {  	s2 =	rddreg [dreg:$0x2]  }
0x3: {  	s3 =	rddreg [dreg:$0x3];
	s4 =	simm.s32 $0x0;
	s1 =	srdreg.scid  }
0x4: {  	s14 =	stileid.u32;
	s29 =	simm.s32 $0x19540;
	s28 =	simm.s32 $0x3  }
0x5: {  	s30 =	simm.s32 $0x19B40;
	s31 =	simm.s32 $0x19BC0;
	[smem:$0x7FF] =	sst s4  }
0x6: {  	s1 =	sand.u32 $0x1, s1;
	s6 =	sadd.s32 $0x4BC00, s0;
	s7 =	smul.u32 $0x18800, s14  }
0x7: {  	s17 =	sadd.s32 $0x2400, s0;
	s22 =	sadd.s32 $0x1B400, s0;
	s11 =	smul.u32 $0xC40, s14  }
0x8: {  	s8 =	sadd.s32 $0x34400, s0;
	s9 =	sadd.s32 $0x35200, s0;
	s13 =	smul.u32 $0x6400, s14  }
0x9: {  	s20 =	smul.u32 $0x62000, s14;
	_ =	strace $0x80000047;
	[dreg:$0xe] =	wrdreg s8  }
0xa: {  	s5 =	smul.u32 $0x188000, s1;
	s23 =	sshll.u32 s1, $0x4;
	[dreg:$0xf] =	wrdreg s9  }
0xb: {  	s24 =	ssub.s32 $0x2, s1;
	s25 =	smul.u32 $0x64000, s1;
	p0 =	seq.s32 s1, $0x1  }
0xc: {  	s8 =	sor.u32 s14, s23;
	s10 =	sshrl.u32 s24, $0x1;
	s12 =	sadd.s32 s11, s3  }
0xd: {  	s19 =	sshrl.u32 s11, $0x3;
	s5 =	sadd.s32 s7, s5;
	s8 =	smul.u32 $0x6400, s8  }
0xe: {  	s9 =	ssub.s32 s24, s10;
	[dreg:$0x10] =	wrdreg s12;
	s7 =	sadd.s32 s7, s2  }
0xf: {  	s5 =	sshrl.u32 s5, $0x3;
	s9 =	smax.u32 s9, $0x1;
	s8 =	sshrl.u32 s8, $0x3  }
0x10: {  	s5 =	sadd.s32 s5, s0;
	[dreg:$0x16] =	wrdreg s9;
	s15 =	sadd.s32 s17, s8  }
0x11: {  	s26 =	sor.u32 $0x20, s8;
	s8 =	sadd.s32 s22, s8;
	[dreg:$0x11] =	wrdreg s15  }
0x12: {  	s9 =	sshrl.u32 s20, $0x2;
	s5 =	sadd.s32 $0x95C00, s5;
	[dreg:$0x12] =	wrdreg s8  }
0x13: {  	s15 =	sadd.s32 s17, s26;
	s16 =	sadd.s32 s22, s26;
	[dreg:$0x15] =	wrdreg s5  }
0x14: {  	s5 =	sadd.s32 s13, s25;
	s13 =	sadd.s32 s9, s2;
	[dreg:$0x13] =	wrdreg s15  }
0x15: {  	s9 =	simm.s32 $0x36E00;
	s8 =	simm.s32 $0x0;
	[dreg:$0x14] =	wrdreg s16  }
0x16: {  	s18 =	sadd.s32 $0x500, s5;
	s23 =	sor.u32 $0x300, s5;
	s26 =	sor.u32 $0x200, s5  }
0x17: {  	s14 =	sadd.s32 $0x6200, s13;
	s9 =	simm.s32 @!p0 $0x35400;
	s15 =	simm.s32 $0x195C0  }
0x18: {  	s16 =	sadd.s32 $0xC400, s13;
	[dreg:$0x17] =	wrdreg s13;
	s20 =	sadd.s32 $0x12600, s13  }
0x19: {  	s5 =	sadd.s32 $0x400, s5;
	s13 =	simm.s32 $0x1AC40;
	[dreg:$0xb] =	wrdreg s15  }
0x1a: {  	s1 =	sshrl.u32 s18, $0x3;
	s18 =	simm.s32 $0x196C0;
	[dreg:$0x19] =	wrdreg s5  }
0x1b: {  	s24 =	sshrl.u32 s23, $0x3;
	s23 =	sshrl.u32 s14, $0x3;
	[dreg:$0xc] =	wrdreg s18  }
0x1c: {  	s11 =	sshrl.u32 s26, $0x3;
	s26 =	sshrl.u32 s7, $0x3;
	[dreg:$0x1a] =	wrdreg s23  }
0x1d: {  	s0 =	sadd.s32 s9, s0;
	s21 =	sadd.s32 s1, s22;
	[dreg:$0x1d] =	wrdreg s26  }
0x1e: {  	s9 =	simm.s32 $0x19640;
	s1 =	sadd.s32 s1, s17;
	[dreg:$0x5] =	wrdreg s21  }
0x1f: {  	s14 =	simm.s32 $0x6;
	s25 =	sadd.s32 s24, s22;
	[dreg:$0x6] =	wrdreg s1  }
0x20: {  	s15 =	simm.s32 $0x1BC40;
	s10 =	sadd.s32 s24, s17;
	[dreg:$0x7] =	wrdreg s25  }
0x21: {  	s5 =	simm.s32 $0x198C0;
	s12 =	sadd.s32 s11, s22;
	[dreg:$0x8] =	wrdreg s10  }
0x22: {  	s0 =	sadd.s32 s0, s19;
	s19 =	simm.s32 $0x197C0;
	[dreg:$0x9] =	wrdreg s12  }
0x23: {  	s24 =	sshrl.u32 s16, $0x3;
	s23 =	simm.s32 $0x19A40;
	[dreg:$0x18] =	wrdreg s0  }
0x24: {  	s16 =	simm.s32 $0x1CC40;
	s18 =	simm.s32 $0x4;
	[dreg:$0xd] =	wrdreg s19  }
0x25: {  	s10 =	sadd.s32 s11, s17;
	s21 =	simm.s32 $0x1DC40;
	[dreg:$0x1b] =	wrdreg s24  }
0x26: {  	s25 =	sshrl.u32 s20, $0x3;
	s12 =	simm.s32 $0x9;
	s0 =	simm.s32 $0x19940  }
0x27: {  	s1 =	simm.s32 $0x80;
	s11 =	simm.s32 $0x1;
	s19 =	simm.s32 $0x2  }
0x28: {  	s24 =	simm.s32 $0x7;
	s20 =	simm.s32 $0x8;
	[dreg:$0xa] =	wrdreg s10  }
0x29: {  	[dreg:$0x1c] =	wrdreg s25;
	s25 =	simm.s32 $0x19840;
	s10 =	simm.s32 $0x19C40  }
.LBB2_1:
0x2a: {  	[dreg:$0x1e] =	wrdreg s8  }
0x2b: {  	s7 =	rddreg [dreg:$0xf];
	s26 =	stileid.u32  }
0x2c: {  	[tilespmem:s21], [sflag:$0x9] =	stream.linear.gather [hbm4b:s7+s4], $0x80, $0x38;
	[tilespmem:$0x1DCC0] =	vst v63  }
0x2d: {  	s7 =	sshll.u32 s26, $0x6;
	_ =	swait.ge [sflag:s12], $0x80  }
0x2e: {  	s26 =	sor.u32 $0x1C09, s7;
	[sflag:s12] =	ssyncset.done $0x0;
	s8 =	rddreg [dreg:$0x17]  }
0x2f: {  	[sflag:s12] =	ssyncadd.s32 $0xFFFFFF80;
	s7 =	sshrl.u32 s8, $0x3;
	s8 =	rddreg [dreg:$0xe]  }
0x30: {  	[spmem:s7], [sflag:s26] =	dma.local [hbm:s8], $0xC40  }
0x31: {  	_ =	swait.ge [sflag:s12], $0xC40  }
0x32: {  	[sflag:s12] =	ssyncset.done $0x0  }
0x33: {  	s7 =	rddreg [dreg:$0x1a];
	[sflag:s12] =	ssyncadd.s32 $0xFFFFF3C0  }
0x34: {  	[spmem:s7], [sflag:s26] =	dma.local [hbm:s8], $0xC40  }
0x35: {  	_ =	swait.ge [sflag:s12], $0xC40  }
0x36: {  	[sflag:s12] =	ssyncset.done $0x0  }
0x37: {  	s7 =	rddreg [dreg:$0x1b];
	[sflag:s12] =	ssyncadd.s32 $0xFFFFF3C0  }
0x38: {  	[spmem:s7], [sflag:s26] =	dma.local [hbm:s8], $0xC40  }
0x39: {  	_ =	swait.ge [sflag:s12], $0xC40  }
0x3a: {  	[sflag:s12] =	ssyncset.done $0x0  }
0x3b: {  	s7 =	rddreg [dreg:$0x1c];
	[sflag:s12] =	ssyncadd.s32 $0xFFFFF3C0  }
0x3c: {  	[spmem:s7], [sflag:s26] =	dma.local [hbm:s8], $0xC40  }
0x3d: {  	_ =	swait.ge [sflag:s12], $0xC40  }
0x3e: {  	[dreg:$0x1f] =	wrdreg s26;
	[sflag:s12] =	ssyncset.done $0x0  }
0x3f: {  	s8 =	rddreg [dreg:$0x10];
	[sflag:s12] =	ssyncadd.s32 $0xFFFFF3C0  }
0x40: {  	s8 =	sshrl.u32 s8, $0x3;
	s7 =	rddreg [dreg:$0x1]  }
0x41: {  	[smem:$0x7FD] =	sst s8  }
0x42: {  	[spmem:s8], [sflag:s26] =	dma.local [hbm:s7], $0x188  }
0x43: {  	_ =	swait.ge [sflag:s12], $0x188  }
0x44: {  	[sflag:s12] =	ssyncset.done $0x0  }
0x45: {  	[sflag:s12] =	ssyncadd.s32 $0xFFFFFE78  }
0x46: {  	[bflag:$0x0] =	sbarrier.arrive $0xFFFF  }
0x47: {  	s8 =	simm.s32 $0x19440;
	s26 =	rddreg [dreg:$0x11]  }
0x48: {  	[tilespmem:s8], [sflag:$0x5] =	stream.linear.gather [hbm4b:s26+s4], $0x100, $0x38;
	[tilespmem:$0x1DCC0] =	vst v63  }
0x49: {  	s12 =	rddreg [dreg:$0x12]  }
0x4a: {  	[tilespmem:s25], [sflag:$0x5] =	stream.linear.gather [hbm4b:s12+s4], $0x100, $0x38;
	[tilespmem:$0x1DCC0] =	vst v63  }
0x4b: {  	s26 =	rddreg [dreg:$0x13]  }
0x4c: {  	[tilespmem:s29], [sflag:$0x6] =	stream.linear.gather [hbm4b:s26+s4], $0x100, $0x38;
	[tilespmem:$0x1DCC0] =	vst v63  }
0x4d: {  	s12 =	rddreg [dreg:$0x14];
	s26 =	simm.s32 $0x5  }
0x4e: {  	[tilespmem:s0], [sflag:$0x6] =	stream.linear.gather [hbm4b:s12+s4], $0x100, $0x38;
	[tilespmem:$0x1DCC0] =	vst v63  }
0x4f: {  	_ =	swait.ge [sflag:s26], $0x100  }
0x50: {  	[sflag:s26] =	ssyncset.done $0x0  }
0x51: {  	[sflag:s26] =	ssyncadd.s32 $0xFFFFFF00  }
0x52: {  	_ =	swait.ge [sflag:s26], $0x100  }
0x53: {  	[sflag:s26] =	ssyncset.done $0x0  }
0x54: {  	[sflag:s26] =	ssyncadd.s32 $0xFFFFFF00  }
0x55: {  	[tilespmem:s10], [sflag:$0x1] =	stream.indirect.gather [hbm4b:s6+s1], $0x20, s8, s1, $0xb8;
	[tilespmem:$0x1DCC0] =	vst v63  }
0x56: {  	s12 =	simm.s32 $0x194C0  }
0x57: {  	[tilespmem:s13], [sflag:$0x1] =	stream.indirect.gather [hbm4b:s6+s1], $0x20, s12, s1, $0xb8;
	[tilespmem:$0x1DCC0] =	vst v63  }
0x58: {  	_ =	swait.ge [sflag:s11], $0x1000  }
0x59: {  	[sflag:s11] =	ssyncset.done $0x0  }
0x5a: {  	[sflag:s11] =	ssyncadd.s32 $0xFFFFF000  }
0x5b: {  	_ =	swait.ge [sflag:s11], $0x1000  }
0x5c: {  	p0 =	por $0x1, $0x1;
	[sflag:s11] =	ssyncset.done $0x0  }
0x5d: {  	s7 =	simm.s32 @!p0 $0x4;
	[sflag:s11] =	ssyncadd.s32 $0xFFFFF000  }
0x5e: {  	_ =	swait.ge @!p0 [sflag:s7], $0x1000  }
0x5f: {  	[sflag:s7] =	ssyncset.done @!p0 $0x0  }
0x60: {  	[sflag:s7] =	ssyncadd.s32 @!p0 $0xFFFFF000  }
0x61: {  	_ =	swait.ge @!p0 [sflag:s7], $0x80  }
0x62: {  	[sflag:s7] =	ssyncset.done @!p0 $0x0  }
0x63: {  	[sflag:s7] =	ssyncadd.s32 @!p0 $0xFFFFFF80  }
0x64: {  	_ =	swait.ge @!p0 [sflag:s7], $0x1000  }
0x65: {  	[sflag:s7] =	ssyncset.done @!p0 $0x0  }
0x66: {  	[sflag:s7] =	ssyncadd.s32 @!p0 $0xFFFFF000  }
0x67: {  	_ =	swait.ge @!p0 [sflag:s7], $0x80  }
0x68: {  	s26 =	rddreg [dreg:$0xa];
	[sflag:s7] =	ssyncset.done @!p0 $0x0  }
0x69: {  	s12 =	rddreg [dreg:$0x9];
	[sflag:s7] =	ssyncadd.s32 @!p0 $0xFFFFFF80;
	s8 =	sadd.s32 $0x0, s26  }
0x6a: {  	[tilespmem:s9], [sflag:$0x7] =	stream.linear.gather [hbm4b:s8+s4], $0x100, $0x38;
	[tilespmem:$0x1DCC0] =	vst v63  }
0x6b: {  	s12 =	sadd.s32 $0x0, s12  }
0x6c: {  	[tilespmem:s23], [sflag:$0x7] =	stream.linear.gather [hbm4b:s12+s4], $0x100, $0x38;
	[tilespmem:$0x1DCC0] =	vst v63  }
0x6d: {  	_ =	swait.ge [sflag:s14], $0x100  }
0x6e: {  	[sflag:s14] =	ssyncset.done $0x0  }
0x6f: {  	[sflag:s14] =	ssyncadd.s32 $0xFFFFFF00  }
0x70: {  	_ =	swait.ge [sflag:s14], $0x100  }
0x71: {  	[sflag:s14] =	ssyncset.done $0x0  }
0x72: {  	[sflag:s14] =	ssyncadd.s32 $0xFFFFFF00  }
0x73: {  	[tilespmem:s15], [sflag:$0x2] =	stream.indirect.gather [hbm4b:s6+s1], $0x20, s29, s1, $0xb8;
	[tilespmem:$0x1DCC0] =	vst v63  }
0x74: {  	s26 =	rddreg [dreg:$0xb]  }
0x75: {  	[tilespmem:s16], [sflag:$0x2] =	stream.indirect.gather [hbm4b:s6+s1], $0x20, s26, s1, $0xb8;
	[tilespmem:$0x1DCC0] =	vst v63  }
0x76: {  	_ = 	snop  }
0x77: {  	[spmem:s2] =	stream.indirect.scatter.add.f32 [tilespmem:s10], [sflag:$0x3], $0x20, s25, s1, $0xb8;
	[tilespmem:$0x1DCC0] =	vst v63  }
0x78: {  	_ = 	snop  }
0x79: {  	[spmem:s3] =	stream.indirect.scatter.add.f32 [tilespmem:s21], [sflag:$0x3], $0x1, s25, s1, $0xb8;
	[tilespmem:$0x1DCC0] =	vst v63  }
0x7a: {  	_ = 	snop  }
0x7b: {  	[spmem:s2] =	stream.indirect.scatter.add.f32 [tilespmem:s13], [sflag:$0x3], $0x20, s5, s1, $0xb8;
	[tilespmem:$0x1DCC0] =	vst v63  }
0x7c: {  	_ = 	snop  }
0x7d: {  	[spmem:s3] =	stream.indirect.scatter.add.f32 [tilespmem:s21], [sflag:$0x3], $0x1, s5, s1, $0xb8;
	[tilespmem:$0x1DCC0] =	vst v63  }
0x7e: {  	_ =	swait.ge [sflag:s19], $0x1000  }
0x7f: {  	[sflag:s19] =	ssyncset.done $0x0  }
0x80: {  	[sflag:s19] =	ssyncadd.s32 $0xFFFFF000  }
0x81: {  	_ =	swait.ge [sflag:s19], $0x1000  }
0x82: {  	[sflag:s19] =	ssyncset.done $0x0  }
0x83: {  	[sflag:s19] =	ssyncadd.s32 $0xFFFFF000  }
0x84: {  	_ =	swait.ge [sflag:s28], $0x1000  }
0x85: {  	[sflag:s28] =	ssyncset.done $0x0  }
0x86: {  	[sflag:s28] =	ssyncadd.s32 $0xFFFFF000  }
0x87: {  	_ =	swait.ge [sflag:s28], $0x80  }
0x88: {  	[sflag:s28] =	ssyncset.done $0x0  }
0x89: {  	[sflag:s28] =	ssyncadd.s32 $0xFFFFFF80  }
0x8a: {  	_ =	swait.ge [sflag:s28], $0x1000  }
0x8b: {  	[sflag:s28] =	ssyncset.done $0x0  }
0x8c: {  	[sflag:s28] =	ssyncadd.s32 $0xFFFFF000  }
0x8d: {  	_ =	swait.ge [sflag:s28], $0x80  }
0x8e: {  	s5 =	simm.s32 $0x19740;
	s8 =	rddreg [dreg:$0x8];
	[sflag:s28] =	ssyncset.done $0x0  }
0x8f: {  	s12 =	rddreg [dreg:$0x7];
	[sflag:s28] =	ssyncadd.s32 $0xFFFFFF80;
	s7 =	sadd.s32 $0x0, s8  }
0x90: {  	[tilespmem:s5], [sflag:$0x8] =	stream.linear.gather [hbm4b:s7+s4], $0x100, $0x38;
	[tilespmem:$0x1DCC0] =	vst v63  }
0x91: {  	s26 =	sadd.s32 $0x0, s12  }
0x92: {  	[tilespmem:s30], [sflag:$0x8] =	stream.linear.gather [hbm4b:s26+s4], $0x100, $0x38;
	[tilespmem:$0x1DCC0] =	vst v63  }
0x93: {  	_ =	swait.ge [sflag:s24], $0x100  }
0x94: {  	[sflag:s24] =	ssyncset.done $0x0  }
0x95: {  	[sflag:s24] =	ssyncadd.s32 $0xFFFFFF00  }
0x96: {  	_ =	swait.ge [sflag:s24], $0x100  }
0x97: {  	[sflag:s24] =	ssyncset.done $0x0  }
0x98: {  	[sflag:s24] =	ssyncadd.s32 $0xFFFFFF00  }
0x99: {  	[tilespmem:s10], [sflag:$0x1] =	stream.indirect.gather [hbm4b:s6+s1], $0x20, s9, s1, $0xb8;
	[tilespmem:$0x1DCC0] =	vst v63  }
0x9a: {  	s29 =	rddreg [dreg:$0xc]  }
0x9b: {  	[tilespmem:s13], [sflag:$0x1] =	stream.indirect.gather [hbm4b:s6+s1], $0x20, s29, s1, $0xb8;
	[tilespmem:$0x1DCC0] =	vst v63  }
0x9c: {  	_ = 	snop  }
0x9d: {  	[spmem:s2] =	stream.indirect.scatter.add.f32 [tilespmem:s15], [sflag:$0x4], $0x20, s0, s1, $0xb8;
	[tilespmem:$0x1DCC0] =	vst v63  }
0x9e: {  	_ = 	snop  }
0x9f: {  	[spmem:s3] =	stream.indirect.scatter.add.f32 [tilespmem:s21], [sflag:$0x4], $0x1, s0, s1, $0xb8;
	[tilespmem:$0x1DCC0] =	vst v63  }
0xa0: {  	s8 =	simm.s32 $0x199C0  }
0xa1: {  	[spmem:s2] =	stream.indirect.scatter.add.f32 [tilespmem:s16], [sflag:$0x4], $0x20, s8, s1, $0xb8;
	[tilespmem:$0x1DCC0] =	vst v63  }
0xa2: {  	_ = 	snop  }
0xa3: {  	[spmem:s3] =	stream.indirect.scatter.add.f32 [tilespmem:s21], [sflag:$0x4], $0x1, s8, s1, $0xb8;
	[tilespmem:$0x1DCC0] =	vst v63  }
0xa4: {  	_ =	swait.ge [sflag:s11], $0x1000  }
0xa5: {  	[sflag:s11] =	ssyncset.done $0x0  }
0xa6: {  	[sflag:s11] =	ssyncadd.s32 $0xFFFFF000  }
0xa7: {  	_ =	swait.ge [sflag:s11], $0x1000  }
0xa8: {  	[sflag:s11] =	ssyncset.done $0x0  }
0xa9: {  	[sflag:s11] =	ssyncadd.s32 $0xFFFFF000  }
0xaa: {  	_ =	swait.ge [sflag:s18], $0x1000  }
0xab: {  	[sflag:s18] =	ssyncset.done $0x0  }
0xac: {  	[sflag:s18] =	ssyncadd.s32 $0xFFFFF000  }
0xad: {  	_ =	swait.ge [sflag:s18], $0x80  }
0xae: {  	[sflag:s18] =	ssyncset.done $0x0  }
0xaf: {  	[sflag:s18] =	ssyncadd.s32 $0xFFFFFF80  }
0xb0: {  	_ =	swait.ge [sflag:s18], $0x1000  }
0xb1: {  	[sflag:s18] =	ssyncset.done $0x0  }
0xb2: {  	[sflag:s18] =	ssyncadd.s32 $0xFFFFF000  }
0xb3: {  	_ =	swait.ge [sflag:s18], $0x80  }
0xb4: {  	p0 =	por $0x0, $0x0;
	s12 =	rddreg [dreg:$0x19]  }
0xb5: {  	s29 =	simm.s32 @!p0 $0x0;
	[sflag:s18] =	ssyncset.done $0x0;
	s7 =	sshrl.u32 @!p0 s12, $0x3  }
0xb6: {  	s8 =	simm.s32 @!p0 $0x19440;
	[sflag:s18] =	ssyncadd.s32 $0xFFFFFF80;
	s26 =	sadd.s32 @!p0 s17, s7  }
0xb7: {  	[tilespmem:s8], [sflag:$0x5] =	stream.linear.gather @!p0 [hbm4b:s26+s29], $0x100, $0x38;
	[tilespmem:$0x1DCC0] =	vst v63  }
0xb8: {  	s7 =	sadd.s32 @!p0 s22, s7;
	s26 =	simm.s32 @!p0 $0x19840  }
0xb9: {  	[tilespmem:s26], [sflag:$0x5] =	stream.linear.gather @!p0 [hbm4b:s7+s29], $0x100, $0x38;
	[tilespmem:$0x1DCC0] =	vst v63  }
0xba: {  	_ =	swait.ge [sflag:s20], $0x100  }
0xbb: {  	[sflag:s20] =	ssyncset.done $0x0  }
0xbc: {  	[sflag:s20] =	ssyncadd.s32 $0xFFFFFF00  }
0xbd: {  	_ =	swait.ge [sflag:s20], $0x100  }
0xbe: {  	[sflag:s20] =	ssyncset.done $0x0  }
0xbf: {  	[sflag:s20] =	ssyncadd.s32 $0xFFFFFF00  }
0xc0: {  	[tilespmem:s15], [sflag:$0x2] =	stream.indirect.gather [hbm4b:s6+s1], $0x20, s5, s1, $0xb8;
	[tilespmem:$0x1DCC0] =	vst v63  }
0xc1: {  	s9 =	rddreg [dreg:$0xd]  }
0xc2: {  	[tilespmem:s16], [sflag:$0x2] =	stream.indirect.gather [hbm4b:s6+s1], $0x20, s9, s1, $0xb8;
	[tilespmem:$0x1DCC0] =	vst v63  }
0xc3: {  	_ = 	snop  }
0xc4: {  	[spmem:s2] =	stream.indirect.scatter.add.f32 [tilespmem:s10], [sflag:$0x3], $0x20, s23, s1, $0xb8;
	[tilespmem:$0x1DCC0] =	vst v63  }
0xc5: {  	_ = 	snop  }
0xc6: {  	[spmem:s3] =	stream.indirect.scatter.add.f32 [tilespmem:s21], [sflag:$0x3], $0x1, s23, s1, $0xb8;
	[tilespmem:$0x1DCC0] =	vst v63  }
0xc7: {  	s26 =	simm.s32 $0x19AC0  }
0xc8: {  	[spmem:s2] =	stream.indirect.scatter.add.f32 [tilespmem:s13], [sflag:$0x3], $0x20, s26, s1, $0xb8;
	[tilespmem:$0x1DCC0] =	vst v63  }
0xc9: {  	_ = 	snop  }
0xca: {  	[spmem:s3] =	stream.indirect.scatter.add.f32 [tilespmem:s21], [sflag:$0x3], $0x1, s26, s1, $0xb8;
	[tilespmem:$0x1DCC0] =	vst v63  }
0xcb: {  	_ =	swait.ge [sflag:s19], $0x1000  }
0xcc: {  	[sflag:s19] =	ssyncset.done $0x0  }
0xcd: {  	[sflag:s19] =	ssyncadd.s32 $0xFFFFF000  }
0xce: {  	_ =	swait.ge [sflag:s19], $0x1000  }
0xcf: {  	[sflag:s19] =	ssyncset.done $0x0  }
0xd0: {  	[sflag:s19] =	ssyncadd.s32 $0xFFFFF000  }
0xd1: {  	_ =	swait.ge [sflag:s28], $0x1000  }
0xd2: {  	[sflag:s28] =	ssyncset.done $0x0  }
0xd3: {  	[sflag:s28] =	ssyncadd.s32 $0xFFFFF000  }
0xd4: {  	_ =	swait.ge [sflag:s28], $0x80  }
0xd5: {  	[sflag:s28] =	ssyncset.done $0x0  }
0xd6: {  	[sflag:s28] =	ssyncadd.s32 $0xFFFFFF80  }
0xd7: {  	_ =	swait.ge [sflag:s28], $0x1000  }
0xd8: {  	[sflag:s28] =	ssyncset.done $0x0  }
0xd9: {  	[sflag:s28] =	ssyncadd.s32 $0xFFFFF000  }
0xda: {  	_ =	swait.ge [sflag:s28], $0x80  }
0xdb: {  	s30 =	simm.s32 @!p0 $0x19540;
	s7 =	rddreg [dreg:$0x6];
	[sflag:s28] =	ssyncset.done $0x0  }
0xdc: {  	s26 =	rddreg [dreg:$0x5];
	[sflag:s28] =	ssyncadd.s32 $0xFFFFFF80;
	s7 =	sadd.s32 @!p0 $0x0, s7  }
0xdd: {  	[tilespmem:s30], [sflag:$0x6] =	stream.linear.gather @!p0 [hbm4b:s7+s29], $0x100, $0x38;
	[tilespmem:$0x1DCC0] =	vst v63  }
0xde: {  	s7 =	sadd.s32 @!p0 $0x0, s26;
	s26 =	simm.s32 @!p0 $0x19940  }
0xdf: {  	[tilespmem:s26], [sflag:$0x6] =	stream.linear.gather @!p0 [hbm4b:s7+s29], $0x100, $0x38;
	[tilespmem:$0x1DCC0] =	vst v63  }
0xe0: {  	s7 =	simm.s32 @!p0 $0x5  }
0xe1: {  	_ =	swait.ge @!p0 [sflag:s7], $0x100  }
0xe2: {  	[sflag:s7] =	ssyncset.done @!p0 $0x0  }
0xe3: {  	[sflag:s7] =	ssyncadd.s32 @!p0 $0xFFFFFF00  }
0xe4: {  	_ =	swait.ge @!p0 [sflag:s7], $0x100  }
0xe5: {  	[sflag:s7] =	ssyncset.done @!p0 $0x0  }
0xe6: {  	s26 =	simm.s32 @!p0 $0x19C40;
	[sflag:s7] =	ssyncadd.s32 @!p0 $0xFFFFFF00;
	s7 =	simm.s32 @!p0 $0x80  }
0xe7: {  	[tilespmem:s26], [sflag:$0x1] =	stream.indirect.gather @!p0 [hbm4b:s6+s7], $0x20, s8, s7, $0xb8;
	[tilespmem:$0x1DCC0] =	vst v63  }
0xe8: {  	s8 =	simm.s32 @!p0 $0x194C0;
	s26 =	simm.s32 @!p0 $0x1AC40  }
0xe9: {  	[tilespmem:s26], [sflag:$0x1] =	stream.indirect.gather @!p0 [hbm4b:s6+s7], $0x20, s8, s7, $0xb8;
	[tilespmem:$0x1DCC0] =	vst v63  }
0xea: {  	s0 =	simm.s32 $0x19B40  }
0xeb: {  	[spmem:s2] =	stream.indirect.scatter.add.f32 [tilespmem:s15], [sflag:$0x4], $0x20, s0, s1, $0xb8;
	[tilespmem:$0x1DCC0] =	vst v63  }
0xec: {  	s10 =	simm.s32 $0x19C40;
	s23 =	simm.s32 $0x19A40  }
0xed: {  	[spmem:s3] =	stream.indirect.scatter.add.f32 [tilespmem:s21], [sflag:$0x4], $0x1, s0, s1, $0xb8;
	[tilespmem:$0x1DCC0] =	vst v63  }
0xee: {  	s13 =	simm.s32 $0x1AC40;
	s30 =	sadd.s32 $0x400, s12;
	s26 =	simm.s32 $0x80  }
0xef: {  	[spmem:s2] =	stream.indirect.scatter.add.f32 [tilespmem:s16], [sflag:$0x4], $0x20, s31, s1, $0xb8;
	[tilespmem:$0x1DCC0] =	vst v63  }
.LBB2_2:
0xf0: {  	s5 =	simm.s32 $0x19BC0  }
0xf1: {  	[spmem:s3] =	stream.indirect.scatter.add.f32 [tilespmem:s21], [sflag:$0x4], $0x1, s5, s1, $0xb8;
	[tilespmem:$0x1DCC0] =	vst v63  }
0xf2: {  	_ =	swait.ge [sflag:s11], $0x1000  }
0xf3: {  	[sflag:s11] =	ssyncset.done $0x0  }
0xf4: {  	[sflag:s11] =	ssyncadd.s32 $0xFFFFF000  }
0xf5: {  	s7 =	smov.u32 s26;
	_ =	swait.ge [sflag:s11], $0x1000  }
0xf6: {  	p1 =	seq.s32 s7, $0x0;
	[sflag:s11] =	ssyncset.done $0x0  }
0xf7: {  	s8 =	simm.s32 @!p1 $0x4;
	[sflag:s11] =	ssyncadd.s32 $0xFFFFF000  }
0xf8: {  	_ =	swait.ge @!p1 [sflag:s8], $0x1000  }
0xf9: {  	[sflag:s8] =	ssyncset.done @!p1 $0x0  }
0xfa: {  	[sflag:s8] =	ssyncadd.s32 @!p1 $0xFFFFF000  }
0xfb: {  	_ =	swait.ge @!p1 [sflag:s8], $0x80  }
0xfc: {  	[sflag:s8] =	ssyncset.done @!p1 $0x0  }
0xfd: {  	[sflag:s8] =	ssyncadd.s32 @!p1 $0xFFFFFF80  }
0xfe: {  	_ =	swait.ge @!p1 [sflag:s8], $0x1000  }
0xff: {  	[sflag:s8] =	ssyncset.done @!p1 $0x0  }
0x100: {  	[sflag:s8] =	ssyncadd.s32 @!p1 $0xFFFFF000  }
0x101: {  	_ =	swait.ge @!p1 [sflag:s8], $0x80  }
0x102: {  	s9 =	simm.s32 $0x19640;
	s29 =	rddreg [dreg:$0xa];
	[sflag:s8] =	ssyncset.done @!p1 $0x0  }
0x103: {  	s31 =	rddreg [dreg:$0x9];
	[sflag:s8] =	ssyncadd.s32 @!p1 $0xFFFFFF80;
	s29 =	sadd.s32 s7, s29  }
0x104: {  	[tilespmem:s9], [sflag:$0x7] =	stream.linear.gather [hbm4b:s29+s4], $0x100, $0x38;
	[tilespmem:$0x1DCC0] =	vst v63  }
0x105: {  	s12 =	sadd.s32 s7, s31  }
0x106: {  	[tilespmem:s23], [sflag:$0x7] =	stream.linear.gather [hbm4b:s12+s4], $0x100, $0x38;
	[tilespmem:$0x1DCC0] =	vst v63  }
0x107: {  	_ =	swait.ge [sflag:s14], $0x100  }
0x108: {  	[sflag:s14] =	ssyncset.done $0x0  }
0x109: {  	[sflag:s14] =	ssyncadd.s32 $0xFFFFFF00  }
0x10a: {  	_ =	swait.ge [sflag:s14], $0x100  }
0x10b: {  	[sflag:s14] =	ssyncset.done $0x0  }
0x10c: {  	s12 =	simm.s32 $0x19540;
	[sflag:s14] =	ssyncadd.s32 $0xFFFFFF00  }
0x10d: {  	[tilespmem:s15], [sflag:$0x2] =	stream.indirect.gather [hbm4b:s6+s1], $0x20, s12, s1, $0xb8;
	[tilespmem:$0x1DCC0] =	vst v63  }
0x10e: {  	s29 =	rddreg [dreg:$0xb]  }
0x10f: {  	[tilespmem:s16], [sflag:$0x2] =	stream.indirect.gather [hbm4b:s6+s1], $0x20, s29, s1, $0xb8;
	[tilespmem:$0x1DCC0] =	vst v63  }
0x110: {  	_ = 	snop  }
0x111: {  	[spmem:s2] =	stream.indirect.scatter.add.f32 [tilespmem:s10], [sflag:$0x3], $0x20, s25, s1, $0xb8;
	[tilespmem:$0x1DCC0] =	vst v63  }
0x112: {  	_ = 	snop  }
0x113: {  	[spmem:s3] =	stream.indirect.scatter.add.f32 [tilespmem:s21], [sflag:$0x3], $0x1, s25, s1, $0xb8;
	[tilespmem:$0x1DCC0] =	vst v63  }
0x114: {  	s12 =	simm.s32 $0x198C0  }
0x115: {  	[spmem:s2] =	stream.indirect.scatter.add.f32 [tilespmem:s13], [sflag:$0x3], $0x20, s12, s1, $0xb8;
	[tilespmem:$0x1DCC0] =	vst v63  }
0x116: {  	_ = 	snop  }
0x117: {  	[spmem:s3] =	stream.indirect.scatter.add.f32 [tilespmem:s21], [sflag:$0x3], $0x1, s12, s1, $0xb8;
	[tilespmem:$0x1DCC0] =	vst v63  }
0x118: {  	_ =	swait.ge [sflag:s19], $0x1000  }
0x119: {  	[sflag:s19] =	ssyncset.done $0x0  }
0x11a: {  	[sflag:s19] =	ssyncadd.s32 $0xFFFFF000  }
0x11b: {  	_ =	swait.ge [sflag:s19], $0x1000  }
0x11c: {  	[sflag:s19] =	ssyncset.done $0x0  }
0x11d: {  	[sflag:s19] =	ssyncadd.s32 $0xFFFFF000  }
0x11e: {  	_ =	swait.ge [sflag:s28], $0x1000  }
0x11f: {  	[sflag:s28] =	ssyncset.done $0x0  }
0x120: {  	[sflag:s28] =	ssyncadd.s32 $0xFFFFF000  }
0x121: {  	_ =	swait.ge [sflag:s28], $0x80  }
0x122: {  	[sflag:s28] =	ssyncset.done $0x0  }
0x123: {  	[sflag:s28] =	ssyncadd.s32 $0xFFFFFF80  }
0x124: {  	_ =	swait.ge [sflag:s28], $0x1000  }
0x125: {  	[sflag:s28] =	ssyncset.done $0x0  }
0x126: {  	[sflag:s28] =	ssyncadd.s32 $0xFFFFF000  }
0x127: {  	_ =	swait.ge [sflag:s28], $0x80  }
0x128: {  	s25 =	rddreg [dreg:$0x8]  }
0x129: {  	[sflag:s28] =	ssyncset.done $0x0;
	s12 =	rddreg [dreg:$0x7]  }
0x12a: {  	[sflag:s28] =	ssyncadd.s32 $0xFFFFFF80;
	s8 =	sadd.s32 s7, s25;
	s25 =	simm.s32 $0x19740  }
0x12b: {  	[tilespmem:s25], [sflag:$0x8] =	stream.linear.gather [hbm4b:s8+s4], $0x100, $0x38;
	[tilespmem:$0x1DCC0] =	vst v63  }
0x12c: {  	s12 =	sadd.s32 s7, s12  }
0x12d: {  	[tilespmem:s0], [sflag:$0x8] =	stream.linear.gather [hbm4b:s12+s4], $0x100, $0x38;
	[tilespmem:$0x1DCC0] =	vst v63  }
0x12e: {  	_ =	swait.ge [sflag:s24], $0x100  }
0x12f: {  	[sflag:s24] =	ssyncset.done $0x0  }
0x130: {  	[sflag:s24] =	ssyncadd.s32 $0xFFFFFF00  }
0x131: {  	_ =	swait.ge [sflag:s24], $0x100  }
0x132: {  	[sflag:s24] =	ssyncset.done $0x0  }
0x133: {  	[sflag:s24] =	ssyncadd.s32 $0xFFFFFF00  }
0x134: {  	[tilespmem:s10], [sflag:$0x1] =	stream.indirect.gather [hbm4b:s6+s1], $0x20, s9, s1, $0xb8;
	[tilespmem:$0x1DCC0] =	vst v63  }
0x135: {  	s29 =	rddreg [dreg:$0xc]  }
0x136: {  	[tilespmem:s13], [sflag:$0x1] =	stream.indirect.gather [hbm4b:s6+s1], $0x20, s29, s1, $0xb8;
	[tilespmem:$0x1DCC0] =	vst v63  }
0x137: {  	s12 =	simm.s32 $0x19940  }
0x138: {  	[spmem:s2] =	stream.indirect.scatter.add.f32 [tilespmem:s15], [sflag:$0x4], $0x20, s12, s1, $0xb8;
	[tilespmem:$0x1DCC0] =	vst v63  }
0x139: {  	_ = 	snop  }
0x13a: {  	[spmem:s3] =	stream.indirect.scatter.add.f32 [tilespmem:s21], [sflag:$0x4], $0x1, s12, s1, $0xb8;
	[tilespmem:$0x1DCC0] =	vst v63  }
0x13b: {  	s29 =	simm.s32 $0x199C0  }
0x13c: {  	[spmem:s2] =	stream.indirect.scatter.add.f32 [tilespmem:s16], [sflag:$0x4], $0x20, s29, s1, $0xb8;
	[tilespmem:$0x1DCC0] =	vst v63  }
0x13d: {  	_ = 	snop  }
0x13e: {  	[spmem:s3] =	stream.indirect.scatter.add.f32 [tilespmem:s21], [sflag:$0x4], $0x1, s29, s1, $0xb8;
	[tilespmem:$0x1DCC0] =	vst v63  }
0x13f: {  	_ =	swait.ge [sflag:s11], $0x1000  }
0x140: {  	[sflag:s11] =	ssyncset.done $0x0  }
0x141: {  	[sflag:s11] =	ssyncadd.s32 $0xFFFFF000  }
0x142: {  	_ =	swait.ge [sflag:s11], $0x1000  }
0x143: {  	[sflag:s11] =	ssyncset.done $0x0  }
0x144: {  	[sflag:s11] =	ssyncadd.s32 $0xFFFFF000  }
0x145: {  	_ =	swait.ge [sflag:s18], $0x1000  }
0x146: {  	[sflag:s18] =	ssyncset.done $0x0  }
0x147: {  	[sflag:s18] =	ssyncadd.s32 $0xFFFFF000  }
0x148: {  	_ =	swait.ge [sflag:s18], $0x80  }
0x149: {  	[sflag:s18] =	ssyncset.done $0x0  }
0x14a: {  	[sflag:s18] =	ssyncadd.s32 $0xFFFFFF80  }
0x14b: {  	_ =	swait.ge [sflag:s18], $0x1000  }
0x14c: {  	[sflag:s18] =	ssyncset.done $0x0  }
0x14d: {  	[sflag:s18] =	ssyncadd.s32 $0xFFFFF000  }
0x14e: {  	p1 =	seq.s32 s7, $0xC00;
	_ =	swait.ge [sflag:s18], $0x80  }
0x14f: {  	s31 =	sshrl.u32 @!p1 s30, $0x3;
	s8 =	simm.s32 @!p1 $0x19440;
	[sflag:s18] =	ssyncset.done $0x0  }
0x150: {  	s12 =	sadd.s32 @!p1 s17, s31;
	s29 =	simm.s32 @!p1 $0x0;
	[sflag:s18] =	ssyncadd.s32 $0xFFFFFF80  }
0x151: {  	[tilespmem:s8], [sflag:$0x5] =	stream.linear.gather @!p1 [hbm4b:s12+s29], $0x100, $0x38;
	[tilespmem:$0x1DCC0] =	vst v63  }
0x152: {  	s12 =	sadd.s32 @!p1 s22, s31;
	s31 =	simm.s32 @!p1 $0x19840  }
0x153: {  	[tilespmem:s31], [sflag:$0x5] =	stream.linear.gather @!p1 [hbm4b:s12+s29], $0x100, $0x38;
	[tilespmem:$0x1DCC0] =	vst v63  }
0x154: {  	_ =	swait.ge [sflag:s20], $0x100  }
0x155: {  	[sflag:s20] =	ssyncset.done $0x0  }
0x156: {  	[sflag:s20] =	ssyncadd.s32 $0xFFFFFF00  }
0x157: {  	_ =	swait.ge [sflag:s20], $0x100  }
0x158: {  	[sflag:s20] =	ssyncset.done $0x0  }
0x159: {  	[sflag:s20] =	ssyncadd.s32 $0xFFFFFF00  }
0x15a: {  	[tilespmem:s15], [sflag:$0x2] =	stream.indirect.gather [hbm4b:s6+s1], $0x20, s25, s1, $0xb8;
	[tilespmem:$0x1DCC0] =	vst v63  }
0x15b: {  	s9 =	rddreg [dreg:$0xd]  }
0x15c: {  	[tilespmem:s16], [sflag:$0x2] =	stream.indirect.gather [hbm4b:s6+s1], $0x20, s9, s1, $0xb8;
	[tilespmem:$0x1DCC0] =	vst v63  }
0x15d: {  	_ = 	snop  }
0x15e: {  	[spmem:s2] =	stream.indirect.scatter.add.f32 [tilespmem:s10], [sflag:$0x3], $0x20, s23, s1, $0xb8;
	[tilespmem:$0x1DCC0] =	vst v63  }
0x15f: {  	_ = 	snop  }
0x160: {  	[spmem:s3] =	stream.indirect.scatter.add.f32 [tilespmem:s21], [sflag:$0x3], $0x1, s23, s1, $0xb8;
	[tilespmem:$0x1DCC0] =	vst v63  }
0x161: {  	s25 =	simm.s32 $0x19AC0  }
0x162: {  	[spmem:s2] =	stream.indirect.scatter.add.f32 [tilespmem:s13], [sflag:$0x3], $0x20, s25, s1, $0xb8;
	[tilespmem:$0x1DCC0] =	vst v63  }
0x163: {  	_ = 	snop  }
0x164: {  	[spmem:s3] =	stream.indirect.scatter.add.f32 [tilespmem:s21], [sflag:$0x3], $0x1, s25, s1, $0xb8;
	[tilespmem:$0x1DCC0] =	vst v63  }
0x165: {  	_ =	swait.ge [sflag:s19], $0x1000  }
0x166: {  	[sflag:s19] =	ssyncset.done $0x0  }
0x167: {  	[sflag:s19] =	ssyncadd.s32 $0xFFFFF000  }
0x168: {  	_ =	swait.ge [sflag:s19], $0x1000  }
0x169: {  	[sflag:s19] =	ssyncset.done $0x0  }
0x16a: {  	[sflag:s19] =	ssyncadd.s32 $0xFFFFF000  }
0x16b: {  	_ =	swait.ge [sflag:s28], $0x1000  }
0x16c: {  	[sflag:s28] =	ssyncset.done $0x0  }
0x16d: {  	[sflag:s28] =	ssyncadd.s32 $0xFFFFF000  }
0x16e: {  	_ =	swait.ge [sflag:s28], $0x80  }
0x16f: {  	[sflag:s28] =	ssyncset.done $0x0  }
0x170: {  	[sflag:s28] =	ssyncadd.s32 $0xFFFFFF80  }
0x171: {  	_ =	swait.ge [sflag:s28], $0x1000  }
0x172: {  	[sflag:s28] =	ssyncset.done $0x0  }
0x173: {  	[sflag:s28] =	ssyncadd.s32 $0xFFFFF000  }
0x174: {  	s9 =	smov.u32 s17;
	_ =	swait.ge [sflag:s28], $0x80  }
0x175: {  	s17 =	simm.s32 @!p1 $0x19540;
	s12 =	rddreg [dreg:$0x6];
	[sflag:s28] =	ssyncset.done $0x0  }
0x176: {  	s31 =	rddreg [dreg:$0x5];
	[sflag:s28] =	ssyncadd.s32 $0xFFFFFF80;
	s12 =	sadd.s32 @!p1 s7, s12  }
0x177: {  	[tilespmem:s17], [sflag:$0x6] =	stream.linear.gather @!p1 [hbm4b:s12+s29], $0x100, $0x38;
	[tilespmem:$0x1DCC0] =	vst v63  }
0x178: {  	s7 =	sadd.s32 @!p1 s7, s31;
	s12 =	simm.s32 @!p1 $0x19940;
	s17 =	simm.s32 @!p1 $0x5  }
0x179: {  	[tilespmem:s12], [sflag:$0x6] =	stream.linear.gather @!p1 [hbm4b:s7+s29], $0x100, $0x38;
	[tilespmem:$0x1DCC0] =	vst v63  }
0x17a: {  	_ =	swait.ge @!p1 [sflag:s17], $0x100  }
0x17b: {  	[sflag:s17] =	ssyncset.done @!p1 $0x0  }
0x17c: {  	[sflag:s17] =	ssyncadd.s32 @!p1 $0xFFFFFF00  }
0x17d: {  	_ =	swait.ge @!p1 [sflag:s17], $0x100  }
0x17e: {  	[sflag:s17] =	ssyncset.done @!p1 $0x0  }
0x17f: {  	s7 =	simm.s32 @!p1 $0x80;
	s12 =	simm.s32 @!p1 $0x19C40;
	[sflag:s17] =	ssyncadd.s32 @!p1 $0xFFFFFF00  }
0x180: {  	[tilespmem:s12], [sflag:$0x1] =	stream.indirect.gather @!p1 [hbm4b:s6+s7], $0x20, s8, s7, $0xb8;
	[tilespmem:$0x1DCC0] =	vst v63  }
0x181: {  	s26 =	sadd.s32 $0x80, s26;
	s8 =	simm.s32 @!p1 $0x194C0;
	s12 =	simm.s32 @!p1 $0x1AC40  }
0x182: {  	[tilespmem:s12], [sflag:$0x1] =	stream.indirect.gather @!p1 [hbm4b:s6+s7], $0x20, s8, s7, $0xb8;
	[tilespmem:$0x1DCC0] =	vst v63  }
0x183: {  	p0 =	sne.s32 s26, $0xC80  }
0x184: {  	[spmem:s2] =	stream.indirect.scatter.add.f32 [tilespmem:s15], [sflag:$0x4], $0x20, s0, s1, $0xb8;
	[tilespmem:$0x1DCC0] =	vst v63  }
.Ltmp0:
0x185: {  	s25 =	smov.u32 s22;
	(pc) =	sbr.rel @p0 .LBB2_2-.Ltmp0, $4  }
0x186: {  	s30 =	sadd.s32 $0x400, s30;
	s22 =	smov.u32 s25  }
0x187: {  	[spmem:s3] =	stream.indirect.scatter.add.f32 [tilespmem:s21], [sflag:$0x4], $0x1, s0, s1, $0xb8;
	[tilespmem:$0x1DCC0] =	vst v63  }
0x188: {  	s25 =	simm.s32 $0x19840;
	s31 =	simm.s32 $0x19BC0;
	s17 =	smov.u32 s9  }
0x189: {  	[spmem:s2] =	stream.indirect.scatter.add.f32 [tilespmem:s16], [sflag:$0x4], $0x20, s5, s1, $0xb8;
	[tilespmem:$0x1DCC0] =	vst v63  }
0x18a: {  	[spmem:s3] =	stream.indirect.scatter.add.f32 [tilespmem:s21], [sflag:$0x4], $0x1, s31, s1, $0xb8;
	[tilespmem:$0x1DCC0] =	vst v63  }
0x18b: {  	_ =	swait.ge [sflag:s18], $0x1000  }
0x18c: {  	[sflag:s18] =	ssyncset.done $0x0  }
0x18d: {  	[sflag:s18] =	ssyncadd.s32 $0xFFFFF000  }
0x18e: {  	_ =	swait.ge [sflag:s18], $0x80  }
0x18f: {  	[sflag:s18] =	ssyncset.done $0x0  }
0x190: {  	[sflag:s18] =	ssyncadd.s32 $0xFFFFFF80  }
0x191: {  	_ =	swait.ge [sflag:s18], $0x1000  }
0x192: {  	[sflag:s18] =	ssyncset.done $0x0  }
0x193: {  	[sflag:s18] =	ssyncadd.s32 $0xFFFFF000  }
0x194: {  	_ =	swait.ge [sflag:s18], $0x80  }
0x195: {  	[sflag:s18] =	ssyncset.done $0x0  }
0x196: {  	[sflag:s18] =	ssyncadd.s32 $0xFFFFFF80  }
0x197: {  	[bflag:$0x0] =	sbarrier.arrive $0xFFFF  }
0x198: {  	s7 =	rddreg [dreg:$0x15]  }
0x199: {  	s8 =	rddreg [dreg:$0x1d]  }
0x19a: {  	s12 =	simm.s32 $0x9;
	s0 =	rddreg [dreg:$0x1f]  }
0x19b: {  	[hbm:s7], [sflag:s0] =	dma.local [spmem:s8], $0x3100  }
0x19c: {  	_ =	swait.ge [sflag:s12], $0x3100  }
0x19d: {  	s5 =	sld [smem:$0x7FD]  }
0x19e: {  	[sflag:s12] =	ssyncset.done $0x0  }
0x19f: {  	s13 =	rddreg [dreg:$0x18];
	[sflag:s12] =	ssyncadd.s32 $0xFFFFCF00  }
0x1a0: {  	[hbm:s13], [sflag:s0] =	dma.local [spmem:s5], $0x188  }
0x1a1: {  	_ =	swait.ge [sflag:s12], $0x188  }
0x1a2: {  	s23 =	rddreg [dreg:$0x1e]  }
0x1a3: {  	s26 =	rddreg [dreg:$0x16];
	s8 =	sadd.s32 $0x1, s23  }
0x1a4: {  	p0 =	sne.s32 s8, s26  }
.Ltmp1:
0x1a5: {  	_ = 	snop;
	(pc) =	sbr.rel @p0 .LBB2_1-.Ltmp1, $4  }
0x1a6: {  	s29 =	simm.s32 $0x19540  }
0x1a7: {  	s9 =	simm.s32 $0x19640;
	s10 =	simm.s32 $0x19C40;
	s30 =	simm.s32 $0x19B40  }
0x1a8: {  	s0 =	simm.s32 $0x19940;
	s5 =	simm.s32 $0x198C0;
	[sflag:s12] =	ssyncset.done $0x0  }
0x1a9: {  	s13 =	simm.s32 $0x1AC40;
	[sflag:s12] =	ssyncadd.s32 $0xFFFFFE78;
	s23 =	simm.s32 $0x19A40  }
0x1aa: {  	_ =	sfence.sel $0x180000  }
0x1ab: {  	[bflag:$0x0] =	sbarrier.arrive $0xFFFF  }
0x1ac: {  	_ =	strace $0x90000047  }
0x1ad: {  	s0 =	stileid.u32;
	[bflag:$0x2] =	sbarrier.arrive $0xFFFF  }
0x1ae: {  	p0 =	sne.s32 s0, $0x0;
	s0 =	rddreg [dreg:$0x4]  }
0x1af: {  	s0 =	sadd.s32 @!p0 $0x100000, s0  }
0x1b0: {  	[sflag:s0] =	ssyncadd.tile.s32 @!p0 $0x1;
	_ =	shalt  }
.Lfunc_end2:
_tile_overlayer_lowered:
.L_overlay_start_2:
0x1b1: {  	(tag) =	ssettag $0x2  }
0x1b2: {  	s0 =	rddreg [dreg:$0x0];
	s2 =	stileid.u32  }
0x1b3: {  	s1 =	rddreg [dreg:$0x1];
	p0 =	sne.s32 s2, $0x0  }
0x1b4: {  	s3 =	rddreg [dreg:$0x2];
	[bflag:$0x3] =	sbarrier.arrive $0xFFFF;
	s2 =	simm.s32 @!p0 $0x1C09  }
0x1b5: {  	[timem:s3], [sflag:s2] =	dma.local @!p0 [hbm:s0], s1  }
0x1b6: {  	s0 =	simm.s32 @!p0 $0x9  }
0x1b7: {  	_ =	swait.ge @!p0 [sflag:s0], s1  }
0x1b8: {  	s1 =	ssub.s32 @!p0 $0x0, s1;
	[sflag:s0] =	ssyncset.done @!p0 $0x0  }
0x1b9: {  	[sflag:s0] =	ssyncadd.s32 @!p0 s1  }
0x1ba: {  	[bflag:$0x3] =	sbarrier.arrive $0xFFFF  }
0x1bb: {  	_ =	shalt  }

</sc_bundles>
